<compile_context>
chip_gen: v7x
topology: tpu7x:2x2x1
jax: 0.10.2.dev20260603
libtpu: 0.0.44.dev20260713+nightly
codegen_flags: <defaults>
</compile_context>

<pallas_src>
import dataclasses
import functools

import jax
import jax.numpy as jnp
from jax import lax
from jax.experimental import pallas as pl
from jax.experimental.pallas import tpu as pltpu
from jax.experimental.pallas import tpu_sc as plsc

N = 10000
E = 160000
NS = 16
NC = 2
WRITERS = 10
ROWS_PER_WRITER = N // WRITERS
EDGES_PER_TILE = E // NS
CHUNK = 100
CHUNKP = 104
NCHUNK = EDGES_PER_TILE // CHUNK
EDGES_PER_WORKER = E // (NC * NS)
CHUNK2 = 50
CHUNKP2 = 56
NCHUNK2 = EDGES_PER_WORKER // CHUNK2
NBUF2 = 4
EPWP = 5008
NV = EPWP // 16
HALF = 5120
RPP = HALF // 128
RB = 1000
NRB = N // RB

_MESH = plsc.VectorSubcoreMesh(core_axis_name="c", subcore_axis_name="s")

_CP = pltpu.CompilerParams()
if "needs_layout_passes" in pltpu.CompilerParams.__dataclass_fields__:
    _CP = dataclasses.replace(_CP, needs_layout_passes=False)



def _sc_degree(dst_w, zeros80, ridx80):

    @functools.partial(
        pl.kernel,
        out_type=jax.ShapeDtypeStruct((NC, 2 * RPP, 128), jnp.float32),
        mesh=_MESH,
        compiler_params=_CP,
        scratch_types=[
            pltpu.VMEM((EPWP,), jnp.int32),
            pltpu.VMEM((16 * RPP, 128), jnp.float32),
            pltpu.VMEM((RPP, 128), jnp.float32),
            pltpu.VMEM((2, RPP), jnp.int32),
            pltpu.VMEM_SHARED((2 * RPP, 128), jnp.float32),
        ],
    )
    def k(dst_hbm, z_hbm, ridx_hbm, out_hbm, dslab, hist, red, ridx, shared):
        c = lax.axis_index("c")
        s = lax.axis_index("s")
        pltpu.sync_copy(dst_hbm.at[c, s], dslab)
        pltpu.sync_copy(ridx_hbm, ridx)

        @pl.when(s == 0)
        def _():
            pltpu.sync_copy(z_hbm, shared)

        plsc.subcore_barrier()

        lanes = lax.iota(jnp.int32, 16)
        ones = jnp.ones((16,), jnp.float32)
        zeros16 = jnp.zeros((16,), jnp.float32)

        for p in range(2):
            @pl.loop(0, 16 * RPP)
            def _(r):
                for q in range(8):
                    hist[r, pl.ds(q * 16, 16)] = zeros16

            @pl.loop(0, NV)
            def _(j):
                base = j * 16
                d = dslab[pl.ds(pl.multiple_of(base, 8), 16)]
                col = d - p * HALF
                ok = (base + lanes < EDGES_PER_WORKER) & (col >= 0) & (col < HALF)
                colc = jnp.where(ok, col, 0)
                rows = lanes * RPP + (colc >> 7)
                cols = colc & 127
                plsc.addupdate_scatter(hist, [rows, cols], ones, mask=ok)

            @pl.loop(0, RPP)
            def _(q):
                for kk in range(8):
                    sl = pl.ds(kk * 16, 16)
                    acc = hist[q, sl]
                    for l in range(1, 16):
                        acc = acc + hist[l * RPP + q, sl]
                    red[q, sl] = acc

            pltpu.sync_copy(red, shared.at[ridx.at[p]], add=True)

        plsc.subcore_barrier()

        @pl.when(s < WRITERS)
        def _():
            pltpu.sync_copy(shared.at[pl.ds(s * 8, 8)],
                            out_hbm.at[c, pl.ds(s * 8, 8)])

    return k(dst_w, zeros80, ridx80)


def _sc_spmm(g_split, src_t, dst_t, zeros_blk, F):

    @functools.partial(
        pl.kernel,
        out_type=jax.ShapeDtypeStruct((NC, N, F), jnp.float32),
        mesh=_MESH,
        scratch_types=[
            pltpu.VMEM((NCHUNK * CHUNKP,), jnp.int32),
            pltpu.VMEM((NCHUNK, CHUNK), jnp.int32),
            pltpu.VMEM((CHUNK, F), jnp.float32),
            pltpu.VMEM((CHUNK, F), jnp.float32),
            pltpu.VMEM_SHARED((N, F), jnp.float32),
            pltpu.SemaphoreType.DMA,
            pltpu.SemaphoreType.DMA,
            pltpu.SemaphoreType.DMA,
            pltpu.SemaphoreType.DMA,
        ],
    )
    def k(g_hbm, src_hbm, dst_hbm, z_hbm, out_hbm,
          sbuf, dbuf, mb0, mb1, acc, sem0, sem1, ssem0, ssem1):
        c = lax.axis_index("c")
        s = lax.axis_index("s")
        gc = g_hbm.at[c]
        pltpu.sync_copy(src_hbm.at[s], sbuf)
        pltpu.sync_copy(dst_hbm.at[s], dbuf)
        r0 = s * ROWS_PER_WRITER

        @pl.when(s < WRITERS)
        def _():
            pltpu.sync_copy(z_hbm, acc.at[pl.ds(r0, ROWS_PER_WRITER)])

        plsc.subcore_barrier()

        def sidx(j):
            return sbuf.at[pl.ds(pl.multiple_of(j * CHUNKP, 8), CHUNK)]

        pltpu.async_copy(gc.at[sidx(0)], mb0, sem0)
        pltpu.async_copy(gc.at[sidx(1)], mb1, sem1)

        @pl.loop(0, NCHUNK, step=2)
        def _(j):
            pltpu.make_async_copy(gc.at[sidx(j)], mb0, sem0).wait()
            pltpu.async_copy(mb0, acc.at[dbuf.at[j]], ssem0, add=True)
            pltpu.make_async_copy(gc.at[sidx(j + 1)], mb1, sem1).wait()
            pltpu.make_async_copy(mb0, acc.at[dbuf.at[j]], ssem0).wait()

            @pl.when(j + 2 < NCHUNK)
            def _():
                pltpu.async_copy(gc.at[sidx(j + 2)], mb0, sem0)

            pltpu.async_copy(mb1, acc.at[dbuf.at[j + 1]], ssem1, add=True)
            pltpu.make_async_copy(mb1, acc.at[dbuf.at[j + 1]], ssem1).wait()

            @pl.when(j + 3 < NCHUNK)
            def _():
                pltpu.async_copy(gc.at[sidx(j + 3)], mb1, sem1)

        plsc.subcore_barrier()

        @pl.when(s < WRITERS)
        def _():
            pltpu.sync_copy(acc.at[pl.ds(r0, ROWS_PER_WRITER)],
                            out_hbm.at[c, pl.ds(r0, ROWS_PER_WRITER)])

    return k(g_split, src_t, dst_t, zeros_blk)


def _sc_spmm_edgesplit(g, src_w, dst_w2, zeros_nf, F):

    @functools.partial(
        pl.kernel,
        out_type=jax.ShapeDtypeStruct((NC, N, F), jnp.float32),
        mesh=_MESH,
        scratch_types=[
            pltpu.VMEM((NCHUNK2 * CHUNKP2,), jnp.int32),
            pltpu.VMEM((NCHUNK2, CHUNK2), jnp.int32),
            [pltpu.VMEM((CHUNK2, F), jnp.float32)] * NBUF2,
            pltpu.VMEM_SHARED((N, F), jnp.float32),
            [pltpu.SemaphoreType.DMA] * NBUF2,
            [pltpu.SemaphoreType.DMA] * NBUF2,
        ],
    )
    def k(g_hbm, src_hbm, dst_hbm, z_hbm, out_hbm,
          sbuf, dbuf, mbs, acc, gsems, ssems):
        c = lax.axis_index("c")
        s = lax.axis_index("s")
        pltpu.sync_copy(src_hbm.at[c, s], sbuf)
        pltpu.sync_copy(dst_hbm.at[c, s], dbuf)
        r0 = s * ROWS_PER_WRITER

        @pl.when(s < WRITERS)
        def _():
            pltpu.sync_copy(z_hbm, acc.at[pl.ds(r0, ROWS_PER_WRITER)])

        plsc.subcore_barrier()

        def sidx(j):
            return sbuf.at[pl.ds(pl.multiple_of(j * CHUNKP2, 8), CHUNK2)]

        for b in range(NBUF2):
            pltpu.async_copy(g_hbm.at[sidx(b)], mbs[b], gsems[b])

        @pl.loop(0, NCHUNK2, step=NBUF2)
        def _(j):
            for b in range(NBUF2):
                pltpu.make_async_copy(g_hbm.at[sidx(j + b)], mbs[b],
                                      gsems[b]).wait()
                pltpu.async_copy(mbs[b], acc.at[dbuf.at[j + b]], ssems[b],
                                 add=True)
            for b in range(NBUF2):
                pltpu.make_async_copy(mbs[b], acc.at[dbuf.at[j + b]],
                                      ssems[b]).wait()

                @pl.when(j + NBUF2 + b < NCHUNK2)
                def _():
                    pltpu.async_copy(g_hbm.at[sidx(j + NBUF2 + b)], mbs[b],
                                     gsems[b])

        plsc.subcore_barrier()

        @pl.when(s < WRITERS)
        def _():
            pltpu.sync_copy(acc.at[pl.ds(r0, ROWS_PER_WRITER)],
                            out_hbm.at[c, pl.ds(r0, ROWS_PER_WRITER)])

    return k(g, src_w, dst_w2, zeros_nf)



def _tc_first(x, W1, degparts):
    D = W1.shape[0]
    H = D // 2

    def body(x_ref, w_ref, d_ref, g_ref, dinv_ref):
        deg = d_ref[0] + 1.0
        dinv = lax.rsqrt(deg)
        dinv_ref[0] = dinv
        h = jnp.dot(x_ref[...], w_ref[...], preferred_element_type=jnp.float32)
        g = h * dinv
        g_ref[0] = g[:, :H]
        g_ref[1] = g[:, H:]

    return pl.pallas_call(
        body,
        grid=(NRB,),
        in_specs=[pl.BlockSpec((RB, D), lambda i: (i, 0)),
                  pl.BlockSpec((D, D), lambda i: (0, 0)),
                  pl.BlockSpec((1, RB, 1), lambda i: (i, 0, 0))],
        out_specs=[pl.BlockSpec((NC, RB, H), lambda i: (0, i, 0)),
                   pl.BlockSpec((1, RB, 1), lambda i: (i, 0, 0))],
        out_shape=[jax.ShapeDtypeStruct((NC, N, H), jnp.float32),
                   jax.ShapeDtypeStruct((NRB, RB, 1), jnp.float32)],
    )(x, W1, degparts)


def _tc_mid(acc1, g1, dinv, b1, W2):
    H = acc1.shape[2]
    D = 2 * H
    DO = W2.shape[1]

    def body(a_ref, g_ref, d_ref, b_ref, w_ref, o_ref):
        dv = d_ref[0]
        full = jnp.concatenate([a_ref[0] + g_ref[0], a_ref[1] + g_ref[1]],
                               axis=1)
        h = jnp.maximum(full * dv + b_ref[...], 0.0)
        hw = jnp.dot(h, w_ref[...], preferred_element_type=jnp.float32)
        o_ref[...] = hw * dv

    return pl.pallas_call(
        body,
        grid=(NRB,),
        in_specs=[pl.BlockSpec((NC, RB, H), lambda i: (0, i, 0)),
                  pl.BlockSpec((NC, RB, H), lambda i: (0, i, 0)),
                  pl.BlockSpec((1, RB, 1), lambda i: (i, 0, 0)),
                  pl.BlockSpec((1, D), lambda i: (0, 0)),
                  pl.BlockSpec((D, DO), lambda i: (0, 0))],
        out_specs=pl.BlockSpec((RB, DO), lambda i: (i, 0)),
        out_shape=jax.ShapeDtypeStruct((N, DO), jnp.float32),
    )(acc1, g1, dinv, b1, W2)


def _tc_final(acc2, g2, dinv, b2):
    DO = g2.shape[1]

    def body(a_ref, g_ref, d_ref, b_ref, o_ref):
        dv = d_ref[0]
        o = (a_ref[0] + a_ref[1] + g_ref[...]) * dv + b_ref[...]
        m = jnp.max(o, axis=1, keepdims=True)
        e = jnp.exp(o - m)
        o_ref[...] = (o - m) - jnp.log(jnp.sum(e, axis=1, keepdims=True))

    return pl.pallas_call(
        body,
        grid=(NRB,),
        in_specs=[pl.BlockSpec((NC, RB, DO), lambda i: (0, i, 0)),
                  pl.BlockSpec((RB, DO), lambda i: (i, 0)),
                  pl.BlockSpec((1, RB, 1), lambda i: (i, 0, 0)),
                  pl.BlockSpec((1, DO), lambda i: (0, 0))],
        out_specs=pl.BlockSpec((RB, DO), lambda i: (i, 0)),
        out_shape=jax.ShapeDtypeStruct((N, DO), jnp.float32),
    )(acc2, g2, dinv, b2)



def kernel(x, edge_index, W1, b1, W2, b2):
    D = W1.shape[0]
    H = D // 2
    DO = W2.shape[1]
    src = edge_index[0]
    dst = edge_index[1]

    src_t = jnp.pad(src.reshape(NS, NCHUNK, CHUNK),
                    ((0, 0), (0, 0), (0, CHUNKP - CHUNK))
                    ).reshape(NS, NCHUNK * CHUNKP)
    dst_t = dst.reshape(NS, NCHUNK, CHUNK)
    src_w = jnp.pad(src.reshape(NC, NS, NCHUNK2, CHUNK2),
                    ((0, 0), (0, 0), (0, 0), (0, CHUNKP2 - CHUNK2))
                    ).reshape(NC, NS, NCHUNK2 * CHUNKP2)
    dst_w2 = dst.reshape(NC, NS, NCHUNK2, CHUNK2)
    dst_w = jnp.pad(dst.reshape(NC, NS, EDGES_PER_WORKER),
                    ((0, 0), (0, 0), (0, EPWP - EDGES_PER_WORKER)))
    zeros80 = jnp.zeros((2 * RPP, 128), jnp.float32)
    ridx80 = jnp.arange(2 * RPP, dtype=jnp.int32).reshape(2, RPP)
    zeros_blk = jnp.zeros((ROWS_PER_WRITER, H), jnp.float32)
    zeros_blk_do = jnp.zeros((ROWS_PER_WRITER, DO), jnp.float32)

    degparts = _sc_degree(dst_w, zeros80, ridx80)
    deg = (degparts[0] + degparts[1]).reshape(2 * HALF)[:N].reshape(NRB, RB, 1)
    g1, dinv = _tc_first(x, W1, deg)
    acc1 = _sc_spmm(g1, src_t, dst_t, zeros_blk, H)
    g2 = _tc_mid(acc1, g1, dinv, b1.reshape(1, D), W2)
    acc2 = _sc_spmm_edgesplit(g2, src_w, dst_w2, zeros_blk_do, DO)
    return _tc_final(acc2, g2, dinv, b2.reshape(1, DO))

# --- scband reference (transcript-rebuilt; emitter-appended) ---
"""Pipeline reference for scband-gcn-4758823764121 (READ-ONLY COPY).

The authoritative reference and input builder live on the scoring server;
editing this copy changes nothing except your own understanding.
"""

import jax, jax.numpy as jnp
import numpy as np

N = 10000
E = 160000
D_IN = 256
D_HID = 256
D_OUT = 128


def _glorot(key, fan_in, fan_out):
    s = float(np.sqrt(6.0 / (fan_in + fan_out)))
    return jax.random.uniform(key, (fan_in, fan_out), minval=-s, maxval=s, dtype=jnp.float32)


def setup_inputs(seed: int = 0) -> dict:
    key = jax.random.key(seed)
    k1, k2, k3, k4 = jax.random.split(key, 4)
    x = jax.random.normal(k1, (N, D_IN), dtype=jnp.float32)
    edge_index = jax.random.randint(k2, (2, E), 0, N, dtype=jnp.int32)
    W1 = _glorot(k3, D_IN, D_HID)
    b1 = jnp.zeros((D_HID,), dtype=jnp.float32)
    W2 = _glorot(k4, D_HID, D_OUT)
    b2 = jnp.zeros((D_OUT,), dtype=jnp.float32)
    return {"x": x, "edge_index": edge_index, "W1": W1, "b1": b1, "W2": W2, "b2": b2}


def gcn_conv(x, src, dst, W, b):
    # GCNConv: x' = D^{-1/2} (A + I) D^{-1/2} x W + b
    n = x.shape[0]
    loop = jnp.arange(n, dtype=src.dtype)
    s = jnp.concatenate([src, loop])
    d = jnp.concatenate([dst, loop])
    deg = jnp.zeros((n,), x.dtype).at[d].add(1.0)
    deg_inv_sqrt = jnp.where(deg > 0, jax.lax.rsqrt(jnp.maximum(deg, 1e-12)), 0.0)
    norm = deg_inv_sqrt[s] * deg_inv_sqrt[d]
    h = x @ W
    msg = h[s] * norm[:, None]
    out = jax.ops.segment_sum(msg, d, num_segments=n)
    return out + b


def reference(x, edge_index, W1, b1, W2, b2):
    src = edge_index[0]
    dst = edge_index[1]
    h = jax.nn.relu(gcn_conv(x, src, dst, W1, b1))
    # dropout is identity in eval mode
    out = gcn_conv(h, src, dst, W2, b2)
    return jax.nn.log_softmax(out, axis=1)

if __name__ == "__main__":
    import jax
    _d = setup_inputs()
    print(jax.jit(kernel)(*tuple(_d.values())))

</pallas_src>

<mosaic_0001>
#map = affine_map<(d0, d1) -> (0, 0, 0)>
#map1 = affine_map<(d0, d1) -> (0, 0)>
module attributes {stable_mosaic.version = 14 : i64} {
  func.func @k(%arg0: i32, %arg1: i32, %arg2: memref<2x10000x128xf32, #tpu.memory_space<hbm>>, %arg3: memref<16x10400xi32, #tpu.memory_space<hbm>>, %arg4: memref<16x100x100xi32, #tpu.memory_space<hbm>>, %arg5: memref<1000x128xf32, #tpu.memory_space<hbm>>, %arg6: memref<2x10000x128xf32, #tpu.memory_space<hbm>>, %arg7: memref<10400xi32, #tpu.memory_space<vmem>>, %arg8: memref<100x100xi32, #tpu.memory_space<vmem>>, %arg9: memref<100x128xf32, #tpu.memory_space<vmem>>, %arg10: memref<100x128xf32, #tpu.memory_space<vmem>>, %arg11: memref<10000x128xf32, #tpu.memory_space<vmem_shared>>, %arg12: memref<!tpu.dma_semaphore, #tpu.memory_space<semaphore_mem>>, %arg13: memref<!tpu.dma_semaphore, #tpu.memory_space<semaphore_mem>>, %arg14: memref<!tpu.dma_semaphore, #tpu.memory_space<semaphore_mem>>, %arg15: memref<!tpu.dma_semaphore, #tpu.memory_space<semaphore_mem>>) attributes {dimension_semantics = [#tpu.dimension_semantics<core_parallel>, #tpu.dimension_semantics<subcore_parallel>], iteration_bounds = array<i64: 2, 16>, scalar_prefetch = 0 : i64, scratch_operands = 9 : i64, tpu.core_type = #tpu.core_type<sc_vector_subcore>, window_params = [{transform_indices = #map}, {transform_indices = #map1}, {transform_indices = #map}, {transform_indices = #map1}, {transform_indices = #map}]} {
    "tpu.region"() ({
      %run_scoped3A = tpu.sem_alloc : memref<!tpu.dma_semaphore, #tpu.memory_space<semaphore_mem>>
      %dma_start3A_31 = arith.constant 0 : i32
      %dma_start3A_32 = tpu.memref_slice %arg3[%arg1, %dma_start3A_31] : memref<16x10400xi32, #tpu.memory_space<hbm>> -> memref<1x10400xi32, #tpu.memory_space<hbm>>
      %dma_start3A_33 = tpu.memref_squeeze %dma_start3A_32 : memref<1x10400xi32, #tpu.memory_space<hbm>> -> memref<10400xi32, #tpu.memory_space<hbm>>
      %dma_start3A_34 = arith.constant 0 : i32
      %dma_start3A_35 = tpu.memref_slice %arg3[%arg1, %dma_start3A_34] : memref<16x10400xi32, #tpu.memory_space<hbm>> -> memref<1x10400xi32, #tpu.memory_space<hbm>>
      %dma_start3A_36 = tpu.memref_squeeze %dma_start3A_35 : memref<1x10400xi32, #tpu.memory_space<hbm>> -> memref<10400xi32, #tpu.memory_space<hbm>>
      tpu.enqueue_dma source(%dma_start3A_36 : memref<10400xi32, #tpu.memory_space<hbm>>) target(%arg7 : memref<10400xi32, #tpu.memory_space<vmem>>) target_semaphore(%run_scoped3A : memref<!tpu.dma_semaphore, #tpu.memory_space<semaphore_mem>>)
      %dma_wait3A = arith.constant 0 : i32
      %dma_wait3A_37 = tpu.memref_slice %arg3[%arg1, %dma_wait3A] : memref<16x10400xi32, #tpu.memory_space<hbm>> -> memref<1x10400xi32, #tpu.memory_space<hbm>>
      %dma_wait3A_38 = tpu.memref_squeeze %dma_wait3A_37 : memref<1x10400xi32, #tpu.memory_space<hbm>> -> memref<10400xi32, #tpu.memory_space<hbm>>
      %dma_wait3A_39 = arith.constant 0 : i32
      %dma_wait3A_40 = tpu.memref_slice %arg3[%arg1, %dma_wait3A_39] : memref<16x10400xi32, #tpu.memory_space<hbm>> -> memref<1x10400xi32, #tpu.memory_space<hbm>>
      %dma_wait3A_41 = tpu.memref_squeeze %dma_wait3A_40 : memref<1x10400xi32, #tpu.memory_space<hbm>> -> memref<10400xi32, #tpu.memory_space<hbm>>
      tpu.wait_dma2 semaphore(%run_scoped3A : memref<!tpu.dma_semaphore, #tpu.memory_space<semaphore_mem>>) src(%dma_wait3A_41 : memref<10400xi32, #tpu.memory_space<hbm>>) dst(%arg7 : memref<10400xi32, #tpu.memory_space<vmem>>)
      tpu.yield
    }) : () -> ()
    "tpu.region"() ({
      %run_scoped3A = tpu.sem_alloc : memref<!tpu.dma_semaphore, #tpu.memory_space<semaphore_mem>>
      %dma_start3A_31 = arith.constant 0 : i32
      %dma_start3A_32 = arith.constant 0 : i32
      %dma_start3A_33 = tpu.memref_slice %arg4[%arg1, %dma_start3A_31, %dma_start3A_32] : memref<16x100x100xi32, #tpu.memory_space<hbm>> -> memref<1x100x100xi32, #tpu.memory_space<hbm>>
      %dma_start3A_34 = tpu.memref_squeeze %dma_start3A_33 : memref<1x100x100xi32, #tpu.memory_space<hbm>> -> memref<100x100xi32, #tpu.memory_space<hbm>>
      %dma_start3A_35 = arith.constant 0 : i32
      %dma_start3A_36 = arith.constant 0 : i32
      %dma_start3A_37 = tpu.memref_slice %arg4[%arg1, %dma_start3A_35, %dma_start3A_36] : memref<16x100x100xi32, #tpu.memory_space<hbm>> -> memref<1x100x100xi32, #tpu.memory_space<hbm>>
      %dma_start3A_38 = tpu.memref_squeeze %dma_start3A_37 : memref<1x100x100xi32, #tpu.memory_space<hbm>> -> memref<100x100xi32, #tpu.memory_space<hbm>>
      tpu.enqueue_dma source(%dma_start3A_38 : memref<100x100xi32, #tpu.memory_space<hbm>>) target(%arg8 : memref<100x100xi32, #tpu.memory_space<vmem>>) target_semaphore(%run_scoped3A : memref<!tpu.dma_semaphore, #tpu.memory_space<semaphore_mem>>)
      %dma_wait3A = arith.constant 0 : i32
      %dma_wait3A_39 = arith.constant 0 : i32
      %dma_wait3A_40 = tpu.memref_slice %arg4[%arg1, %dma_wait3A, %dma_wait3A_39] : memref<16x100x100xi32, #tpu.memory_space<hbm>> -> memref<1x100x100xi32, #tpu.memory_space<hbm>>
      %dma_wait3A_41 = tpu.memref_squeeze %dma_wait3A_40 : memref<1x100x100xi32, #tpu.memory_space<hbm>> -> memref<100x100xi32, #tpu.memory_space<hbm>>
      %dma_wait3A_42 = arith.constant 0 : i32
      %dma_wait3A_43 = arith.constant 0 : i32
      %dma_wait3A_44 = tpu.memref_slice %arg4[%arg1, %dma_wait3A_42, %dma_wait3A_43] : memref<16x100x100xi32, #tpu.memory_space<hbm>> -> memref<1x100x100xi32, #tpu.memory_space<hbm>>
      %dma_wait3A_45 = tpu.memref_squeeze %dma_wait3A_44 : memref<1x100x100xi32, #tpu.memory_space<hbm>> -> memref<100x100xi32, #tpu.memory_space<hbm>>
      tpu.wait_dma2 semaphore(%run_scoped3A : memref<!tpu.dma_semaphore, #tpu.memory_space<semaphore_mem>>) src(%dma_wait3A_45 : memref<100x100xi32, #tpu.memory_space<hbm>>) dst(%arg8 : memref<100x100xi32, #tpu.memory_space<vmem>>)
      tpu.yield
    }) : () -> ()
    %mul3A = arith.constant 1000 : i32
    %mul3A_0 = arith.muli %arg1, %mul3A : i32
    %lt3A = arith.constant 10 : i32
    %lt3A_1 = arith.cmpi slt, %arg1, %lt3A : i32
    %convert_element_type3A = arith.extui %lt3A_1 : i1 to i32
    %cond3A = arith.constant 0 : i32
    %cond3A_2 = arith.cmpi ne, %convert_element_type3A, %cond3A : i32
    scf.if %cond3A_2 {
      "tpu.region"() ({
        %run_scoped3A = tpu.sem_alloc : memref<!tpu.dma_semaphore, #tpu.memory_space<semaphore_mem>>
        %dma_start3A_31 = arith.constant 0 : i32
        %dma_start3A_32 = tpu.memref_slice %arg11[%mul3A_0, %dma_start3A_31] : memref<10000x128xf32, #tpu.memory_space<vmem_shared>> -> memref<1000x128xf32, #tpu.memory_space<vmem_shared>>
        tpu.enqueue_dma source(%arg5 : memref<1000x128xf32, #tpu.memory_space<hbm>>) target(%dma_start3A_32 : memref<1000x128xf32, #tpu.memory_space<vmem_shared>>) target_semaphore(%run_scoped3A : memref<!tpu.dma_semaphore, #tpu.memory_space<semaphore_mem>>)
        %dma_wait3A = arith.constant 0 : i32
        %dma_wait3A_33 = tpu.memref_slice %arg11[%mul3A_0, %dma_wait3A] : memref<10000x128xf32, #tpu.memory_space<vmem_shared>> -> memref<1000x128xf32, #tpu.memory_space<vmem_shared>>
        tpu.wait_dma2 semaphore(%run_scoped3A : memref<!tpu.dma_semaphore, #tpu.memory_space<semaphore_mem>>) src(%arg5 : memref<1000x128xf32, #tpu.memory_space<hbm>>) dst(%dma_wait3A_33 : memref<1000x128xf32, #tpu.memory_space<vmem_shared>>)
        tpu.yield
      }) : () -> ()
    } else {
    }
    %barrier3A = arith.constant 0 : index
    tpu.barrier barrier_id(%barrier3A)
    %multiple_of3A = arith.constant 0 : i32
    %multiple_of3A_3 = tpu.assume_multiple %multiple_of3A, 8 : i32
    %dma_start3A = tpu.memref_slice %arg7[%multiple_of3A_3] : memref<10400xi32, #tpu.memory_space<vmem>> -> memref<100xi32, #tpu.memory_space<vmem>>
    %dma_start3A_4 = arith.constant 0 : i32
    %dma_start3A_5 = arith.constant 0 : i32
    %dma_start3A_6 = tpu.memref_slice %arg2[%arg0, %dma_start3A_4, %dma_start3A_5] : memref<2x10000x128xf32, #tpu.memory_space<hbm>> -> memref<1x10000x128xf32, #tpu.memory_space<hbm>>
    %dma_start3A_7 = tpu.memref_squeeze %dma_start3A_6 : memref<1x10000x128xf32, #tpu.memory_space<hbm>> -> memref<10000x128xf32, #tpu.memory_space<hbm>>
    %dma_start3A_8 = arith.constant 0 : i32
    %dma_start3A_9 = arith.constant 0 : i32
    %dma_start3A_10 = tpu.memref_slice %dma_start3A_7[%dma_start3A_8, %dma_start3A_9] : memref<10000x128xf32, #tpu.memory_space<hbm>> -> memref<10000x128xf32, #tpu.memory_space<hbm>>
    tpu.enqueue_indirect_dma source(%dma_start3A_10 : memref<10000x128xf32, #tpu.memory_space<hbm>>) target(%arg9 : memref<100x128xf32, #tpu.memory_space<vmem>>) offsets(%dma_start3A : memref<100xi32, #tpu.memory_space<vmem>>) semaphore(%arg12 : memref<!tpu.dma_semaphore, #tpu.memory_space<semaphore_mem>>)
    %multiple_of3A_11 = arith.constant 104 : i32
    %multiple_of3A_12 = tpu.assume_multiple %multiple_of3A_11, 8 : i32
    %dma_start3A_13 = tpu.memref_slice %arg7[%multiple_of3A_12] : memref<10400xi32, #tpu.memory_space<vmem>> -> memref<100xi32, #tpu.memory_space<vmem>>
    %dma_start3A_14 = arith.constant 0 : i32
    %dma_start3A_15 = arith.constant 0 : i32
    %dma_start3A_16 = tpu.memref_slice %arg2[%arg0, %dma_start3A_14, %dma_start3A_15] : memref<2x10000x128xf32, #tpu.memory_space<hbm>> -> memref<1x10000x128xf32, #tpu.memory_space<hbm>>
    %dma_start3A_17 = tpu.memref_squeeze %dma_start3A_16 : memref<1x10000x128xf32, #tpu.memory_space<hbm>> -> memref<10000x128xf32, #tpu.memory_space<hbm>>
    %dma_start3A_18 = arith.constant 0 : i32
    %dma_start3A_19 = arith.constant 0 : i32
    %dma_start3A_20 = tpu.memref_slice %dma_start3A_17[%dma_start3A_18, %dma_start3A_19] : memref<10000x128xf32, #tpu.memory_space<hbm>> -> memref<10000x128xf32, #tpu.memory_space<hbm>>
    tpu.enqueue_indirect_dma source(%dma_start3A_20 : memref<10000x128xf32, #tpu.memory_space<hbm>>) target(%arg10 : memref<100x128xf32, #tpu.memory_space<vmem>>) offsets(%dma_start3A_13 : memref<100xi32, #tpu.memory_space<vmem>>) semaphore(%arg13 : memref<!tpu.dma_semaphore, #tpu.memory_space<semaphore_mem>>)
    %scan3A = arith.constant 0 : i32
    %scan3A_21 = arith.constant 50 : i32
    %scan3A_22 = arith.addi %scan3A, %scan3A_21 : i32
    %scan3A_23 = arith.constant 1 : i32
    scf.for %scan3A_31 = %scan3A to %scan3A_22 step %scan3A_23  : i32 {
      %mul3A_32 = arith.constant 2 : i32
      %mul3A_33 = arith.muli %scan3A_31, %mul3A_32 : i32
      %add3A = arith.constant 0 : i32
      %add3A_34 = arith.addi %add3A, %mul3A_33 : i32
      %mul3A_35 = arith.constant 104 : i32
      %mul3A_36 = arith.muli %add3A_34, %mul3A_35 : i32
      %multiple_of3A_37 = tpu.assume_multiple %mul3A_36, 8 : i32
      %dma_wait3A = tpu.memref_slice %arg7[%multiple_of3A_37] : memref<10400xi32, #tpu.memory_space<vmem>> -> memref<100xi32, #tpu.memory_space<vmem>>
      %dma_wait3A_38 = arith.constant 0 : i32
      %dma_wait3A_39 = arith.constant 0 : i32
      %dma_wait3A_40 = tpu.memref_slice %arg2[%arg0, %dma_wait3A_38, %dma_wait3A_39] : memref<2x10000x128xf32, #tpu.memory_space<hbm>> -> memref<1x10000x128xf32, #tpu.memory_space<hbm>>
      %dma_wait3A_41 = tpu.memref_squeeze %dma_wait3A_40 : memref<1x10000x128xf32, #tpu.memory_space<hbm>> -> memref<10000x128xf32, #tpu.memory_space<hbm>>
      %dma_wait3A_42 = arith.constant 0 : i32
      %dma_wait3A_43 = arith.constant 0 : i32
      %dma_wait3A_44 = tpu.memref_slice %dma_wait3A_41[%dma_wait3A_42, %dma_wait3A_43] : memref<10000x128xf32, #tpu.memory_space<hbm>> -> memref<10000x128xf32, #tpu.memory_space<hbm>>
      tpu.wait_indirect_dma semaphore(%arg12 : memref<!tpu.dma_semaphore, #tpu.memory_space<semaphore_mem>>) src(%dma_wait3A_44 : memref<10000x128xf32, #tpu.memory_space<hbm>>) dst(%arg9 : memref<100x128xf32, #tpu.memory_space<vmem>>)
      %dma_start3A_45 = arith.constant 0 : i32
      %dma_start3A_46 = tpu.memref_slice %arg8[%add3A_34, %dma_start3A_45] : memref<100x100xi32, #tpu.memory_space<vmem>> -> memref<1x100xi32, #tpu.memory_space<vmem>>
      %dma_start3A_47 = tpu.memref_squeeze %dma_start3A_46 : memref<1x100xi32, #tpu.memory_space<vmem>> -> memref<100xi32, #tpu.memory_space<vmem>>
      %dma_start3A_48 = arith.constant 0 : i32
      %dma_start3A_49 = arith.constant 0 : i32
      %dma_start3A_50 = tpu.memref_slice %arg11[%dma_start3A_48, %dma_start3A_49] : memref<10000x128xf32, #tpu.memory_space<vmem_shared>> -> memref<10000x128xf32, #tpu.memory_space<vmem_shared>>
      tpu.enqueue_indirect_dma source(%arg9 : memref<100x128xf32, #tpu.memory_space<vmem>>) target(%dma_start3A_50 : memref<10000x128xf32, #tpu.memory_space<vmem_shared>>) offsets(%dma_start3A_47 : memref<100xi32, #tpu.memory_space<vmem>>) semaphore(%arg14 : memref<!tpu.dma_semaphore, #tpu.memory_space<semaphore_mem>>) {add = true}
      %add3A_51 = arith.constant 1 : i32
      %add3A_52 = arith.addi %add3A_34, %add3A_51 : i32
      %mul3A_53 = arith.constant 104 : i32
      %mul3A_54 = arith.muli %add3A_52, %mul3A_53 : i32
      %multiple_of3A_55 = tpu.assume_multiple %mul3A_54, 8 : i32
      %dma_wait3A_56 = tpu.memref_slice %arg7[%multiple_of3A_55] : memref<10400xi32, #tpu.memory_space<vmem>> -> memref<100xi32, #tpu.memory_space<vmem>>
      %dma_wait3A_57 = arith.constant 0 : i32
      %dma_wait3A_58 = arith.constant 0 : i32
      %dma_wait3A_59 = tpu.memref_slice %arg2[%arg0, %dma_wait3A_57, %dma_wait3A_58] : memref<2x10000x128xf32, #tpu.memory_space<hbm>> -> memref<1x10000x128xf32, #tpu.memory_space<hbm>>
      %dma_wait3A_60 = tpu.memref_squeeze %dma_wait3A_59 : memref<1x10000x128xf32, #tpu.memory_space<hbm>> -> memref<10000x128xf32, #tpu.memory_space<hbm>>
      %dma_wait3A_61 = arith.constant 0 : i32
      %dma_wait3A_62 = arith.constant 0 : i32
      %dma_wait3A_63 = tpu.memref_slice %dma_wait3A_60[%dma_wait3A_61, %dma_wait3A_62] : memref<10000x128xf32, #tpu.memory_space<hbm>> -> memref<10000x128xf32, #tpu.memory_space<hbm>>
      tpu.wait_indirect_dma semaphore(%arg13 : memref<!tpu.dma_semaphore, #tpu.memory_space<semaphore_mem>>) src(%dma_wait3A_63 : memref<10000x128xf32, #tpu.memory_space<hbm>>) dst(%arg10 : memref<100x128xf32, #tpu.memory_space<vmem>>)
      %dma_wait3A_64 = arith.constant 0 : i32
      %dma_wait3A_65 = tpu.memref_slice %arg8[%add3A_34, %dma_wait3A_64] : memref<100x100xi32, #tpu.memory_space<vmem>> -> memref<1x100xi32, #tpu.memory_space<vmem>>
      %dma_wait3A_66 = tpu.memref_squeeze %dma_wait3A_65 : memref<1x100xi32, #tpu.memory_space<vmem>> -> memref<100xi32, #tpu.memory_space<vmem>>
      %dma_wait3A_67 = arith.constant 0 : i32
      %dma_wait3A_68 = arith.constant 0 : i32
      %dma_wait3A_69 = tpu.memref_slice %arg11[%dma_wait3A_67, %dma_wait3A_68] : memref<10000x128xf32, #tpu.memory_space<vmem_shared>> -> memref<10000x128xf32, #tpu.memory_space<vmem_shared>>
      tpu.wait_indirect_dma semaphore(%arg14 : memref<!tpu.dma_semaphore, #tpu.memory_space<semaphore_mem>>) src(%arg9 : memref<100x128xf32, #tpu.memory_space<vmem>>) dst(%dma_wait3A_69 : memref<10000x128xf32, #tpu.memory_space<vmem_shared>>)
      %add3A_70 = arith.constant 2 : i32
      %add3A_71 = arith.addi %add3A_34, %add3A_70 : i32
      %lt3A_72 = arith.constant 100 : i32
      %lt3A_73 = arith.cmpi slt, %add3A_71, %lt3A_72 : i32
      %convert_element_type3A_74 = arith.extui %lt3A_73 : i1 to i32
      %cond3A_75 = arith.constant 0 : i32
      %cond3A_76 = arith.cmpi ne, %convert_element_type3A_74, %cond3A_75 : i32
      scf.if %cond3A_76 {
        %add3A_100 = arith.constant 2 : i32
        %add3A_101 = arith.addi %add3A_34, %add3A_100 : i32
        %mul3A_102 = arith.constant 104 : i32
        %mul3A_103 = arith.muli %add3A_101, %mul3A_102 : i32
        %multiple_of3A_104 = tpu.assume_multiple %mul3A_103, 8 : i32
        %dma_start3A_105 = tpu.memref_slice %arg7[%multiple_of3A_104] : memref<10400xi32, #tpu.memory_space<vmem>> -> memref<100xi32, #tpu.memory_space<vmem>>
        %dma_start3A_106 = arith.constant 0 : i32
        %dma_start3A_107 = arith.constant 0 : i32
        %dma_start3A_108 = tpu.memref_slice %arg2[%arg0, %dma_start3A_106, %dma_start3A_107] : memref<2x10000x128xf32, #tpu.memory_space<hbm>> -> memref<1x10000x128xf32, #tpu.memory_space<hbm>>
        %dma_start3A_109 = tpu.memref_squeeze %dma_start3A_108 : memref<1x10000x128xf32, #tpu.memory_space<hbm>> -> memref<10000x128xf32, #tpu.memory_space<hbm>>
        %dma_start3A_110 = arith.constant 0 : i32
        %dma_start3A_111 = arith.constant 0 : i32
        %dma_start3A_112 = tpu.memref_slice %dma_start3A_109[%dma_start3A_110, %dma_start3A_111] : memref<10000x128xf32, #tpu.memory_space<hbm>> -> memref<10000x128xf32, #tpu.memory_space<hbm>>
        tpu.enqueue_indirect_dma source(%dma_start3A_112 : memref<10000x128xf32, #tpu.memory_space<hbm>>) target(%arg9 : memref<100x128xf32, #tpu.memory_space<vmem>>) offsets(%dma_start3A_105 : memref<100xi32, #tpu.memory_space<vmem>>) semaphore(%arg12 : memref<!tpu.dma_semaphore, #tpu.memory_space<semaphore_mem>>)
      } else {
      }
      %add3A_77 = arith.constant 1 : i32
      %add3A_78 = arith.addi %add3A_34, %add3A_77 : i32
      %dma_start3A_79 = arith.constant 0 : i32
      %dma_start3A_80 = tpu.memref_slice %arg8[%add3A_78, %dma_start3A_79] : memref<100x100xi32, #tpu.memory_space<vmem>> -> memref<1x100xi32, #tpu.memory_space<vmem>>
      %dma_start3A_81 = tpu.memref_squeeze %dma_start3A_80 : memref<1x100xi32, #tpu.memory_space<vmem>> -> memref<100xi32, #tpu.memory_space<vmem>>
      %dma_start3A_82 = arith.constant 0 : i32
      %dma_start3A_83 = arith.constant 0 : i32
      %dma_start3A_84 = tpu.memref_slice %arg11[%dma_start3A_82, %dma_start3A_83] : memref<10000x128xf32, #tpu.memory_space<vmem_shared>> -> memref<10000x128xf32, #tpu.memory_space<vmem_shared>>
      tpu.enqueue_indirect_dma source(%arg10 : memref<100x128xf32, #tpu.memory_space<vmem>>) target(%dma_start3A_84 : memref<10000x128xf32, #tpu.memory_space<vmem_shared>>) offsets(%dma_start3A_81 : memref<100xi32, #tpu.memory_space<vmem>>) semaphore(%arg15 : memref<!tpu.dma_semaphore, #tpu.memory_space<semaphore_mem>>) {add = true}
      %add3A_85 = arith.constant 1 : i32
      %add3A_86 = arith.addi %add3A_34, %add3A_85 : i32
      %dma_wait3A_87 = arith.constant 0 : i32
      %dma_wait3A_88 = tpu.memref_slice %arg8[%add3A_86, %dma_wait3A_87] : memref<100x100xi32, #tpu.memory_space<vmem>> -> memref<1x100xi32, #tpu.memory_space<vmem>>
      %dma_wait3A_89 = tpu.memref_squeeze %dma_wait3A_88 : memref<1x100xi32, #tpu.memory_space<vmem>> -> memref<100xi32, #tpu.memory_space<vmem>>
      %dma_wait3A_90 = arith.constant 0 : i32
      %dma_wait3A_91 = arith.constant 0 : i32
      %dma_wait3A_92 = tpu.memref_slice %arg11[%dma_wait3A_90, %dma_wait3A_91] : memref<10000x128xf32, #tpu.memory_space<vmem_shared>> -> memref<10000x128xf32, #tpu.memory_space<vmem_shared>>
      tpu.wait_indirect_dma semaphore(%arg15 : memref<!tpu.dma_semaphore, #tpu.memory_space<semaphore_mem>>) src(%arg10 : memref<100x128xf32, #tpu.memory_space<vmem>>) dst(%dma_wait3A_92 : memref<10000x128xf32, #tpu.memory_space<vmem_shared>>)
      %add3A_93 = arith.constant 3 : i32
      %add3A_94 = arith.addi %add3A_34, %add3A_93 : i32
      %lt3A_95 = arith.constant 100 : i32
      %lt3A_96 = arith.cmpi slt, %add3A_94, %lt3A_95 : i32
      %convert_element_type3A_97 = arith.extui %lt3A_96 : i1 to i32
      %cond3A_98 = arith.constant 0 : i32
      %cond3A_99 = arith.cmpi ne, %convert_element_type3A_97, %cond3A_98 : i32
      scf.if %cond3A_99 {
        %add3A_100 = arith.constant 3 : i32
        %add3A_101 = arith.addi %add3A_34, %add3A_100 : i32
        %mul3A_102 = arith.constant 104 : i32
        %mul3A_103 = arith.muli %add3A_101, %mul3A_102 : i32
        %multiple_of3A_104 = tpu.assume_multiple %mul3A_103, 8 : i32
        %dma_start3A_105 = tpu.memref_slice %arg7[%multiple_of3A_104] : memref<10400xi32, #tpu.memory_space<vmem>> -> memref<100xi32, #tpu.memory_space<vmem>>
        %dma_start3A_106 = arith.constant 0 : i32
        %dma_start3A_107 = arith.constant 0 : i32
        %dma_start3A_108 = tpu.memref_slice %arg2[%arg0, %dma_start3A_106, %dma_start3A_107] : memref<2x10000x128xf32, #tpu.memory_space<hbm>> -> memref<1x10000x128xf32, #tpu.memory_space<hbm>>
        %dma_start3A_109 = tpu.memref_squeeze %dma_start3A_108 : memref<1x10000x128xf32, #tpu.memory_space<hbm>> -> memref<10000x128xf32, #tpu.memory_space<hbm>>
        %dma_start3A_110 = arith.constant 0 : i32
        %dma_start3A_111 = arith.constant 0 : i32
        %dma_start3A_112 = tpu.memref_slice %dma_start3A_109[%dma_start3A_110, %dma_start3A_111] : memref<10000x128xf32, #tpu.memory_space<hbm>> -> memref<10000x128xf32, #tpu.memory_space<hbm>>
        tpu.enqueue_indirect_dma source(%dma_start3A_112 : memref<10000x128xf32, #tpu.memory_space<hbm>>) target(%arg10 : memref<100x128xf32, #tpu.memory_space<vmem>>) offsets(%dma_start3A_105 : memref<100xi32, #tpu.memory_space<vmem>>) semaphore(%arg13 : memref<!tpu.dma_semaphore, #tpu.memory_space<semaphore_mem>>)
      } else {
      }
    }
    %scan3A_24 = arith.constant 50 : i32
    %barrier3A_25 = arith.constant 0 : index
    tpu.barrier barrier_id(%barrier3A_25)
    %lt3A_26 = arith.constant 10 : i32
    %lt3A_27 = arith.cmpi slt, %arg1, %lt3A_26 : i32
    %convert_element_type3A_28 = arith.extui %lt3A_27 : i1 to i32
    %cond3A_29 = arith.constant 0 : i32
    %cond3A_30 = arith.cmpi ne, %convert_element_type3A_28, %cond3A_29 : i32
    scf.if %cond3A_30 {
      "tpu.region"() ({
        %run_scoped3A = tpu.sem_alloc : memref<!tpu.dma_semaphore, #tpu.memory_space<semaphore_mem>>
        %dma_start3A_31 = arith.constant 0 : i32
        %dma_start3A_32 = tpu.memref_slice %arg6[%arg0, %mul3A_0, %dma_start3A_31] : memref<2x10000x128xf32, #tpu.memory_space<hbm>> -> memref<1x1000x128xf32, #tpu.memory_space<hbm>>
        %dma_start3A_33 = tpu.memref_squeeze %dma_start3A_32 : memref<1x1000x128xf32, #tpu.memory_space<hbm>> -> memref<1000x128xf32, #tpu.memory_space<hbm>>
        %dma_start3A_34 = arith.constant 0 : i32
        %dma_start3A_35 = tpu.memref_slice %arg11[%mul3A_0, %dma_start3A_34] : memref<10000x128xf32, #tpu.memory_space<vmem_shared>> -> memref<1000x128xf32, #tpu.memory_space<vmem_shared>>
        tpu.enqueue_dma source(%dma_start3A_35 : memref<1000x128xf32, #tpu.memory_space<vmem_shared>>) target(%dma_start3A_33 : memref<1000x128xf32, #tpu.memory_space<hbm>>) target_semaphore(%run_scoped3A : memref<!tpu.dma_semaphore, #tpu.memory_space<semaphore_mem>>)
        %dma_wait3A = arith.constant 0 : i32
        %dma_wait3A_36 = tpu.memref_slice %arg6[%arg0, %mul3A_0, %dma_wait3A] : memref<2x10000x128xf32, #tpu.memory_space<hbm>> -> memref<1x1000x128xf32, #tpu.memory_space<hbm>>
        %dma_wait3A_37 = tpu.memref_squeeze %dma_wait3A_36 : memref<1x1000x128xf32, #tpu.memory_space<hbm>> -> memref<1000x128xf32, #tpu.memory_space<hbm>>
        %dma_wait3A_38 = arith.constant 0 : i32
        %dma_wait3A_39 = tpu.memref_slice %arg11[%mul3A_0, %dma_wait3A_38] : memref<10000x128xf32, #tpu.memory_space<vmem_shared>> -> memref<1000x128xf32, #tpu.memory_space<vmem_shared>>
        tpu.wait_dma2 semaphore(%run_scoped3A : memref<!tpu.dma_semaphore, #tpu.memory_space<semaphore_mem>>) src(%dma_wait3A_39 : memref<1000x128xf32, #tpu.memory_space<vmem_shared>>) dst(%dma_wait3A_37 : memref<1000x128xf32, #tpu.memory_space<hbm>>)
        tpu.yield
      }) : () -> ()
    } else {
    }
    return
  }
}

#map = affine_map<(d0, d1) -> (0, 0, 0)>
#map1 = affine_map<(d0, d1) -> (0, 0)>
module attributes {stable_mosaic.version = 14 : i64} {
  func.func @k(%arg0: i32, %arg1: i32, %arg2: memref<2x16x5008xi32, #tpu.memory_space<hbm>>, %arg3: memref<80x128xf32, #tpu.memory_space<hbm>>, %arg4: memref<2x40xi32, #tpu.memory_space<hbm>>, %arg5: memref<2x80x128xf32, #tpu.memory_space<hbm>>, %arg6: memref<5008xi32, #tpu.memory_space<vmem>>, %arg7: memref<640x128xf32, #tpu.memory_space<vmem>>, %arg8: memref<40x128xf32, #tpu.memory_space<vmem>>, %arg9: memref<2x40xi32, #tpu.memory_space<vmem>>, %arg10: memref<80x128xf32, #tpu.memory_space<vmem_shared>>) attributes {dimension_semantics = [#tpu.dimension_semantics<core_parallel>, #tpu.dimension_semantics<subcore_parallel>], iteration_bounds = array<i64: 2, 16>, scalar_prefetch = 0 : i64, scratch_operands = 5 : i64, tpu.core_type = #tpu.core_type<sc_vector_subcore>, window_params = [{transform_indices = #map}, {transform_indices = #map1}, {transform_indices = #map1}, {transform_indices = #map}]} {
    "tpu.region"() ({
      %run_scoped3A_40 = tpu.sem_alloc : memref<!tpu.dma_semaphore, #tpu.memory_space<semaphore_mem>>
      %dma_start3A = arith.constant 0 : i32
      %dma_start3A_41 = tpu.memref_slice %arg2[%arg0, %arg1, %dma_start3A] : memref<2x16x5008xi32, #tpu.memory_space<hbm>> -> memref<1x1x5008xi32, #tpu.memory_space<hbm>>
      %dma_start3A_42 = tpu.memref_squeeze %dma_start3A_41 : memref<1x1x5008xi32, #tpu.memory_space<hbm>> -> memref<5008xi32, #tpu.memory_space<hbm>>
      %dma_start3A_43 = arith.constant 0 : i32
      %dma_start3A_44 = tpu.memref_slice %arg2[%arg0, %arg1, %dma_start3A_43] : memref<2x16x5008xi32, #tpu.memory_space<hbm>> -> memref<1x1x5008xi32, #tpu.memory_space<hbm>>
      %dma_start3A_45 = tpu.memref_squeeze %dma_start3A_44 : memref<1x1x5008xi32, #tpu.memory_space<hbm>> -> memref<5008xi32, #tpu.memory_space<hbm>>
      tpu.enqueue_dma source(%dma_start3A_45 : memref<5008xi32, #tpu.memory_space<hbm>>) target(%arg6 : memref<5008xi32, #tpu.memory_space<vmem>>) target_semaphore(%run_scoped3A_40 : memref<!tpu.dma_semaphore, #tpu.memory_space<semaphore_mem>>)
      %dma_wait3A = arith.constant 0 : i32
      %dma_wait3A_46 = tpu.memref_slice %arg2[%arg0, %arg1, %dma_wait3A] : memref<2x16x5008xi32, #tpu.memory_space<hbm>> -> memref<1x1x5008xi32, #tpu.memory_space<hbm>>
      %dma_wait3A_47 = tpu.memref_squeeze %dma_wait3A_46 : memref<1x1x5008xi32, #tpu.memory_space<hbm>> -> memref<5008xi32, #tpu.memory_space<hbm>>
      %dma_wait3A_48 = arith.constant 0 : i32
      %dma_wait3A_49 = tpu.memref_slice %arg2[%arg0, %arg1, %dma_wait3A_48] : memref<2x16x5008xi32, #tpu.memory_space<hbm>> -> memref<1x1x5008xi32, #tpu.memory_space<hbm>>
      %dma_wait3A_50 = tpu.memref_squeeze %dma_wait3A_49 : memref<1x1x5008xi32, #tpu.memory_space<hbm>> -> memref<5008xi32, #tpu.memory_space<hbm>>
      tpu.wait_dma2 semaphore(%run_scoped3A_40 : memref<!tpu.dma_semaphore, #tpu.memory_space<semaphore_mem>>) src(%dma_wait3A_50 : memref<5008xi32, #tpu.memory_space<hbm>>) dst(%arg6 : memref<5008xi32, #tpu.memory_space<vmem>>)
      tpu.yield
    }) : () -> ()
    "tpu.region"() ({
      %run_scoped3A_40 = tpu.sem_alloc : memref<!tpu.dma_semaphore, #tpu.memory_space<semaphore_mem>>
      tpu.enqueue_dma source(%arg4 : memref<2x40xi32, #tpu.memory_space<hbm>>) target(%arg9 : memref<2x40xi32, #tpu.memory_space<vmem>>) target_semaphore(%run_scoped3A_40 : memref<!tpu.dma_semaphore, #tpu.memory_space<semaphore_mem>>)
      tpu.wait_dma2 semaphore(%run_scoped3A_40 : memref<!tpu.dma_semaphore, #tpu.memory_space<semaphore_mem>>) src(%arg4 : memref<2x40xi32, #tpu.memory_space<hbm>>) dst(%arg9 : memref<2x40xi32, #tpu.memory_space<vmem>>)
      tpu.yield
    }) : () -> ()
    %eq3A = arith.constant 0 : i32
    %eq3A_0 = arith.cmpi eq, %arg1, %eq3A : i32
    %convert_element_type3A = arith.extui %eq3A_0 : i1 to i32
    %cond3A = arith.constant 0 : i32
    %cond3A_1 = arith.cmpi ne, %convert_element_type3A, %cond3A : i32
    scf.if %cond3A_1 {
      "tpu.region"() ({
        %run_scoped3A_40 = tpu.sem_alloc : memref<!tpu.dma_semaphore, #tpu.memory_space<semaphore_mem>>
        tpu.enqueue_dma source(%arg3 : memref<80x128xf32, #tpu.memory_space<hbm>>) target(%arg10 : memref<80x128xf32, #tpu.memory_space<vmem_shared>>) target_semaphore(%run_scoped3A_40 : memref<!tpu.dma_semaphore, #tpu.memory_space<semaphore_mem>>)
        tpu.wait_dma2 semaphore(%run_scoped3A_40 : memref<!tpu.dma_semaphore, #tpu.memory_space<semaphore_mem>>) src(%arg3 : memref<80x128xf32, #tpu.memory_space<hbm>>) dst(%arg10 : memref<80x128xf32, #tpu.memory_space<vmem_shared>>)
        tpu.yield
      }) : () -> ()
    } else {
    }
    %barrier3A = arith.constant 0 : index
    tpu.barrier barrier_id(%barrier3A)
    %iota3A = tpu.iota {dimensions = array<i32: 0>} : vector<16xi32>
    %broadcast_in_dim3A = arith.constant 1.000000e+00 : f32
    %broadcast_in_dim3A_2 = vector.broadcast %broadcast_in_dim3A : f32 to vector<16xf32>
    %broadcast_in_dim3A_3 = arith.constant 0.000000e+00 : f32
    %broadcast_in_dim3A_4 = vector.broadcast %broadcast_in_dim3A_3 : f32 to vector<16xf32>
    %scan3A = arith.constant 0 : i32
    %scan3A_5 = arith.constant 640 : i32
    %scan3A_6 = arith.addi %scan3A, %scan3A_5 : i32
    %scan3A_7 = arith.constant 1 : i32
    scf.for %scan3A_40 = %scan3A to %scan3A_6 step %scan3A_7  : i32 {
      %mul3A = arith.constant 1 : i32
      %mul3A_41 = arith.muli %scan3A_40, %mul3A : i32
      %add3A = arith.constant 0 : i32
      %add3A_42 = arith.addi %add3A, %mul3A_41 : i32
      %swap3A = arith.index_cast %add3A_42 : i32 to index
      %swap3A_43 = arith.constant 0 : index
      %swap3A_44 = tpu.vector_load %arg7[%swap3A, %swap3A_43] {strides = array<i32>} : memref<640x128xf32, #tpu.memory_space<vmem>>, vector<16xf32>,
      tpu.vector_store %arg7[%swap3A, %swap3A_43], %broadcast_in_dim3A_4 {strides = array<i32>} : memref<640x128xf32, #tpu.memory_space<vmem>>, vector<16xf32>,
      %swap3A_45 = arith.index_cast %add3A_42 : i32 to index
      %swap3A_46 = arith.constant 16 : index
      %swap3A_47 = tpu.vector_load %arg7[%swap3A_45, %swap3A_46] {strides = array<i32>} : memref<640x128xf32, #tpu.memory_space<vmem>>, vector<16xf32>,
      tpu.vector_store %arg7[%swap3A_45, %swap3A_46], %broadcast_in_dim3A_4 {strides = array<i32>} : memref<640x128xf32, #tpu.memory_space<vmem>>, vector<16xf32>,
      %swap3A_48 = arith.index_cast %add3A_42 : i32 to index
      %swap3A_49 = arith.constant 32 : index
      %swap3A_50 = tpu.vector_load %arg7[%swap3A_48, %swap3A_49] {strides = array<i32>} : memref<640x128xf32, #tpu.memory_space<vmem>>, vector<16xf32>,
      tpu.vector_store %arg7[%swap3A_48, %swap3A_49], %broadcast_in_dim3A_4 {strides = array<i32>} : memref<640x128xf32, #tpu.memory_space<vmem>>, vector<16xf32>,
      %swap3A_51 = arith.index_cast %add3A_42 : i32 to index
      %swap3A_52 = arith.constant 48 : index
      %swap3A_53 = tpu.vector_load %arg7[%swap3A_51, %swap3A_52] {strides = array<i32>} : memref<640x128xf32, #tpu.memory_space<vmem>>, vector<16xf32>,
      tpu.vector_store %arg7[%swap3A_51, %swap3A_52], %broadcast_in_dim3A_4 {strides = array<i32>} : memref<640x128xf32, #tpu.memory_space<vmem>>, vector<16xf32>,
      %swap3A_54 = arith.index_cast %add3A_42 : i32 to index
      %swap3A_55 = arith.constant 64 : index
      %swap3A_56 = tpu.vector_load %arg7[%swap3A_54, %swap3A_55] {strides = array<i32>} : memref<640x128xf32, #tpu.memory_space<vmem>>, vector<16xf32>,
      tpu.vector_store %arg7[%swap3A_54, %swap3A_55], %broadcast_in_dim3A_4 {strides = array<i32>} : memref<640x128xf32, #tpu.memory_space<vmem>>, vector<16xf32>,
      %swap3A_57 = arith.index_cast %add3A_42 : i32 to index
      %swap3A_58 = arith.constant 80 : index
      %swap3A_59 = tpu.vector_load %arg7[%swap3A_57, %swap3A_58] {strides = array<i32>} : memref<640x128xf32, #tpu.memory_space<vmem>>, vector<16xf32>,
      tpu.vector_store %arg7[%swap3A_57, %swap3A_58], %broadcast_in_dim3A_4 {strides = array<i32>} : memref<640x128xf32, #tpu.memory_space<vmem>>, vector<16xf32>,
      %swap3A_60 = arith.index_cast %add3A_42 : i32 to index
      %swap3A_61 = arith.constant 96 : index
      %swap3A_62 = tpu.vector_load %arg7[%swap3A_60, %swap3A_61] {strides = array<i32>} : memref<640x128xf32, #tpu.memory_space<vmem>>, vector<16xf32>,
      tpu.vector_store %arg7[%swap3A_60, %swap3A_61], %broadcast_in_dim3A_4 {strides = array<i32>} : memref<640x128xf32, #tpu.memory_space<vmem>>, vector<16xf32>,
      %swap3A_63 = arith.index_cast %add3A_42 : i32 to index
      %swap3A_64 = arith.constant 112 : index
      %swap3A_65 = tpu.vector_load %arg7[%swap3A_63, %swap3A_64] {strides = array<i32>} : memref<640x128xf32, #tpu.memory_space<vmem>>, vector<16xf32>,
      tpu.vector_store %arg7[%swap3A_63, %swap3A_64], %broadcast_in_dim3A_4 {strides = array<i32>} : memref<640x128xf32, #tpu.memory_space<vmem>>, vector<16xf32>,
    }
    %scan3A_8 = arith.constant 640 : i32
    %scan3A_9 = arith.constant 0 : i32
    %scan3A_10 = arith.constant 313 : i32
    %scan3A_11 = arith.addi %scan3A_9, %scan3A_10 : i32
    %scan3A_12 = arith.constant 1 : i32
    scf.for %scan3A_40 = %scan3A_9 to %scan3A_11 step %scan3A_12  : i32 {
      %mul3A = arith.constant 1 : i32
      %mul3A_41 = arith.muli %scan3A_40, %mul3A : i32
      %add3A = arith.constant 0 : i32
      %add3A_42 = arith.addi %add3A, %mul3A_41 : i32
      %mul3A_43 = arith.constant 16 : i32
      %mul3A_44 = arith.muli %add3A_42, %mul3A_43 : i32
      %multiple_of3A = tpu.assume_multiple %mul3A_44, 8 : i32
      %get3A = arith.index_cast %multiple_of3A : i32 to index
      %get3A_45 = tpu.vector_load %arg6[%get3A] {strides = array<i32>} : memref<5008xi32, #tpu.memory_space<vmem>>, vector<16xi32>,
      %sub3A = arith.constant 0 : i32
      %sub3A_46 = vector.broadcast %sub3A : i32 to vector<16xi32>
      %sub3A_47 = arith.subi %get3A_45, %sub3A_46 : vector<16xi32>
      %add3A_48 = vector.broadcast %mul3A_44 : i32 to vector<16xi32>
      %add3A_49 = arith.addi %add3A_48, %iota3A : vector<16xi32>
      %lt3A_50 = arith.constant 5000 : i32
      %lt3A_51 = vector.broadcast %lt3A_50 : i32 to vector<16xi32>
      %lt3A_52 = arith.cmpi slt, %add3A_49, %lt3A_51 : vector<16xi32>
      %ge3A = arith.constant 0 : i32
      %ge3A_53 = vector.broadcast %ge3A : i32 to vector<16xi32>
      %ge3A_54 = arith.cmpi sge, %sub3A_47, %ge3A_53 : vector<16xi32>
      %and3A = arith.andi %lt3A_52, %ge3A_54 : vector<16xi1>
      %lt3A_55 = arith.constant 5120 : i32
      %lt3A_56 = vector.broadcast %lt3A_55 : i32 to vector<16xi32>
      %lt3A_57 = arith.cmpi slt, %sub3A_47, %lt3A_56 : vector<16xi32>
      %and3A_58 = arith.andi %and3A, %lt3A_57 : vector<16xi1>
      %jit3A = arith.constant 0 : i32
      %broadcast_in_dim3A_59 = vector.broadcast %jit3A : i32 to vector<16xi32>
      %select_n3A = arith.select %and3A_58, %sub3A_47, %broadcast_in_dim3A_59 : vector<16xi1>, vector<16xi32>
      %mul3A_60 = arith.constant 40 : i32
      %mul3A_61 = vector.broadcast %mul3A_60 : i32 to vector<16xi32>
      %mul3A_62 = arith.muli %iota3A, %mul3A_61 : vector<16xi32>
      %shift_right_arithmetic3A = arith.constant 7 : i32
      %shift_right_arithmetic3A_63 = vector.broadcast %shift_right_arithmetic3A : i32 to vector<16xi32>
      %shift_right_arithmetic3A_64 = arith.shrsi %select_n3A, %shift_right_arithmetic3A_63 : vector<16xi32>
      %add3A_65 = arith.addi %mul3A_62, %shift_right_arithmetic3A_64 : vector<16xi32>
      %and3A_66 = arith.constant 127 : i32
      %and3A_67 = vector.broadcast %and3A_66 : i32 to vector<16xi32>
      %and3A_68 = arith.andi %select_n3A, %and3A_67 : vector<16xi32>
      tpu.vector_store_idx %arg7[%add3A_65, %and3A_68], %broadcast_in_dim3A_2 masked %and3A_58 {add = true} : memref<640x128xf32, #tpu.memory_space<vmem>>[vector<16xi32>, vector<16xi32>], vector<16xf32>, vector<16xi1>
    }
    %scan3A_13 = arith.constant 313 : i32
    %scan3A_14 = arith.constant 0 : i32
    %scan3A_15 = arith.constant 40 : i32
    %scan3A_16 = arith.addi %scan3A_14, %scan3A_15 : i32
    %scan3A_17 = arith.constant 1 : i32
    scf.for %scan3A_40 = %scan3A_14 to %scan3A_16 step %scan3A_17  : i32 {
      %mul3A = arith.constant 1 : i32
      %mul3A_41 = arith.muli %scan3A_40, %mul3A : i32
      %add3A = arith.constant 0 : i32
      %add3A_42 = arith.addi %add3A, %mul3A_41 : i32
      %get3A = arith.index_cast %add3A_42 : i32 to index
      %get3A_43 = arith.constant 0 : index
      %get3A_44 = tpu.vector_load %arg7[%get3A, %get3A_43] {strides = array<i32>} : memref<640x128xf32, #tpu.memory_space<vmem>>, vector<16xf32>,
      %add3A_45 = arith.constant 40 : i32
      %add3A_46 = arith.addi %add3A_45, %add3A_42 : i32
      %get3A_47 = arith.index_cast %add3A_46 : i32 to index
      %get3A_48 = arith.constant 0 : index
      %get3A_49 = tpu.vector_load %arg7[%get3A_47, %get3A_48] {strides = array<i32>} : memref<640x128xf32, #tpu.memory_space<vmem>>, vector<16xf32>,
      %add3A_50 = arith.addf %get3A_44, %get3A_49 : vector<16xf32>
      %add3A_51 = arith.constant 80 : i32
      %add3A_52 = arith.addi %add3A_51, %add3A_42 : i32
      %get3A_53 = arith.index_cast %add3A_52 : i32 to index
      %get3A_54 = arith.constant 0 : index
      %get3A_55 = tpu.vector_load %arg7[%get3A_53, %get3A_54] {strides = array<i32>} : memref<640x128xf32, #tpu.memory_space<vmem>>, vector<16xf32>,
      %add3A_56 = arith.addf %add3A_50, %get3A_55 : vector<16xf32>
      %add3A_57 = arith.constant 120 : i32
      %add3A_58 = arith.addi %add3A_57, %add3A_42 : i32
      %get3A_59 = arith.index_cast %add3A_58 : i32 to index
      %get3A_60 = arith.constant 0 : index
      %get3A_61 = tpu.vector_load %arg7[%get3A_59, %get3A_60] {strides = array<i32>} : memref<640x128xf32, #tpu.memory_space<vmem>>, vector<16xf32>,
      %add3A_62 = arith.addf %add3A_56, %get3A_61 : vector<16xf32>
      %add3A_63 = arith.constant 160 : i32
      %add3A_64 = arith.addi %add3A_63, %add3A_42 : i32
      %get3A_65 = arith.index_cast %add3A_64 : i32 to index
      %get3A_66 = arith.constant 0 : index
      %get3A_67 = tpu.vector_load %arg7[%get3A_65, %get3A_66] {strides = array<i32>} : memref<640x128xf32, #tpu.memory_space<vmem>>, vector<16xf32>,
      %add3A_68 = arith.addf %add3A_62, %get3A_67 : vector<16xf32>
      %add3A_69 = arith.constant 200 : i32
      %add3A_70 = arith.addi %add3A_69, %add3A_42 : i32
      %get3A_71 = arith.index_cast %add3A_70 : i32 to index
      %get3A_72 = arith.constant 0 : index
      %get3A_73 = tpu.vector_load %arg7[%get3A_71, %get3A_72] {strides = array<i32>} : memref<640x128xf32, #tpu.memory_space<vmem>>, vector<16xf32>,
      %add3A_74 = arith.addf %add3A_68, %get3A_73 : vector<16xf32>
      %add3A_75 = arith.constant 240 : i32
      %add3A_76 = arith.addi %add3A_75, %add3A_42 : i32
      %get3A_77 = arith.index_cast %add3A_76 : i32 to index
      %get3A_78 = arith.constant 0 : index
      %get3A_79 = tpu.vector_load %arg7[%get3A_77, %get3A_78] {strides = array<i32>} : memref<640x128xf32, #tpu.memory_space<vmem>>, vector<16xf32>,
      %add3A_80 = arith.addf %add3A_74, %get3A_79 : vector<16xf32>
      %add3A_81 = arith.constant 280 : i32
      %add3A_82 = arith.addi %add3A_81, %add3A_42 : i32
      %get3A_83 = arith.index_cast %add3A_82 : i32 to index
      %get3A_84 = arith.constant 0 : index
      %get3A_85 = tpu.vector_load %arg7[%get3A_83, %get3A_84] {strides = array<i32>} : memref<640x128xf32, #tpu.memory_space<vmem>>, vector<16xf32>,
      %add3A_86 = arith.addf %add3A_80, %get3A_85 : vector<16xf32>
      %add3A_87 = arith.constant 320 : i32
      %add3A_88 = arith.addi %add3A_87, %add3A_42 : i32
      %get3A_89 = arith.index_cast %add3A_88 : i32 to index
      %get3A_90 = arith.constant 0 : index
      %get3A_91 = tpu.vector_load %arg7[%get3A_89, %get3A_90] {strides = array<i32>} : memref<640x128xf32, #tpu.memory_space<vmem>>, vector<16xf32>,
      %add3A_92 = arith.addf %add3A_86, %get3A_91 : vector<16xf32>
      %add3A_93 = arith.constant 360 : i32
      %add3A_94 = arith.addi %add3A_93, %add3A_42 : i32
      %get3A_95 = arith.index_cast %add3A_94 : i32 to index
      %get3A_96 = arith.constant 0 : index
      %get3A_97 = tpu.vector_load %arg7[%get3A_95, %get3A_96] {strides = array<i32>} : memref<640x128xf32, #tpu.memory_space<vmem>>, vector<16xf32>,
      %add3A_98 = arith.addf %add3A_92, %get3A_97 : vector<16xf32>
      %add3A_99 = arith.constant 400 : i32
      %add3A_100 = arith.addi %add3A_99, %add3A_42 : i32
      %get3A_101 = arith.index_cast %add3A_100 : i32 to index
      %get3A_102 = arith.constant 0 : index
      %get3A_103 = tpu.vector_load %arg7[%get3A_101, %get3A_102] {strides = array<i32>} : memref<640x128xf32, #tpu.memory_space<vmem>>, vector<16xf32>,
      %add3A_104 = arith.addf %add3A_98, %get3A_103 : vector<16xf32>
      %add3A_105 = arith.constant 440 : i32
      %add3A_106 = arith.addi %add3A_105, %add3A_42 : i32
      %get3A_107 = arith.index_cast %add3A_106 : i32 to index
      %get3A_108 = arith.constant 0 : index
      %get3A_109 = tpu.vector_load %arg7[%get3A_107, %get3A_108] {strides = array<i32>} : memref<640x128xf32, #tpu.memory_space<vmem>>, vector<16xf32>,
      %add3A_110 = arith.addf %add3A_104, %get3A_109 : vector<16xf32>
      %add3A_111 = arith.constant 480 : i32
      %add3A_112 = arith.addi %add3A_111, %add3A_42 : i32
      %get3A_113 = arith.index_cast %add3A_112 : i32 to index
      %get3A_114 = arith.constant 0 : index
      %get3A_115 = tpu.vector_load %arg7[%get3A_113, %get3A_114] {strides = array<i32>} : memref<640x128xf32, #tpu.memory_space<vmem>>, vector<16xf32>,
      %add3A_116 = arith.addf %add3A_110, %get3A_115 : vector<16xf32>
      %add3A_117 = arith.constant 520 : i32
      %add3A_118 = arith.addi %add3A_117, %add3A_42 : i32
      %get3A_119 = arith.index_cast %add3A_118 : i32 to index
      %get3A_120 = arith.constant 0 : index
      %get3A_121 = tpu.vector_load %arg7[%get3A_119, %get3A_120] {strides = array<i32>} : memref<640x128xf32, #tpu.memory_space<vmem>>, vector<16xf32>,
      %add3A_122 = arith.addf %add3A_116, %get3A_121 : vector<16xf32>
      %add3A_123 = arith.constant 560 : i32
      %add3A_124 = arith.addi %add3A_123, %add3A_42 : i32
      %get3A_125 = arith.index_cast %add3A_124 : i32 to index
      %get3A_126 = arith.constant 0 : index
      %get3A_127 = tpu.vector_load %arg7[%get3A_125, %get3A_126] {strides = array<i32>} : memref<640x128xf32, #tpu.memory_space<vmem>>, vector<16xf32>,
      %add3A_128 = arith.addf %add3A_122, %get3A_127 : vector<16xf32>
      %add3A_129 = arith.constant 600 : i32
      %add3A_130 = arith.addi %add3A_129, %add3A_42 : i32
      %get3A_131 = arith.index_cast %add3A_130 : i32 to index
      %get3A_132 = arith.constant 0 : index
      %get3A_133 = tpu.vector_load %arg7[%get3A_131, %get3A_132] {strides = array<i32>} : memref<640x128xf32, #tpu.memory_space<vmem>>, vector<16xf32>,
      %add3A_134 = arith.addf %add3A_128, %get3A_133 : vector<16xf32>
      %swap3A = arith.index_cast %add3A_42 : i32 to index
      %swap3A_135 = arith.constant 0 : index
      %swap3A_136 = tpu.vector_load %arg8[%swap3A, %swap3A_135] {strides = array<i32>} : memref<40x128xf32, #tpu.memory_space<vmem>>, vector<16xf32>,
      tpu.vector_store %arg8[%swap3A, %swap3A_135], %add3A_134 {strides = array<i32>} : memref<40x128xf32, #tpu.memory_space<vmem>>, vector<16xf32>,
      %get3A_137 = arith.index_cast %add3A_42 : i32 to index
      %get3A_138 = arith.constant 16 : index
      %get3A_139 = tpu.vector_load %arg7[%get3A_137, %get3A_138] {strides = array<i32>} : memref<640x128xf32, #tpu.memory_space<vmem>>, vector<16xf32>,
      %add3A_140 = arith.constant 40 : i32
      %add3A_141 = arith.addi %add3A_140, %add3A_42 : i32
      %get3A_142 = arith.index_cast %add3A_141 : i32 to index
      %get3A_143 = arith.constant 16 : index
      %get3A_144 = tpu.vector_load %arg7[%get3A_142, %get3A_143] {strides = array<i32>} : memref<640x128xf32, #tpu.memory_space<vmem>>, vector<16xf32>,
      %add3A_145 = arith.addf %get3A_139, %get3A_144 : vector<16xf32>
      %add3A_146 = arith.constant 80 : i32
      %add3A_147 = arith.addi %add3A_146, %add3A_42 : i32
      %get3A_148 = arith.index_cast %add3A_147 : i32 to index
      %get3A_149 = arith.constant 16 : index
      %get3A_150 = tpu.vector_load %arg7[%get3A_148, %get3A_149] {strides = array<i32>} : memref<640x128xf32, #tpu.memory_space<vmem>>, vector<16xf32>,
      %add3A_151 = arith.addf %add3A_145, %get3A_150 : vector<16xf32>
      %add3A_152 = arith.constant 120 : i32
      %add3A_153 = arith.addi %add3A_152, %add3A_42 : i32
      %get3A_154 = arith.index_cast %add3A_153 : i32 to index
      %get3A_155 = arith.constant 16 : index
      %get3A_156 = tpu.vector_load %arg7[%get3A_154, %get3A_155] {strides = array<i32>} : memref<640x128xf32, #tpu.memory_space<vmem>>, vector<16xf32>,
      %add3A_157 = arith.addf %add3A_151, %get3A_156 : vector<16xf32>
      %add3A_158 = arith.constant 160 : i32
      %add3A_159 = arith.addi %add3A_158, %add3A_42 : i32
      %get3A_160 = arith.index_cast %add3A_159 : i32 to index
      %get3A_161 = arith.constant 16 : index
      %get3A_162 = tpu.vector_load %arg7[%get3A_160, %get3A_161] {strides = array<i32>} : memref<640x128xf32, #tpu.memory_space<vmem>>, vector<16xf32>,
      %add3A_163 = arith.addf %add3A_157, %get3A_162 : vector<16xf32>
      %add3A_164 = arith.constant 200 : i32
      %add3A_165 = arith.addi %add3A_164, %add3A_42 : i32
      %get3A_166 = arith.index_cast %add3A_165 : i32 to index
      %get3A_167 = arith.constant 16 : index
      %get3A_168 = tpu.vector_load %arg7[%get3A_166, %get3A_167] {strides = array<i32>} : memref<640x128xf32, #tpu.memory_space<vmem>>, vector<16xf32>,
      %add3A_169 = arith.addf %add3A_163, %get3A_168 : vector<16xf32>
      %add3A_170 = arith.constant 240 : i32
      %add3A_171 = arith.addi %add3A_170, %add3A_42 : i32
      %get3A_172 = arith.index_cast %add3A_171 : i32 to index
      %get3A_173 = arith.constant 16 : index
      %get3A_174 = tpu.vector_load %arg7[%get3A_172, %get3A_173] {strides = array<i32>} : memref<640x128xf32, #tpu.memory_space<vmem>>, vector<16xf32>,
      %add3A_175 = arith.addf %add3A_169, %get3A_174 : vector<16xf32>
      %add3A_176 = arith.constant 280 : i32
      %add3A_177 = arith.addi %add3A_176, %add3A_42 : i32
      %get3A_178 = arith.index_cast %add3A_177 : i32 to index
      %get3A_179 = arith.constant 16 : index
      %get3A_180 = tpu.vector_load %arg7[%get3A_178, %get3A_179] {strides = array<i32>} : memref<640x128xf32, #tpu.memory_space<vmem>>, vector<16xf32>,
      %add3A_181 = arith.addf %add3A_175, %get3A_180 : vector<16xf32>
      %add3A_182 = arith.constant 320 : i32
      %add3A_183 = arith.addi %add3A_182, %add3A_42 : i32
      %get3A_184 = arith.index_cast %add3A_183 : i32 to index
      %get3A_185 = arith.constant 16 : index
      %get3A_186 = tpu.vector_load %arg7[%get3A_184, %get3A_185] {strides = array<i32>} : memref<640x128xf32, #tpu.memory_space<vmem>>, vector<16xf32>,
      %add3A_187 = arith.addf %add3A_181, %get3A_186 : vector<16xf32>
      %add3A_188 = arith.constant 360 : i32
      %add3A_189 = arith.addi %add3A_188, %add3A_42 : i32
      %get3A_190 = arith.index_cast %add3A_189 : i32 to index
      %get3A_191 = arith.constant 16 : index
      %get3A_192 = tpu.vector_load %arg7[%get3A_190, %get3A_191] {strides = array<i32>} : memref<640x128xf32, #tpu.memory_space<vmem>>, vector<16xf32>,
      %add3A_193 = arith.addf %add3A_187, %get3A_192 : vector<16xf32>
      %add3A_194 = arith.constant 400 : i32
      %add3A_195 = arith.addi %add3A_194, %add3A_42 : i32
      %get3A_196 = arith.index_cast %add3A_195 : i32 to index
      %get3A_197 = arith.constant 16 : index
      %get3A_198 = tpu.vector_load %arg7[%get3A_196, %get3A_197] {strides = array<i32>} : memref<640x128xf32, #tpu.memory_space<vmem>>, vector<16xf32>,
      %add3A_199 = arith.addf %add3A_193, %get3A_198 : vector<16xf32>
      %add3A_200 = arith.constant 440 : i32
      %add3A_201 = arith.addi %add3A_200, %add3A_42 : i32
      %get3A_202 = arith.index_cast %add3A_201 : i32 to index
      %get3A_203 = arith.constant 16 : index
      %get3A_204 = tpu.vector_load %arg7[%get3A_202, %get3A_203] {strides = array<i32>} : memref<640x128xf32, #tpu.memory_space<vmem>>, vector<16xf32>,
      %add3A_205 = arith.addf %add3A_199, %get3A_204 : vector<16xf32>
      %add3A_206 = arith.constant 480 : i32
      %add3A_207 = arith.addi %add3A_206, %add3A_42 : i32
      %get3A_208 = arith.index_cast %add3A_207 : i32 to index
      %get3A_209 = arith.constant 16 : index
      %get3A_210 = tpu.vector_load %arg7[%get3A_208, %get3A_209] {strides = array<i32>} : memref<640x128xf32, #tpu.memory_space<vmem>>, vector<16xf32>,
      %add3A_211 = arith.addf %add3A_205, %get3A_210 : vector<16xf32>
      %add3A_212 = arith.constant 520 : i32
      %add3A_213 = arith.addi %add3A_212, %add3A_42 : i32
      %get3A_214 = arith.index_cast %add3A_213 : i32 to index
      %get3A_215 = arith.constant 16 : index
      %get3A_216 = tpu.vector_load %arg7[%get3A_214, %get3A_215] {strides = array<i32>} : memref<640x128xf32, #tpu.memory_space<vmem>>, vector<16xf32>,
      %add3A_217 = arith.addf %add3A_211, %get3A_216 : vector<16xf32>
      %add3A_218 = arith.constant 560 : i32
      %add3A_219 = arith.addi %add3A_218, %add3A_42 : i32
      %get3A_220 = arith.index_cast %add3A_219 : i32 to index
      %get3A_221 = arith.constant 16 : index
      %get3A_222 = tpu.vector_load %arg7[%get3A_220, %get3A_221] {strides = array<i32>} : memref<640x128xf32, #tpu.memory_space<vmem>>, vector<16xf32>,
      %add3A_223 = arith.addf %add3A_217, %get3A_222 : vector<16xf32>
      %add3A_224 = arith.constant 600 : i32
      %add3A_225 = arith.addi %add3A_224, %add3A_42 : i32
      %get3A_226 = arith.index_cast %add3A_225 : i32 to index
      %get3A_227 = arith.constant 16 : index
      %get3A_228 = tpu.vector_load %arg7[%get3A_226, %get3A_227] {strides = array<i32>} : memref<640x128xf32, #tpu.memory_space<vmem>>, vector<16xf32>,
      %add3A_229 = arith.addf %add3A_223, %get3A_228 : vector<16xf32>
      %swap3A_230 = arith.index_cast %add3A_42 : i32 to index
      %swap3A_231 = arith.constant 16 : index
      %swap3A_232 = tpu.vector_load %arg8[%swap3A_230, %swap3A_231] {strides = array<i32>} : memref<40x128xf32, #tpu.memory_space<vmem>>, vector<16xf32>,
      tpu.vector_store %arg8[%swap3A_230, %swap3A_231], %add3A_229 {strides = array<i32>} : memref<40x128xf32, #tpu.memory_space<vmem>>, vector<16xf32>,
      %get3A_233 = arith.index_cast %add3A_42 : i32 to index
      %get3A_234 = arith.constant 32 : index
      %get3A_235 = tpu.vector_load %arg7[%get3A_233, %get3A_234] {strides = array<i32>} : memref<640x128xf32, #tpu.memory_space<vmem>>, vector<16xf32>,
      %add3A_236 = arith.constant 40 : i32
      %add3A_237 = arith.addi %add3A_236, %add3A_42 : i32
      %get3A_238 = arith.index_cast %add3A_237 : i32 to index
      %get3A_239 = arith.constant 32 : index
      %get3A_240 = tpu.vector_load %arg7[%get3A_238, %get3A_239] {strides = array<i32>} : memref<640x128xf32, #tpu.memory_space<vmem>>, vector<16xf32>,
      %add3A_241 = arith.addf %get3A_235, %get3A_240 : vector<16xf32>
      %add3A_242 = arith.constant 80 : i32
      %add3A_243 = arith.addi %add3A_242, %add3A_42 : i32
      %get3A_244 = arith.index_cast %add3A_243 : i32 to index
      %get3A_245 = arith.constant 32 : index
      %get3A_246 = tpu.vector_load %arg7[%get3A_244, %get3A_245] {strides = array<i32>} : memref<640x128xf32, #tpu.memory_space<vmem>>, vector<16xf32>,
      %add3A_247 = arith.addf %add3A_241, %get3A_246 : vector<16xf32>
      %add3A_248 = arith.constant 120 : i32
      %add3A_249 = arith.addi %add3A_248, %add3A_42 : i32
      %get3A_250 = arith.index_cast %add3A_249 : i32 to index
      %get3A_251 = arith.constant 32 : index
      %get3A_252 = tpu.vector_load %arg7[%get3A_250, %get3A_251] {strides = array<i32>} : memref<640x128xf32, #tpu.memory_space<vmem>>, vector<16xf32>,
      %add3A_253 = arith.addf %add3A_247, %get3A_252 : vector<16xf32>
      %add3A_254 = arith.constant 160 : i32
      %add3A_255 = arith.addi %add3A_254, %add3A_42 : i32
      %get3A_256 = arith.index_cast %add3A_255 : i32 to index
      %get3A_257 = arith.constant 32 : index
      %get3A_258 = tpu.vector_load %arg7[%get3A_256, %get3A_257] {strides = array<i32>} : memref<640x128xf32, #tpu.memory_space<vmem>>, vector<16xf32>,
      %add3A_259 = arith.addf %add3A_253, %get3A_258 : vector<16xf32>
      %add3A_260 = arith.constant 200 : i32
      %add3A_261 = arith.addi %add3A_260, %add3A_42 : i32
      %get3A_262 = arith.index_cast %add3A_261 : i32 to index
      %get3A_263 = arith.constant 32 : index
      %get3A_264 = tpu.vector_load %arg7[%get3A_262, %get3A_263] {strides = array<i32>} : memref<640x128xf32, #tpu.memory_space<vmem>>, vector<16xf32>,
      %add3A_265 = arith.addf %add3A_259, %get3A_264 : vector<16xf32>
      %add3A_266 = arith.constant 240 : i32
      %add3A_267 = arith.addi %add3A_266, %add3A_42 : i32
      %get3A_268 = arith.index_cast %add3A_267 : i32 to index
      %get3A_269 = arith.constant 32 : index
      %get3A_270 = tpu.vector_load %arg7[%get3A_268, %get3A_269] {strides = array<i32>} : memref<640x128xf32, #tpu.memory_space<vmem>>, vector<16xf32>,
      %add3A_271 = arith.addf %add3A_265, %get3A_270 : vector<16xf32>
      %add3A_272 = arith.constant 280 : i32
      %add3A_273 = arith.addi %add3A_272, %add3A_42 : i32
      %get3A_274 = arith.index_cast %add3A_273 : i32 to index
      %get3A_275 = arith.constant 32 : index
      %get3A_276 = tpu.vector_load %arg7[%get3A_274, %get3A_275] {strides = array<i32>} : memref<640x128xf32, #tpu.memory_space<vmem>>, vector<16xf32>,
      %add3A_277 = arith.addf %add3A_271, %get3A_276 : vector<16xf32>
      %add3A_278 = arith.constant 320 : i32
      %add3A_279 = arith.addi %add3A_278, %add3A_42 : i32
      %get3A_280 = arith.index_cast %add3A_279 : i32 to index
      %get3A_281 = arith.constant 32 : index
      %get3A_282 = tpu.vector_load %arg7[%get3A_280, %get3A_281] {strides = array<i32>} : memref<640x128xf32, #tpu.memory_space<vmem>>, vector<16xf32>,
      %add3A_283 = arith.addf %add3A_277, %get3A_282 : vector<16xf32>
      %add3A_284 = arith.constant 360 : i32
      %add3A_285 = arith.addi %add3A_284, %add3A_42 : i32
      %get3A_286 = arith.index_cast %add3A_285 : i32 to index
      %get3A_287 = arith.constant 32 : index
      %get3A_288 = tpu.vector_load %arg7[%get3A_286, %get3A_287] {strides = array<i32>} : memref<640x128xf32, #tpu.memory_space<vmem>>, vector<16xf32>,
      %add3A_289 = arith.addf %add3A_283, %get3A_288 : vector<16xf32>
      %add3A_290 = arith.constant 400 : i32
      %add3A_291 = arith.addi %add3A_290, %add3A_42 : i32
      %get3A_292 = arith.index_cast %add3A_291 : i32 to index
      %get3A_293 = arith.constant 32 : index
      %get3A_294 = tpu.vector_load %arg7[%get3A_292, %get3A_293] {strides = array<i32>} : memref<640x128xf32, #tpu.memory_space<vmem>>, vector<16xf32>,
      %add3A_295 = arith.addf %add3A_289, %get3A_294 : vector<16xf32>
      %add3A_296 = arith.constant 440 : i32
      %add3A_297 = arith.addi %add3A_296, %add3A_42 : i32
      %get3A_298 = arith.index_cast %add3A_297 : i32 to index
      %get3A_299 = arith.constant 32 : index
      %get3A_300 = tpu.vector_load %arg7[%get3A_298, %get3A_299] {strides = array<i32>} : memref<640x128xf32, #tpu.memory_space<vmem>>, vector<16xf32>,
      %add3A_301 = arith.addf %add3A_295, %get3A_300 : vector<16xf32>
      %add3A_302 = arith.constant 480 : i32
      %add3A_303 = arith.addi %add3A_302, %add3A_42 : i32
      %get3A_304 = arith.index_cast %add3A_303 : i32 to index
      %get3A_305 = arith.constant 32 : index
      %get3A_306 = tpu.vector_load %arg7[%get3A_304, %get3A_305] {strides = array<i32>} : memref<640x128xf32, #tpu.memory_space<vmem>>, vector<16xf32>,
      %add3A_307 = arith.addf %add3A_301, %get3A_306 : vector<16xf32>
      %add3A_308 = arith.constant 520 : i32
      %add3A_309 = arith.addi %add3A_308, %add3A_42 : i32
      %get3A_310 = arith.index_cast %add3A_309 : i32 to index
      %get3A_311 = arith.constant 32 : index
      %get3A_312 = tpu.vector_load %arg7[%get3A_310, %get3A_311] {strides = array<i32>} : memref<640x128xf32, #tpu.memory_space<vmem>>, vector<16xf32>,
      %add3A_313 = arith.addf %add3A_307, %get3A_312 : vector<16xf32>
      %add3A_314 = arith.constant 560 : i32
      %add3A_315 = arith.addi %add3A_314, %add3A_42 : i32
      %get3A_316 = arith.index_cast %add3A_315 : i32 to index
      %get3A_317 = arith.constant 32 : index
      %get3A_318 = tpu.vector_load %arg7[%get3A_316, %get3A_317] {strides = array<i32>} : memref<640x128xf32, #tpu.memory_space<vmem>>, vector<16xf32>,
      %add3A_319 = arith.addf %add3A_313, %get3A_318 : vector<16xf32>
      %add3A_320 = arith.constant 600 : i32
      %add3A_321 = arith.addi %add3A_320, %add3A_42 : i32
      %get3A_322 = arith.index_cast %add3A_321 : i32 to index
      %get3A_323 = arith.constant 32 : index
      %get3A_324 = tpu.vector_load %arg7[%get3A_322, %get3A_323] {strides = array<i32>} : memref<640x128xf32, #tpu.memory_space<vmem>>, vector<16xf32>,
      %add3A_325 = arith.addf %add3A_319, %get3A_324 : vector<16xf32>
      %swap3A_326 = arith.index_cast %add3A_42 : i32 to index
      %swap3A_327 = arith.constant 32 : index
      %swap3A_328 = tpu.vector_load %arg8[%swap3A_326, %swap3A_327] {strides = array<i32>} : memref<40x128xf32, #tpu.memory_space<vmem>>, vector<16xf32>,
      tpu.vector_store %arg8[%swap3A_326, %swap3A_327], %add3A_325 {strides = array<i32>} : memref<40x128xf32, #tpu.memory_space<vmem>>, vector<16xf32>,
      %get3A_329 = arith.index_cast %add3A_42 : i32 to index
      %get3A_330 = arith.constant 48 : index
      %get3A_331 = tpu.vector_load %arg7[%get3A_329, %get3A_330] {strides = array<i32>} : memref<640x128xf32, #tpu.memory_space<vmem>>, vector<16xf32>,
      %add3A_332 = arith.constant 40 : i32
      %add3A_333 = arith.addi %add3A_332, %add3A_42 : i32
      %get3A_334 = arith.index_cast %add3A_333 : i32 to index
      %get3A_335 = arith.constant 48 : index
      %get3A_336 = tpu.vector_load %arg7[%get3A_334, %get3A_335] {strides = array<i32>} : memref<640x128xf32, #tpu.memory_space<vmem>>, vector<16xf32>,
      %add3A_337 = arith.addf %get3A_331, %get3A_336 : vector<16xf32>
      %add3A_338 = arith.constant 80 : i32
      %add3A_339 = arith.addi %add3A_338, %add3A_42 : i32
      %get3A_340 = arith.index_cast %add3A_339 : i32 to index
      %get3A_341 = arith.constant 48 : index
      %get3A_342 = tpu.vector_load %arg7[%get3A_340, %get3A_341] {strides = array<i32>} : memref<640x128xf32, #tpu.memory_space<vmem>>, vector<16xf32>,
      %add3A_343 = arith.addf %add3A_337, %get3A_342 : vector<16xf32>
      %add3A_344 = arith.constant 120 : i32
      %add3A_345 = arith.addi %add3A_344, %add3A_42 : i32
      %get3A_346 = arith.index_cast %add3A_345 : i32 to index
      %get3A_347 = arith.constant 48 : index
      %get3A_348 = tpu.vector_load %arg7[%get3A_346, %get3A_347] {strides = array<i32>} : memref<640x128xf32, #tpu.memory_space<vmem>>, vector<16xf32>,
      %add3A_349 = arith.addf %add3A_343, %get3A_348 : vector<16xf32>
      %add3A_350 = arith.constant 160 : i32
      %add3A_351 = arith.addi %add3A_350, %add3A_42 : i32
      %get3A_352 = arith.index_cast %add3A_351 : i32 to index
      %get3A_353 = arith.constant 48 : index
      %get3A_354 = tpu.vector_load %arg7[%get3A_352, %get3A_353] {strides = array<i32>} : memref<640x128xf32, #tpu.memory_space<vmem>>, vector<16xf32>,
      %add3A_355 = arith.addf %add3A_349, %get3A_354 : vector<16xf32>
      %add3A_356 = arith.constant 200 : i32
      %add3A_357 = arith.addi %add3A_356, %add3A_42 : i32
      %get3A_358 = arith.index_cast %add3A_357 : i32 to index
      %get3A_359 = arith.constant 48 : index
      %get3A_360 = tpu.vector_load %arg7[%get3A_358, %get3A_359] {strides = array<i32>} : memref<640x128xf32, #tpu.memory_space<vmem>>, vector<16xf32>,
      %add3A_361 = arith.addf %add3A_355, %get3A_360 : vector<16xf32>
      %add3A_362 = arith.constant 240 : i32
      %add3A_363 = arith.addi %add3A_362, %add3A_42 : i32
      %get3A_364 = arith.index_cast %add3A_363 : i32 to index
      %get3A_365 = arith.constant 48 : index
      %get3A_366 = tpu.vector_load %arg7[%get3A_364, %get3A_365] {strides = array<i32>} : memref<640x128xf32, #tpu.memory_space<vmem>>, vector<16xf32>,
      %add3A_367 = arith.addf %add3A_361, %get3A_366 : vector<16xf32>
      %add3A_368 = arith.constant 280 : i32
      %add3A_369 = arith.addi %add3A_368, %add3A_42 : i32
      %get3A_370 = arith.index_cast %add3A_369 : i32 to index
      %get3A_371 = arith.constant 48 : index
      %get3A_372 = tpu.vector_load %arg7[%get3A_370, %get3A_371] {strides = array<i32>} : memref<640x128xf32, #tpu.memory_space<vmem>>, vector<16xf32>,
      %add3A_373 = arith.addf %add3A_367, %get3A_372 : vector<16xf32>
      %add3A_374 = arith.constant 320 : i32
      %add3A_375 = arith.addi %add3A_374, %add3A_42 : i32
      %get3A_376 = arith.index_cast %add3A_375 : i32 to index
      %get3A_377 = arith.constant 48 : index
      %get3A_378 = tpu.vector_load %arg7[%get3A_376, %get3A_377] {strides = array<i32>} : memref<640x128xf32, #tpu.memory_space<vmem>>, vector<16xf32>,
      %add3A_379 = arith.addf %add3A_373, %get3A_378 : vector<16xf32>
      %add3A_380 = arith.constant 360 : i32
      %add3A_381 = arith.addi %add3A_380, %add3A_42 : i32
      %get3A_382 = arith.index_cast %add3A_381 : i32 to index
      %get3A_383 = arith.constant 48 : index
      %get3A_384 = tpu.vector_load %arg7[%get3A_382, %get3A_383] {strides = array<i32>} : memref<640x128xf32, #tpu.memory_space<vmem>>, vector<16xf32>,
      %add3A_385 = arith.addf %add3A_379, %get3A_384 : vector<16xf32>
      %add3A_386 = arith.constant 400 : i32
      %add3A_387 = arith.addi %add3A_386, %add3A_42 : i32
      %get3A_388 = arith.index_cast %add3A_387 : i32 to index
      %get3A_389 = arith.constant 48 : index
      %get3A_390 = tpu.vector_load %arg7[%get3A_388, %get3A_389] {strides = array<i32>} : memref<640x128xf32, #tpu.memory_space<vmem>>, vector<16xf32>,
      %add3A_391 = arith.addf %add3A_385, %get3A_390 : vector<16xf32>
      %add3A_392 = arith.constant 440 : i32
      %add3A_393 = arith.addi %add3A_392, %add3A_42 : i32
      %get3A_394 = arith.index_cast %add3A_393 : i32 to index
      %get3A_395 = arith.constant 48 : index
      %get3A_396 = tpu.vector_load %arg7[%get3A_394, %get3A_395] {strides = array<i32>} : memref<640x128xf32, #tpu.memory_space<vmem>>, vector<16xf32>,
      %add3A_397 = arith.addf %add3A_391, %get3A_396 : vector<16xf32>
      %add3A_398 = arith.constant 480 : i32
      %add3A_399 = arith.addi %add3A_398, %add3A_42 : i32
      %get3A_400 = arith.index_cast %add3A_399 : i32 to index
      %get3A_401 = arith.constant 48 : index
      %get3A_402 = tpu.vector_load %arg7[%get3A_400, %get3A_401] {strides = array<i32>} : memref<640x128xf32, #tpu.memory_space<vmem>>, vector<16xf32>,
      %add3A_403 = arith.addf %add3A_397, %get3A_402 : vector<16xf32>
      %add3A_404 = arith.constant 520 : i32
      %add3A_405 = arith.addi %add3A_404, %add3A_42 : i32
      %get3A_406 = arith.index_cast %add3A_405 : i32 to index
      %get3A_407 = arith.constant 48 : index
      %get3A_408 = tpu.vector_load %arg7[%get3A_406, %get3A_407] {strides = array<i32>} : memref<640x128xf32, #tpu.memory_space<vmem>>, vector<16xf32>,
      %add3A_409 = arith.addf %add3A_403, %get3A_408 : vector<16xf32>
      %add3A_410 = arith.constant 560 : i32
      %add3A_411 = arith.addi %add3A_410, %add3A_42 : i32
      %get3A_412 = arith.index_cast %add3A_411 : i32 to index
      %get3A_413 = arith.constant 48 : index
      %get3A_414 = tpu.vector_load %arg7[%get3A_412, %get3A_413] {strides = array<i32>} : memref<640x128xf32, #tpu.memory_space<vmem>>, vector<16xf32>,
      %add3A_415 = arith.addf %add3A_409, %get3A_414 : vector<16xf32>
      %add3A_416 = arith.constant 600 : i32
      %add3A_417 = arith.addi %add3A_416, %add3A_42 : i32
      %get3A_418 = arith.index_cast %add3A_417 : i32 to index
      %get3A_419 = arith.constant 48 : index
      %get3A_420 = tpu.vector_load %arg7[%get3A_418, %get3A_419] {strides = array<i32>} : memref<640x128xf32, #tpu.memory_space<vmem>>, vector<16xf32>,
      %add3A_421 = arith.addf %add3A_415, %get3A_420 : vector<16xf32>
      %swap3A_422 = arith.index_cast %add3A_42 : i32 to index
      %swap3A_423 = arith.constant 48 : index
      %swap3A_424 = tpu.vector_load %arg8[%swap3A_422, %swap3A_423] {strides = array<i32>} : memref<40x128xf32, #tpu.memory_space<vmem>>, vector<16xf32>,
      tpu.vector_store %arg8[%swap3A_422, %swap3A_423], %add3A_421 {strides = array<i32>} : memref<40x128xf32, #tpu.memory_space<vmem>>, vector<16xf32>,
      %get3A_425 = arith.index_cast %add3A_42 : i32 to index
      %get3A_426 = arith.constant 64 : index
      %get3A_427 = tpu.vector_load %arg7[%get3A_425, %get3A_426] {strides = array<i32>} : memref<640x128xf32, #tpu.memory_space<vmem>>, vector<16xf32>,
      %add3A_428 = arith.constant 40 : i32
      %add3A_429 = arith.addi %add3A_428, %add3A_42 : i32
      %get3A_430 = arith.index_cast %add3A_429 : i32 to index
      %get3A_431 = arith.constant 64 : index
      %get3A_432 = tpu.vector_load %arg7[%get3A_430, %get3A_431] {strides = array<i32>} : memref<640x128xf32, #tpu.memory_space<vmem>>, vector<16xf32>,
      %add3A_433 = arith.addf %get3A_427, %get3A_432 : vector<16xf32>
      %add3A_434 = arith.constant 80 : i32
      %add3A_435 = arith.addi %add3A_434, %add3A_42 : i32
      %get3A_436 = arith.index_cast %add3A_435 : i32 to index
      %get3A_437 = arith.constant 64 : index
      %get3A_438 = tpu.vector_load %arg7[%get3A_436, %get3A_437] {strides = array<i32>} : memref<640x128xf32, #tpu.memory_space<vmem>>, vector<16xf32>,
      %add3A_439 = arith.addf %add3A_433, %get3A_438 : vector<16xf32>
      %add3A_440 = arith.constant 120 : i32
      %add3A_441 = arith.addi %add3A_440, %add3A_42 : i32
      %get3A_442 = arith.index_cast %add3A_441 : i32 to index
      %get3A_443 = arith.constant 64 : index
      %get3A_444 = tpu.vector_load %arg7[%get3A_442, %get3A_443] {strides = array<i32>} : memref<640x128xf32, #tpu.memory_space<vmem>>, vector<16xf32>,
      %add3A_445 = arith.addf %add3A_439, %get3A_444 : vector<16xf32>
      %add3A_446 = arith.constant 160 : i32
      %add3A_447 = arith.addi %add3A_446, %add3A_42 : i32
      %get3A_448 = arith.index_cast %add3A_447 : i32 to index
      %get3A_449 = arith.constant 64 : index
      %get3A_450 = tpu.vector_load %arg7[%get3A_448, %get3A_449] {strides = array<i32>} : memref<640x128xf32, #tpu.memory_space<vmem>>, vector<16xf32>,
      %add3A_451 = arith.addf %add3A_445, %get3A_450 : vector<16xf32>
      %add3A_452 = arith.constant 200 : i32
      %add3A_453 = arith.addi %add3A_452, %add3A_42 : i32
      %get3A_454 = arith.index_cast %add3A_453 : i32 to index
      %get3A_455 = arith.constant 64 : index
      %get3A_456 = tpu.vector_load %arg7[%get3A_454, %get3A_455] {strides = array<i32>} : memref<640x128xf32, #tpu.memory_space<vmem>>, vector<16xf32>,
      %add3A_457 = arith.addf %add3A_451, %get3A_456 : vector<16xf32>
      %add3A_458 = arith.constant 240 : i32
      %add3A_459 = arith.addi %add3A_458, %add3A_42 : i32
      %get3A_460 = arith.index_cast %add3A_459 : i32 to index
      %get3A_461 = arith.constant 64 : index
      %get3A_462 = tpu.vector_load %arg7[%get3A_460, %get3A_461] {strides = array<i32>} : memref<640x128xf32, #tpu.memory_space<vmem>>, vector<16xf32>,
      %add3A_463 = arith.addf %add3A_457, %get3A_462 : vector<16xf32>
      %add3A_464 = arith.constant 280 : i32
      %add3A_465 = arith.addi %add3A_464, %add3A_42 : i32
      %get3A_466 = arith.index_cast %add3A_465 : i32 to index
      %get3A_467 = arith.constant 64 : index
      %get3A_468 = tpu.vector_load %arg7[%get3A_466, %get3A_467] {strides = array<i32>} : memref<640x128xf32, #tpu.memory_space<vmem>>, vector<16xf32>,
      %add3A_469 = arith.addf %add3A_463, %get3A_468 : vector<16xf32>
      %add3A_470 = arith.constant 320 : i32
      %add3A_471 = arith.addi %add3A_470, %add3A_42 : i32
      %get3A_472 = arith.index_cast %add3A_471 : i32 to index
      %get3A_473 = arith.constant 64 : index
      %get3A_474 = tpu.vector_load %arg7[%get3A_472, %get3A_473] {strides = array<i32>} : memref<640x128xf32, #tpu.memory_space<vmem>>, vector<16xf32>,
      %add3A_475 = arith.addf %add3A_469, %get3A_474 : vector<16xf32>
      %add3A_476 = arith.constant 360 : i32
      %add3A_477 = arith.addi %add3A_476, %add3A_42 : i32
      %get3A_478 = arith.index_cast %add3A_477 : i32 to index
      %get3A_479 = arith.constant 64 : index
      %get3A_480 = tpu.vector_load %arg7[%get3A_478, %get3A_479] {strides = array<i32>} : memref<640x128xf32, #tpu.memory_space<vmem>>, vector<16xf32>,
      %add3A_481 = arith.addf %add3A_475, %get3A_480 : vector<16xf32>
      %add3A_482 = arith.constant 400 : i32
      %add3A_483 = arith.addi %add3A_482, %add3A_42 : i32
      %get3A_484 = arith.index_cast %add3A_483 : i32 to index
      %get3A_485 = arith.constant 64 : index
      %get3A_486 = tpu.vector_load %arg7[%get3A_484, %get3A_485] {strides = array<i32>} : memref<640x128xf32, #tpu.memory_space<vmem>>, vector<16xf32>,
      %add3A_487 = arith.addf %add3A_481, %get3A_486 : vector<16xf32>
      %add3A_488 = arith.constant 440 : i32
      %add3A_489 = arith.addi %add3A_488, %add3A_42 : i32
      %get3A_490 = arith.index_cast %add3A_489 : i32 to index
      %get3A_491 = arith.constant 64 : index
      %get3A_492 = tpu.vector_load %arg7[%get3A_490, %get3A_491] {strides = array<i32>} : memref<640x128xf32, #tpu.memory_space<vmem>>, vector<16xf32>,
      %add3A_493 = arith.addf %add3A_487, %get3A_492 : vector<16xf32>
      %add3A_494 = arith.constant 480 : i32
      %add3A_495 = arith.addi %add3A_494, %add3A_42 : i32
      %get3A_496 = arith.index_cast %add3A_495 : i32 to index
      %get3A_497 = arith.constant 64 : index
      %get3A_498 = tpu.vector_load %arg7[%get3A_496, %get3A_497] {strides = array<i32>} : memref<640x128xf32, #tpu.memory_space<vmem>>, vector<16xf32>,
      %add3A_499 = arith.addf %add3A_493, %get3A_498 : vector<16xf32>
      %add3A_500 = arith.constant 520 : i32
      %add3A_501 = arith.addi %add3A_500, %add3A_42 : i32
      %get3A_502 = arith.index_cast %add3A_501 : i32 to index
      %get3A_503 = arith.constant 64 : index
      %get3A_504 = tpu.vector_load %arg7[%get3A_502, %get3A_503] {strides = array<i32>} : memref<640x128xf32, #tpu.memory_space<vmem>>, vector<16xf32>,
      %add3A_505 = arith.addf %add3A_499, %get3A_504 : vector<16xf32>
      %add3A_506 = arith.constant 560 : i32
      %add3A_507 = arith.addi %add3A_506, %add3A_42 : i32
      %get3A_508 = arith.index_cast %add3A_507 : i32 to index
      %get3A_509 = arith.constant 64 : index
      %get3A_510 = tpu.vector_load %arg7[%get3A_508, %get3A_509] {strides = array<i32>} : memref<640x128xf32, #tpu.memory_space<vmem>>, vector<16xf32>,
      %add3A_511 = arith.addf %add3A_505, %get3A_510 : vector<16xf32>
      %add3A_512 = arith.constant 600 : i32
      %add3A_513 = arith.addi %add3A_512, %add3A_42 : i32
      %get3A_514 = arith.index_cast %add3A_513 : i32 to index
      %get3A_515 = arith.constant 64 : index
      %get3A_516 = tpu.vector_load %arg7[%get3A_514, %get3A_515] {strides = array<i32>} : memref<640x128xf32, #tpu.memory_space<vmem>>, vector<16xf32>,
      %add3A_517 = arith.addf %add3A_511, %get3A_516 : vector<16xf32>
      %swap3A_518 = arith.index_cast %add3A_42 : i32 to index
      %swap3A_519 = arith.constant 64 : index
      %swap3A_520 = tpu.vector_load %arg8[%swap3A_518, %swap3A_519] {strides = array<i32>} : memref<40x128xf32, #tpu.memory_space<vmem>>, vector<16xf32>,
      tpu.vector_store %arg8[%swap3A_518, %swap3A_519], %add3A_517 {strides = array<i32>} : memref<40x128xf32, #tpu.memory_space<vmem>>, vector<16xf32>,
      %get3A_521 = arith.index_cast %add3A_42 : i32 to index
      %get3A_522 = arith.constant 80 : index
      %get3A_523 = tpu.vector_load %arg7[%get3A_521, %get3A_522] {strides = array<i32>} : memref<640x128xf32, #tpu.memory_space<vmem>>, vector<16xf32>,
      %add3A_524 = arith.constant 40 : i32
      %add3A_525 = arith.addi %add3A_524, %add3A_42 : i32
      %get3A_526 = arith.index_cast %add3A_525 : i32 to index
      %get3A_527 = arith.constant 80 : index
      %get3A_528 = tpu.vector_load %arg7[%get3A_526, %get3A_527] {strides = array<i32>} : memref<640x128xf32, #tpu.memory_space<vmem>>, vector<16xf32>,
      %add3A_529 = arith.addf %get3A_523, %get3A_528 : vector<16xf32>
      %add3A_530 = arith.constant 80 : i32
      %add3A_531 = arith.addi %add3A_530, %add3A_42 : i32
      %get3A_532 = arith.index_cast %add3A_531 : i32 to index
      %get3A_533 = arith.constant 80 : index
      %get3A_534 = tpu.vector_load %arg7[%get3A_532, %get3A_533] {strides = array<i32>} : memref<640x128xf32, #tpu.memory_space<vmem>>, vector<16xf32>,
      %add3A_535 = arith.addf %add3A_529, %get3A_534 : vector<16xf32>
      %add3A_536 = arith.constant 120 : i32
      %add3A_537 = arith.addi %add3A_536, %add3A_42 : i32
      %get3A_538 = arith.index_cast %add3A_537 : i32 to index
      %get3A_539 = arith.constant 80 : index
      %get3A_540 = tpu.vector_load %arg7[%get3A_538, %get3A_539] {strides = array<i32>} : memref<640x128xf32, #tpu.memory_space<vmem>>, vector<16xf32>,
      %add3A_541 = arith.addf %add3A_535, %get3A_540 : vector<16xf32>
      %add3A_542 = arith.constant 160 : i32
      %add3A_543 = arith.addi %add3A_542, %add3A_42 : i32
      %get3A_544 = arith.index_cast %add3A_543 : i32 to index
      %get3A_545 = arith.constant 80 : index
      %get3A_546 = tpu.vector_load %arg7[%get3A_544, %get3A_545] {strides = array<i32>} : memref<640x128xf32, #tpu.memory_space<vmem>>, vector<16xf32>,
      %add3A_547 = arith.addf %add3A_541, %get3A_546 : vector<16xf32>
      %add3A_548 = arith.constant 200 : i32
      %add3A_549 = arith.addi %add3A_548, %add3A_42 : i32
      %get3A_550 = arith.index_cast %add3A_549 : i32 to index
      %get3A_551 = arith.constant 80 : index
      %get3A_552 = tpu.vector_load %arg7[%get3A_550, %get3A_551] {strides = array<i32>} : memref<640x128xf32, #tpu.memory_space<vmem>>, vector<16xf32>,
      %add3A_553 = arith.addf %add3A_547, %get3A_552 : vector<16xf32>
      %add3A_554 = arith.constant 240 : i32
      %add3A_555 = arith.addi %add3A_554, %add3A_42 : i32
      %get3A_556 = arith.index_cast %add3A_555 : i32 to index
      %get3A_557 = arith.constant 80 : index
      %get3A_558 = tpu.vector_load %arg7[%get3A_556, %get3A_557] {strides = array<i32>} : memref<640x128xf32, #tpu.memory_space<vmem>>, vector<16xf32>,
      %add3A_559 = arith.addf %add3A_553, %get3A_558 : vector<16xf32>
      %add3A_560 = arith.constant 280 : i32
      %add3A_561 = arith.addi %add3A_560, %add3A_42 : i32
      %get3A_562 = arith.index_cast %add3A_561 : i32 to index
      %get3A_563 = arith.constant 80 : index
      %get3A_564 = tpu.vector_load %arg7[%get3A_562, %get3A_563] {strides = array<i32>} : memref<640x128xf32, #tpu.memory_space<vmem>>, vector<16xf32>,
      %add3A_565 = arith.addf %add3A_559, %get3A_564 : vector<16xf32>
      %add3A_566 = arith.constant 320 : i32
      %add3A_567 = arith.addi %add3A_566, %add3A_42 : i32
      %get3A_568 = arith.index_cast %add3A_567 : i32 to index
      %get3A_569 = arith.constant 80 : index
      %get3A_570 = tpu.vector_load %arg7[%get3A_568, %get3A_569] {strides = array<i32>} : memref<640x128xf32, #tpu.memory_space<vmem>>, vector<16xf32>,
      %add3A_571 = arith.addf %add3A_565, %get3A_570 : vector<16xf32>
      %add3A_572 = arith.constant 360 : i32
      %add3A_573 = arith.addi %add3A_572, %add3A_42 : i32
      %get3A_574 = arith.index_cast %add3A_573 : i32 to index
      %get3A_575 = arith.constant 80 : index
      %get3A_576 = tpu.vector_load %arg7[%get3A_574, %get3A_575] {strides = array<i32>} : memref<640x128xf32, #tpu.memory_space<vmem>>, vector<16xf32>,
      %add3A_577 = arith.addf %add3A_571, %get3A_576 : vector<16xf32>
      %add3A_578 = arith.constant 400 : i32
      %add3A_579 = arith.addi %add3A_578, %add3A_42 : i32
      %get3A_580 = arith.index_cast %add3A_579 : i32 to index
      %get3A_581 = arith.constant 80 : index
      %get3A_582 = tpu.vector_load %arg7[%get3A_580, %get3A_581] {strides = array<i32>} : memref<640x128xf32, #tpu.memory_space<vmem>>, vector<16xf32>,
      %add3A_583 = arith.addf %add3A_577, %get3A_582 : vector<16xf32>
      %add3A_584 = arith.constant 440 : i32
      %add3A_585 = arith.addi %add3A_584, %add3A_42 : i32
      %get3A_586 = arith.index_cast %add3A_585 : i32 to index
      %get3A_587 = arith.constant 80 : index
      %get3A_588 = tpu.vector_load %arg7[%get3A_586, %get3A_587] {strides = array<i32>} : memref<640x128xf32, #tpu.memory_space<vmem>>, vector<16xf32>,
      %add3A_589 = arith.addf %add3A_583, %get3A_588 : vector<16xf32>
      %add3A_590 = arith.constant 480 : i32
      %add3A_591 = arith.addi %add3A_590, %add3A_42 : i32
      %get3A_592 = arith.index_cast %add3A_591 : i32 to index
      %get3A_593 = arith.constant 80 : index
      %get3A_594 = tpu.vector_load %arg7[%get3A_592, %get3A_593] {strides = array<i32>} : memref<640x128xf32, #tpu.memory_space<vmem>>, vector<16xf32>,
      %add3A_595 = arith.addf %add3A_589, %get3A_594 : vector<16xf32>
      %add3A_596 = arith.constant 520 : i32
      %add3A_597 = arith.addi %add3A_596, %add3A_42 : i32
      %get3A_598 = arith.index_cast %add3A_597 : i32 to index
      %get3A_599 = arith.constant 80 : index
      %get3A_600 = tpu.vector_load %arg7[%get3A_598, %get3A_599] {strides = array<i32>} : memref<640x128xf32, #tpu.memory_space<vmem>>, vector<16xf32>,
      %add3A_601 = arith.addf %add3A_595, %get3A_600 : vector<16xf32>
      %add3A_602 = arith.constant 560 : i32
      %add3A_603 = arith.addi %add3A_602, %add3A_42 : i32
      %get3A_604 = arith.index_cast %add3A_603 : i32 to index
      %get3A_605 = arith.constant 80 : index
      %get3A_606 = tpu.vector_load %arg7[%get3A_604, %get3A_605] {strides = array<i32>} : memref<640x128xf32, #tpu.memory_space<vmem>>, vector<16xf32>,
      %add3A_607 = arith.addf %add3A_601, %get3A_606 : vector<16xf32>
      %add3A_608 = arith.constant 600 : i32
      %add3A_609 = arith.addi %add3A_608, %add3A_42 : i32
      %get3A_610 = arith.index_cast %add3A_609 : i32 to index
      %get3A_611 = arith.constant 80 : index
      %get3A_612 = tpu.vector_load %arg7[%get3A_610, %get3A_611] {strides = array<i32>} : memref<640x128xf32, #tpu.memory_space<vmem>>, vector<16xf32>,
      %add3A_613 = arith.addf %add3A_607, %get3A_612 : vector<16xf32>
      %swap3A_614 = arith.index_cast %add3A_42 : i32 to index
      %swap3A_615 = arith.constant 80 : index
      %swap3A_616 = tpu.vector_load %arg8[%swap3A_614, %swap3A_615] {strides = array<i32>} : memref<40x128xf32, #tpu.memory_space<vmem>>, vector<16xf32>,
      tpu.vector_store %arg8[%swap3A_614, %swap3A_615], %add3A_613 {strides = array<i32>} : memref<40x128xf32, #tpu.memory_space<vmem>>, vector<16xf32>,
      %get3A_617 = arith.index_cast %add3A_42 : i32 to index
      %get3A_618 = arith.constant 96 : index
      %get3A_619 = tpu.vector_load %arg7[%get3A_617, %get3A_618] {strides = array<i32>} : memref<640x128xf32, #tpu.memory_space<vmem>>, vector<16xf32>,
      %add3A_620 = arith.constant 40 : i32
      %add3A_621 = arith.addi %add3A_620, %add3A_42 : i32
      %get3A_622 = arith.index_cast %add3A_621 : i32 to index
      %get3A_623 = arith.constant 96 : index
      %get3A_624 = tpu.vector_load %arg7[%get3A_622, %get3A_623] {strides = array<i32>} : memref<640x128xf32, #tpu.memory_space<vmem>>, vector<16xf32>,
      %add3A_625 = arith.addf %get3A_619, %get3A_624 : vector<16xf32>
      %add3A_626 = arith.constant 80 : i32
      %add3A_627 = arith.addi %add3A_626, %add3A_42 : i32
      %get3A_628 = arith.index_cast %add3A_627 : i32 to index
      %get3A_629 = arith.constant 96 : index
      %get3A_630 = tpu.vector_load %arg7[%get3A_628, %get3A_629] {strides = array<i32>} : memref<640x128xf32, #tpu.memory_space<vmem>>, vector<16xf32>,
      %add3A_631 = arith.addf %add3A_625, %get3A_630 : vector<16xf32>
      %add3A_632 = arith.constant 120 : i32
      %add3A_633 = arith.addi %add3A_632, %add3A_42 : i32
      %get3A_634 = arith.index_cast %add3A_633 : i32 to index
      %get3A_635 = arith.constant 96 : index
      %get3A_636 = tpu.vector_load %arg7[%get3A_634, %get3A_635] {strides = array<i32>} : memref<640x128xf32, #tpu.memory_space<vmem>>, vector<16xf32>,
      %add3A_637 = arith.addf %add3A_631, %get3A_636 : vector<16xf32>
      %add3A_638 = arith.constant 160 : i32
      %add3A_639 = arith.addi %add3A_638, %add3A_42 : i32
      %get3A_640 = arith.index_cast %add3A_639 : i32 to index
      %get3A_641 = arith.constant 96 : index
      %get3A_642 = tpu.vector_load %arg7[%get3A_640, %get3A_641] {strides = array<i32>} : memref<640x128xf32, #tpu.memory_space<vmem>>, vector<16xf32>,
      %add3A_643 = arith.addf %add3A_637, %get3A_642 : vector<16xf32>
      %add3A_644 = arith.constant 200 : i32
      %add3A_645 = arith.addi %add3A_644, %add3A_42 : i32
      %get3A_646 = arith.index_cast %add3A_645 : i32 to index
      %get3A_647 = arith.constant 96 : index
      %get3A_648 = tpu.vector_load %arg7[%get3A_646, %get3A_647] {strides = array<i32>} : memref<640x128xf32, #tpu.memory_space<vmem>>, vector<16xf32>,
      %add3A_649 = arith.addf %add3A_643, %get3A_648 : vector<16xf32>
      %add3A_650 = arith.constant 240 : i32
      %add3A_651 = arith.addi %add3A_650, %add3A_42 : i32
      %get3A_652 = arith.index_cast %add3A_651 : i32 to index
      %get3A_653 = arith.constant 96 : index
      %get3A_654 = tpu.vector_load %arg7[%get3A_652, %get3A_653] {strides = array<i32>} : memref<640x128xf32, #tpu.memory_space<vmem>>, vector<16xf32>,
      %add3A_655 = arith.addf %add3A_649, %get3A_654 : vector<16xf32>
      %add3A_656 = arith.constant 280 : i32
      %add3A_657 = arith.addi %add3A_656, %add3A_42 : i32
      %get3A_658 = arith.index_cast %add3A_657 : i32 to index
      %get3A_659 = arith.constant 96 : index
      %get3A_660 = tpu.vector_load %arg7[%get3A_658, %get3A_659] {strides = array<i32>} : memref<640x128xf32, #tpu.memory_space<vmem>>, vector<16xf32>,
      %add3A_661 = arith.addf %add3A_655, %get3A_660 : vector<16xf32>
      %add3A_662 = arith.constant 320 : i32
      %add3A_663 = arith.addi %add3A_662, %add3A_42 : i32
      %get3A_664 = arith.index_cast %add3A_663 : i32 to index
      %get3A_665 = arith.constant 96 : index
      %get3A_666 = tpu.vector_load %arg7[%get3A_664, %get3A_665] {strides = array<i32>} : memref<640x128xf32, #tpu.memory_space<vmem>>, vector<16xf32>,
      %add3A_667 = arith.addf %add3A_661, %get3A_666 : vector<16xf32>
      %add3A_668 = arith.constant 360 : i32
      %add3A_669 = arith.addi %add3A_668, %add3A_42 : i32
      %get3A_670 = arith.index_cast %add3A_669 : i32 to index
      %get3A_671 = arith.constant 96 : index
      %get3A_672 = tpu.vector_load %arg7[%get3A_670, %get3A_671] {strides = array<i32>} : memref<640x128xf32, #tpu.memory_space<vmem>>, vector<16xf32>,
      %add3A_673 = arith.addf %add3A_667, %get3A_672 : vector<16xf32>
      %add3A_674 = arith.constant 400 : i32
      %add3A_675 = arith.addi %add3A_674, %add3A_42 : i32
      %get3A_676 = arith.index_cast %add3A_675 : i32 to index
      %get3A_677 = arith.constant 96 : index
      %get3A_678 = tpu.vector_load %arg7[%get3A_676, %get3A_677] {strides = array<i32>} : memref<640x128xf32, #tpu.memory_space<vmem>>, vector<16xf32>,
      %add3A_679 = arith.addf %add3A_673, %get3A_678 : vector<16xf32>
      %add3A_680 = arith.constant 440 : i32
      %add3A_681 = arith.addi %add3A_680, %add3A_42 : i32
      %get3A_682 = arith.index_cast %add3A_681 : i32 to index
      %get3A_683 = arith.constant 96 : index
      %get3A_684 = tpu.vector_load %arg7[%get3A_682, %get3A_683] {strides = array<i32>} : memref<640x128xf32, #tpu.memory_space<vmem>>, vector<16xf32>,
      %add3A_685 = arith.addf %add3A_679, %get3A_684 : vector<16xf32>
      %add3A_686 = arith.constant 480 : i32
      %add3A_687 = arith.addi %add3A_686, %add3A_42 : i32
      %get3A_688 = arith.index_cast %add3A_687 : i32 to index
      %get3A_689 = arith.constant 96 : index
      %get3A_690 = tpu.vector_load %arg7[%get3A_688, %get3A_689] {strides = array<i32>} : memref<640x128xf32, #tpu.memory_space<vmem>>, vector<16xf32>,
      %add3A_691 = arith.addf %add3A_685, %get3A_690 : vector<16xf32>
      %add3A_692 = arith.constant 520 : i32
      %add3A_693 = arith.addi %add3A_692, %add3A_42 : i32
      %get3A_694 = arith.index_cast %add3A_693 : i32 to index
      %get3A_695 = arith.constant 96 : index
      %get3A_696 = tpu.vector_load %arg7[%get3A_694, %get3A_695] {strides = array<i32>} : memref<640x128xf32, #tpu.memory_space<vmem>>, vector<16xf32>,
      %add3A_697 = arith.addf %add3A_691, %get3A_696 : vector<16xf32>
      %add3A_698 = arith.constant 560 : i32
      %add3A_699 = arith.addi %add3A_698, %add3A_42 : i32
      %get3A_700 = arith.index_cast %add3A_699 : i32 to index
      %get3A_701 = arith.constant 96 : index
      %get3A_702 = tpu.vector_load %arg7[%get3A_700, %get3A_701] {strides = array<i32>} : memref<640x128xf32, #tpu.memory_space<vmem>>, vector<16xf32>,
      %add3A_703 = arith.addf %add3A_697, %get3A_702 : vector<16xf32>
      %add3A_704 = arith.constant 600 : i32
      %add3A_705 = arith.addi %add3A_704, %add3A_42 : i32
      %get3A_706 = arith.index_cast %add3A_705 : i32 to index
      %get3A_707 = arith.constant 96 : index
      %get3A_708 = tpu.vector_load %arg7[%get3A_706, %get3A_707] {strides = array<i32>} : memref<640x128xf32, #tpu.memory_space<vmem>>, vector<16xf32>,
      %add3A_709 = arith.addf %add3A_703, %get3A_708 : vector<16xf32>
      %swap3A_710 = arith.index_cast %add3A_42 : i32 to index
      %swap3A_711 = arith.constant 96 : index
      %swap3A_712 = tpu.vector_load %arg8[%swap3A_710, %swap3A_711] {strides = array<i32>} : memref<40x128xf32, #tpu.memory_space<vmem>>, vector<16xf32>,
      tpu.vector_store %arg8[%swap3A_710, %swap3A_711], %add3A_709 {strides = array<i32>} : memref<40x128xf32, #tpu.memory_space<vmem>>, vector<16xf32>,
      %get3A_713 = arith.index_cast %add3A_42 : i32 to index
      %get3A_714 = arith.constant 112 : index
      %get3A_715 = tpu.vector_load %arg7[%get3A_713, %get3A_714] {strides = array<i32>} : memref<640x128xf32, #tpu.memory_space<vmem>>, vector<16xf32>,
      %add3A_716 = arith.constant 40 : i32
      %add3A_717 = arith.addi %add3A_716, %add3A_42 : i32
      %get3A_718 = arith.index_cast %add3A_717 : i32 to index
      %get3A_719 = arith.constant 112 : index
      %get3A_720 = tpu.vector_load %arg7[%get3A_718, %get3A_719] {strides = array<i32>} : memref<640x128xf32, #tpu.memory_space<vmem>>, vector<16xf32>,
      %add3A_721 = arith.addf %get3A_715, %get3A_720 : vector<16xf32>
      %add3A_722 = arith.constant 80 : i32
      %add3A_723 = arith.addi %add3A_722, %add3A_42 : i32
      %get3A_724 = arith.index_cast %add3A_723 : i32 to index
      %get3A_725 = arith.constant 112 : index
      %get3A_726 = tpu.vector_load %arg7[%get3A_724, %get3A_725] {strides = array<i32>} : memref<640x128xf32, #tpu.memory_space<vmem>>, vector<16xf32>,
      %add3A_727 = arith.addf %add3A_721, %get3A_726 : vector<16xf32>
      %add3A_728 = arith.constant 120 : i32
      %add3A_729 = arith.addi %add3A_728, %add3A_42 : i32
      %get3A_730 = arith.index_cast %add3A_729 : i32 to index
      %get3A_731 = arith.constant 112 : index
      %get3A_732 = tpu.vector_load %arg7[%get3A_730, %get3A_731] {strides = array<i32>} : memref<640x128xf32, #tpu.memory_space<vmem>>, vector<16xf32>,
      %add3A_733 = arith.addf %add3A_727, %get3A_732 : vector<16xf32>
      %add3A_734 = arith.constant 160 : i32
      %add3A_735 = arith.addi %add3A_734, %add3A_42 : i32
      %get3A_736 = arith.index_cast %add3A_735 : i32 to index
      %get3A_737 = arith.constant 112 : index
      %get3A_738 = tpu.vector_load %arg7[%get3A_736, %get3A_737] {strides = array<i32>} : memref<640x128xf32, #tpu.memory_space<vmem>>, vector<16xf32>,
      %add3A_739 = arith.addf %add3A_733, %get3A_738 : vector<16xf32>
      %add3A_740 = arith.constant 200 : i32
      %add3A_741 = arith.addi %add3A_740, %add3A_42 : i32
      %get3A_742 = arith.index_cast %add3A_741 : i32 to index
      %get3A_743 = arith.constant 112 : index
      %get3A_744 = tpu.vector_load %arg7[%get3A_742, %get3A_743] {strides = array<i32>} : memref<640x128xf32, #tpu.memory_space<vmem>>, vector<16xf32>,
      %add3A_745 = arith.addf %add3A_739, %get3A_744 : vector<16xf32>
      %add3A_746 = arith.constant 240 : i32
      %add3A_747 = arith.addi %add3A_746, %add3A_42 : i32
      %get3A_748 = arith.index_cast %add3A_747 : i32 to index
      %get3A_749 = arith.constant 112 : index
      %get3A_750 = tpu.vector_load %arg7[%get3A_748, %get3A_749] {strides = array<i32>} : memref<640x128xf32, #tpu.memory_space<vmem>>, vector<16xf32>,
      %add3A_751 = arith.addf %add3A_745, %get3A_750 : vector<16xf32>
      %add3A_752 = arith.constant 280 : i32
      %add3A_753 = arith.addi %add3A_752, %add3A_42 : i32
      %get3A_754 = arith.index_cast %add3A_753 : i32 to index
      %get3A_755 = arith.constant 112 : index
      %get3A_756 = tpu.vector_load %arg7[%get3A_754, %get3A_755] {strides = array<i32>} : memref<640x128xf32, #tpu.memory_space<vmem>>, vector<16xf32>,
      %add3A_757 = arith.addf %add3A_751, %get3A_756 : vector<16xf32>
      %add3A_758 = arith.constant 320 : i32
      %add3A_759 = arith.addi %add3A_758, %add3A_42 : i32
      %get3A_760 = arith.index_cast %add3A_759 : i32 to index
      %get3A_761 = arith.constant 112 : index
      %get3A_762 = tpu.vector_load %arg7[%get3A_760, %get3A_761] {strides = array<i32>} : memref<640x128xf32, #tpu.memory_space<vmem>>, vector<16xf32>,
      %add3A_763 = arith.addf %add3A_757, %get3A_762 : vector<16xf32>
      %add3A_764 = arith.constant 360 : i32
      %add3A_765 = arith.addi %add3A_764, %add3A_42 : i32
      %get3A_766 = arith.index_cast %add3A_765 : i32 to index
      %get3A_767 = arith.constant 112 : index
      %get3A_768 = tpu.vector_load %arg7[%get3A_766, %get3A_767] {strides = array<i32>} : memref<640x128xf32, #tpu.memory_space<vmem>>, vector<16xf32>,
      %add3A_769 = arith.addf %add3A_763, %get3A_768 : vector<16xf32>
      %add3A_770 = arith.constant 400 : i32
      %add3A_771 = arith.addi %add3A_770, %add3A_42 : i32
      %get3A_772 = arith.index_cast %add3A_771 : i32 to index
      %get3A_773 = arith.constant 112 : index
      %get3A_774 = tpu.vector_load %arg7[%get3A_772, %get3A_773] {strides = array<i32>} : memref<640x128xf32, #tpu.memory_space<vmem>>, vector<16xf32>,
      %add3A_775 = arith.addf %add3A_769, %get3A_774 : vector<16xf32>
      %add3A_776 = arith.constant 440 : i32
      %add3A_777 = arith.addi %add3A_776, %add3A_42 : i32
      %get3A_778 = arith.index_cast %add3A_777 : i32 to index
      %get3A_779 = arith.constant 112 : index
      %get3A_780 = tpu.vector_load %arg7[%get3A_778, %get3A_779] {strides = array<i32>} : memref<640x128xf32, #tpu.memory_space<vmem>>, vector<16xf32>,
      %add3A_781 = arith.addf %add3A_775, %get3A_780 : vector<16xf32>
      %add3A_782 = arith.constant 480 : i32
      %add3A_783 = arith.addi %add3A_782, %add3A_42 : i32
      %get3A_784 = arith.index_cast %add3A_783 : i32 to index
      %get3A_785 = arith.constant 112 : index
      %get3A_786 = tpu.vector_load %arg7[%get3A_784, %get3A_785] {strides = array<i32>} : memref<640x128xf32, #tpu.memory_space<vmem>>, vector<16xf32>,
      %add3A_787 = arith.addf %add3A_781, %get3A_786 : vector<16xf32>
      %add3A_788 = arith.constant 520 : i32
      %add3A_789 = arith.addi %add3A_788, %add3A_42 : i32
      %get3A_790 = arith.index_cast %add3A_789 : i32 to index
      %get3A_791 = arith.constant 112 : index
      %get3A_792 = tpu.vector_load %arg7[%get3A_790, %get3A_791] {strides = array<i32>} : memref<640x128xf32, #tpu.memory_space<vmem>>, vector<16xf32>,
      %add3A_793 = arith.addf %add3A_787, %get3A_792 : vector<16xf32>
      %add3A_794 = arith.constant 560 : i32
      %add3A_795 = arith.addi %add3A_794, %add3A_42 : i32
      %get3A_796 = arith.index_cast %add3A_795 : i32 to index
      %get3A_797 = arith.constant 112 : index
      %get3A_798 = tpu.vector_load %arg7[%get3A_796, %get3A_797] {strides = array<i32>} : memref<640x128xf32, #tpu.memory_space<vmem>>, vector<16xf32>,
      %add3A_799 = arith.addf %add3A_793, %get3A_798 : vector<16xf32>
      %add3A_800 = arith.constant 600 : i32
      %add3A_801 = arith.addi %add3A_800, %add3A_42 : i32
      %get3A_802 = arith.index_cast %add3A_801 : i32 to index
      %get3A_803 = arith.constant 112 : index
      %get3A_804 = tpu.vector_load %arg7[%get3A_802, %get3A_803] {strides = array<i32>} : memref<640x128xf32, #tpu.memory_space<vmem>>, vector<16xf32>,
      %add3A_805 = arith.addf %add3A_799, %get3A_804 : vector<16xf32>
      %swap3A_806 = arith.index_cast %add3A_42 : i32 to index
      %swap3A_807 = arith.constant 112 : index
      %swap3A_808 = tpu.vector_load %arg8[%swap3A_806, %swap3A_807] {strides = array<i32>} : memref<40x128xf32, #tpu.memory_space<vmem>>, vector<16xf32>,
      tpu.vector_store %arg8[%swap3A_806, %swap3A_807], %add3A_805 {strides = array<i32>} : memref<40x128xf32, #tpu.memory_space<vmem>>, vector<16xf32>,
    }
    %scan3A_18 = arith.constant 40 : i32
    %run_scoped3A = arith.constant 0 : i32
    "tpu.region"() ({
      %run_scoped3A_40 = tpu.sem_alloc : memref<!tpu.dma_semaphore, #tpu.memory_space<semaphore_mem>>
      %dma_start3A = arith.constant 0 : i32
      %dma_start3A_41 = tpu.memref_slice %arg9[%run_scoped3A, %dma_start3A] : memref<2x40xi32, #tpu.memory_space<vmem>> -> memref<1x40xi32, #tpu.memory_space<vmem>>
      %dma_start3A_42 = tpu.memref_squeeze %dma_start3A_41 : memref<1x40xi32, #tpu.memory_space<vmem>> -> memref<40xi32, #tpu.memory_space<vmem>>
      %dma_start3A_43 = arith.constant 0 : i32
      %dma_start3A_44 = arith.constant 0 : i32
      %dma_start3A_45 = tpu.memref_slice %arg10[%dma_start3A_43, %dma_start3A_44] : memref<80x128xf32, #tpu.memory_space<vmem_shared>> -> memref<80x128xf32, #tpu.memory_space<vmem_shared>>
      tpu.enqueue_indirect_dma source(%arg8 : memref<40x128xf32, #tpu.memory_space<vmem>>) target(%dma_start3A_45 : memref<80x128xf32, #tpu.memory_space<vmem_shared>>) offsets(%dma_start3A_42 : memref<40xi32, #tpu.memory_space<vmem>>) semaphore(%run_scoped3A_40 : memref<!tpu.dma_semaphore, #tpu.memory_space<semaphore_mem>>) {add = true}
      %dma_wait3A = arith.constant 0 : i32
      %dma_wait3A_46 = tpu.memref_slice %arg9[%run_scoped3A, %dma_wait3A] : memref<2x40xi32, #tpu.memory_space<vmem>> -> memref<1x40xi32, #tpu.memory_space<vmem>>
      %dma_wait3A_47 = tpu.memref_squeeze %dma_wait3A_46 : memref<1x40xi32, #tpu.memory_space<vmem>> -> memref<40xi32, #tpu.memory_space<vmem>>
      %dma_wait3A_48 = arith.constant 0 : i32
      %dma_wait3A_49 = arith.constant 0 : i32
      %dma_wait3A_50 = tpu.memref_slice %arg10[%dma_wait3A_48, %dma_wait3A_49] : memref<80x128xf32, #tpu.memory_space<vmem_shared>> -> memref<80x128xf32, #tpu.memory_space<vmem_shared>>
      tpu.wait_indirect_dma semaphore(%run_scoped3A_40 : memref<!tpu.dma_semaphore, #tpu.memory_space<semaphore_mem>>) src(%arg8 : memref<40x128xf32, #tpu.memory_space<vmem>>) dst(%dma_wait3A_50 : memref<80x128xf32, #tpu.memory_space<vmem_shared>>)
      tpu.yield
    }) : () -> ()
    %scan3A_19 = arith.constant 0 : i32
    %scan3A_20 = arith.constant 640 : i32
    %scan3A_21 = arith.addi %scan3A_19, %scan3A_20 : i32
    %scan3A_22 = arith.constant 1 : i32
    scf.for %scan3A_40 = %scan3A_19 to %scan3A_21 step %scan3A_22  : i32 {
      %mul3A = arith.constant 1 : i32
      %mul3A_41 = arith.muli %scan3A_40, %mul3A : i32
      %add3A = arith.constant 0 : i32
      %add3A_42 = arith.addi %add3A, %mul3A_41 : i32
      %swap3A = arith.index_cast %add3A_42 : i32 to index
      %swap3A_43 = arith.constant 0 : index
      %swap3A_44 = tpu.vector_load %arg7[%swap3A, %swap3A_43] {strides = array<i32>} : memref<640x128xf32, #tpu.memory_space<vmem>>, vector<16xf32>,
      tpu.vector_store %arg7[%swap3A, %swap3A_43], %broadcast_in_dim3A_4 {strides = array<i32>} : memref<640x128xf32, #tpu.memory_space<vmem>>, vector<16xf32>,
      %swap3A_45 = arith.index_cast %add3A_42 : i32 to index
      %swap3A_46 = arith.constant 16 : index
      %swap3A_47 = tpu.vector_load %arg7[%swap3A_45, %swap3A_46] {strides = array<i32>} : memref<640x128xf32, #tpu.memory_space<vmem>>, vector<16xf32>,
      tpu.vector_store %arg7[%swap3A_45, %swap3A_46], %broadcast_in_dim3A_4 {strides = array<i32>} : memref<640x128xf32, #tpu.memory_space<vmem>>, vector<16xf32>,
      %swap3A_48 = arith.index_cast %add3A_42 : i32 to index
      %swap3A_49 = arith.constant 32 : index
      %swap3A_50 = tpu.vector_load %arg7[%swap3A_48, %swap3A_49] {strides = array<i32>} : memref<640x128xf32, #tpu.memory_space<vmem>>, vector<16xf32>,
      tpu.vector_store %arg7[%swap3A_48, %swap3A_49], %broadcast_in_dim3A_4 {strides = array<i32>} : memref<640x128xf32, #tpu.memory_space<vmem>>, vector<16xf32>,
      %swap3A_51 = arith.index_cast %add3A_42 : i32 to index
      %swap3A_52 = arith.constant 48 : index
      %swap3A_53 = tpu.vector_load %arg7[%swap3A_51, %swap3A_52] {strides = array<i32>} : memref<640x128xf32, #tpu.memory_space<vmem>>, vector<16xf32>,
      tpu.vector_store %arg7[%swap3A_51, %swap3A_52], %broadcast_in_dim3A_4 {strides = array<i32>} : memref<640x128xf32, #tpu.memory_space<vmem>>, vector<16xf32>,
      %swap3A_54 = arith.index_cast %add3A_42 : i32 to index
      %swap3A_55 = arith.constant 64 : index
      %swap3A_56 = tpu.vector_load %arg7[%swap3A_54, %swap3A_55] {strides = array<i32>} : memref<640x128xf32, #tpu.memory_space<vmem>>, vector<16xf32>,
      tpu.vector_store %arg7[%swap3A_54, %swap3A_55], %broadcast_in_dim3A_4 {strides = array<i32>} : memref<640x128xf32, #tpu.memory_space<vmem>>, vector<16xf32>,
      %swap3A_57 = arith.index_cast %add3A_42 : i32 to index
      %swap3A_58 = arith.constant 80 : index
      %swap3A_59 = tpu.vector_load %arg7[%swap3A_57, %swap3A_58] {strides = array<i32>} : memref<640x128xf32, #tpu.memory_space<vmem>>, vector<16xf32>,
      tpu.vector_store %arg7[%swap3A_57, %swap3A_58], %broadcast_in_dim3A_4 {strides = array<i32>} : memref<640x128xf32, #tpu.memory_space<vmem>>, vector<16xf32>,
      %swap3A_60 = arith.index_cast %add3A_42 : i32 to index
      %swap3A_61 = arith.constant 96 : index
      %swap3A_62 = tpu.vector_load %arg7[%swap3A_60, %swap3A_61] {strides = array<i32>} : memref<640x128xf32, #tpu.memory_space<vmem>>, vector<16xf32>,
      tpu.vector_store %arg7[%swap3A_60, %swap3A_61], %broadcast_in_dim3A_4 {strides = array<i32>} : memref<640x128xf32, #tpu.memory_space<vmem>>, vector<16xf32>,
      %swap3A_63 = arith.index_cast %add3A_42 : i32 to index
      %swap3A_64 = arith.constant 112 : index
      %swap3A_65 = tpu.vector_load %arg7[%swap3A_63, %swap3A_64] {strides = array<i32>} : memref<640x128xf32, #tpu.memory_space<vmem>>, vector<16xf32>,
      tpu.vector_store %arg7[%swap3A_63, %swap3A_64], %broadcast_in_dim3A_4 {strides = array<i32>} : memref<640x128xf32, #tpu.memory_space<vmem>>, vector<16xf32>,
    }
    %scan3A_23 = arith.constant 640 : i32
    %scan3A_24 = arith.constant 0 : i32
    %scan3A_25 = arith.constant 313 : i32
    %scan3A_26 = arith.addi %scan3A_24, %scan3A_25 : i32
    %scan3A_27 = arith.constant 1 : i32
    scf.for %scan3A_40 = %scan3A_24 to %scan3A_26 step %scan3A_27  : i32 {
      %mul3A = arith.constant 1 : i32
      %mul3A_41 = arith.muli %scan3A_40, %mul3A : i32
      %add3A = arith.constant 0 : i32
      %add3A_42 = arith.addi %add3A, %mul3A_41 : i32
      %mul3A_43 = arith.constant 16 : i32
      %mul3A_44 = arith.muli %add3A_42, %mul3A_43 : i32
      %multiple_of3A = tpu.assume_multiple %mul3A_44, 8 : i32
      %get3A = arith.index_cast %multiple_of3A : i32 to index
      %get3A_45 = tpu.vector_load %arg6[%get3A] {strides = array<i32>} : memref<5008xi32, #tpu.memory_space<vmem>>, vector<16xi32>,
      %sub3A = arith.constant 5120 : i32
      %sub3A_46 = vector.broadcast %sub3A : i32 to vector<16xi32>
      %sub3A_47 = arith.subi %get3A_45, %sub3A_46 : vector<16xi32>
      %add3A_48 = vector.broadcast %mul3A_44 : i32 to vector<16xi32>
      %add3A_49 = arith.addi %add3A_48, %iota3A : vector<16xi32>
      %lt3A_50 = arith.constant 5000 : i32
      %lt3A_51 = vector.broadcast %lt3A_50 : i32 to vector<16xi32>
      %lt3A_52 = arith.cmpi slt, %add3A_49, %lt3A_51 : vector<16xi32>
      %ge3A = arith.constant 0 : i32
      %ge3A_53 = vector.broadcast %ge3A : i32 to vector<16xi32>
      %ge3A_54 = arith.cmpi sge, %sub3A_47, %ge3A_53 : vector<16xi32>
      %and3A = arith.andi %lt3A_52, %ge3A_54 : vector<16xi1>
      %lt3A_55 = arith.constant 5120 : i32
      %lt3A_56 = vector.broadcast %lt3A_55 : i32 to vector<16xi32>
      %lt3A_57 = arith.cmpi slt, %sub3A_47, %lt3A_56 : vector<16xi32>
      %and3A_58 = arith.andi %and3A, %lt3A_57 : vector<16xi1>
      %jit3A = arith.constant 0 : i32
      %broadcast_in_dim3A_59 = vector.broadcast %jit3A : i32 to vector<16xi32>
      %select_n3A = arith.select %and3A_58, %sub3A_47, %broadcast_in_dim3A_59 : vector<16xi1>, vector<16xi32>
      %mul3A_60 = arith.constant 40 : i32
      %mul3A_61 = vector.broadcast %mul3A_60 : i32 to vector<16xi32>
      %mul3A_62 = arith.muli %iota3A, %mul3A_61 : vector<16xi32>
      %shift_right_arithmetic3A = arith.constant 7 : i32
      %shift_right_arithmetic3A_63 = vector.broadcast %shift_right_arithmetic3A : i32 to vector<16xi32>
      %shift_right_arithmetic3A_64 = arith.shrsi %select_n3A, %shift_right_arithmetic3A_63 : vector<16xi32>
      %add3A_65 = arith.addi %mul3A_62, %shift_right_arithmetic3A_64 : vector<16xi32>
      %and3A_66 = arith.constant 127 : i32
      %and3A_67 = vector.broadcast %and3A_66 : i32 to vector<16xi32>
      %and3A_68 = arith.andi %select_n3A, %and3A_67 : vector<16xi32>
      tpu.vector_store_idx %arg7[%add3A_65, %and3A_68], %broadcast_in_dim3A_2 masked %and3A_58 {add = true} : memref<640x128xf32, #tpu.memory_space<vmem>>[vector<16xi32>, vector<16xi32>], vector<16xf32>, vector<16xi1>
    }
    %scan3A_28 = arith.constant 313 : i32
    %scan3A_29 = arith.constant 0 : i32
    %scan3A_30 = arith.constant 40 : i32
    %scan3A_31 = arith.addi %scan3A_29, %scan3A_30 : i32
    %scan3A_32 = arith.constant 1 : i32
    scf.for %scan3A_40 = %scan3A_29 to %scan3A_31 step %scan3A_32  : i32 {
      %mul3A = arith.constant 1 : i32
      %mul3A_41 = arith.muli %scan3A_40, %mul3A : i32
      %add3A = arith.constant 0 : i32
      %add3A_42 = arith.addi %add3A, %mul3A_41 : i32
      %get3A = arith.index_cast %add3A_42 : i32 to index
      %get3A_43 = arith.constant 0 : index
      %get3A_44 = tpu.vector_load %arg7[%get3A, %get3A_43] {strides = array<i32>} : memref<640x128xf32, #tpu.memory_space<vmem>>, vector<16xf32>,
      %add3A_45 = arith.constant 40 : i32
      %add3A_46 = arith.addi %add3A_45, %add3A_42 : i32
      %get3A_47 = arith.index_cast %add3A_46 : i32 to index
      %get3A_48 = arith.constant 0 : index
      %get3A_49 = tpu.vector_load %arg7[%get3A_47, %get3A_48] {strides = array<i32>} : memref<640x128xf32, #tpu.memory_space<vmem>>, vector<16xf32>,
      %add3A_50 = arith.addf %get3A_44, %get3A_49 : vector<16xf32>
      %add3A_51 = arith.constant 80 : i32
      %add3A_52 = arith.addi %add3A_51, %add3A_42 : i32
      %get3A_53 = arith.index_cast %add3A_52 : i32 to index
      %get3A_54 = arith.constant 0 : index
      %get3A_55 = tpu.vector_load %arg7[%get3A_53, %get3A_54] {strides = array<i32>} : memref<640x128xf32, #tpu.memory_space<vmem>>, vector<16xf32>,
      %add3A_56 = arith.addf %add3A_50, %get3A_55 : vector<16xf32>
      %add3A_57 = arith.constant 120 : i32
      %add3A_58 = arith.addi %add3A_57, %add3A_42 : i32
      %get3A_59 = arith.index_cast %add3A_58 : i32 to index
      %get3A_60 = arith.constant 0 : index
      %get3A_61 = tpu.vector_load %arg7[%get3A_59, %get3A_60] {strides = array<i32>} : memref<640x128xf32, #tpu.memory_space<vmem>>, vector<16xf32>,
      %add3A_62 = arith.addf %add3A_56, %get3A_61 : vector<16xf32>
      %add3A_63 = arith.constant 160 : i32
      %add3A_64 = arith.addi %add3A_63, %add3A_42 : i32
      %get3A_65 = arith.index_cast %add3A_64 : i32 to index
      %get3A_66 = arith.constant 0 : index
      %get3A_67 = tpu.vector_load %arg7[%get3A_65, %get3A_66] {strides = array<i32>} : memref<640x128xf32, #tpu.memory_space<vmem>>, vector<16xf32>,
      %add3A_68 = arith.addf %add3A_62, %get3A_67 : vector<16xf32>
      %add3A_69 = arith.constant 200 : i32
      %add3A_70 = arith.addi %add3A_69, %add3A_42 : i32
      %get3A_71 = arith.index_cast %add3A_70 : i32 to index
      %get3A_72 = arith.constant 0 : index
      %get3A_73 = tpu.vector_load %arg7[%get3A_71, %get3A_72] {strides = array<i32>} : memref<640x128xf32, #tpu.memory_space<vmem>>, vector<16xf32>,
      %add3A_74 = arith.addf %add3A_68, %get3A_73 : vector<16xf32>
      %add3A_75 = arith.constant 240 : i32
      %add3A_76 = arith.addi %add3A_75, %add3A_42 : i32
      %get3A_77 = arith.index_cast %add3A_76 : i32 to index
      %get3A_78 = arith.constant 0 : index
      %get3A_79 = tpu.vector_load %arg7[%get3A_77, %get3A_78] {strides = array<i32>} : memref<640x128xf32, #tpu.memory_space<vmem>>, vector<16xf32>,
      %add3A_80 = arith.addf %add3A_74, %get3A_79 : vector<16xf32>
      %add3A_81 = arith.constant 280 : i32
      %add3A_82 = arith.addi %add3A_81, %add3A_42 : i32
      %get3A_83 = arith.index_cast %add3A_82 : i32 to index
      %get3A_84 = arith.constant 0 : index
      %get3A_85 = tpu.vector_load %arg7[%get3A_83, %get3A_84] {strides = array<i32>} : memref<640x128xf32, #tpu.memory_space<vmem>>, vector<16xf32>,
      %add3A_86 = arith.addf %add3A_80, %get3A_85 : vector<16xf32>
      %add3A_87 = arith.constant 320 : i32
      %add3A_88 = arith.addi %add3A_87, %add3A_42 : i32
      %get3A_89 = arith.index_cast %add3A_88 : i32 to index
      %get3A_90 = arith.constant 0 : index
      %get3A_91 = tpu.vector_load %arg7[%get3A_89, %get3A_90] {strides = array<i32>} : memref<640x128xf32, #tpu.memory_space<vmem>>, vector<16xf32>,
      %add3A_92 = arith.addf %add3A_86, %get3A_91 : vector<16xf32>
      %add3A_93 = arith.constant 360 : i32
      %add3A_94 = arith.addi %add3A_93, %add3A_42 : i32
      %get3A_95 = arith.index_cast %add3A_94 : i32 to index
      %get3A_96 = arith.constant 0 : index
      %get3A_97 = tpu.vector_load %arg7[%get3A_95, %get3A_96] {strides = array<i32>} : memref<640x128xf32, #tpu.memory_space<vmem>>, vector<16xf32>,
      %add3A_98 = arith.addf %add3A_92, %get3A_97 : vector<16xf32>
      %add3A_99 = arith.constant 400 : i32
      %add3A_100 = arith.addi %add3A_99, %add3A_42 : i32
      %get3A_101 = arith.index_cast %add3A_100 : i32 to index
      %get3A_102 = arith.constant 0 : index
      %get3A_103 = tpu.vector_load %arg7[%get3A_101, %get3A_102] {strides = array<i32>} : memref<640x128xf32, #tpu.memory_space<vmem>>, vector<16xf32>,
      %add3A_104 = arith.addf %add3A_98, %get3A_103 : vector<16xf32>
      %add3A_105 = arith.constant 440 : i32
      %add3A_106 = arith.addi %add3A_105, %add3A_42 : i32
      %get3A_107 = arith.index_cast %add3A_106 : i32 to index
      %get3A_108 = arith.constant 0 : index
      %get3A_109 = tpu.vector_load %arg7[%get3A_107, %get3A_108] {strides = array<i32>} : memref<640x128xf32, #tpu.memory_space<vmem>>, vector<16xf32>,
      %add3A_110 = arith.addf %add3A_104, %get3A_109 : vector<16xf32>
      %add3A_111 = arith.constant 480 : i32
      %add3A_112 = arith.addi %add3A_111, %add3A_42 : i32
      %get3A_113 = arith.index_cast %add3A_112 : i32 to index
      %get3A_114 = arith.constant 0 : index
      %get3A_115 = tpu.vector_load %arg7[%get3A_113, %get3A_114] {strides = array<i32>} : memref<640x128xf32, #tpu.memory_space<vmem>>, vector<16xf32>,
      %add3A_116 = arith.addf %add3A_110, %get3A_115 : vector<16xf32>
      %add3A_117 = arith.constant 520 : i32
      %add3A_118 = arith.addi %add3A_117, %add3A_42 : i32
      %get3A_119 = arith.index_cast %add3A_118 : i32 to index
      %get3A_120 = arith.constant 0 : index
      %get3A_121 = tpu.vector_load %arg7[%get3A_119, %get3A_120] {strides = array<i32>} : memref<640x128xf32, #tpu.memory_space<vmem>>, vector<16xf32>,
      %add3A_122 = arith.addf %add3A_116, %get3A_121 : vector<16xf32>
      %add3A_123 = arith.constant 560 : i32
      %add3A_124 = arith.addi %add3A_123, %add3A_42 : i32
      %get3A_125 = arith.index_cast %add3A_124 : i32 to index
      %get3A_126 = arith.constant 0 : index
      %get3A_127 = tpu.vector_load %arg7[%get3A_125, %get3A_126] {strides = array<i32>} : memref<640x128xf32, #tpu.memory_space<vmem>>, vector<16xf32>,
      %add3A_128 = arith.addf %add3A_122, %get3A_127 : vector<16xf32>
      %add3A_129 = arith.constant 600 : i32
      %add3A_130 = arith.addi %add3A_129, %add3A_42 : i32
      %get3A_131 = arith.index_cast %add3A_130 : i32 to index
      %get3A_132 = arith.constant 0 : index
      %get3A_133 = tpu.vector_load %arg7[%get3A_131, %get3A_132] {strides = array<i32>} : memref<640x128xf32, #tpu.memory_space<vmem>>, vector<16xf32>,
      %add3A_134 = arith.addf %add3A_128, %get3A_133 : vector<16xf32>
      %swap3A = arith.index_cast %add3A_42 : i32 to index
      %swap3A_135 = arith.constant 0 : index
      %swap3A_136 = tpu.vector_load %arg8[%swap3A, %swap3A_135] {strides = array<i32>} : memref<40x128xf32, #tpu.memory_space<vmem>>, vector<16xf32>,
      tpu.vector_store %arg8[%swap3A, %swap3A_135], %add3A_134 {strides = array<i32>} : memref<40x128xf32, #tpu.memory_space<vmem>>, vector<16xf32>,
      %get3A_137 = arith.index_cast %add3A_42 : i32 to index
      %get3A_138 = arith.constant 16 : index
      %get3A_139 = tpu.vector_load %arg7[%get3A_137, %get3A_138] {strides = array<i32>} : memref<640x128xf32, #tpu.memory_space<vmem>>, vector<16xf32>,
      %add3A_140 = arith.constant 40 : i32
      %add3A_141 = arith.addi %add3A_140, %add3A_42 : i32
      %get3A_142 = arith.index_cast %add3A_141 : i32 to index
      %get3A_143 = arith.constant 16 : index
      %get3A_144 = tpu.vector_load %arg7[%get3A_142, %get3A_143] {strides = array<i32>} : memref<640x128xf32, #tpu.memory_space<vmem>>, vector<16xf32>,
      %add3A_145 = arith.addf %get3A_139, %get3A_144 : vector<16xf32>
      %add3A_146 = arith.constant 80 : i32
      %add3A_147 = arith.addi %add3A_146, %add3A_42 : i32
      %get3A_148 = arith.index_cast %add3A_147 : i32 to index
      %get3A_149 = arith.constant 16 : index
      %get3A_150 = tpu.vector_load %arg7[%get3A_148, %get3A_149] {strides = array<i32>} : memref<640x128xf32, #tpu.memory_space<vmem>>, vector<16xf32>,
      %add3A_151 = arith.addf %add3A_145, %get3A_150 : vector<16xf32>
      %add3A_152 = arith.constant 120 : i32
      %add3A_153 = arith.addi %add3A_152, %add3A_42 : i32
      %get3A_154 = arith.index_cast %add3A_153 : i32 to index
      %get3A_155 = arith.constant 16 : index
      %get3A_156 = tpu.vector_load %arg7[%get3A_154, %get3A_155] {strides = array<i32>} : memref<640x128xf32, #tpu.memory_space<vmem>>, vector<16xf32>,
      %add3A_157 = arith.addf %add3A_151, %get3A_156 : vector<16xf32>
      %add3A_158 = arith.constant 160 : i32
      %add3A_159 = arith.addi %add3A_158, %add3A_42 : i32
      %get3A_160 = arith.index_cast %add3A_159 : i32 to index
      %get3A_161 = arith.constant 16 : index
      %get3A_162 = tpu.vector_load %arg7[%get3A_160, %get3A_161] {strides = array<i32>} : memref<640x128xf32, #tpu.memory_space<vmem>>, vector<16xf32>,
      %add3A_163 = arith.addf %add3A_157, %get3A_162 : vector<16xf32>
      %add3A_164 = arith.constant 200 : i32
      %add3A_165 = arith.addi %add3A_164, %add3A_42 : i32
      %get3A_166 = arith.index_cast %add3A_165 : i32 to index
      %get3A_167 = arith.constant 16 : index
      %get3A_168 = tpu.vector_load %arg7[%get3A_166, %get3A_167] {strides = array<i32>} : memref<640x128xf32, #tpu.memory_space<vmem>>, vector<16xf32>,
      %add3A_169 = arith.addf %add3A_163, %get3A_168 : vector<16xf32>
      %add3A_170 = arith.constant 240 : i32
      %add3A_171 = arith.addi %add3A_170, %add3A_42 : i32
      %get3A_172 = arith.index_cast %add3A_171 : i32 to index
      %get3A_173 = arith.constant 16 : index
      %get3A_174 = tpu.vector_load %arg7[%get3A_172, %get3A_173] {strides = array<i32>} : memref<640x128xf32, #tpu.memory_space<vmem>>, vector<16xf32>,
      %add3A_175 = arith.addf %add3A_169, %get3A_174 : vector<16xf32>
      %add3A_176 = arith.constant 280 : i32
      %add3A_177 = arith.addi %add3A_176, %add3A_42 : i32
      %get3A_178 = arith.index_cast %add3A_177 : i32 to index
      %get3A_179 = arith.constant 16 : index
      %get3A_180 = tpu.vector_load %arg7[%get3A_178, %get3A_179] {strides = array<i32>} : memref<640x128xf32, #tpu.memory_space<vmem>>, vector<16xf32>,
      %add3A_181 = arith.addf %add3A_175, %get3A_180 : vector<16xf32>
      %add3A_182 = arith.constant 320 : i32
      %add3A_183 = arith.addi %add3A_182, %add3A_42 : i32
      %get3A_184 = arith.index_cast %add3A_183 : i32 to index
      %get3A_185 = arith.constant 16 : index
      %get3A_186 = tpu.vector_load %arg7[%get3A_184, %get3A_185] {strides = array<i32>} : memref<640x128xf32, #tpu.memory_space<vmem>>, vector<16xf32>,
      %add3A_187 = arith.addf %add3A_181, %get3A_186 : vector<16xf32>
      %add3A_188 = arith.constant 360 : i32
      %add3A_189 = arith.addi %add3A_188, %add3A_42 : i32
      %get3A_190 = arith.index_cast %add3A_189 : i32 to index
      %get3A_191 = arith.constant 16 : index
      %get3A_192 = tpu.vector_load %arg7[%get3A_190, %get3A_191] {strides = array<i32>} : memref<640x128xf32, #tpu.memory_space<vmem>>, vector<16xf32>,
      %add3A_193 = arith.addf %add3A_187, %get3A_192 : vector<16xf32>
      %add3A_194 = arith.constant 400 : i32
      %add3A_195 = arith.addi %add3A_194, %add3A_42 : i32
      %get3A_196 = arith.index_cast %add3A_195 : i32 to index
      %get3A_197 = arith.constant 16 : index
      %get3A_198 = tpu.vector_load %arg7[%get3A_196, %get3A_197] {strides = array<i32>} : memref<640x128xf32, #tpu.memory_space<vmem>>, vector<16xf32>,
      %add3A_199 = arith.addf %add3A_193, %get3A_198 : vector<16xf32>
      %add3A_200 = arith.constant 440 : i32
      %add3A_201 = arith.addi %add3A_200, %add3A_42 : i32
      %get3A_202 = arith.index_cast %add3A_201 : i32 to index
      %get3A_203 = arith.constant 16 : index
      %get3A_204 = tpu.vector_load %arg7[%get3A_202, %get3A_203] {strides = array<i32>} : memref<640x128xf32, #tpu.memory_space<vmem>>, vector<16xf32>,
      %add3A_205 = arith.addf %add3A_199, %get3A_204 : vector<16xf32>
      %add3A_206 = arith.constant 480 : i32
      %add3A_207 = arith.addi %add3A_206, %add3A_42 : i32
      %get3A_208 = arith.index_cast %add3A_207 : i32 to index
      %get3A_209 = arith.constant 16 : index
      %get3A_210 = tpu.vector_load %arg7[%get3A_208, %get3A_209] {strides = array<i32>} : memref<640x128xf32, #tpu.memory_space<vmem>>, vector<16xf32>,
      %add3A_211 = arith.addf %add3A_205, %get3A_210 : vector<16xf32>
      %add3A_212 = arith.constant 520 : i32
      %add3A_213 = arith.addi %add3A_212, %add3A_42 : i32
      %get3A_214 = arith.index_cast %add3A_213 : i32 to index
      %get3A_215 = arith.constant 16 : index
      %get3A_216 = tpu.vector_load %arg7[%get3A_214, %get3A_215] {strides = array<i32>} : memref<640x128xf32, #tpu.memory_space<vmem>>, vector<16xf32>,
      %add3A_217 = arith.addf %add3A_211, %get3A_216 : vector<16xf32>
      %add3A_218 = arith.constant 560 : i32
      %add3A_219 = arith.addi %add3A_218, %add3A_42 : i32
      %get3A_220 = arith.index_cast %add3A_219 : i32 to index
      %get3A_221 = arith.constant 16 : index
      %get3A_222 = tpu.vector_load %arg7[%get3A_220, %get3A_221] {strides = array<i32>} : memref<640x128xf32, #tpu.memory_space<vmem>>, vector<16xf32>,
      %add3A_223 = arith.addf %add3A_217, %get3A_222 : vector<16xf32>
      %add3A_224 = arith.constant 600 : i32
      %add3A_225 = arith.addi %add3A_224, %add3A_42 : i32
      %get3A_226 = arith.index_cast %add3A_225 : i32 to index
      %get3A_227 = arith.constant 16 : index
      %get3A_228 = tpu.vector_load %arg7[%get3A_226, %get3A_227] {strides = array<i32>} : memref<640x128xf32, #tpu.memory_space<vmem>>, vector<16xf32>,
      %add3A_229 = arith.addf %add3A_223, %get3A_228 : vector<16xf32>
      %swap3A_230 = arith.index_cast %add3A_42 : i32 to index
      %swap3A_231 = arith.constant 16 : index
      %swap3A_232 = tpu.vector_load %arg8[%swap3A_230, %swap3A_231] {strides = array<i32>} : memref<40x128xf32, #tpu.memory_space<vmem>>, vector<16xf32>,
      tpu.vector_store %arg8[%swap3A_230, %swap3A_231], %add3A_229 {strides = array<i32>} : memref<40x128xf32, #tpu.memory_space<vmem>>, vector<16xf32>,
      %get3A_233 = arith.index_cast %add3A_42 : i32 to index
      %get3A_234 = arith.constant 32 : index
      %get3A_235 = tpu.vector_load %arg7[%get3A_233, %get3A_234] {strides = array<i32>} : memref<640x128xf32, #tpu.memory_space<vmem>>, vector<16xf32>,
      %add3A_236 = arith.constant 40 : i32
      %add3A_237 = arith.addi %add3A_236, %add3A_42 : i32
      %get3A_238 = arith.index_cast %add3A_237 : i32 to index
      %get3A_239 = arith.constant 32 : index
      %get3A_240 = tpu.vector_load %arg7[%get3A_238, %get3A_239] {strides = array<i32>} : memref<640x128xf32, #tpu.memory_space<vmem>>, vector<16xf32>,
      %add3A_241 = arith.addf %get3A_235, %get3A_240 : vector<16xf32>
      %add3A_242 = arith.constant 80 : i32
      %add3A_243 = arith.addi %add3A_242, %add3A_42 : i32
      %get3A_244 = arith.index_cast %add3A_243 : i32 to index
      %get3A_245 = arith.constant 32 : index
      %get3A_246 = tpu.vector_load %arg7[%get3A_244, %get3A_245] {strides = array<i32>} : memref<640x128xf32, #tpu.memory_space<vmem>>, vector<16xf32>,
      %add3A_247 = arith.addf %add3A_241, %get3A_246 : vector<16xf32>
      %add3A_248 = arith.constant 120 : i32
      %add3A_249 = arith.addi %add3A_248, %add3A_42 : i32
      %get3A_250 = arith.index_cast %add3A_249 : i32 to index
      %get3A_251 = arith.constant 32 : index
      %get3A_252 = tpu.vector_load %arg7[%get3A_250, %get3A_251] {strides = array<i32>} : memref<640x128xf32, #tpu.memory_space<vmem>>, vector<16xf32>,
      %add3A_253 = arith.addf %add3A_247, %get3A_252 : vector<16xf32>
      %add3A_254 = arith.constant 160 : i32
      %add3A_255 = arith.addi %add3A_254, %add3A_42 : i32
      %get3A_256 = arith.index_cast %add3A_255 : i32 to index
      %get3A_257 = arith.constant 32 : index
      %get3A_258 = tpu.vector_load %arg7[%get3A_256, %get3A_257] {strides = array<i32>} : memref<640x128xf32, #tpu.memory_space<vmem>>, vector<16xf32>,
      %add3A_259 = arith.addf %add3A_253, %get3A_258 : vector<16xf32>
      %add3A_260 = arith.constant 200 : i32
      %add3A_261 = arith.addi %add3A_260, %add3A_42 : i32
      %get3A_262 = arith.index_cast %add3A_261 : i32 to index
      %get3A_263 = arith.constant 32 : index
      %get3A_264 = tpu.vector_load %arg7[%get3A_262, %get3A_263] {strides = array<i32>} : memref<640x128xf32, #tpu.memory_space<vmem>>, vector<16xf32>,
      %add3A_265 = arith.addf %add3A_259, %get3A_264 : vector<16xf32>
      %add3A_266 = arith.constant 240 : i32
      %add3A_267 = arith.addi %add3A_266, %add3A_42 : i32
      %get3A_268 = arith.index_cast %add3A_267 : i32 to index
      %get3A_269 = arith.constant 32 : index
      %get3A_270 = tpu.vector_load %arg7[%get3A_268, %get3A_269] {strides = array<i32>} : memref<640x128xf32, #tpu.memory_space<vmem>>, vector<16xf32>,
      %add3A_271 = arith.addf %add3A_265, %get3A_270 : vector<16xf32>
      %add3A_272 = arith.constant 280 : i32
      %add3A_273 = arith.addi %add3A_272, %add3A_42 : i32
      %get3A_274 = arith.index_cast %add3A_273 : i32 to index
      %get3A_275 = arith.constant 32 : index
      %get3A_276 = tpu.vector_load %arg7[%get3A_274, %get3A_275] {strides = array<i32>} : memref<640x128xf32, #tpu.memory_space<vmem>>, vector<16xf32>,
      %add3A_277 = arith.addf %add3A_271, %get3A_276 : vector<16xf32>
      %add3A_278 = arith.constant 320 : i32
      %add3A_279 = arith.addi %add3A_278, %add3A_42 : i32
      %get3A_280 = arith.index_cast %add3A_279 : i32 to index
      %get3A_281 = arith.constant 32 : index
      %get3A_282 = tpu.vector_load %arg7[%get3A_280, %get3A_281] {strides = array<i32>} : memref<640x128xf32, #tpu.memory_space<vmem>>, vector<16xf32>,
      %add3A_283 = arith.addf %add3A_277, %get3A_282 : vector<16xf32>
      %add3A_284 = arith.constant 360 : i32
      %add3A_285 = arith.addi %add3A_284, %add3A_42 : i32
      %get3A_286 = arith.index_cast %add3A_285 : i32 to index
      %get3A_287 = arith.constant 32 : index
      %get3A_288 = tpu.vector_load %arg7[%get3A_286, %get3A_287] {strides = array<i32>} : memref<640x128xf32, #tpu.memory_space<vmem>>, vector<16xf32>,
      %add3A_289 = arith.addf %add3A_283, %get3A_288 : vector<16xf32>
      %add3A_290 = arith.constant 400 : i32
      %add3A_291 = arith.addi %add3A_290, %add3A_42 : i32
      %get3A_292 = arith.index_cast %add3A_291 : i32 to index
      %get3A_293 = arith.constant 32 : index
      %get3A_294 = tpu.vector_load %arg7[%get3A_292, %get3A_293] {strides = array<i32>} : memref<640x128xf32, #tpu.memory_space<vmem>>, vector<16xf32>,
      %add3A_295 = arith.addf %add3A_289, %get3A_294 : vector<16xf32>
      %add3A_296 = arith.constant 440 : i32
      %add3A_297 = arith.addi %add3A_296, %add3A_42 : i32
      %get3A_298 = arith.index_cast %add3A_297 : i32 to index
      %get3A_299 = arith.constant 32 : index
      %get3A_300 = tpu.vector_load %arg7[%get3A_298, %get3A_299] {strides = array<i32>} : memref<640x128xf32, #tpu.memory_space<vmem>>, vector<16xf32>,
      %add3A_301 = arith.addf %add3A_295, %get3A_300 : vector<16xf32>
      %add3A_302 = arith.constant 480 : i32
      %add3A_303 = arith.addi %add3A_302, %add3A_42 : i32
      %get3A_304 = arith.index_cast %add3A_303 : i32 to index
      %get3A_305 = arith.constant 32 : index
      %get3A_306 = tpu.vector_load %arg7[%get3A_304, %get3A_305] {strides = array<i32>} : memref<640x128xf32, #tpu.memory_space<vmem>>, vector<16xf32>,
      %add3A_307 = arith.addf %add3A_301, %get3A_306 : vector<16xf32>
      %add3A_308 = arith.constant 520 : i32
      %add3A_309 = arith.addi %add3A_308, %add3A_42 : i32
      %get3A_310 = arith.index_cast %add3A_309 : i32 to index
      %get3A_311 = arith.constant 32 : index
      %get3A_312 = tpu.vector_load %arg7[%get3A_310, %get3A_311] {strides = array<i32>} : memref<640x128xf32, #tpu.memory_space<vmem>>, vector<16xf32>,
      %add3A_313 = arith.addf %add3A_307, %get3A_312 : vector<16xf32>
      %add3A_314 = arith.constant 560 : i32
      %add3A_315 = arith.addi %add3A_314, %add3A_42 : i32
      %get3A_316 = arith.index_cast %add3A_315 : i32 to index
      %get3A_317 = arith.constant 32 : index
      %get3A_318 = tpu.vector_load %arg7[%get3A_316, %get3A_317] {strides = array<i32>} : memref<640x128xf32, #tpu.memory_space<vmem>>, vector<16xf32>,
      %add3A_319 = arith.addf %add3A_313, %get3A_318 : vector<16xf32>
      %add3A_320 = arith.constant 600 : i32
      %add3A_321 = arith.addi %add3A_320, %add3A_42 : i32
      %get3A_322 = arith.index_cast %add3A_321 : i32 to index
      %get3A_323 = arith.constant 32 : index
      %get3A_324 = tpu.vector_load %arg7[%get3A_322, %get3A_323] {strides = array<i32>} : memref<640x128xf32, #tpu.memory_space<vmem>>, vector<16xf32>,
      %add3A_325 = arith.addf %add3A_319, %get3A_324 : vector<16xf32>
      %swap3A_326 = arith.index_cast %add3A_42 : i32 to index
      %swap3A_327 = arith.constant 32 : index
      %swap3A_328 = tpu.vector_load %arg8[%swap3A_326, %swap3A_327] {strides = array<i32>} : memref<40x128xf32, #tpu.memory_space<vmem>>, vector<16xf32>,
      tpu.vector_store %arg8[%swap3A_326, %swap3A_327], %add3A_325 {strides = array<i32>} : memref<40x128xf32, #tpu.memory_space<vmem>>, vector<16xf32>,
      %get3A_329 = arith.index_cast %add3A_42 : i32 to index
      %get3A_330 = arith.constant 48 : index
      %get3A_331 = tpu.vector_load %arg7[%get3A_329, %get3A_330] {strides = array<i32>} : memref<640x128xf32, #tpu.memory_space<vmem>>, vector<16xf32>,
      %add3A_332 = arith.constant 40 : i32
      %add3A_333 = arith.addi %add3A_332, %add3A_42 : i32
      %get3A_334 = arith.index_cast %add3A_333 : i32 to index
      %get3A_335 = arith.constant 48 : index
      %get3A_336 = tpu.vector_load %arg7[%get3A_334, %get3A_335] {strides = array<i32>} : memref<640x128xf32, #tpu.memory_space<vmem>>, vector<16xf32>,
      %add3A_337 = arith.addf %get3A_331, %get3A_336 : vector<16xf32>
      %add3A_338 = arith.constant 80 : i32
      %add3A_339 = arith.addi %add3A_338, %add3A_42 : i32
      %get3A_340 = arith.index_cast %add3A_339 : i32 to index
      %get3A_341 = arith.constant 48 : index
      %get3A_342 = tpu.vector_load %arg7[%get3A_340, %get3A_341] {strides = array<i32>} : memref<640x128xf32, #tpu.memory_space<vmem>>, vector<16xf32>,
      %add3A_343 = arith.addf %add3A_337, %get3A_342 : vector<16xf32>
      %add3A_344 = arith.constant 120 : i32
      %add3A_345 = arith.addi %add3A_344, %add3A_42 : i32
      %get3A_346 = arith.index_cast %add3A_345 : i32 to index
      %get3A_347 = arith.constant 48 : index
      %get3A_348 = tpu.vector_load %arg7[%get3A_346, %get3A_347] {strides = array<i32>} : memref<640x128xf32, #tpu.memory_space<vmem>>, vector<16xf32>,
      %add3A_349 = arith.addf %add3A_343, %get3A_348 : vector<16xf32>
      %add3A_350 = arith.constant 160 : i32
      %add3A_351 = arith.addi %add3A_350, %add3A_42 : i32
      %get3A_352 = arith.index_cast %add3A_351 : i32 to index
      %get3A_353 = arith.constant 48 : index
      %get3A_354 = tpu.vector_load %arg7[%get3A_352, %get3A_353] {strides = array<i32>} : memref<640x128xf32, #tpu.memory_space<vmem>>, vector<16xf32>,
      %add3A_355 = arith.addf %add3A_349, %get3A_354 : vector<16xf32>
      %add3A_356 = arith.constant 200 : i32
      %add3A_357 = arith.addi %add3A_356, %add3A_42 : i32
      %get3A_358 = arith.index_cast %add3A_357 : i32 to index
      %get3A_359 = arith.constant 48 : index
      %get3A_360 = tpu.vector_load %arg7[%get3A_358, %get3A_359] {strides = array<i32>} : memref<640x128xf32, #tpu.memory_space<vmem>>, vector<16xf32>,
      %add3A_361 = arith.addf %add3A_355, %get3A_360 : vector<16xf32>
      %add3A_362 = arith.constant 240 : i32
      %add3A_363 = arith.addi %add3A_362, %add3A_42 : i32
      %get3A_364 = arith.index_cast %add3A_363 : i32 to index
      %get3A_365 = arith.constant 48 : index
      %get3A_366 = tpu.vector_load %arg7[%get3A_364, %get3A_365] {strides = array<i32>} : memref<640x128xf32, #tpu.memory_space<vmem>>, vector<16xf32>,
      %add3A_367 = arith.addf %add3A_361, %get3A_366 : vector<16xf32>
      %add3A_368 = arith.constant 280 : i32
      %add3A_369 = arith.addi %add3A_368, %add3A_42 : i32
      %get3A_370 = arith.index_cast %add3A_369 : i32 to index
      %get3A_371 = arith.constant 48 : index
      %get3A_372 = tpu.vector_load %arg7[%get3A_370, %get3A_371] {strides = array<i32>} : memref<640x128xf32, #tpu.memory_space<vmem>>, vector<16xf32>,
      %add3A_373 = arith.addf %add3A_367, %get3A_372 : vector<16xf32>
      %add3A_374 = arith.constant 320 : i32
      %add3A_375 = arith.addi %add3A_374, %add3A_42 : i32
      %get3A_376 = arith.index_cast %add3A_375 : i32 to index
      %get3A_377 = arith.constant 48 : index
      %get3A_378 = tpu.vector_load %arg7[%get3A_376, %get3A_377] {strides = array<i32>} : memref<640x128xf32, #tpu.memory_space<vmem>>, vector<16xf32>,
      %add3A_379 = arith.addf %add3A_373, %get3A_378 : vector<16xf32>
      %add3A_380 = arith.constant 360 : i32
      %add3A_381 = arith.addi %add3A_380, %add3A_42 : i32
      %get3A_382 = arith.index_cast %add3A_381 : i32 to index
      %get3A_383 = arith.constant 48 : index
      %get3A_384 = tpu.vector_load %arg7[%get3A_382, %get3A_383] {strides = array<i32>} : memref<640x128xf32, #tpu.memory_space<vmem>>, vector<16xf32>,
      %add3A_385 = arith.addf %add3A_379, %get3A_384 : vector<16xf32>
      %add3A_386 = arith.constant 400 : i32
      %add3A_387 = arith.addi %add3A_386, %add3A_42 : i32
      %get3A_388 = arith.index_cast %add3A_387 : i32 to index
      %get3A_389 = arith.constant 48 : index
      %get3A_390 = tpu.vector_load %arg7[%get3A_388, %get3A_389] {strides = array<i32>} : memref<640x128xf32, #tpu.memory_space<vmem>>, vector<16xf32>,
      %add3A_391 = arith.addf %add3A_385, %get3A_390 : vector<16xf32>
      %add3A_392 = arith.constant 440 : i32
      %add3A_393 = arith.addi %add3A_392, %add3A_42 : i32
      %get3A_394 = arith.index_cast %add3A_393 : i32 to index
      %get3A_395 = arith.constant 48 : index
      %get3A_396 = tpu.vector_load %arg7[%get3A_394, %get3A_395] {strides = array<i32>} : memref<640x128xf32, #tpu.memory_space<vmem>>, vector<16xf32>,
      %add3A_397 = arith.addf %add3A_391, %get3A_396 : vector<16xf32>
      %add3A_398 = arith.constant 480 : i32
      %add3A_399 = arith.addi %add3A_398, %add3A_42 : i32
      %get3A_400 = arith.index_cast %add3A_399 : i32 to index
      %get3A_401 = arith.constant 48 : index
      %get3A_402 = tpu.vector_load %arg7[%get3A_400, %get3A_401] {strides = array<i32>} : memref<640x128xf32, #tpu.memory_space<vmem>>, vector<16xf32>,
      %add3A_403 = arith.addf %add3A_397, %get3A_402 : vector<16xf32>
      %add3A_404 = arith.constant 520 : i32
      %add3A_405 = arith.addi %add3A_404, %add3A_42 : i32
      %get3A_406 = arith.index_cast %add3A_405 : i32 to index
      %get3A_407 = arith.constant 48 : index
      %get3A_408 = tpu.vector_load %arg7[%get3A_406, %get3A_407] {strides = array<i32>} : memref<640x128xf32, #tpu.memory_space<vmem>>, vector<16xf32>,
      %add3A_409 = arith.addf %add3A_403, %get3A_408 : vector<16xf32>
      %add3A_410 = arith.constant 560 : i32
      %add3A_411 = arith.addi %add3A_410, %add3A_42 : i32
      %get3A_412 = arith.index_cast %add3A_411 : i32 to index
      %get3A_413 = arith.constant 48 : index
      %get3A_414 = tpu.vector_load %arg7[%get3A_412, %get3A_413] {strides = array<i32>} : memref<640x128xf32, #tpu.memory_space<vmem>>, vector<16xf32>,
      %add3A_415 = arith.addf %add3A_409, %get3A_414 : vector<16xf32>
      %add3A_416 = arith.constant 600 : i32
      %add3A_417 = arith.addi %add3A_416, %add3A_42 : i32
      %get3A_418 = arith.index_cast %add3A_417 : i32 to index
      %get3A_419 = arith.constant 48 : index
      %get3A_420 = tpu.vector_load %arg7[%get3A_418, %get3A_419] {strides = array<i32>} : memref<640x128xf32, #tpu.memory_space<vmem>>, vector<16xf32>,
      %add3A_421 = arith.addf %add3A_415, %get3A_420 : vector<16xf32>
      %swap3A_422 = arith.index_cast %add3A_42 : i32 to index
      %swap3A_423 = arith.constant 48 : index
      %swap3A_424 = tpu.vector_load %arg8[%swap3A_422, %swap3A_423] {strides = array<i32>} : memref<40x128xf32, #tpu.memory_space<vmem>>, vector<16xf32>,
      tpu.vector_store %arg8[%swap3A_422, %swap3A_423], %add3A_421 {strides = array<i32>} : memref<40x128xf32, #tpu.memory_space<vmem>>, vector<16xf32>,
      %get3A_425 = arith.index_cast %add3A_42 : i32 to index
      %get3A_426 = arith.constant 64 : index
      %get3A_427 = tpu.vector_load %arg7[%get3A_425, %get3A_426] {strides = array<i32>} : memref<640x128xf32, #tpu.memory_space<vmem>>, vector<16xf32>,
      %add3A_428 = arith.constant 40 : i32
      %add3A_429 = arith.addi %add3A_428, %add3A_42 : i32
      %get3A_430 = arith.index_cast %add3A_429 : i32 to index
      %get3A_431 = arith.constant 64 : index
      %get3A_432 = tpu.vector_load %arg7[%get3A_430, %get3A_431] {strides = array<i32>} : memref<640x128xf32, #tpu.memory_space<vmem>>, vector<16xf32>,
      %add3A_433 = arith.addf %get3A_427, %get3A_432 : vector<16xf32>
      %add3A_434 = arith.constant 80 : i32
      %add3A_435 = arith.addi %add3A_434, %add3A_42 : i32
      %get3A_436 = arith.index_cast %add3A_435 : i32 to index
      %get3A_437 = arith.constant 64 : index
      %get3A_438 = tpu.vector_load %arg7[%get3A_436, %get3A_437] {strides = array<i32>} : memref<640x128xf32, #tpu.memory_space<vmem>>, vector<16xf32>,
      %add3A_439 = arith.addf %add3A_433, %get3A_438 : vector<16xf32>
      %add3A_440 = arith.constant 120 : i32
      %add3A_441 = arith.addi %add3A_440, %add3A_42 : i32
      %get3A_442 = arith.index_cast %add3A_441 : i32 to index
      %get3A_443 = arith.constant 64 : index
      %get3A_444 = tpu.vector_load %arg7[%get3A_442, %get3A_443] {strides = array<i32>} : memref<640x128xf32, #tpu.memory_space<vmem>>, vector<16xf32>,
      %add3A_445 = arith.addf %add3A_439, %get3A_444 : vector<16xf32>
      %add3A_446 = arith.constant 160 : i32
      %add3A_447 = arith.addi %add3A_446, %add3A_42 : i32
      %get3A_448 = arith.index_cast %add3A_447 : i32 to index
      %get3A_449 = arith.constant 64 : index
      %get3A_450 = tpu.vector_load %arg7[%get3A_448, %get3A_449] {strides = array<i32>} : memref<640x128xf32, #tpu.memory_space<vmem>>, vector<16xf32>,
      %add3A_451 = arith.addf %add3A_445, %get3A_450 : vector<16xf32>
      %add3A_452 = arith.constant 200 : i32
      %add3A_453 = arith.addi %add3A_452, %add3A_42 : i32
      %get3A_454 = arith.index_cast %add3A_453 : i32 to index
      %get3A_455 = arith.constant 64 : index
      %get3A_456 = tpu.vector_load %arg7[%get3A_454, %get3A_455] {strides = array<i32>} : memref<640x128xf32, #tpu.memory_space<vmem>>, vector<16xf32>,
      %add3A_457 = arith.addf %add3A_451, %get3A_456 : vector<16xf32>
      %add3A_458 = arith.constant 240 : i32
      %add3A_459 = arith.addi %add3A_458, %add3A_42 : i32
      %get3A_460 = arith.index_cast %add3A_459 : i32 to index
      %get3A_461 = arith.constant 64 : index
      %get3A_462 = tpu.vector_load %arg7[%get3A_460, %get3A_461] {strides = array<i32>} : memref<640x128xf32, #tpu.memory_space<vmem>>, vector<16xf32>,
      %add3A_463 = arith.addf %add3A_457, %get3A_462 : vector<16xf32>
      %add3A_464 = arith.constant 280 : i32
      %add3A_465 = arith.addi %add3A_464, %add3A_42 : i32
      %get3A_466 = arith.index_cast %add3A_465 : i32 to index
      %get3A_467 = arith.constant 64 : index
      %get3A_468 = tpu.vector_load %arg7[%get3A_466, %get3A_467] {strides = array<i32>} : memref<640x128xf32, #tpu.memory_space<vmem>>, vector<16xf32>,
      %add3A_469 = arith.addf %add3A_463, %get3A_468 : vector<16xf32>
      %add3A_470 = arith.constant 320 : i32
      %add3A_471 = arith.addi %add3A_470, %add3A_42 : i32
      %get3A_472 = arith.index_cast %add3A_471 : i32 to index
      %get3A_473 = arith.constant 64 : index
      %get3A_474 = tpu.vector_load %arg7[%get3A_472, %get3A_473] {strides = array<i32>} : memref<640x128xf32, #tpu.memory_space<vmem>>, vector<16xf32>,
      %add3A_475 = arith.addf %add3A_469, %get3A_474 : vector<16xf32>
      %add3A_476 = arith.constant 360 : i32
      %add3A_477 = arith.addi %add3A_476, %add3A_42 : i32
      %get3A_478 = arith.index_cast %add3A_477 : i32 to index
      %get3A_479 = arith.constant 64 : index
      %get3A_480 = tpu.vector_load %arg7[%get3A_478, %get3A_479] {strides = array<i32>} : memref<640x128xf32, #tpu.memory_space<vmem>>, vector<16xf32>,
      %add3A_481 = arith.addf %add3A_475, %get3A_480 : vector<16xf32>
      %add3A_482 = arith.constant 400 : i32
      %add3A_483 = arith.addi %add3A_482, %add3A_42 : i32
      %get3A_484 = arith.index_cast %add3A_483 : i32 to index
      %get3A_485 = arith.constant 64 : index
      %get3A_486 = tpu.vector_load %arg7[%get3A_484, %get3A_485] {strides = array<i32>} : memref<640x128xf32, #tpu.memory_space<vmem>>, vector<16xf32>,
      %add3A_487 = arith.addf %add3A_481, %get3A_486 : vector<16xf32>
      %add3A_488 = arith.constant 440 : i32
      %add3A_489 = arith.addi %add3A_488, %add3A_42 : i32
      %get3A_490 = arith.index_cast %add3A_489 : i32 to index
      %get3A_491 = arith.constant 64 : index
      %get3A_492 = tpu.vector_load %arg7[%get3A_490, %get3A_491] {strides = array<i32>} : memref<640x128xf32, #tpu.memory_space<vmem>>, vector<16xf32>,
      %add3A_493 = arith.addf %add3A_487, %get3A_492 : vector<16xf32>
      %add3A_494 = arith.constant 480 : i32
      %add3A_495 = arith.addi %add3A_494, %add3A_42 : i32
      %get3A_496 = arith.index_cast %add3A_495 : i32 to index
      %get3A_497 = arith.constant 64 : index
      %get3A_498 = tpu.vector_load %arg7[%get3A_496, %get3A_497] {strides = array<i32>} : memref<640x128xf32, #tpu.memory_space<vmem>>, vector<16xf32>,
      %add3A_499 = arith.addf %add3A_493, %get3A_498 : vector<16xf32>
      %add3A_500 = arith.constant 520 : i32
      %add3A_501 = arith.addi %add3A_500, %add3A_42 : i32
      %get3A_502 = arith.index_cast %add3A_501 : i32 to index
      %get3A_503 = arith.constant 64 : index
      %get3A_504 = tpu.vector_load %arg7[%get3A_502, %get3A_503] {strides = array<i32>} : memref<640x128xf32, #tpu.memory_space<vmem>>, vector<16xf32>,
      %add3A_505 = arith.addf %add3A_499, %get3A_504 : vector<16xf32>
      %add3A_506 = arith.constant 560 : i32
      %add3A_507 = arith.addi %add3A_506, %add3A_42 : i32
      %get3A_508 = arith.index_cast %add3A_507 : i32 to index
      %get3A_509 = arith.constant 64 : index
      %get3A_510 = tpu.vector_load %arg7[%get3A_508, %get3A_509] {strides = array<i32>} : memref<640x128xf32, #tpu.memory_space<vmem>>, vector<16xf32>,
      %add3A_511 = arith.addf %add3A_505, %get3A_510 : vector<16xf32>
      %add3A_512 = arith.constant 600 : i32
      %add3A_513 = arith.addi %add3A_512, %add3A_42 : i32
      %get3A_514 = arith.index_cast %add3A_513 : i32 to index
      %get3A_515 = arith.constant 64 : index
      %get3A_516 = tpu.vector_load %arg7[%get3A_514, %get3A_515] {strides = array<i32>} : memref<640x128xf32, #tpu.memory_space<vmem>>, vector<16xf32>,
      %add3A_517 = arith.addf %add3A_511, %get3A_516 : vector<16xf32>
      %swap3A_518 = arith.index_cast %add3A_42 : i32 to index
      %swap3A_519 = arith.constant 64 : index
      %swap3A_520 = tpu.vector_load %arg8[%swap3A_518, %swap3A_519] {strides = array<i32>} : memref<40x128xf32, #tpu.memory_space<vmem>>, vector<16xf32>,
      tpu.vector_store %arg8[%swap3A_518, %swap3A_519], %add3A_517 {strides = array<i32>} : memref<40x128xf32, #tpu.memory_space<vmem>>, vector<16xf32>,
      %get3A_521 = arith.index_cast %add3A_42 : i32 to index
      %get3A_522 = arith.constant 80 : index
      %get3A_523 = tpu.vector_load %arg7[%get3A_521, %get3A_522] {strides = array<i32>} : memref<640x128xf32, #tpu.memory_space<vmem>>, vector<16xf32>,
      %add3A_524 = arith.constant 40 : i32
      %add3A_525 = arith.addi %add3A_524, %add3A_42 : i32
      %get3A_526 = arith.index_cast %add3A_525 : i32 to index
      %get3A_527 = arith.constant 80 : index
      %get3A_528 = tpu.vector_load %arg7[%get3A_526, %get3A_527] {strides = array<i32>} : memref<640x128xf32, #tpu.memory_space<vmem>>, vector<16xf32>,
      %add3A_529 = arith.addf %get3A_523, %get3A_528 : vector<16xf32>
      %add3A_530 = arith.constant 80 : i32
      %add3A_531 = arith.addi %add3A_530, %add3A_42 : i32
      %get3A_532 = arith.index_cast %add3A_531 : i32 to index
      %get3A_533 = arith.constant 80 : index
      %get3A_534 = tpu.vector_load %arg7[%get3A_532, %get3A_533] {strides = array<i32>} : memref<640x128xf32, #tpu.memory_space<vmem>>, vector<16xf32>,
      %add3A_535 = arith.addf %add3A_529, %get3A_534 : vector<16xf32>
      %add3A_536 = arith.constant 120 : i32
      %add3A_537 = arith.addi %add3A_536, %add3A_42 : i32
      %get3A_538 = arith.index_cast %add3A_537 : i32 to index
      %get3A_539 = arith.constant 80 : index
      %get3A_540 = tpu.vector_load %arg7[%get3A_538, %get3A_539] {strides = array<i32>} : memref<640x128xf32, #tpu.memory_space<vmem>>, vector<16xf32>,
      %add3A_541 = arith.addf %add3A_535, %get3A_540 : vector<16xf32>
      %add3A_542 = arith.constant 160 : i32
      %add3A_543 = arith.addi %add3A_542, %add3A_42 : i32
      %get3A_544 = arith.index_cast %add3A_543 : i32 to index
      %get3A_545 = arith.constant 80 : index
      %get3A_546 = tpu.vector_load %arg7[%get3A_544, %get3A_545] {strides = array<i32>} : memref<640x128xf32, #tpu.memory_space<vmem>>, vector<16xf32>,
      %add3A_547 = arith.addf %add3A_541, %get3A_546 : vector<16xf32>
      %add3A_548 = arith.constant 200 : i32
      %add3A_549 = arith.addi %add3A_548, %add3A_42 : i32
      %get3A_550 = arith.index_cast %add3A_549 : i32 to index
      %get3A_551 = arith.constant 80 : index
      %get3A_552 = tpu.vector_load %arg7[%get3A_550, %get3A_551] {strides = array<i32>} : memref<640x128xf32, #tpu.memory_space<vmem>>, vector<16xf32>,
      %add3A_553 = arith.addf %add3A_547, %get3A_552 : vector<16xf32>
      %add3A_554 = arith.constant 240 : i32
      %add3A_555 = arith.addi %add3A_554, %add3A_42 : i32
      %get3A_556 = arith.index_cast %add3A_555 : i32 to index
      %get3A_557 = arith.constant 80 : index
      %get3A_558 = tpu.vector_load %arg7[%get3A_556, %get3A_557] {strides = array<i32>} : memref<640x128xf32, #tpu.memory_space<vmem>>, vector<16xf32>,
      %add3A_559 = arith.addf %add3A_553, %get3A_558 : vector<16xf32>
      %add3A_560 = arith.constant 280 : i32
      %add3A_561 = arith.addi %add3A_560, %add3A_42 : i32
      %get3A_562 = arith.index_cast %add3A_561 : i32 to index
      %get3A_563 = arith.constant 80 : index
      %get3A_564 = tpu.vector_load %arg7[%get3A_562, %get3A_563] {strides = array<i32>} : memref<640x128xf32, #tpu.memory_space<vmem>>, vector<16xf32>,
      %add3A_565 = arith.addf %add3A_559, %get3A_564 : vector<16xf32>
      %add3A_566 = arith.constant 320 : i32
      %add3A_567 = arith.addi %add3A_566, %add3A_42 : i32
      %get3A_568 = arith.index_cast %add3A_567 : i32 to index
      %get3A_569 = arith.constant 80 : index
      %get3A_570 = tpu.vector_load %arg7[%get3A_568, %get3A_569] {strides = array<i32>} : memref<640x128xf32, #tpu.memory_space<vmem>>, vector<16xf32>,
      %add3A_571 = arith.addf %add3A_565, %get3A_570 : vector<16xf32>
      %add3A_572 = arith.constant 360 : i32
      %add3A_573 = arith.addi %add3A_572, %add3A_42 : i32
      %get3A_574 = arith.index_cast %add3A_573 : i32 to index
      %get3A_575 = arith.constant 80 : index
      %get3A_576 = tpu.vector_load %arg7[%get3A_574, %get3A_575] {strides = array<i32>} : memref<640x128xf32, #tpu.memory_space<vmem>>, vector<16xf32>,
      %add3A_577 = arith.addf %add3A_571, %get3A_576 : vector<16xf32>
      %add3A_578 = arith.constant 400 : i32
      %add3A_579 = arith.addi %add3A_578, %add3A_42 : i32
      %get3A_580 = arith.index_cast %add3A_579 : i32 to index
      %get3A_581 = arith.constant 80 : index
      %get3A_582 = tpu.vector_load %arg7[%get3A_580, %get3A_581] {strides = array<i32>} : memref<640x128xf32, #tpu.memory_space<vmem>>, vector<16xf32>,
      %add3A_583 = arith.addf %add3A_577, %get3A_582 : vector<16xf32>
      %add3A_584 = arith.constant 440 : i32
      %add3A_585 = arith.addi %add3A_584, %add3A_42 : i32
      %get3A_586 = arith.index_cast %add3A_585 : i32 to index
      %get3A_587 = arith.constant 80 : index
      %get3A_588 = tpu.vector_load %arg7[%get3A_586, %get3A_587] {strides = array<i32>} : memref<640x128xf32, #tpu.memory_space<vmem>>, vector<16xf32>,
      %add3A_589 = arith.addf %add3A_583, %get3A_588 : vector<16xf32>
      %add3A_590 = arith.constant 480 : i32
      %add3A_591 = arith.addi %add3A_590, %add3A_42 : i32
      %get3A_592 = arith.index_cast %add3A_591 : i32 to index
      %get3A_593 = arith.constant 80 : index
      %get3A_594 = tpu.vector_load %arg7[%get3A_592, %get3A_593] {strides = array<i32>} : memref<640x128xf32, #tpu.memory_space<vmem>>, vector<16xf32>,
      %add3A_595 = arith.addf %add3A_589, %get3A_594 : vector<16xf32>
      %add3A_596 = arith.constant 520 : i32
      %add3A_597 = arith.addi %add3A_596, %add3A_42 : i32
      %get3A_598 = arith.index_cast %add3A_597 : i32 to index
      %get3A_599 = arith.constant 80 : index
      %get3A_600 = tpu.vector_load %arg7[%get3A_598, %get3A_599] {strides = array<i32>} : memref<640x128xf32, #tpu.memory_space<vmem>>, vector<16xf32>,
      %add3A_601 = arith.addf %add3A_595, %get3A_600 : vector<16xf32>
      %add3A_602 = arith.constant 560 : i32
      %add3A_603 = arith.addi %add3A_602, %add3A_42 : i32
      %get3A_604 = arith.index_cast %add3A_603 : i32 to index
      %get3A_605 = arith.constant 80 : index
      %get3A_606 = tpu.vector_load %arg7[%get3A_604, %get3A_605] {strides = array<i32>} : memref<640x128xf32, #tpu.memory_space<vmem>>, vector<16xf32>,
      %add3A_607 = arith.addf %add3A_601, %get3A_606 : vector<16xf32>
      %add3A_608 = arith.constant 600 : i32
      %add3A_609 = arith.addi %add3A_608, %add3A_42 : i32
      %get3A_610 = arith.index_cast %add3A_609 : i32 to index
      %get3A_611 = arith.constant 80 : index
      %get3A_612 = tpu.vector_load %arg7[%get3A_610, %get3A_611] {strides = array<i32>} : memref<640x128xf32, #tpu.memory_space<vmem>>, vector<16xf32>,
      %add3A_613 = arith.addf %add3A_607, %get3A_612 : vector<16xf32>
      %swap3A_614 = arith.index_cast %add3A_42 : i32 to index
      %swap3A_615 = arith.constant 80 : index
      %swap3A_616 = tpu.vector_load %arg8[%swap3A_614, %swap3A_615] {strides = array<i32>} : memref<40x128xf32, #tpu.memory_space<vmem>>, vector<16xf32>,
      tpu.vector_store %arg8[%swap3A_614, %swap3A_615], %add3A_613 {strides = array<i32>} : memref<40x128xf32, #tpu.memory_space<vmem>>, vector<16xf32>,
      %get3A_617 = arith.index_cast %add3A_42 : i32 to index
      %get3A_618 = arith.constant 96 : index
      %get3A_619 = tpu.vector_load %arg7[%get3A_617, %get3A_618] {strides = array<i32>} : memref<640x128xf32, #tpu.memory_space<vmem>>, vector<16xf32>,
      %add3A_620 = arith.constant 40 : i32
      %add3A_621 = arith.addi %add3A_620, %add3A_42 : i32
      %get3A_622 = arith.index_cast %add3A_621 : i32 to index
      %get3A_623 = arith.constant 96 : index
      %get3A_624 = tpu.vector_load %arg7[%get3A_622, %get3A_623] {strides = array<i32>} : memref<640x128xf32, #tpu.memory_space<vmem>>, vector<16xf32>,
      %add3A_625 = arith.addf %get3A_619, %get3A_624 : vector<16xf32>
      %add3A_626 = arith.constant 80 : i32
      %add3A_627 = arith.addi %add3A_626, %add3A_42 : i32
      %get3A_628 = arith.index_cast %add3A_627 : i32 to index
      %get3A_629 = arith.constant 96 : index
      %get3A_630 = tpu.vector_load %arg7[%get3A_628, %get3A_629] {strides = array<i32>} : memref<640x128xf32, #tpu.memory_space<vmem>>, vector<16xf32>,
      %add3A_631 = arith.addf %add3A_625, %get3A_630 : vector<16xf32>
      %add3A_632 = arith.constant 120 : i32
      %add3A_633 = arith.addi %add3A_632, %add3A_42 : i32
      %get3A_634 = arith.index_cast %add3A_633 : i32 to index
      %get3A_635 = arith.constant 96 : index
      %get3A_636 = tpu.vector_load %arg7[%get3A_634, %get3A_635] {strides = array<i32>} : memref<640x128xf32, #tpu.memory_space<vmem>>, vector<16xf32>,
      %add3A_637 = arith.addf %add3A_631, %get3A_636 : vector<16xf32>
      %add3A_638 = arith.constant 160 : i32
      %add3A_639 = arith.addi %add3A_638, %add3A_42 : i32
      %get3A_640 = arith.index_cast %add3A_639 : i32 to index
      %get3A_641 = arith.constant 96 : index
      %get3A_642 = tpu.vector_load %arg7[%get3A_640, %get3A_641] {strides = array<i32>} : memref<640x128xf32, #tpu.memory_space<vmem>>, vector<16xf32>,
      %add3A_643 = arith.addf %add3A_637, %get3A_642 : vector<16xf32>
      %add3A_644 = arith.constant 200 : i32
      %add3A_645 = arith.addi %add3A_644, %add3A_42 : i32
      %get3A_646 = arith.index_cast %add3A_645 : i32 to index
      %get3A_647 = arith.constant 96 : index
      %get3A_648 = tpu.vector_load %arg7[%get3A_646, %get3A_647] {strides = array<i32>} : memref<640x128xf32, #tpu.memory_space<vmem>>, vector<16xf32>,
      %add3A_649 = arith.addf %add3A_643, %get3A_648 : vector<16xf32>
      %add3A_650 = arith.constant 240 : i32
      %add3A_651 = arith.addi %add3A_650, %add3A_42 : i32
      %get3A_652 = arith.index_cast %add3A_651 : i32 to index
      %get3A_653 = arith.constant 96 : index
      %get3A_654 = tpu.vector_load %arg7[%get3A_652, %get3A_653] {strides = array<i32>} : memref<640x128xf32, #tpu.memory_space<vmem>>, vector<16xf32>,
      %add3A_655 = arith.addf %add3A_649, %get3A_654 : vector<16xf32>
      %add3A_656 = arith.constant 280 : i32
      %add3A_657 = arith.addi %add3A_656, %add3A_42 : i32
      %get3A_658 = arith.index_cast %add3A_657 : i32 to index
      %get3A_659 = arith.constant 96 : index
      %get3A_660 = tpu.vector_load %arg7[%get3A_658, %get3A_659] {strides = array<i32>} : memref<640x128xf32, #tpu.memory_space<vmem>>, vector<16xf32>,
      %add3A_661 = arith.addf %add3A_655, %get3A_660 : vector<16xf32>
      %add3A_662 = arith.constant 320 : i32
      %add3A_663 = arith.addi %add3A_662, %add3A_42 : i32
      %get3A_664 = arith.index_cast %add3A_663 : i32 to index
      %get3A_665 = arith.constant 96 : index
      %get3A_666 = tpu.vector_load %arg7[%get3A_664, %get3A_665] {strides = array<i32>} : memref<640x128xf32, #tpu.memory_space<vmem>>, vector<16xf32>,
      %add3A_667 = arith.addf %add3A_661, %get3A_666 : vector<16xf32>
      %add3A_668 = arith.constant 360 : i32
      %add3A_669 = arith.addi %add3A_668, %add3A_42 : i32
      %get3A_670 = arith.index_cast %add3A_669 : i32 to index
      %get3A_671 = arith.constant 96 : index
      %get3A_672 = tpu.vector_load %arg7[%get3A_670, %get3A_671] {strides = array<i32>} : memref<640x128xf32, #tpu.memory_space<vmem>>, vector<16xf32>,
      %add3A_673 = arith.addf %add3A_667, %get3A_672 : vector<16xf32>
      %add3A_674 = arith.constant 400 : i32
      %add3A_675 = arith.addi %add3A_674, %add3A_42 : i32
      %get3A_676 = arith.index_cast %add3A_675 : i32 to index
      %get3A_677 = arith.constant 96 : index
      %get3A_678 = tpu.vector_load %arg7[%get3A_676, %get3A_677] {strides = array<i32>} : memref<640x128xf32, #tpu.memory_space<vmem>>, vector<16xf32>,
      %add3A_679 = arith.addf %add3A_673, %get3A_678 : vector<16xf32>
      %add3A_680 = arith.constant 440 : i32
      %add3A_681 = arith.addi %add3A_680, %add3A_42 : i32
      %get3A_682 = arith.index_cast %add3A_681 : i32 to index
      %get3A_683 = arith.constant 96 : index
      %get3A_684 = tpu.vector_load %arg7[%get3A_682, %get3A_683] {strides = array<i32>} : memref<640x128xf32, #tpu.memory_space<vmem>>, vector<16xf32>,
      %add3A_685 = arith.addf %add3A_679, %get3A_684 : vector<16xf32>
      %add3A_686 = arith.constant 480 : i32
      %add3A_687 = arith.addi %add3A_686, %add3A_42 : i32
      %get3A_688 = arith.index_cast %add3A_687 : i32 to index
      %get3A_689 = arith.constant 96 : index
      %get3A_690 = tpu.vector_load %arg7[%get3A_688, %get3A_689] {strides = array<i32>} : memref<640x128xf32, #tpu.memory_space<vmem>>, vector<16xf32>,
      %add3A_691 = arith.addf %add3A_685, %get3A_690 : vector<16xf32>
      %add3A_692 = arith.constant 520 : i32
      %add3A_693 = arith.addi %add3A_692, %add3A_42 : i32
      %get3A_694 = arith.index_cast %add3A_693 : i32 to index
      %get3A_695 = arith.constant 96 : index
      %get3A_696 = tpu.vector_load %arg7[%get3A_694, %get3A_695] {strides = array<i32>} : memref<640x128xf32, #tpu.memory_space<vmem>>, vector<16xf32>,
      %add3A_697 = arith.addf %add3A_691, %get3A_696 : vector<16xf32>
      %add3A_698 = arith.constant 560 : i32
      %add3A_699 = arith.addi %add3A_698, %add3A_42 : i32
      %get3A_700 = arith.index_cast %add3A_699 : i32 to index
      %get3A_701 = arith.constant 96 : index
      %get3A_702 = tpu.vector_load %arg7[%get3A_700, %get3A_701] {strides = array<i32>} : memref<640x128xf32, #tpu.memory_space<vmem>>, vector<16xf32>,
      %add3A_703 = arith.addf %add3A_697, %get3A_702 : vector<16xf32>
      %add3A_704 = arith.constant 600 : i32
      %add3A_705 = arith.addi %add3A_704, %add3A_42 : i32
      %get3A_706 = arith.index_cast %add3A_705 : i32 to index
      %get3A_707 = arith.constant 96 : index
      %get3A_708 = tpu.vector_load %arg7[%get3A_706, %get3A_707] {strides = array<i32>} : memref<640x128xf32, #tpu.memory_space<vmem>>, vector<16xf32>,
      %add3A_709 = arith.addf %add3A_703, %get3A_708 : vector<16xf32>
      %swap3A_710 = arith.index_cast %add3A_42 : i32 to index
      %swap3A_711 = arith.constant 96 : index
      %swap3A_712 = tpu.vector_load %arg8[%swap3A_710, %swap3A_711] {strides = array<i32>} : memref<40x128xf32, #tpu.memory_space<vmem>>, vector<16xf32>,
      tpu.vector_store %arg8[%swap3A_710, %swap3A_711], %add3A_709 {strides = array<i32>} : memref<40x128xf32, #tpu.memory_space<vmem>>, vector<16xf32>,
      %get3A_713 = arith.index_cast %add3A_42 : i32 to index
      %get3A_714 = arith.constant 112 : index
      %get3A_715 = tpu.vector_load %arg7[%get3A_713, %get3A_714] {strides = array<i32>} : memref<640x128xf32, #tpu.memory_space<vmem>>, vector<16xf32>,
      %add3A_716 = arith.constant 40 : i32
      %add3A_717 = arith.addi %add3A_716, %add3A_42 : i32
      %get3A_718 = arith.index_cast %add3A_717 : i32 to index
      %get3A_719 = arith.constant 112 : index
      %get3A_720 = tpu.vector_load %arg7[%get3A_718, %get3A_719] {strides = array<i32>} : memref<640x128xf32, #tpu.memory_space<vmem>>, vector<16xf32>,
      %add3A_721 = arith.addf %get3A_715, %get3A_720 : vector<16xf32>
      %add3A_722 = arith.constant 80 : i32
      %add3A_723 = arith.addi %add3A_722, %add3A_42 : i32
      %get3A_724 = arith.index_cast %add3A_723 : i32 to index
      %get3A_725 = arith.constant 112 : index
      %get3A_726 = tpu.vector_load %arg7[%get3A_724, %get3A_725] {strides = array<i32>} : memref<640x128xf32, #tpu.memory_space<vmem>>, vector<16xf32>,
      %add3A_727 = arith.addf %add3A_721, %get3A_726 : vector<16xf32>
      %add3A_728 = arith.constant 120 : i32
      %add3A_729 = arith.addi %add3A_728, %add3A_42 : i32
      %get3A_730 = arith.index_cast %add3A_729 : i32 to index
      %get3A_731 = arith.constant 112 : index
      %get3A_732 = tpu.vector_load %arg7[%get3A_730, %get3A_731] {strides = array<i32>} : memref<640x128xf32, #tpu.memory_space<vmem>>, vector<16xf32>,
      %add3A_733 = arith.addf %add3A_727, %get3A_732 : vector<16xf32>
      %add3A_734 = arith.constant 160 : i32
      %add3A_735 = arith.addi %add3A_734, %add3A_42 : i32
      %get3A_736 = arith.index_cast %add3A_735 : i32 to index
      %get3A_737 = arith.constant 112 : index
      %get3A_738 = tpu.vector_load %arg7[%get3A_736, %get3A_737] {strides = array<i32>} : memref<640x128xf32, #tpu.memory_space<vmem>>, vector<16xf32>,
      %add3A_739 = arith.addf %add3A_733, %get3A_738 : vector<16xf32>
      %add3A_740 = arith.constant 200 : i32
      %add3A_741 = arith.addi %add3A_740, %add3A_42 : i32
      %get3A_742 = arith.index_cast %add3A_741 : i32 to index
      %get3A_743 = arith.constant 112 : index
      %get3A_744 = tpu.vector_load %arg7[%get3A_742, %get3A_743] {strides = array<i32>} : memref<640x128xf32, #tpu.memory_space<vmem>>, vector<16xf32>,
      %add3A_745 = arith.addf %add3A_739, %get3A_744 : vector<16xf32>
      %add3A_746 = arith.constant 240 : i32
      %add3A_747 = arith.addi %add3A_746, %add3A_42 : i32
      %get3A_748 = arith.index_cast %add3A_747 : i32 to index
      %get3A_749 = arith.constant 112 : index
      %get3A_750 = tpu.vector_load %arg7[%get3A_748, %get3A_749] {strides = array<i32>} : memref<640x128xf32, #tpu.memory_space<vmem>>, vector<16xf32>,
      %add3A_751 = arith.addf %add3A_745, %get3A_750 : vector<16xf32>
      %add3A_752 = arith.constant 280 : i32
      %add3A_753 = arith.addi %add3A_752, %add3A_42 : i32
      %get3A_754 = arith.index_cast %add3A_753 : i32 to index
      %get3A_755 = arith.constant 112 : index
      %get3A_756 = tpu.vector_load %arg7[%get3A_754, %get3A_755] {strides = array<i32>} : memref<640x128xf32, #tpu.memory_space<vmem>>, vector<16xf32>,
      %add3A_757 = arith.addf %add3A_751, %get3A_756 : vector<16xf32>
      %add3A_758 = arith.constant 320 : i32
      %add3A_759 = arith.addi %add3A_758, %add3A_42 : i32
      %get3A_760 = arith.index_cast %add3A_759 : i32 to index
      %get3A_761 = arith.constant 112 : index
      %get3A_762 = tpu.vector_load %arg7[%get3A_760, %get3A_761] {strides = array<i32>} : memref<640x128xf32, #tpu.memory_space<vmem>>, vector<16xf32>,
      %add3A_763 = arith.addf %add3A_757, %get3A_762 : vector<16xf32>
      %add3A_764 = arith.constant 360 : i32
      %add3A_765 = arith.addi %add3A_764, %add3A_42 : i32
      %get3A_766 = arith.index_cast %add3A_765 : i32 to index
      %get3A_767 = arith.constant 112 : index
      %get3A_768 = tpu.vector_load %arg7[%get3A_766, %get3A_767] {strides = array<i32>} : memref<640x128xf32, #tpu.memory_space<vmem>>, vector<16xf32>,
      %add3A_769 = arith.addf %add3A_763, %get3A_768 : vector<16xf32>
      %add3A_770 = arith.constant 400 : i32
      %add3A_771 = arith.addi %add3A_770, %add3A_42 : i32
      %get3A_772 = arith.index_cast %add3A_771 : i32 to index
      %get3A_773 = arith.constant 112 : index
      %get3A_774 = tpu.vector_load %arg7[%get3A_772, %get3A_773] {strides = array<i32>} : memref<640x128xf32, #tpu.memory_space<vmem>>, vector<16xf32>,
      %add3A_775 = arith.addf %add3A_769, %get3A_774 : vector<16xf32>
      %add3A_776 = arith.constant 440 : i32
      %add3A_777 = arith.addi %add3A_776, %add3A_42 : i32
      %get3A_778 = arith.index_cast %add3A_777 : i32 to index
      %get3A_779 = arith.constant 112 : index
      %get3A_780 = tpu.vector_load %arg7[%get3A_778, %get3A_779] {strides = array<i32>} : memref<640x128xf32, #tpu.memory_space<vmem>>, vector<16xf32>,
      %add3A_781 = arith.addf %add3A_775, %get3A_780 : vector<16xf32>
      %add3A_782 = arith.constant 480 : i32
      %add3A_783 = arith.addi %add3A_782, %add3A_42 : i32
      %get3A_784 = arith.index_cast %add3A_783 : i32 to index
      %get3A_785 = arith.constant 112 : index
      %get3A_786 = tpu.vector_load %arg7[%get3A_784, %get3A_785] {strides = array<i32>} : memref<640x128xf32, #tpu.memory_space<vmem>>, vector<16xf32>,
      %add3A_787 = arith.addf %add3A_781, %get3A_786 : vector<16xf32>
      %add3A_788 = arith.constant 520 : i32
      %add3A_789 = arith.addi %add3A_788, %add3A_42 : i32
      %get3A_790 = arith.index_cast %add3A_789 : i32 to index
      %get3A_791 = arith.constant 112 : index
      %get3A_792 = tpu.vector_load %arg7[%get3A_790, %get3A_791] {strides = array<i32>} : memref<640x128xf32, #tpu.memory_space<vmem>>, vector<16xf32>,
      %add3A_793 = arith.addf %add3A_787, %get3A_792 : vector<16xf32>
      %add3A_794 = arith.constant 560 : i32
      %add3A_795 = arith.addi %add3A_794, %add3A_42 : i32
      %get3A_796 = arith.index_cast %add3A_795 : i32 to index
      %get3A_797 = arith.constant 112 : index
      %get3A_798 = tpu.vector_load %arg7[%get3A_796, %get3A_797] {strides = array<i32>} : memref<640x128xf32, #tpu.memory_space<vmem>>, vector<16xf32>,
      %add3A_799 = arith.addf %add3A_793, %get3A_798 : vector<16xf32>
      %add3A_800 = arith.constant 600 : i32
      %add3A_801 = arith.addi %add3A_800, %add3A_42 : i32
      %get3A_802 = arith.index_cast %add3A_801 : i32 to index
      %get3A_803 = arith.constant 112 : index
      %get3A_804 = tpu.vector_load %arg7[%get3A_802, %get3A_803] {strides = array<i32>} : memref<640x128xf32, #tpu.memory_space<vmem>>, vector<16xf32>,
      %add3A_805 = arith.addf %add3A_799, %get3A_804 : vector<16xf32>
      %swap3A_806 = arith.index_cast %add3A_42 : i32 to index
      %swap3A_807 = arith.constant 112 : index
      %swap3A_808 = tpu.vector_load %arg8[%swap3A_806, %swap3A_807] {strides = array<i32>} : memref<40x128xf32, #tpu.memory_space<vmem>>, vector<16xf32>,
      tpu.vector_store %arg8[%swap3A_806, %swap3A_807], %add3A_805 {strides = array<i32>} : memref<40x128xf32, #tpu.memory_space<vmem>>, vector<16xf32>,
    }
    %scan3A_33 = arith.constant 40 : i32
    %run_scoped3A_34 = arith.constant 1 : i32
    "tpu.region"() ({
      %run_scoped3A_40 = tpu.sem_alloc : memref<!tpu.dma_semaphore, #tpu.memory_space<semaphore_mem>>
      %dma_start3A = arith.constant 0 : i32
      %dma_start3A_41 = tpu.memref_slice %arg9[%run_scoped3A_34, %dma_start3A] : memref<2x40xi32, #tpu.memory_space<vmem>> -> memref<1x40xi32, #tpu.memory_space<vmem>>
      %dma_start3A_42 = tpu.memref_squeeze %dma_start3A_41 : memref<1x40xi32, #tpu.memory_space<vmem>> -> memref<40xi32, #tpu.memory_space<vmem>>
      %dma_start3A_43 = arith.constant 0 : i32
      %dma_start3A_44 = arith.constant 0 : i32
      %dma_start3A_45 = tpu.memref_slice %arg10[%dma_start3A_43, %dma_start3A_44] : memref<80x128xf32, #tpu.memory_space<vmem_shared>> -> memref<80x128xf32, #tpu.memory_space<vmem_shared>>
      tpu.enqueue_indirect_dma source(%arg8 : memref<40x128xf32, #tpu.memory_space<vmem>>) target(%dma_start3A_45 : memref<80x128xf32, #tpu.memory_space<vmem_shared>>) offsets(%dma_start3A_42 : memref<40xi32, #tpu.memory_space<vmem>>) semaphore(%run_scoped3A_40 : memref<!tpu.dma_semaphore, #tpu.memory_space<semaphore_mem>>) {add = true}
      %dma_wait3A = arith.constant 0 : i32
      %dma_wait3A_46 = tpu.memref_slice %arg9[%run_scoped3A_34, %dma_wait3A] : memref<2x40xi32, #tpu.memory_space<vmem>> -> memref<1x40xi32, #tpu.memory_space<vmem>>
      %dma_wait3A_47 = tpu.memref_squeeze %dma_wait3A_46 : memref<1x40xi32, #tpu.memory_space<vmem>> -> memref<40xi32, #tpu.memory_space<vmem>>
      %dma_wait3A_48 = arith.constant 0 : i32
      %dma_wait3A_49 = arith.constant 0 : i32
      %dma_wait3A_50 = tpu.memref_slice %arg10[%dma_wait3A_48, %dma_wait3A_49] : memref<80x128xf32, #tpu.memory_space<vmem_shared>> -> memref<80x128xf32, #tpu.memory_space<vmem_shared>>
      tpu.wait_indirect_dma semaphore(%run_scoped3A_40 : memref<!tpu.dma_semaphore, #tpu.memory_space<semaphore_mem>>) src(%arg8 : memref<40x128xf32, #tpu.memory_space<vmem>>) dst(%dma_wait3A_50 : memref<80x128xf32, #tpu.memory_space<vmem_shared>>)
      tpu.yield
    }) : () -> ()
    %barrier3A_35 = arith.constant 0 : index
    tpu.barrier barrier_id(%barrier3A_35)
    %lt3A = arith.constant 10 : i32
    %lt3A_36 = arith.cmpi slt, %arg1, %lt3A : i32
    %convert_element_type3A_37 = arith.extui %lt3A_36 : i1 to i32
    %cond3A_38 = arith.constant 0 : i32
    %cond3A_39 = arith.cmpi ne, %convert_element_type3A_37, %cond3A_38 : i32
    scf.if %cond3A_39 {
      %mul3A = arith.constant 8 : i32
      %mul3A_40 = arith.muli %arg1, %mul3A : i32
      %mul3A_41 = arith.constant 8 : i32
      %mul3A_42 = arith.muli %arg1, %mul3A_41 : i32
      "tpu.region"() ({
        %run_scoped3A_43 = tpu.sem_alloc : memref<!tpu.dma_semaphore, #tpu.memory_space<semaphore_mem>>
        %dma_start3A = arith.constant 0 : i32
        %dma_start3A_44 = tpu.memref_slice %arg5[%arg0, %mul3A_42, %dma_start3A] : memref<2x80x128xf32, #tpu.memory_space<hbm>> -> memref<1x8x128xf32, #tpu.memory_space<hbm>>
        %dma_start3A_45 = tpu.memref_squeeze %dma_start3A_44 : memref<1x8x128xf32, #tpu.memory_space<hbm>> -> memref<8x128xf32, #tpu.memory_space<hbm>>
        %dma_start3A_46 = arith.constant 0 : i32
        %dma_start3A_47 = tpu.memref_slice %arg10[%mul3A_40, %dma_start3A_46] : memref<80x128xf32, #tpu.memory_space<vmem_shared>> -> memref<8x128xf32, #tpu.memory_space<vmem_shared>>
        tpu.enqueue_dma source(%dma_start3A_47 : memref<8x128xf32, #tpu.memory_space<vmem_shared>>) target(%dma_start3A_45 : memref<8x128xf32, #tpu.memory_space<hbm>>) target_semaphore(%run_scoped3A_43 : memref<!tpu.dma_semaphore, #tpu.memory_space<semaphore_mem>>)
        %dma_wait3A = arith.constant 0 : i32
        %dma_wait3A_48 = tpu.memref_slice %arg5[%arg0, %mul3A_42, %dma_wait3A] : memref<2x80x128xf32, #tpu.memory_space<hbm>> -> memref<1x8x128xf32, #tpu.memory_space<hbm>>
        %dma_wait3A_49 = tpu.memref_squeeze %dma_wait3A_48 : memref<1x8x128xf32, #tpu.memory_space<hbm>> -> memref<8x128xf32, #tpu.memory_space<hbm>>
        %dma_wait3A_50 = arith.constant 0 : i32
        %dma_wait3A_51 = tpu.memref_slice %arg10[%mul3A_40, %dma_wait3A_50] : memref<80x128xf32, #tpu.memory_space<vmem_shared>> -> memref<8x128xf32, #tpu.memory_space<vmem_shared>>
        tpu.wait_dma2 semaphore(%run_scoped3A_43 : memref<!tpu.dma_semaphore, #tpu.memory_space<semaphore_mem>>) src(%dma_wait3A_51 : memref<8x128xf32, #tpu.memory_space<vmem_shared>>) dst(%dma_wait3A_49 : memref<8x128xf32, #tpu.memory_space<hbm>>)
        tpu.yield
      }) : () -> ()
    } else {
    }
    return
  }
}

#map = affine_map<(d0, d1) -> (0, 0)>
#map1 = affine_map<(d0, d1) -> (0, 0, 0)>
#map2 = affine_map<(d0, d1) -> (0, 0, 0, 0)>
module attributes {stable_mosaic.version = 14 : i64} {
  func.func @k(%arg0: i32, %arg1: i32, %arg2: memref<10000x128xf32, #tpu.memory_space<hbm>>, %arg3: memref<2x16x5600xi32, #tpu.memory_space<hbm>>, %arg4: memref<2x16x100x50xi32, #tpu.memory_space<hbm>>, %arg5: memref<1000x128xf32, #tpu.memory_space<hbm>>, %arg6: memref<2x10000x128xf32, #tpu.memory_space<hbm>>, %arg7: memref<5600xi32, #tpu.memory_space<vmem>>, %arg8: memref<100x50xi32, #tpu.memory_space<vmem>>, %arg9: memref<50x128xf32, #tpu.memory_space<vmem>>, %arg10: memref<50x128xf32, #tpu.memory_space<vmem>>, %arg11: memref<50x128xf32, #tpu.memory_space<vmem>>, %arg12: memref<50x128xf32, #tpu.memory_space<vmem>>, %arg13: memref<10000x128xf32, #tpu.memory_space<vmem_shared>>, %arg14: memref<!tpu.dma_semaphore, #tpu.memory_space<semaphore_mem>>, %arg15: memref<!tpu.dma_semaphore, #tpu.memory_space<semaphore_mem>>, %arg16: memref<!tpu.dma_semaphore, #tpu.memory_space<semaphore_mem>>, %arg17: memref<!tpu.dma_semaphore, #tpu.memory_space<semaphore_mem>>, %arg18: memref<!tpu.dma_semaphore, #tpu.memory_space<semaphore_mem>>, %arg19: memref<!tpu.dma_semaphore, #tpu.memory_space<semaphore_mem>>, %arg20: memref<!tpu.dma_semaphore, #tpu.memory_space<semaphore_mem>>, %arg21: memref<!tpu.dma_semaphore, #tpu.memory_space<semaphore_mem>>) attributes {dimension_semantics = [#tpu.dimension_semantics<core_parallel>, #tpu.dimension_semantics<subcore_parallel>], iteration_bounds = array<i64: 2, 16>, scalar_prefetch = 0 : i64, scratch_operands = 15 : i64, tpu.core_type = #tpu.core_type<sc_vector_subcore>, window_params = [{transform_indices = #map}, {transform_indices = #map1}, {transform_indices = #map2}, {transform_indices = #map}, {transform_indices = #map1}]} {
    "tpu.region"() ({
      %run_scoped3A = tpu.sem_alloc : memref<!tpu.dma_semaphore, #tpu.memory_space<semaphore_mem>>
      %dma_start3A_35 = arith.constant 0 : i32
      %dma_start3A_36 = tpu.memref_slice %arg3[%arg0, %arg1, %dma_start3A_35] : memref<2x16x5600xi32, #tpu.memory_space<hbm>> -> memref<1x1x5600xi32, #tpu.memory_space<hbm>>
      %dma_start3A_37 = tpu.memref_squeeze %dma_start3A_36 : memref<1x1x5600xi32, #tpu.memory_space<hbm>> -> memref<5600xi32, #tpu.memory_space<hbm>>
      %dma_start3A_38 = arith.constant 0 : i32
      %dma_start3A_39 = tpu.memref_slice %arg3[%arg0, %arg1, %dma_start3A_38] : memref<2x16x5600xi32, #tpu.memory_space<hbm>> -> memref<1x1x5600xi32, #tpu.memory_space<hbm>>
      %dma_start3A_40 = tpu.memref_squeeze %dma_start3A_39 : memref<1x1x5600xi32, #tpu.memory_space<hbm>> -> memref<5600xi32, #tpu.memory_space<hbm>>
      tpu.enqueue_dma source(%dma_start3A_40 : memref<5600xi32, #tpu.memory_space<hbm>>) target(%arg7 : memref<5600xi32, #tpu.memory_space<vmem>>) target_semaphore(%run_scoped3A : memref<!tpu.dma_semaphore, #tpu.memory_space<semaphore_mem>>)
      %dma_wait3A = arith.constant 0 : i32
      %dma_wait3A_41 = tpu.memref_slice %arg3[%arg0, %arg1, %dma_wait3A] : memref<2x16x5600xi32, #tpu.memory_space<hbm>> -> memref<1x1x5600xi32, #tpu.memory_space<hbm>>
      %dma_wait3A_42 = tpu.memref_squeeze %dma_wait3A_41 : memref<1x1x5600xi32, #tpu.memory_space<hbm>> -> memref<5600xi32, #tpu.memory_space<hbm>>
      %dma_wait3A_43 = arith.constant 0 : i32
      %dma_wait3A_44 = tpu.memref_slice %arg3[%arg0, %arg1, %dma_wait3A_43] : memref<2x16x5600xi32, #tpu.memory_space<hbm>> -> memref<1x1x5600xi32, #tpu.memory_space<hbm>>
      %dma_wait3A_45 = tpu.memref_squeeze %dma_wait3A_44 : memref<1x1x5600xi32, #tpu.memory_space<hbm>> -> memref<5600xi32, #tpu.memory_space<hbm>>
      tpu.wait_dma2 semaphore(%run_scoped3A : memref<!tpu.dma_semaphore, #tpu.memory_space<semaphore_mem>>) src(%dma_wait3A_45 : memref<5600xi32, #tpu.memory_space<hbm>>) dst(%arg7 : memref<5600xi32, #tpu.memory_space<vmem>>)
      tpu.yield
    }) : () -> ()
    "tpu.region"() ({
      %run_scoped3A = tpu.sem_alloc : memref<!tpu.dma_semaphore, #tpu.memory_space<semaphore_mem>>
      %dma_start3A_35 = arith.constant 0 : i32
      %dma_start3A_36 = arith.constant 0 : i32
      %dma_start3A_37 = tpu.memref_slice %arg4[%arg0, %arg1, %dma_start3A_35, %dma_start3A_36] : memref<2x16x100x50xi32, #tpu.memory_space<hbm>> -> memref<1x1x100x50xi32, #tpu.memory_space<hbm>>
      %dma_start3A_38 = tpu.memref_squeeze %dma_start3A_37 : memref<1x1x100x50xi32, #tpu.memory_space<hbm>> -> memref<100x50xi32, #tpu.memory_space<hbm>>
      %dma_start3A_39 = arith.constant 0 : i32
      %dma_start3A_40 = arith.constant 0 : i32
      %dma_start3A_41 = tpu.memref_slice %arg4[%arg0, %arg1, %dma_start3A_39, %dma_start3A_40] : memref<2x16x100x50xi32, #tpu.memory_space<hbm>> -> memref<1x1x100x50xi32, #tpu.memory_space<hbm>>
      %dma_start3A_42 = tpu.memref_squeeze %dma_start3A_41 : memref<1x1x100x50xi32, #tpu.memory_space<hbm>> -> memref<100x50xi32, #tpu.memory_space<hbm>>
      tpu.enqueue_dma source(%dma_start3A_42 : memref<100x50xi32, #tpu.memory_space<hbm>>) target(%arg8 : memref<100x50xi32, #tpu.memory_space<vmem>>) target_semaphore(%run_scoped3A : memref<!tpu.dma_semaphore, #tpu.memory_space<semaphore_mem>>)
      %dma_wait3A = arith.constant 0 : i32
      %dma_wait3A_43 = arith.constant 0 : i32
      %dma_wait3A_44 = tpu.memref_slice %arg4[%arg0, %arg1, %dma_wait3A, %dma_wait3A_43] : memref<2x16x100x50xi32, #tpu.memory_space<hbm>> -> memref<1x1x100x50xi32, #tpu.memory_space<hbm>>
      %dma_wait3A_45 = tpu.memref_squeeze %dma_wait3A_44 : memref<1x1x100x50xi32, #tpu.memory_space<hbm>> -> memref<100x50xi32, #tpu.memory_space<hbm>>
      %dma_wait3A_46 = arith.constant 0 : i32
      %dma_wait3A_47 = arith.constant 0 : i32
      %dma_wait3A_48 = tpu.memref_slice %arg4[%arg0, %arg1, %dma_wait3A_46, %dma_wait3A_47] : memref<2x16x100x50xi32, #tpu.memory_space<hbm>> -> memref<1x1x100x50xi32, #tpu.memory_space<hbm>>
      %dma_wait3A_49 = tpu.memref_squeeze %dma_wait3A_48 : memref<1x1x100x50xi32, #tpu.memory_space<hbm>> -> memref<100x50xi32, #tpu.memory_space<hbm>>
      tpu.wait_dma2 semaphore(%run_scoped3A : memref<!tpu.dma_semaphore, #tpu.memory_space<semaphore_mem>>) src(%dma_wait3A_49 : memref<100x50xi32, #tpu.memory_space<hbm>>) dst(%arg8 : memref<100x50xi32, #tpu.memory_space<vmem>>)
      tpu.yield
    }) : () -> ()
    %mul3A = arith.constant 1000 : i32
    %mul3A_0 = arith.muli %arg1, %mul3A : i32
    %lt3A = arith.constant 10 : i32
    %lt3A_1 = arith.cmpi slt, %arg1, %lt3A : i32
    %convert_element_type3A = arith.extui %lt3A_1 : i1 to i32
    %cond3A = arith.constant 0 : i32
    %cond3A_2 = arith.cmpi ne, %convert_element_type3A, %cond3A : i32
    scf.if %cond3A_2 {
      "tpu.region"() ({
        %run_scoped3A = tpu.sem_alloc : memref<!tpu.dma_semaphore, #tpu.memory_space<semaphore_mem>>
        %dma_start3A_35 = arith.constant 0 : i32
        %dma_start3A_36 = tpu.memref_slice %arg13[%mul3A_0, %dma_start3A_35] : memref<10000x128xf32, #tpu.memory_space<vmem_shared>> -> memref<1000x128xf32, #tpu.memory_space<vmem_shared>>
        tpu.enqueue_dma source(%arg5 : memref<1000x128xf32, #tpu.memory_space<hbm>>) target(%dma_start3A_36 : memref<1000x128xf32, #tpu.memory_space<vmem_shared>>) target_semaphore(%run_scoped3A : memref<!tpu.dma_semaphore, #tpu.memory_space<semaphore_mem>>)
        %dma_wait3A = arith.constant 0 : i32
        %dma_wait3A_37 = tpu.memref_slice %arg13[%mul3A_0, %dma_wait3A] : memref<10000x128xf32, #tpu.memory_space<vmem_shared>> -> memref<1000x128xf32, #tpu.memory_space<vmem_shared>>
        tpu.wait_dma2 semaphore(%run_scoped3A : memref<!tpu.dma_semaphore, #tpu.memory_space<semaphore_mem>>) src(%arg5 : memref<1000x128xf32, #tpu.memory_space<hbm>>) dst(%dma_wait3A_37 : memref<1000x128xf32, #tpu.memory_space<vmem_shared>>)
        tpu.yield
      }) : () -> ()
    } else {
    }
    %barrier3A = arith.constant 0 : index
    tpu.barrier barrier_id(%barrier3A)
    %multiple_of3A = arith.constant 0 : i32
    %multiple_of3A_3 = tpu.assume_multiple %multiple_of3A, 8 : i32
    %dma_start3A = tpu.memref_slice %arg7[%multiple_of3A_3] : memref<5600xi32, #tpu.memory_space<vmem>> -> memref<50xi32, #tpu.memory_space<vmem>>
    %dma_start3A_4 = arith.constant 0 : i32
    %dma_start3A_5 = arith.constant 0 : i32
    %dma_start3A_6 = tpu.memref_slice %arg2[%dma_start3A_4, %dma_start3A_5] : memref<10000x128xf32, #tpu.memory_space<hbm>> -> memref<10000x128xf32, #tpu.memory_space<hbm>>
    tpu.enqueue_indirect_dma source(%dma_start3A_6 : memref<10000x128xf32, #tpu.memory_space<hbm>>) target(%arg9 : memref<50x128xf32, #tpu.memory_space<vmem>>) offsets(%dma_start3A : memref<50xi32, #tpu.memory_space<vmem>>) semaphore(%arg14 : memref<!tpu.dma_semaphore, #tpu.memory_space<semaphore_mem>>)
    %multiple_of3A_7 = arith.constant 56 : i32
    %multiple_of3A_8 = tpu.assume_multiple %multiple_of3A_7, 8 : i32
    %dma_start3A_9 = tpu.memref_slice %arg7[%multiple_of3A_8] : memref<5600xi32, #tpu.memory_space<vmem>> -> memref<50xi32, #tpu.memory_space<vmem>>
    %dma_start3A_10 = arith.constant 0 : i32
    %dma_start3A_11 = arith.constant 0 : i32
    %dma_start3A_12 = tpu.memref_slice %arg2[%dma_start3A_10, %dma_start3A_11] : memref<10000x128xf32, #tpu.memory_space<hbm>> -> memref<10000x128xf32, #tpu.memory_space<hbm>>
    tpu.enqueue_indirect_dma source(%dma_start3A_12 : memref<10000x128xf32, #tpu.memory_space<hbm>>) target(%arg10 : memref<50x128xf32, #tpu.memory_space<vmem>>) offsets(%dma_start3A_9 : memref<50xi32, #tpu.memory_space<vmem>>) semaphore(%arg15 : memref<!tpu.dma_semaphore, #tpu.memory_space<semaphore_mem>>)
    %multiple_of3A_13 = arith.constant 112 : i32
    %multiple_of3A_14 = tpu.assume_multiple %multiple_of3A_13, 8 : i32
    %dma_start3A_15 = tpu.memref_slice %arg7[%multiple_of3A_14] : memref<5600xi32, #tpu.memory_space<vmem>> -> memref<50xi32, #tpu.memory_space<vmem>>
    %dma_start3A_16 = arith.constant 0 : i32
    %dma_start3A_17 = arith.constant 0 : i32
    %dma_start3A_18 = tpu.memref_slice %arg2[%dma_start3A_16, %dma_start3A_17] : memref<10000x128xf32, #tpu.memory_space<hbm>> -> memref<10000x128xf32, #tpu.memory_space<hbm>>
    tpu.enqueue_indirect_dma source(%dma_start3A_18 : memref<10000x128xf32, #tpu.memory_space<hbm>>) target(%arg11 : memref<50x128xf32, #tpu.memory_space<vmem>>) offsets(%dma_start3A_15 : memref<50xi32, #tpu.memory_space<vmem>>) semaphore(%arg16 : memref<!tpu.dma_semaphore, #tpu.memory_space<semaphore_mem>>)
    %multiple_of3A_19 = arith.constant 168 : i32
    %multiple_of3A_20 = tpu.assume_multiple %multiple_of3A_19, 8 : i32
    %dma_start3A_21 = tpu.memref_slice %arg7[%multiple_of3A_20] : memref<5600xi32, #tpu.memory_space<vmem>> -> memref<50xi32, #tpu.memory_space<vmem>>
    %dma_start3A_22 = arith.constant 0 : i32
    %dma_start3A_23 = arith.constant 0 : i32
    %dma_start3A_24 = tpu.memref_slice %arg2[%dma_start3A_22, %dma_start3A_23] : memref<10000x128xf32, #tpu.memory_space<hbm>> -> memref<10000x128xf32, #tpu.memory_space<hbm>>
    tpu.enqueue_indirect_dma source(%dma_start3A_24 : memref<10000x128xf32, #tpu.memory_space<hbm>>) target(%arg12 : memref<50x128xf32, #tpu.memory_space<vmem>>) offsets(%dma_start3A_21 : memref<50xi32, #tpu.memory_space<vmem>>) semaphore(%arg17 : memref<!tpu.dma_semaphore, #tpu.memory_space<semaphore_mem>>)
    %scan3A = arith.constant 0 : i32
    %scan3A_25 = arith.constant 25 : i32
    %scan3A_26 = arith.addi %scan3A, %scan3A_25 : i32
    %scan3A_27 = arith.constant 1 : i32
    scf.for %scan3A_35 = %scan3A to %scan3A_26 step %scan3A_27  : i32 {
      %mul3A_36 = arith.constant 4 : i32
      %mul3A_37 = arith.muli %scan3A_35, %mul3A_36 : i32
      %add3A = arith.constant 0 : i32
      %add3A_38 = arith.addi %add3A, %mul3A_37 : i32
      %add3A_39 = arith.constant 0 : i32
      %add3A_40 = arith.addi %add3A_38, %add3A_39 : i32
      %mul3A_41 = arith.constant 56 : i32
      %mul3A_42 = arith.muli %add3A_40, %mul3A_41 : i32
      %multiple_of3A_43 = tpu.assume_multiple %mul3A_42, 8 : i32
      %dma_wait3A = tpu.memref_slice %arg7[%multiple_of3A_43] : memref<5600xi32, #tpu.memory_space<vmem>> -> memref<50xi32, #tpu.memory_space<vmem>>
      %dma_wait3A_44 = arith.constant 0 : i32
      %dma_wait3A_45 = arith.constant 0 : i32
      %dma_wait3A_46 = tpu.memref_slice %arg2[%dma_wait3A_44, %dma_wait3A_45] : memref<10000x128xf32, #tpu.memory_space<hbm>> -> memref<10000x128xf32, #tpu.memory_space<hbm>>
      tpu.wait_indirect_dma semaphore(%arg14 : memref<!tpu.dma_semaphore, #tpu.memory_space<semaphore_mem>>) src(%dma_wait3A_46 : memref<10000x128xf32, #tpu.memory_space<hbm>>) dst(%arg9 : memref<50x128xf32, #tpu.memory_space<vmem>>)
      %add3A_47 = arith.constant 0 : i32
      %add3A_48 = arith.addi %add3A_38, %add3A_47 : i32
      %dma_start3A_49 = arith.constant 0 : i32
      %dma_start3A_50 = tpu.memref_slice %arg8[%add3A_48, %dma_start3A_49] : memref<100x50xi32, #tpu.memory_space<vmem>> -> memref<1x50xi32, #tpu.memory_space<vmem>>
      %dma_start3A_51 = tpu.memref_squeeze %dma_start3A_50 : memref<1x50xi32, #tpu.memory_space<vmem>> -> memref<50xi32, #tpu.memory_space<vmem>>
      %dma_start3A_52 = arith.constant 0 : i32
      %dma_start3A_53 = arith.constant 0 : i32
      %dma_start3A_54 = tpu.memref_slice %arg13[%dma_start3A_52, %dma_start3A_53] : memref<10000x128xf32, #tpu.memory_space<vmem_shared>> -> memref<10000x128xf32, #tpu.memory_space<vmem_shared>>
      tpu.enqueue_indirect_dma source(%arg9 : memref<50x128xf32, #tpu.memory_space<vmem>>) target(%dma_start3A_54 : memref<10000x128xf32, #tpu.memory_space<vmem_shared>>) offsets(%dma_start3A_51 : memref<50xi32, #tpu.memory_space<vmem>>) semaphore(%arg18 : memref<!tpu.dma_semaphore, #tpu.memory_space<semaphore_mem>>) {add = true}
      %add3A_55 = arith.constant 1 : i32
      %add3A_56 = arith.addi %add3A_38, %add3A_55 : i32
      %mul3A_57 = arith.constant 56 : i32
      %mul3A_58 = arith.muli %add3A_56, %mul3A_57 : i32
      %multiple_of3A_59 = tpu.assume_multiple %mul3A_58, 8 : i32
      %dma_wait3A_60 = tpu.memref_slice %arg7[%multiple_of3A_59] : memref<5600xi32, #tpu.memory_space<vmem>> -> memref<50xi32, #tpu.memory_space<vmem>>
      %dma_wait3A_61 = arith.constant 0 : i32
      %dma_wait3A_62 = arith.constant 0 : i32
      %dma_wait3A_63 = tpu.memref_slice %arg2[%dma_wait3A_61, %dma_wait3A_62] : memref<10000x128xf32, #tpu.memory_space<hbm>> -> memref<10000x128xf32, #tpu.memory_space<hbm>>
      tpu.wait_indirect_dma semaphore(%arg15 : memref<!tpu.dma_semaphore, #tpu.memory_space<semaphore_mem>>) src(%dma_wait3A_63 : memref<10000x128xf32, #tpu.memory_space<hbm>>) dst(%arg10 : memref<50x128xf32, #tpu.memory_space<vmem>>)
      %add3A_64 = arith.constant 1 : i32
      %add3A_65 = arith.addi %add3A_38, %add3A_64 : i32
      %dma_start3A_66 = arith.constant 0 : i32
      %dma_start3A_67 = tpu.memref_slice %arg8[%add3A_65, %dma_start3A_66] : memref<100x50xi32, #tpu.memory_space<vmem>> -> memref<1x50xi32, #tpu.memory_space<vmem>>
      %dma_start3A_68 = tpu.memref_squeeze %dma_start3A_67 : memref<1x50xi32, #tpu.memory_space<vmem>> -> memref<50xi32, #tpu.memory_space<vmem>>
      %dma_start3A_69 = arith.constant 0 : i32
      %dma_start3A_70 = arith.constant 0 : i32
      %dma_start3A_71 = tpu.memref_slice %arg13[%dma_start3A_69, %dma_start3A_70] : memref<10000x128xf32, #tpu.memory_space<vmem_shared>> -> memref<10000x128xf32, #tpu.memory_space<vmem_shared>>
      tpu.enqueue_indirect_dma source(%arg10 : memref<50x128xf32, #tpu.memory_space<vmem>>) target(%dma_start3A_71 : memref<10000x128xf32, #tpu.memory_space<vmem_shared>>) offsets(%dma_start3A_68 : memref<50xi32, #tpu.memory_space<vmem>>) semaphore(%arg19 : memref<!tpu.dma_semaphore, #tpu.memory_space<semaphore_mem>>) {add = true}
      %add3A_72 = arith.constant 2 : i32
      %add3A_73 = arith.addi %add3A_38, %add3A_72 : i32
      %mul3A_74 = arith.constant 56 : i32
      %mul3A_75 = arith.muli %add3A_73, %mul3A_74 : i32
      %multiple_of3A_76 = tpu.assume_multiple %mul3A_75, 8 : i32
      %dma_wait3A_77 = tpu.memref_slice %arg7[%multiple_of3A_76] : memref<5600xi32, #tpu.memory_space<vmem>> -> memref<50xi32, #tpu.memory_space<vmem>>
      %dma_wait3A_78 = arith.constant 0 : i32
      %dma_wait3A_79 = arith.constant 0 : i32
      %dma_wait3A_80 = tpu.memref_slice %arg2[%dma_wait3A_78, %dma_wait3A_79] : memref<10000x128xf32, #tpu.memory_space<hbm>> -> memref<10000x128xf32, #tpu.memory_space<hbm>>
      tpu.wait_indirect_dma semaphore(%arg16 : memref<!tpu.dma_semaphore, #tpu.memory_space<semaphore_mem>>) src(%dma_wait3A_80 : memref<10000x128xf32, #tpu.memory_space<hbm>>) dst(%arg11 : memref<50x128xf32, #tpu.memory_space<vmem>>)
      %add3A_81 = arith.constant 2 : i32
      %add3A_82 = arith.addi %add3A_38, %add3A_81 : i32
      %dma_start3A_83 = arith.constant 0 : i32
      %dma_start3A_84 = tpu.memref_slice %arg8[%add3A_82, %dma_start3A_83] : memref<100x50xi32, #tpu.memory_space<vmem>> -> memref<1x50xi32, #tpu.memory_space<vmem>>
      %dma_start3A_85 = tpu.memref_squeeze %dma_start3A_84 : memref<1x50xi32, #tpu.memory_space<vmem>> -> memref<50xi32, #tpu.memory_space<vmem>>
      %dma_start3A_86 = arith.constant 0 : i32
      %dma_start3A_87 = arith.constant 0 : i32
      %dma_start3A_88 = tpu.memref_slice %arg13[%dma_start3A_86, %dma_start3A_87] : memref<10000x128xf32, #tpu.memory_space<vmem_shared>> -> memref<10000x128xf32, #tpu.memory_space<vmem_shared>>
      tpu.enqueue_indirect_dma source(%arg11 : memref<50x128xf32, #tpu.memory_space<vmem>>) target(%dma_start3A_88 : memref<10000x128xf32, #tpu.memory_space<vmem_shared>>) offsets(%dma_start3A_85 : memref<50xi32, #tpu.memory_space<vmem>>) semaphore(%arg20 : memref<!tpu.dma_semaphore, #tpu.memory_space<semaphore_mem>>) {add = true}
      %add3A_89 = arith.constant 3 : i32
      %add3A_90 = arith.addi %add3A_38, %add3A_89 : i32
      %mul3A_91 = arith.constant 56 : i32
      %mul3A_92 = arith.muli %add3A_90, %mul3A_91 : i32
      %multiple_of3A_93 = tpu.assume_multiple %mul3A_92, 8 : i32
      %dma_wait3A_94 = tpu.memref_slice %arg7[%multiple_of3A_93] : memref<5600xi32, #tpu.memory_space<vmem>> -> memref<50xi32, #tpu.memory_space<vmem>>
      %dma_wait3A_95 = arith.constant 0 : i32
      %dma_wait3A_96 = arith.constant 0 : i32
      %dma_wait3A_97 = tpu.memref_slice %arg2[%dma_wait3A_95, %dma_wait3A_96] : memref<10000x128xf32, #tpu.memory_space<hbm>> -> memref<10000x128xf32, #tpu.memory_space<hbm>>
      tpu.wait_indirect_dma semaphore(%arg17 : memref<!tpu.dma_semaphore, #tpu.memory_space<semaphore_mem>>) src(%dma_wait3A_97 : memref<10000x128xf32, #tpu.memory_space<hbm>>) dst(%arg12 : memref<50x128xf32, #tpu.memory_space<vmem>>)
      %add3A_98 = arith.constant 3 : i32
      %add3A_99 = arith.addi %add3A_38, %add3A_98 : i32
      %dma_start3A_100 = arith.constant 0 : i32
      %dma_start3A_101 = tpu.memref_slice %arg8[%add3A_99, %dma_start3A_100] : memref<100x50xi32, #tpu.memory_space<vmem>> -> memref<1x50xi32, #tpu.memory_space<vmem>>
      %dma_start3A_102 = tpu.memref_squeeze %dma_start3A_101 : memref<1x50xi32, #tpu.memory_space<vmem>> -> memref<50xi32, #tpu.memory_space<vmem>>
      %dma_start3A_103 = arith.constant 0 : i32
      %dma_start3A_104 = arith.constant 0 : i32
      %dma_start3A_105 = tpu.memref_slice %arg13[%dma_start3A_103, %dma_start3A_104] : memref<10000x128xf32, #tpu.memory_space<vmem_shared>> -> memref<10000x128xf32, #tpu.memory_space<vmem_shared>>
      tpu.enqueue_indirect_dma source(%arg12 : memref<50x128xf32, #tpu.memory_space<vmem>>) target(%dma_start3A_105 : memref<10000x128xf32, #tpu.memory_space<vmem_shared>>) offsets(%dma_start3A_102 : memref<50xi32, #tpu.memory_space<vmem>>) semaphore(%arg21 : memref<!tpu.dma_semaphore, #tpu.memory_space<semaphore_mem>>) {add = true}
      %add3A_106 = arith.constant 0 : i32
      %add3A_107 = arith.addi %add3A_38, %add3A_106 : i32
      %dma_wait3A_108 = arith.constant 0 : i32
      %dma_wait3A_109 = tpu.memref_slice %arg8[%add3A_107, %dma_wait3A_108] : memref<100x50xi32, #tpu.memory_space<vmem>> -> memref<1x50xi32, #tpu.memory_space<vmem>>
      %dma_wait3A_110 = tpu.memref_squeeze %dma_wait3A_109 : memref<1x50xi32, #tpu.memory_space<vmem>> -> memref<50xi32, #tpu.memory_space<vmem>>
      %dma_wait3A_111 = arith.constant 0 : i32
      %dma_wait3A_112 = arith.constant 0 : i32
      %dma_wait3A_113 = tpu.memref_slice %arg13[%dma_wait3A_111, %dma_wait3A_112] : memref<10000x128xf32, #tpu.memory_space<vmem_shared>> -> memref<10000x128xf32, #tpu.memory_space<vmem_shared>>
      tpu.wait_indirect_dma semaphore(%arg18 : memref<!tpu.dma_semaphore, #tpu.memory_space<semaphore_mem>>) src(%arg9 : memref<50x128xf32, #tpu.memory_space<vmem>>) dst(%dma_wait3A_113 : memref<10000x128xf32, #tpu.memory_space<vmem_shared>>)
      %add3A_114 = arith.constant 4 : i32
      %add3A_115 = arith.addi %add3A_38, %add3A_114 : i32
      %add3A_116 = arith.constant 0 : i32
      %add3A_117 = arith.addi %add3A_115, %add3A_116 : i32
      %lt3A_118 = arith.constant 100 : i32
      %lt3A_119 = arith.cmpi slt, %add3A_117, %lt3A_118 : i32
      %convert_element_type3A_120 = arith.extui %lt3A_119 : i1 to i32
      %cond3A_121 = arith.constant 0 : i32
      %cond3A_122 = arith.cmpi ne, %convert_element_type3A_120, %cond3A_121 : i32
      scf.if %cond3A_122 {
        %add3A_174 = arith.constant 4 : i32
        %add3A_175 = arith.addi %add3A_38, %add3A_174 : i32
        %add3A_176 = arith.constant 0 : i32
        %add3A_177 = arith.addi %add3A_175, %add3A_176 : i32
        %mul3A_178 = arith.constant 56 : i32
        %mul3A_179 = arith.muli %add3A_177, %mul3A_178 : i32
        %multiple_of3A_180 = tpu.assume_multiple %mul3A_179, 8 : i32
        %dma_start3A_181 = tpu.memref_slice %arg7[%multiple_of3A_180] : memref<5600xi32, #tpu.memory_space<vmem>> -> memref<50xi32, #tpu.memory_space<vmem>>
        %dma_start3A_182 = arith.constant 0 : i32
        %dma_start3A_183 = arith.constant 0 : i32
        %dma_start3A_184 = tpu.memref_slice %arg2[%dma_start3A_182, %dma_start3A_183] : memref<10000x128xf32, #tpu.memory_space<hbm>> -> memref<10000x128xf32, #tpu.memory_space<hbm>>
        tpu.enqueue_indirect_dma source(%dma_start3A_184 : memref<10000x128xf32, #tpu.memory_space<hbm>>) target(%arg9 : memref<50x128xf32, #tpu.memory_space<vmem>>) offsets(%dma_start3A_181 : memref<50xi32, #tpu.memory_space<vmem>>) semaphore(%arg14 : memref<!tpu.dma_semaphore, #tpu.memory_space<semaphore_mem>>)
      } else {
      }
      %add3A_123 = arith.constant 1 : i32
      %add3A_124 = arith.addi %add3A_38, %add3A_123 : i32
      %dma_wait3A_125 = arith.constant 0 : i32
      %dma_wait3A_126 = tpu.memref_slice %arg8[%add3A_124, %dma_wait3A_125] : memref<100x50xi32, #tpu.memory_space<vmem>> -> memref<1x50xi32, #tpu.memory_space<vmem>>
      %dma_wait3A_127 = tpu.memref_squeeze %dma_wait3A_126 : memref<1x50xi32, #tpu.memory_space<vmem>> -> memref<50xi32, #tpu.memory_space<vmem>>
      %dma_wait3A_128 = arith.constant 0 : i32
      %dma_wait3A_129 = arith.constant 0 : i32
      %dma_wait3A_130 = tpu.memref_slice %arg13[%dma_wait3A_128, %dma_wait3A_129] : memref<10000x128xf32, #tpu.memory_space<vmem_shared>> -> memref<10000x128xf32, #tpu.memory_space<vmem_shared>>
      tpu.wait_indirect_dma semaphore(%arg19 : memref<!tpu.dma_semaphore, #tpu.memory_space<semaphore_mem>>) src(%arg10 : memref<50x128xf32, #tpu.memory_space<vmem>>) dst(%dma_wait3A_130 : memref<10000x128xf32, #tpu.memory_space<vmem_shared>>)
      %add3A_131 = arith.constant 4 : i32
      %add3A_132 = arith.addi %add3A_38, %add3A_131 : i32
      %add3A_133 = arith.constant 1 : i32
      %add3A_134 = arith.addi %add3A_132, %add3A_133 : i32
      %lt3A_135 = arith.constant 100 : i32
      %lt3A_136 = arith.cmpi slt, %add3A_134, %lt3A_135 : i32
      %convert_element_type3A_137 = arith.extui %lt3A_136 : i1 to i32
      %cond3A_138 = arith.constant 0 : i32
      %cond3A_139 = arith.cmpi ne, %convert_element_type3A_137, %cond3A_138 : i32
      scf.if %cond3A_139 {
        %add3A_174 = arith.constant 4 : i32
        %add3A_175 = arith.addi %add3A_38, %add3A_174 : i32
        %add3A_176 = arith.constant 1 : i32
        %add3A_177 = arith.addi %add3A_175, %add3A_176 : i32
        %mul3A_178 = arith.constant 56 : i32
        %mul3A_179 = arith.muli %add3A_177, %mul3A_178 : i32
        %multiple_of3A_180 = tpu.assume_multiple %mul3A_179, 8 : i32
        %dma_start3A_181 = tpu.memref_slice %arg7[%multiple_of3A_180] : memref<5600xi32, #tpu.memory_space<vmem>> -> memref<50xi32, #tpu.memory_space<vmem>>
        %dma_start3A_182 = arith.constant 0 : i32
        %dma_start3A_183 = arith.constant 0 : i32
        %dma_start3A_184 = tpu.memref_slice %arg2[%dma_start3A_182, %dma_start3A_183] : memref<10000x128xf32, #tpu.memory_space<hbm>> -> memref<10000x128xf32, #tpu.memory_space<hbm>>
        tpu.enqueue_indirect_dma source(%dma_start3A_184 : memref<10000x128xf32, #tpu.memory_space<hbm>>) target(%arg10 : memref<50x128xf32, #tpu.memory_space<vmem>>) offsets(%dma_start3A_181 : memref<50xi32, #tpu.memory_space<vmem>>) semaphore(%arg15 : memref<!tpu.dma_semaphore, #tpu.memory_space<semaphore_mem>>)
      } else {
      }
      %add3A_140 = arith.constant 2 : i32
      %add3A_141 = arith.addi %add3A_38, %add3A_140 : i32
      %dma_wait3A_142 = arith.constant 0 : i32
      %dma_wait3A_143 = tpu.memref_slice %arg8[%add3A_141, %dma_wait3A_142] : memref<100x50xi32, #tpu.memory_space<vmem>> -> memref<1x50xi32, #tpu.memory_space<vmem>>
      %dma_wait3A_144 = tpu.memref_squeeze %dma_wait3A_143 : memref<1x50xi32, #tpu.memory_space<vmem>> -> memref<50xi32, #tpu.memory_space<vmem>>
      %dma_wait3A_145 = arith.constant 0 : i32
      %dma_wait3A_146 = arith.constant 0 : i32
      %dma_wait3A_147 = tpu.memref_slice %arg13[%dma_wait3A_145, %dma_wait3A_146] : memref<10000x128xf32, #tpu.memory_space<vmem_shared>> -> memref<10000x128xf32, #tpu.memory_space<vmem_shared>>
      tpu.wait_indirect_dma semaphore(%arg20 : memref<!tpu.dma_semaphore, #tpu.memory_space<semaphore_mem>>) src(%arg11 : memref<50x128xf32, #tpu.memory_space<vmem>>) dst(%dma_wait3A_147 : memref<10000x128xf32, #tpu.memory_space<vmem_shared>>)
      %add3A_148 = arith.constant 4 : i32
      %add3A_149 = arith.addi %add3A_38, %add3A_148 : i32
      %add3A_150 = arith.constant 2 : i32
      %add3A_151 = arith.addi %add3A_149, %add3A_150 : i32
      %lt3A_152 = arith.constant 100 : i32
      %lt3A_153 = arith.cmpi slt, %add3A_151, %lt3A_152 : i32
      %convert_element_type3A_154 = arith.extui %lt3A_153 : i1 to i32
      %cond3A_155 = arith.constant 0 : i32
      %cond3A_156 = arith.cmpi ne, %convert_element_type3A_154, %cond3A_155 : i32
      scf.if %cond3A_156 {
        %add3A_174 = arith.constant 4 : i32
        %add3A_175 = arith.addi %add3A_38, %add3A_174 : i32
        %add3A_176 = arith.constant 2 : i32
        %add3A_177 = arith.addi %add3A_175, %add3A_176 : i32
        %mul3A_178 = arith.constant 56 : i32
        %mul3A_179 = arith.muli %add3A_177, %mul3A_178 : i32
        %multiple_of3A_180 = tpu.assume_multiple %mul3A_179, 8 : i32
        %dma_start3A_181 = tpu.memref_slice %arg7[%multiple_of3A_180] : memref<5600xi32, #tpu.memory_space<vmem>> -> memref<50xi32, #tpu.memory_space<vmem>>
        %dma_start3A_182 = arith.constant 0 : i32
        %dma_start3A_183 = arith.constant 0 : i32
        %dma_start3A_184 = tpu.memref_slice %arg2[%dma_start3A_182, %dma_start3A_183] : memref<10000x128xf32, #tpu.memory_space<hbm>> -> memref<10000x128xf32, #tpu.memory_space<hbm>>
        tpu.enqueue_indirect_dma source(%dma_start3A_184 : memref<10000x128xf32, #tpu.memory_space<hbm>>) target(%arg11 : memref<50x128xf32, #tpu.memory_space<vmem>>) offsets(%dma_start3A_181 : memref<50xi32, #tpu.memory_space<vmem>>) semaphore(%arg16 : memref<!tpu.dma_semaphore, #tpu.memory_space<semaphore_mem>>)
      } else {
      }
      %add3A_157 = arith.constant 3 : i32
      %add3A_158 = arith.addi %add3A_38, %add3A_157 : i32
      %dma_wait3A_159 = arith.constant 0 : i32
      %dma_wait3A_160 = tpu.memref_slice %arg8[%add3A_158, %dma_wait3A_159] : memref<100x50xi32, #tpu.memory_space<vmem>> -> memref<1x50xi32, #tpu.memory_space<vmem>>
      %dma_wait3A_161 = tpu.memref_squeeze %dma_wait3A_160 : memref<1x50xi32, #tpu.memory_space<vmem>> -> memref<50xi32, #tpu.memory_space<vmem>>
      %dma_wait3A_162 = arith.constant 0 : i32
      %dma_wait3A_163 = arith.constant 0 : i32
      %dma_wait3A_164 = tpu.memref_slice %arg13[%dma_wait3A_162, %dma_wait3A_163] : memref<10000x128xf32, #tpu.memory_space<vmem_shared>> -> memref<10000x128xf32, #tpu.memory_space<vmem_shared>>
      tpu.wait_indirect_dma semaphore(%arg21 : memref<!tpu.dma_semaphore, #tpu.memory_space<semaphore_mem>>) src(%arg12 : memref<50x128xf32, #tpu.memory_space<vmem>>) dst(%dma_wait3A_164 : memref<10000x128xf32, #tpu.memory_space<vmem_shared>>)
      %add3A_165 = arith.constant 4 : i32
      %add3A_166 = arith.addi %add3A_38, %add3A_165 : i32
      %add3A_167 = arith.constant 3 : i32
      %add3A_168 = arith.addi %add3A_166, %add3A_167 : i32
      %lt3A_169 = arith.constant 100 : i32
      %lt3A_170 = arith.cmpi slt, %add3A_168, %lt3A_169 : i32
      %convert_element_type3A_171 = arith.extui %lt3A_170 : i1 to i32
      %cond3A_172 = arith.constant 0 : i32
      %cond3A_173 = arith.cmpi ne, %convert_element_type3A_171, %cond3A_172 : i32
      scf.if %cond3A_173 {
        %add3A_174 = arith.constant 4 : i32
        %add3A_175 = arith.addi %add3A_38, %add3A_174 : i32
        %add3A_176 = arith.constant 3 : i32
        %add3A_177 = arith.addi %add3A_175, %add3A_176 : i32
        %mul3A_178 = arith.constant 56 : i32
        %mul3A_179 = arith.muli %add3A_177, %mul3A_178 : i32
        %multiple_of3A_180 = tpu.assume_multiple %mul3A_179, 8 : i32
        %dma_start3A_181 = tpu.memref_slice %arg7[%multiple_of3A_180] : memref<5600xi32, #tpu.memory_space<vmem>> -> memref<50xi32, #tpu.memory_space<vmem>>
        %dma_start3A_182 = arith.constant 0 : i32
        %dma_start3A_183 = arith.constant 0 : i32
        %dma_start3A_184 = tpu.memref_slice %arg2[%dma_start3A_182, %dma_start3A_183] : memref<10000x128xf32, #tpu.memory_space<hbm>> -> memref<10000x128xf32, #tpu.memory_space<hbm>>
        tpu.enqueue_indirect_dma source(%dma_start3A_184 : memref<10000x128xf32, #tpu.memory_space<hbm>>) target(%arg12 : memref<50x128xf32, #tpu.memory_space<vmem>>) offsets(%dma_start3A_181 : memref<50xi32, #tpu.memory_space<vmem>>) semaphore(%arg17 : memref<!tpu.dma_semaphore, #tpu.memory_space<semaphore_mem>>)
      } else {
      }
    }
    %scan3A_28 = arith.constant 25 : i32
    %barrier3A_29 = arith.constant 0 : index
    tpu.barrier barrier_id(%barrier3A_29)
    %lt3A_30 = arith.constant 10 : i32
    %lt3A_31 = arith.cmpi slt, %arg1, %lt3A_30 : i32
    %convert_element_type3A_32 = arith.extui %lt3A_31 : i1 to i32
    %cond3A_33 = arith.constant 0 : i32
    %cond3A_34 = arith.cmpi ne, %convert_element_type3A_32, %cond3A_33 : i32
    scf.if %cond3A_34 {
      "tpu.region"() ({
        %run_scoped3A = tpu.sem_alloc : memref<!tpu.dma_semaphore, #tpu.memory_space<semaphore_mem>>
        %dma_start3A_35 = arith.constant 0 : i32
        %dma_start3A_36 = tpu.memref_slice %arg6[%arg0, %mul3A_0, %dma_start3A_35] : memref<2x10000x128xf32, #tpu.memory_space<hbm>> -> memref<1x1000x128xf32, #tpu.memory_space<hbm>>
        %dma_start3A_37 = tpu.memref_squeeze %dma_start3A_36 : memref<1x1000x128xf32, #tpu.memory_space<hbm>> -> memref<1000x128xf32, #tpu.memory_space<hbm>>
        %dma_start3A_38 = arith.constant 0 : i32
        %dma_start3A_39 = tpu.memref_slice %arg13[%mul3A_0, %dma_start3A_38] : memref<10000x128xf32, #tpu.memory_space<vmem_shared>> -> memref<1000x128xf32, #tpu.memory_space<vmem_shared>>
        tpu.enqueue_dma source(%dma_start3A_39 : memref<1000x128xf32, #tpu.memory_space<vmem_shared>>) target(%dma_start3A_37 : memref<1000x128xf32, #tpu.memory_space<hbm>>) target_semaphore(%run_scoped3A : memref<!tpu.dma_semaphore, #tpu.memory_space<semaphore_mem>>)
        %dma_wait3A = arith.constant 0 : i32
        %dma_wait3A_40 = tpu.memref_slice %arg6[%arg0, %mul3A_0, %dma_wait3A] : memref<2x10000x128xf32, #tpu.memory_space<hbm>> -> memref<1x1000x128xf32, #tpu.memory_space<hbm>>
        %dma_wait3A_41 = tpu.memref_squeeze %dma_wait3A_40 : memref<1x1000x128xf32, #tpu.memory_space<hbm>> -> memref<1000x128xf32, #tpu.memory_space<hbm>>
        %dma_wait3A_42 = arith.constant 0 : i32
        %dma_wait3A_43 = tpu.memref_slice %arg13[%mul3A_0, %dma_wait3A_42] : memref<10000x128xf32, #tpu.memory_space<vmem_shared>> -> memref<1000x128xf32, #tpu.memory_space<vmem_shared>>
        tpu.wait_dma2 semaphore(%run_scoped3A : memref<!tpu.dma_semaphore, #tpu.memory_space<semaphore_mem>>) src(%dma_wait3A_43 : memref<1000x128xf32, #tpu.memory_space<vmem_shared>>) dst(%dma_wait3A_41 : memref<1000x128xf32, #tpu.memory_space<hbm>>)
        tpu.yield
      }) : () -> ()
    } else {
    }
    return
  }
}

module attributes {stable_mosaic.version = 14 : i64} {
  func.func @body(%arg0: i32, %arg1: memref<1000x256xf32, #tpu.memory_space<vmem>>, %arg2: memref<256x256xf32, #tpu.memory_space<vmem>>, %arg3: memref<1x1000x1xf32, #tpu.memory_space<vmem>>, %arg4: memref<2x1000x128xf32, #tpu.memory_space<vmem>>, %arg5: memref<1x1000x1xf32, #tpu.memory_space<vmem>>) attributes {dimension_semantics = [#tpu.dimension_semantics<arbitrary>], iteration_bounds = array<i64: 10>, scalar_prefetch = 0 : i64, scratch_operands = 0 : i64, tpu.core_type = #tpu.core_type<tc>, window_params = [{transform_indices = @transform_0, window_bounds = array<i64: 1000, 256>}, {pipeline_mode = #tpu.pipeline_mode<synchronous>, transform_indices = @transform_1, window_bounds = array<i64: 256, 256>}, {transform_indices = @transform_2, window_bounds = array<i64: 1, 1000, 1>}, {transform_indices = @transform_3, window_bounds = array<i64: 2, 1000, 128>}, {transform_indices = @transform_4, window_bounds = array<i64: 1, 1000, 1>}]} {
    %get3A = arith.constant 0 : index
    %get3A_0 = arith.constant 0 : index
    %get3A_1 = arith.constant 0 : index
    %get3A_2 = vector.load %arg3[%get3A, %get3A_0, %get3A_1] : memref<1x1000x1xf32, #tpu.memory_space<vmem>>, vector<1x1000x1xf32>
    %get3A_3 = vector.shape_cast %get3A_2 : vector<1x1000x1xf32> to vector<1000x1xf32>
    %add3A = arith.constant 1.000000e+00 : f32
    %add3A_4 = vector.broadcast %add3A : f32 to vector<1000x1xf32>
    %add3A_5 = arith.addf %get3A_3, %add3A_4 : vector<1000x1xf32>
    %rsqrt3A = math.rsqrt %add3A_5 : vector<1000x1xf32>
    %swap3A = arith.constant 0 : index
    %swap3A_6 = arith.constant 0 : index
    %swap3A_7 = arith.constant 0 : index
    %swap3A_8 = vector.load %arg5[%swap3A, %swap3A_6, %swap3A_7] : memref<1x1000x1xf32, #tpu.memory_space<vmem>>, vector<1x1000x1xf32>
    %swap3A_9 = vector.shape_cast %swap3A_8 : vector<1x1000x1xf32> to vector<1000x1xf32>
    %swap3A_10 = vector.shape_cast %rsqrt3A : vector<1000x1xf32> to vector<1x1000x1xf32>
    tpu.vector_store %arg5[%swap3A, %swap3A_6, %swap3A_7], %swap3A_10 {strides = array<i32>} : memref<1x1000x1xf32, #tpu.memory_space<vmem>>, vector<1x1000x1xf32>,
    %get3A_11 = arith.constant 0 : index
    %get3A_12 = arith.constant 0 : index
    %get3A_13 = vector.load %arg1[%get3A_11, %get3A_12] : memref<1000x256xf32, #tpu.memory_space<vmem>>, vector<1000x256xf32>
    %get3A_14 = arith.constant 0 : index
    %get3A_15 = arith.constant 0 : index
    %get3A_16 = vector.load %arg2[%get3A_14, %get3A_15] : memref<256x256xf32, #tpu.memory_space<vmem>>, vector<256x256xf32>
    %dot_general3A = arith.constant dense<0.000000e+00> : vector<1000x256xf32>
    %dot_general3A_17 = tpu.matmul %get3A_13, %get3A_16, %dot_general3A {dimension_numbers = #tpu.dot_dimension_numbers<[1], [0], [0], [1], [0, 0, 1, 1], [], []>, transpose_lhs_hint = false} : vector<1000x256xf32>, vector<256x256xf32>, vector<1000x256xf32> -> vector<1000x256xf32>
    %mul3A = vector.broadcast %rsqrt3A : vector<1000x1xf32> to vector<1000x256xf32>
    %mul3A_18 = arith.mulf %dot_general3A_17, %mul3A : vector<1000x256xf32>
    %slice3A = vector.extract_strided_slice %mul3A_18 {offsets = [0, 0], sizes = [1000, 128], strides = [1, 1]} : vector<1000x256xf32> to vector<1000x128xf32>
    %swap3A_19 = arith.constant 0 : index
    %swap3A_20 = arith.constant 0 : index
    %swap3A_21 = arith.constant 0 : index
    %swap3A_22 = vector.load %arg4[%swap3A_19, %swap3A_20, %swap3A_21] : memref<2x1000x128xf32, #tpu.memory_space<vmem>>, vector<1x1000x128xf32>
    %swap3A_23 = vector.shape_cast %swap3A_22 : vector<1x1000x128xf32> to vector<1000x128xf32>
    %swap3A_24 = vector.shape_cast %slice3A : vector<1000x128xf32> to vector<1x1000x128xf32>
    tpu.vector_store %arg4[%swap3A_19, %swap3A_20, %swap3A_21], %swap3A_24 {strides = array<i32>} : memref<2x1000x128xf32, #tpu.memory_space<vmem>>, vector<1x1000x128xf32>,
    %slice3A_25 = vector.extract_strided_slice %mul3A_18 {offsets = [0, 128], sizes = [1000, 128], strides = [1, 1]} : vector<1000x256xf32> to vector<1000x128xf32>
    %swap3A_26 = arith.constant 1 : index
    %swap3A_27 = arith.constant 0 : index
    %swap3A_28 = arith.constant 0 : index
    %swap3A_29 = vector.load %arg4[%swap3A_26, %swap3A_27, %swap3A_28] : memref<2x1000x128xf32, #tpu.memory_space<vmem>>, vector<1x1000x128xf32>
    %swap3A_30 = vector.shape_cast %swap3A_29 : vector<1x1000x128xf32> to vector<1000x128xf32>
    %swap3A_31 = vector.shape_cast %slice3A_25 : vector<1000x128xf32> to vector<1x1000x128xf32>
    tpu.vector_store %arg4[%swap3A_26, %swap3A_27, %swap3A_28], %swap3A_31 {strides = array<i32>} : memref<2x1000x128xf32, #tpu.memory_space<vmem>>, vector<1x1000x128xf32>,
    return
  }
  func.func @transform_0(%arg0: i32) -> (i32, i32) {
    %c0_i32 = arith.constant 0 : i32
    %c0_i32_0 = arith.constant 0 : i32
    return %arg0, %c0_i32 : i32, i32
  }
  func.func @transform_1(%arg0: i32) -> (i32, i32) {
    %c0_i32 = arith.constant 0 : i32
    %c0_i32_0 = arith.constant 0 : i32
    %c0_i32_1 = arith.constant 0 : i32
    return %c0_i32, %c0_i32_0 : i32, i32
  }
  func.func @transform_2(%arg0: i32) -> (i32, i32, i32) {
    %c0_i32 = arith.constant 0 : i32
    %c0_i32_0 = arith.constant 0 : i32
    %c0_i32_1 = arith.constant 0 : i32
    return %arg0, %c0_i32, %c0_i32_0 : i32, i32, i32
  }
  func.func @transform_3(%arg0: i32) -> (i32, i32, i32) {
    %c0_i32 = arith.constant 0 : i32
    %c0_i32_0 = arith.constant 0 : i32
    %c0_i32_1 = arith.constant 0 : i32
    return %c0_i32, %arg0, %c0_i32_0 : i32, i32, i32
  }
  func.func @transform_4(%arg0: i32) -> (i32, i32, i32) {
    %c0_i32 = arith.constant 0 : i32
    %c0_i32_0 = arith.constant 0 : i32
    %c0_i32_1 = arith.constant 0 : i32
    return %arg0, %c0_i32, %c0_i32_0 : i32, i32, i32
  }
}

module attributes {stable_mosaic.version = 14 : i64} {
  func.func @body(%arg0: i32, %arg1: memref<2x1000x128xf32, #tpu.memory_space<vmem>>, %arg2: memref<2x1000x128xf32, #tpu.memory_space<vmem>>, %arg3: memref<1x1000x1xf32, #tpu.memory_space<vmem>>, %arg4: memref<1x256xf32, #tpu.memory_space<vmem>>, %arg5: memref<256x128xf32, #tpu.memory_space<vmem>>, %arg6: memref<1000x128xf32, #tpu.memory_space<vmem>>) attributes {dimension_semantics = [#tpu.dimension_semantics<arbitrary>], iteration_bounds = array<i64: 10>, scalar_prefetch = 0 : i64, scratch_operands = 0 : i64, tpu.core_type = #tpu.core_type<tc>, window_params = [{transform_indices = @transform_0, window_bounds = array<i64: 2, 1000, 128>}, {transform_indices = @transform_1, window_bounds = array<i64: 2, 1000, 128>}, {transform_indices = @transform_2, window_bounds = array<i64: 1, 1000, 1>}, {pipeline_mode = #tpu.pipeline_mode<synchronous>, transform_indices = @transform_3, window_bounds = array<i64: 1, 256>}, {pipeline_mode = #tpu.pipeline_mode<synchronous>, transform_indices = @transform_4, window_bounds = array<i64: 256, 128>}, {transform_indices = @transform_5, window_bounds = array<i64: 1000, 128>}]} {
    %get3A = arith.constant 0 : index
    %get3A_0 = arith.constant 0 : index
    %get3A_1 = arith.constant 0 : index
    %get3A_2 = vector.load %arg3[%get3A, %get3A_0, %get3A_1] : memref<1x1000x1xf32, #tpu.memory_space<vmem>>, vector<1x1000x1xf32>
    %get3A_3 = vector.shape_cast %get3A_2 : vector<1x1000x1xf32> to vector<1000x1xf32>
    %get3A_4 = arith.constant 0 : index
    %get3A_5 = arith.constant 0 : index
    %get3A_6 = arith.constant 0 : index
    %get3A_7 = vector.load %arg1[%get3A_4, %get3A_5, %get3A_6] : memref<2x1000x128xf32, #tpu.memory_space<vmem>>, vector<1x1000x128xf32>
    %get3A_8 = vector.shape_cast %get3A_7 : vector<1x1000x128xf32> to vector<1000x128xf32>
    %get3A_9 = arith.constant 0 : index
    %get3A_10 = arith.constant 0 : index
    %get3A_11 = arith.constant 0 : index
    %get3A_12 = vector.load %arg2[%get3A_9, %get3A_10, %get3A_11] : memref<2x1000x128xf32, #tpu.memory_space<vmem>>, vector<1x1000x128xf32>
    %get3A_13 = vector.shape_cast %get3A_12 : vector<1x1000x128xf32> to vector<1000x128xf32>
    %add3A = arith.addf %get3A_8, %get3A_13 : vector<1000x128xf32>
    %get3A_14 = arith.constant 1 : index
    %get3A_15 = arith.constant 0 : index
    %get3A_16 = arith.constant 0 : index
    %get3A_17 = vector.load %arg1[%get3A_14, %get3A_15, %get3A_16] : memref<2x1000x128xf32, #tpu.memory_space<vmem>>, vector<1x1000x128xf32>
    %get3A_18 = vector.shape_cast %get3A_17 : vector<1x1000x128xf32> to vector<1000x128xf32>
    %get3A_19 = arith.constant 1 : index
    %get3A_20 = arith.constant 0 : index
    %get3A_21 = arith.constant 0 : index
    %get3A_22 = vector.load %arg2[%get3A_19, %get3A_20, %get3A_21] : memref<2x1000x128xf32, #tpu.memory_space<vmem>>, vector<1x1000x128xf32>
    %get3A_23 = vector.shape_cast %get3A_22 : vector<1x1000x128xf32> to vector<1000x128xf32>
    %add3A_24 = arith.addf %get3A_18, %get3A_23 : vector<1000x128xf32>
    %concatenate3A = tpu.concatenate %add3A, %add3A_24 in 1 : vector<1000x128xf32>, vector<1000x128xf32> -> vector<1000x256xf32>
    %mul3A = vector.broadcast %get3A_3 : vector<1000x1xf32> to vector<1000x256xf32>
    %mul3A_25 = arith.mulf %concatenate3A, %mul3A : vector<1000x256xf32>
    %get3A_26 = arith.constant 0 : index
    %get3A_27 = arith.constant 0 : index
    %get3A_28 = vector.load %arg4[%get3A_26, %get3A_27] : memref<1x256xf32, #tpu.memory_space<vmem>>, vector<1x256xf32>
    %add3A_29 = vector.broadcast %get3A_28 : vector<1x256xf32> to vector<1000x256xf32>
    %add3A_30 = arith.addf %mul3A_25, %add3A_29 : vector<1000x256xf32>
    %max3A = arith.constant 0.000000e+00 : f32
    %max3A_31 = vector.broadcast %max3A : f32 to vector<1000x256xf32>
    %max3A_32 = arith.maximumf %add3A_30, %max3A_31 : vector<1000x256xf32>
    %get3A_33 = arith.constant 0 : index
    %get3A_34 = arith.constant 0 : index
    %get3A_35 = vector.load %arg5[%get3A_33, %get3A_34] : memref<256x128xf32, #tpu.memory_space<vmem>>, vector<256x128xf32>
    %dot_general3A = arith.constant dense<0.000000e+00> : vector<1000x128xf32>
    %dot_general3A_36 = tpu.matmul %max3A_32, %get3A_35, %dot_general3A {dimension_numbers = #tpu.dot_dimension_numbers<[1], [0], [0], [1], [0, 0, 1, 1], [], []>, transpose_lhs_hint = false} : vector<1000x256xf32>, vector<256x128xf32>, vector<1000x128xf32> -> vector<1000x128xf32>
    %mul3A_37 = vector.broadcast %get3A_3 : vector<1000x1xf32> to vector<1000x128xf32>
    %mul3A_38 = arith.mulf %dot_general3A_36, %mul3A_37 : vector<1000x128xf32>
    %swap3A = arith.constant 0 : index
    %swap3A_39 = arith.constant 0 : index
    %swap3A_40 = vector.load %arg6[%swap3A, %swap3A_39] : memref<1000x128xf32, #tpu.memory_space<vmem>>, vector<1000x128xf32>
    tpu.vector_store %arg6[%swap3A, %swap3A_39], %mul3A_38 {strides = array<i32>} : memref<1000x128xf32, #tpu.memory_space<vmem>>, vector<1000x128xf32>,
    return
  }
  func.func @transform_0(%arg0: i32) -> (i32, i32, i32) {
    %c0_i32 = arith.constant 0 : i32
    %c0_i32_0 = arith.constant 0 : i32
    %c0_i32_1 = arith.constant 0 : i32
    return %c0_i32, %arg0, %c0_i32_0 : i32, i32, i32
  }
  func.func @transform_1(%arg0: i32) -> (i32, i32, i32) {
    %c0_i32 = arith.constant 0 : i32
    %c0_i32_0 = arith.constant 0 : i32
    %c0_i32_1 = arith.constant 0 : i32
    return %c0_i32, %arg0, %c0_i32_0 : i32, i32, i32
  }
  func.func @transform_2(%arg0: i32) -> (i32, i32, i32) {
    %c0_i32 = arith.constant 0 : i32
    %c0_i32_0 = arith.constant 0 : i32
    %c0_i32_1 = arith.constant 0 : i32
    return %arg0, %c0_i32, %c0_i32_0 : i32, i32, i32
  }
  func.func @transform_3(%arg0: i32) -> (i32, i32) {
    %c0_i32 = arith.constant 0 : i32
    %c0_i32_0 = arith.constant 0 : i32
    %c0_i32_1 = arith.constant 0 : i32
    return %c0_i32, %c0_i32_0 : i32, i32
  }
  func.func @transform_4(%arg0: i32) -> (i32, i32) {
    %c0_i32 = arith.constant 0 : i32
    %c0_i32_0 = arith.constant 0 : i32
    %c0_i32_1 = arith.constant 0 : i32
    return %c0_i32, %c0_i32_0 : i32, i32
  }
  func.func @transform_5(%arg0: i32) -> (i32, i32) {
    %c0_i32 = arith.constant 0 : i32
    %c0_i32_0 = arith.constant 0 : i32
    return %arg0, %c0_i32 : i32, i32
  }
}

module attributes {stable_mosaic.version = 14 : i64} {
  func.func @body(%arg0: i32, %arg1: memref<2x1000x128xf32, #tpu.memory_space<vmem>>, %arg2: memref<1000x128xf32, #tpu.memory_space<vmem>>, %arg3: memref<1x1000x1xf32, #tpu.memory_space<vmem>>, %arg4: memref<1x128xf32, #tpu.memory_space<vmem>>, %arg5: memref<1000x128xf32, #tpu.memory_space<vmem>>) attributes {dimension_semantics = [#tpu.dimension_semantics<arbitrary>], iteration_bounds = array<i64: 10>, scalar_prefetch = 0 : i64, scratch_operands = 0 : i64, tpu.core_type = #tpu.core_type<tc>, window_params = [{transform_indices = @transform_0, window_bounds = array<i64: 2, 1000, 128>}, {transform_indices = @transform_1, window_bounds = array<i64: 1000, 128>}, {transform_indices = @transform_2, window_bounds = array<i64: 1, 1000, 1>}, {pipeline_mode = #tpu.pipeline_mode<synchronous>, transform_indices = @transform_3, window_bounds = array<i64: 1, 128>}, {transform_indices = @transform_4, window_bounds = array<i64: 1000, 128>}]} {
    %get3A = arith.constant 0 : index
    %get3A_0 = arith.constant 0 : index
    %get3A_1 = arith.constant 0 : index
    %get3A_2 = vector.load %arg3[%get3A, %get3A_0, %get3A_1] : memref<1x1000x1xf32, #tpu.memory_space<vmem>>, vector<1x1000x1xf32>
    %get3A_3 = vector.shape_cast %get3A_2 : vector<1x1000x1xf32> to vector<1000x1xf32>
    %get3A_4 = arith.constant 0 : index
    %get3A_5 = arith.constant 0 : index
    %get3A_6 = arith.constant 0 : index
    %get3A_7 = vector.load %arg1[%get3A_4, %get3A_5, %get3A_6] : memref<2x1000x128xf32, #tpu.memory_space<vmem>>, vector<1x1000x128xf32>
    %get3A_8 = vector.shape_cast %get3A_7 : vector<1x1000x128xf32> to vector<1000x128xf32>
    %get3A_9 = arith.constant 1 : index
    %get3A_10 = arith.constant 0 : index
    %get3A_11 = arith.constant 0 : index
    %get3A_12 = vector.load %arg1[%get3A_9, %get3A_10, %get3A_11] : memref<2x1000x128xf32, #tpu.memory_space<vmem>>, vector<1x1000x128xf32>
    %get3A_13 = vector.shape_cast %get3A_12 : vector<1x1000x128xf32> to vector<1000x128xf32>
    %add3A = arith.addf %get3A_8, %get3A_13 : vector<1000x128xf32>
    %get3A_14 = arith.constant 0 : index
    %get3A_15 = arith.constant 0 : index
    %get3A_16 = vector.load %arg2[%get3A_14, %get3A_15] : memref<1000x128xf32, #tpu.memory_space<vmem>>, vector<1000x128xf32>
    %add3A_17 = arith.addf %add3A, %get3A_16 : vector<1000x128xf32>
    %mul3A = vector.broadcast %get3A_3 : vector<1000x1xf32> to vector<1000x128xf32>
    %mul3A_18 = arith.mulf %add3A_17, %mul3A : vector<1000x128xf32>
    %get3A_19 = arith.constant 0 : index
    %get3A_20 = arith.constant 0 : index
    %get3A_21 = vector.load %arg4[%get3A_19, %get3A_20] : memref<1x128xf32, #tpu.memory_space<vmem>>, vector<1x128xf32>
    %add3A_22 = vector.broadcast %get3A_21 : vector<1x128xf32> to vector<1000x128xf32>
    %add3A_23 = arith.addf %mul3A_18, %add3A_22 : vector<1000x128xf32>
    %reduce_max3A = arith.constant dense<0xFF800000> : vector<1000xf32>
    %reduce_max3A_24 = vector.multi_reduction <maximumf>, %add3A_23, %reduce_max3A [1] : vector<1000x128xf32> to vector<1000xf32>
    %broadcast_in_dim3A = vector.shape_cast %reduce_max3A_24 : vector<1000xf32> to vector<1000x1xf32>
    %sub3A = vector.broadcast %broadcast_in_dim3A : vector<1000x1xf32> to vector<1000x128xf32>
    %sub3A_25 = arith.subf %add3A_23, %sub3A : vector<1000x128xf32>
    %exp3A = math.exp %sub3A_25 : vector<1000x128xf32>
    %sub3A_26 = vector.broadcast %broadcast_in_dim3A : vector<1000x1xf32> to vector<1000x128xf32>
    %sub3A_27 = arith.subf %add3A_23, %sub3A_26 : vector<1000x128xf32>
    %reduce_sum3A = arith.constant dense<0.000000e+00> : vector<1000xf32>
    %reduce_sum3A_28 = vector.multi_reduction <add>, %exp3A, %reduce_sum3A [1] : vector<1000x128xf32> to vector<1000xf32>
    %broadcast_in_dim3A_29 = vector.shape_cast %reduce_sum3A_28 : vector<1000xf32> to vector<1000x1xf32>
    %log3A = math.log %broadcast_in_dim3A_29 : vector<1000x1xf32>
    %sub3A_30 = vector.broadcast %log3A : vector<1000x1xf32> to vector<1000x128xf32>
    %sub3A_31 = arith.subf %sub3A_27, %sub3A_30 : vector<1000x128xf32>
    %swap3A = arith.constant 0 : index
    %swap3A_32 = arith.constant 0 : index
    %swap3A_33 = vector.load %arg5[%swap3A, %swap3A_32] : memref<1000x128xf32, #tpu.memory_space<vmem>>, vector<1000x128xf32>
    tpu.vector_store %arg5[%swap3A, %swap3A_32], %sub3A_31 {strides = array<i32>} : memref<1000x128xf32, #tpu.memory_space<vmem>>, vector<1000x128xf32>,
    return
  }
  func.func @transform_0(%arg0: i32) -> (i32, i32, i32) {
    %c0_i32 = arith.constant 0 : i32
    %c0_i32_0 = arith.constant 0 : i32
    %c0_i32_1 = arith.constant 0 : i32
    return %c0_i32, %arg0, %c0_i32_0 : i32, i32, i32
  }
  func.func @transform_1(%arg0: i32) -> (i32, i32) {
    %c0_i32 = arith.constant 0 : i32
    %c0_i32_0 = arith.constant 0 : i32
    return %arg0, %c0_i32 : i32, i32
  }
  func.func @transform_2(%arg0: i32) -> (i32, i32, i32) {
    %c0_i32 = arith.constant 0 : i32
    %c0_i32_0 = arith.constant 0 : i32
    %c0_i32_1 = arith.constant 0 : i32
    return %arg0, %c0_i32, %c0_i32_0 : i32, i32, i32
  }
  func.func @transform_3(%arg0: i32) -> (i32, i32) {
    %c0_i32 = arith.constant 0 : i32
    %c0_i32_0 = arith.constant 0 : i32
    %c0_i32_1 = arith.constant 0 : i32
    return %c0_i32, %c0_i32_0 : i32, i32
  }
  func.func @transform_4(%arg0: i32) -> (i32, i32) {
    %c0_i32 = arith.constant 0 : i32
    %c0_i32_0 = arith.constant 0 : i32
    return %arg0, %c0_i32 : i32, i32
  }
}

</mosaic_0001>

<sc_bundles>
// kernel: kernel.11.cloned.1.call-start
scs
__scs_entry_jumppad:
0x0: {  	(pc) =	sbr.rel $0x88, $3  }
0x1: {  	(tag) =	ssettag $0x0;
	lr =	simm.s32 $0x1  }
0x2: {  	[smem:$0x3F9B] =	sst lr;
	_ =	strace $0xD0000000  }
0x3: {  	_ = 	snop  }
0x4: {  	_ = 	snop  }
0x5: {  	_ = 	snop  }
0x6: {  	_ = 	snop  }
0x7: {  	_ = 	snop  }
__scs_overlays_trampoline_lowered:
0x8: {  	[smem:$0x3FAA] =	sst s0  }
0x9: {  	[smem:$0x3FAB] =	sst s1  }
0xa: {  	[smem:$0x3FAC] =	sst s2  }
0xb: {  	[smem:$0x3FAD] =	sst s3  }
0xc: {  	[smem:$0x3FAE] =	sst s4  }
0xd: {  	[smem:$0x3FAF] =	sst s5  }
0xe: {  	[smem:$0x3FB0] =	sst s6  }
0xf: {  	[smem:$0x3FB1] =	sst s7  }
0x10: {  	[smem:$0x3FB2] =	sst s8  }
0x11: {  	[smem:$0x3FB3] =	sst s9;
	s0 =	simm.s32 @!p0 $0x0  }
0x12: {  	s1 =	sld [smem:$0x3F99];
	s0 =	simm.s32 @p0 $0x1  }
0x13: {  	[smem:$0x3FB4] =	sst s0;
	s0 =	simm.s32 @!p1 $0x0  }
0x14: {  	s2 =	sld [smem:$0x3F98];
	s0 =	simm.s32 @p1 $0x1  }
0x15: {  	[smem:$0x3FB5] =	sst s0;
	s0 =	simm.s32 @!p2 $0x0  }
0x16: {  	s3 =	sld [smem:$0x3FDB];
	s0 =	simm.s32 @p2 $0x1  }
0x17: {  	s4 =	simm.s32 $0x1BF5;
	[smem:$0x3FB7] =	sst s0  }
0x18: {  	s0 =	sld [smem:$0x3F9A];
	_ =	swait.ge [sflag:s4], $0x0  }
0x19: {  	s7 =	sld [smem:$0x3F9B]  }
0x1a: {  	s8 =	sadd.s32 $0xFFFFE003, lr  }
0x1b: {  	s9 =	sadd.s32 $0xFFFFFEF7, lr;
	s5 =	simm.s32 $0xFFFFFFFF;
	p2 =	slt.u32 s8, $0xFFFFF086  }
0x1c: {  	p1 =	slt.u32 s9, $0xF7A;
	s5 =	simm.s32 @!p2 $0x0  }
0x1d: {  	s5 =	simm.s32 @p1 $0x1;
	p0 =	seq.s32 s7, s2  }
0x1e: {  	s7 =	smul.u32 @!p0 $0xF7A, s2;
	p2 =	seq.s32 @!p0 s5, $0x0  }
0x1f: {  	s9 =	smul.u32 $0xF7A, s1;
	s8 =	simm.s32 @!p0 $0x1BF5;
	p2 =	por !p2, p0  }
0x20: {  	[sflag:s8] =	ssyncset.s32 @!p0 $0xFFFFF086;
	s6 =	sadd.s32 @!p0 s3, s7;
	s7 =	simm.s32 @!p0 $0x108  }
0x21: {  	s3 =	sadd.s32 s3, s9;
	s6 =	sadd.s32 @!p0 $0x88, s6;
	s7 =	simm.s32 @p2 $0x1082  }
0x22: {  	[simem:s7], [sflag:s8] =	dma.local @!p0 [hbm:s6], $0xF7A  }
0x23: {  	s9 =	sor.u32 $0xD0000000, s2;
	s6 =	simm.s32 $0x108;
	_ =	swait.ge @!p0 [sflag:s8], $0x0  }
0x24: {  	s3 =	sadd.s32 $0x88, s3;
	s6 =	simm.s32 @!p1 $0x1082;
	[sflag:s4] =	ssyncset.s32 $0xFFFFF086  }
0x25: {  	[simem:s6], [sflag:s4] =	dma.local [hbm:s3], $0xF7A  }
0x26: {  	[smem:$0x3F9B] =	sst s1;
	(tag) =	ssettag s2;
	_ =	strace s9  }
0x27: {  	s1 =	sld [smem:$0x3FAB]  }
0x28: {  	s2 =	sld [smem:$0x3FAC]  }
0x29: {  	s4 =	sld [smem:$0x3FAE]  }
0x2a: {  	p0 =	seq.s32 s5, $0x0;
	s5 =	sld [smem:$0x3FAF]  }
0x2b: {  	s6 =	sld [smem:$0x3FB0]  }
0x2c: {  	s7 =	sld [smem:$0x3FB1]  }
0x2d: {  	s3 =	simm.s32 $0x108;
	s8 =	sld [smem:$0x3FB2]  }
0x2e: {  	s3 =	simm.s32 @!p0 $0x1082;
	s9 =	sld [smem:$0x3FB3]  }
0x2f: {  	lr =	sadd.s32 s0, s3;
	s0 =	sld [smem:$0x3FAA]  }
0x30: {  	s3 =	sld [smem:$0x3FAD]  }
0x31: {  	[smem:$0x3FB6] =	sst s10  }
0x32: {  	s10 =	sld [smem:$0x3FB4];
	_ =	sdelay $0x3  }
0x33: {  	p0 =	seq.s32 s10, $0x1;
	s10 =	sld [smem:$0x3FB6];
	_ =	sdelay $0x3  }
0x34: {  	[smem:$0x3FB6] =	sst s10  }
0x35: {  	s10 =	sld [smem:$0x3FB5];
	_ =	sdelay $0x3  }
0x36: {  	p1 =	seq.s32 s10, $0x1;
	s10 =	sld [smem:$0x3FB6];
	_ =	sdelay $0x3  }
0x37: {  	[smem:$0x3FB6] =	sst s10  }
0x38: {  	s10 =	sld [smem:$0x3FB7]  }
0x39: {  	_ = 	snop;
	(pc) =	sbr.ind lr, $3  }
0x3a: {  	_ = 	snop  }
0x3b: {  	_ = 	snop  }
0x3c: {  	p2 =	seq.s32 s10, $0x1;
	s10 =	sld [smem:$0x3FB6]  }
0x3d: {  	_ =	shalt  }
0x3e: {  	_ =	shalt  }
0x3f: {  	_ =	shalt  }
0x40: {  	_ =	shalt  }
0x41: {  	_ =	shalt  }
0x42: {  	_ =	shalt  }
0x43: {  	_ =	shalt  }
0x44: {  	_ =	shalt  }
0x45: {  	_ =	shalt  }
0x46: {  	_ =	shalt  }
0x47: {  	_ =	shalt  }
0x48: {  	_ =	shalt  }
0x49: {  	_ =	shalt  }
0x4a: {  	_ =	shalt  }
0x4b: {  	_ =	shalt  }
0x4c: {  	_ =	shalt  }
0x4d: {  	_ =	shalt  }
0x4e: {  	_ =	shalt  }
0x4f: {  	_ =	shalt  }
0x50: {  	_ =	shalt  }
0x51: {  	_ =	shalt  }
0x52: {  	_ =	shalt  }
0x53: {  	_ =	shalt  }
0x54: {  	_ =	shalt  }
0x55: {  	_ =	shalt  }
0x56: {  	_ =	shalt  }
0x57: {  	_ =	shalt  }
0x58: {  	_ =	shalt  }
0x59: {  	_ =	shalt  }
0x5a: {  	_ =	shalt  }
0x5b: {  	_ =	shalt  }
0x5c: {  	_ =	shalt  }
0x5d: {  	_ =	shalt  }
0x5e: {  	_ =	shalt  }
0x5f: {  	_ =	shalt  }
0x60: {  	_ =	shalt  }
0x61: {  	_ =	shalt  }
0x62: {  	_ =	shalt  }
0x63: {  	_ =	shalt  }
0x64: {  	_ =	shalt  }
0x65: {  	_ =	shalt  }
0x66: {  	_ =	shalt  }
0x67: {  	_ =	shalt  }
0x68: {  	_ =	shalt  }
0x69: {  	_ =	shalt  }
0x6a: {  	_ =	shalt  }
0x6b: {  	_ =	shalt  }
0x6c: {  	_ =	shalt  }
0x6d: {  	_ =	shalt  }
0x6e: {  	_ =	shalt  }
0x6f: {  	_ =	shalt  }
0x70: {  	_ =	shalt  }
0x71: {  	_ =	shalt  }
0x72: {  	_ =	shalt  }
0x73: {  	_ =	shalt  }
0x74: {  	_ =	shalt  }
0x75: {  	_ =	shalt  }
0x76: {  	_ =	shalt  }
0x77: {  	_ =	shalt  }
0x78: {  	_ =	shalt  }
0x79: {  	_ =	shalt  }
0x7a: {  	_ =	shalt  }
0x7b: {  	_ =	shalt  }
0x7c: {  	_ =	shalt  }
0x7d: {  	_ =	shalt  }
0x7e: {  	_ =	shalt  }
0x7f: {  	_ =	shalt  }
0x80: {  	_ =	shalt  }
0x81: {  	_ =	shalt  }
0x82: {  	_ =	shalt  }
0x83: {  	_ =	shalt  }
0x84: {  	_ =	shalt  }
0x85: {  	_ =	shalt  }
0x86: {  	_ =	shalt  }
0x87: {  	_ =	shalt  }
.Lfunc_end0:
.L_simem_size_0:
called_computation.1_lowered:
.L_overlay_start_0:
0x88: {  	s2 =	sld [smem:$0x3FD9]  }
0x89: {  	s3 =	sld [smem:$0x3FFE];
	_ =	sdelay $0x1  }
0x8a: {  	s1 =	srdreg.scid  }
0x8b: {  	s0 =	sand.u32 $0x1, s1  }
0x8c: {  	s17 =	sshll.u32 s0, $0xA;
	s2 =	sadd.s32 s3, s2  }
0x8d: {  	s2 =	sadd.s32 s2, s17  }
0x8e: {  	[smem:$0x3FC2] =	sst s2  }
0x8f: {  	_ = 	snop  }
0x90: {  	s2 =	sld [smem:$0x3FD0];
	(tm) =	ssettm $0x1  }
0x91: {  	s18 =	sld [smem:$0x3FFB];
	_ =	sdelay $0x3  }
0x92: {  	_ =	strace s18  }
0x93: {  	s3 =	sld [smem:$0x3FFC];
	_ =	sdelay $0x3  }
0x94: {  	_ =	strace s3  }
0x95: {  	s3 =	sld [smem:$0x3FFD];
	_ =	sdelay $0x3  }
0x96: {  	_ =	strace s3  }
0x97: {  	_ =	strace $0x8FFFFFFF  }
0x98: {  	s19 =	sld [smem:$0x3FDB];
	_ =	sdelay $0x1  }
0x99: {  	s4 =	simm.s32 $_scs_section_size  }
0x9a: {  	s5 =	simm.s32 $_size__tile_overlayer_lowered;
	s6 =	simm.s32 $_tile_overlayer_lowered  }
0x9b: {  	s22 =	simm.s32 $0x1BFF;
	s21 =	sshll.u32 s6, $0x1;
	s3 =	sadd.s32 s4, s19  }
0x9c: {  	s7 =	simm.s32 $0x0;
	s20 =	sshll.u32 s5, $0x1;
	s5 =	sadd.s32 s21, s3  }
0x9d: {  	[timem:s7], [sflag:s22] =	dma.local [hbm:s5], s20  }
0x9e: {  	_ =	swait.ge [sflag:s22], s20  }
0x9f: {  	s4 =	ssub.s32 $0x0, s20;
	[sflag:s22] =	ssyncset.done $0x0  }
0xa0: {  	[sflag:s22] =	ssyncadd.s32 s4;
	_ =	sdelay $0x1  }
0xa1: {  	s23 =	simm.s32 $0x1B8B  }
0xa2: {  	_ =	swait.ge [sflag:s23], $0x1  }
0xa3: {  	[sflag:s23] =	ssyncset.done $0x0  }
0xa4: {  	s25 =	simm.s32 $0x1B8E;
	s24 =	sld [smem:$0x3FFE];
	[sflag:s23] =	ssyncadd.s32 $0xFFFFFFFF  }
0xa5: {  	s26 =	simm.s32 $execute0_lowered;
	[smem:$0x3FD2] =	sst s25  }
0xa6: {  	s5 =	sshll.u32 s26, $0x1;
	_ =	strace $0x80000049;
	[dreg:$0x1] =	wrdreg $0xFFFFFFFF  }
0xa7: {  	s28 =	simm.s32 $_size_execute0_lowered;
	s3 =	sadd.s32 s3, s5;
	[dreg:$0x0] =	wrdreg $0x0  }
0xa8: {  	s5 =	sshll.u32 s28, $0x1;
	[dreg:$0x2] =	wrdreg s3  }
0xa9: {  	[dreg:$0x3] =	wrdreg s5  }
0xaa: {  	[dreg:$0x4] =	wrdreg $0xC0  }
0xab: {  	_ =	task [dreg:s7], $0x5FFFF  }
0xac: {  	[dreg:$0x1] =	wrdreg $0xFFFFFFFF  }
0xad: {  	[dreg:$0x0] =	wrdreg $0x60  }
0xae: {  	[dreg:$0x2] =	wrdreg s24  }
0xaf: {  	[dreg:$0x3] =	wrdreg s2  }
0xb0: {  	[dreg:$0x4] =	wrdreg $0xC5000  }
0xb1: {  	[dreg:$0x5] =	wrdreg $0x9  }
0xb2: {  	_ =	task.clear_ibuf [dreg:s7], $0x6FFFF;
	_ =	strace $0x90000049  }
0xb3: {  	s29 =	simm.s32 $0x9;
	_ =	strace $0x8000004B  }
0xb4: {  	_ =	swait.ge [sflag:s29], $0x1  }
0xb5: {  	[sflag:s29] =	ssyncadd.s32 $0xFFFFFFFF  }
0xb6: {  	_ =	strace $0x9000004B  }
0xb7: {  	_ =	sfence  }
0xb8: {  	s30 =	sld [smem:$0x0];
	_ =	sdelay $0x2  }
0xb9: {  	s31 =	sshll.u32 s1, $0xD;
	s1 =	sshrl.u32 s1, $0x2  }
0xba: {  	s3 =	sand.u32 $0x4000, s31;
	s1 =	sadd.s32 s1, s30  }
0xbb: {  	s0 =	sor.u32 s3, s0;
	s1 =	sshll.u32 s1, $0x11  }
0xbc: {  	s0 =	sor.u32 s1, s0  }
0xbd: {  	s0 =	sadd.s32 $0x8F2B, s0  }
0xbe: {  	[sflag:s0] =	ssyncadd.remote.s32 $0x1  }
0xbf: {  	_ =	sfence.sel $0xFFFF  }
0xc0: {  	[dreg:$0x0] =	wrdreg $0xFFFFFFFF;
	(pc) =	sbr.abs _section_cstart, $3  }
0xc1: {  	[dreg:$0x1] =	wrdreg $0xFFFFFFFF  }
0xc2: {  	_ =	task.clear_ibuf [dreg:s7], $0x2FFFF;
	_ =	strace $0x9FFFFFFF  }
0xc3: {  	(tm) =	ssettm $0x7FFFFFFF  }
tec
execute0_lowered:
.L_overlay_start_1:
0x0: {  	(tag) =	ssettag $0x1  }
0x1: {  	s5 =	rddreg [dreg:$0x0]  }
0x2: {  	s6 =	rddreg [dreg:$0x1]  }
0x3: {  	s0 =	srdreg.scid;
	s2 =	rddreg [dreg:$0x2]  }
0x4: {  	s1 =	stileid.u32;
	s3 =	simm.s32 $0x0;
	s16 =	simm.s32 $0x64  }
0x5: {  	s17 =	simm.s32 $0x5D00;
	s18 =	simm.s32 $0x68;
	s19 =	simm.s32 $0x9100  }
0x6: {  	s20 =	simm.s32 $0x1;
	s21 =	simm.s32 $0x2;
	s22 =	simm.s32 $0x3  }
0x7: {  	s23 =	simm.s32 $0x4;
	s24 =	simm.s32 $0x5A00;
	s28 =	smul.u32 $0x1F400, s1  }
0x8: {  	s25 =	simm.s32 $0x5A80;
	s26 =	simm.s32 $0x0;
	s29 =	smul.u32 $0x7D000, s1  }
0x9: {  	s7 =	sand.u32 $0x1, s0;
	s4 =	sshrl.u32 s1, $0x3;
	s12 =	smul.u32 $0x680, s1  }
0xa: {  	s9 =	sshll.u32 s1, $0x7;
	[smem:$0x7FF] =	sst s3;
	s8 =	smul.u32 $0x138800, s7  }
0xb: {  	p0 =	sgt.u32 s1, $0x9;
	s4 =	smul.u32 $0x14800, s4;
	s9 =	sand.u32 $0x380, s9  }
0xc: {  	_ =	strace $0x8000004A;
	s7 =	ssub.s32 $0x2, s7;
	s14 =	sshll.u32 @!p0 s1, $0x6  }
0xd: {  	s30 =	sshrl.u32 s7, $0x1;
	s31 =	sshrl.u32 s29, $0x2;
	s6 =	sadd.s32 s6, s12  }
0xe: {  	s12 =	simm.s32 $0x5;
	s14 =	sor.u32 @!p0 $0x1C05, s14;
	s10 =	sshrl.u32 s8, $0x3  }
0xf: {  	s4 =	sor.u32 s9, s4;
	s8 =	sadd.s32 s28, s8;
	s13 =	ssub.s32 s7, s30  }
0x10: {  	s15 =	sadd.s32 s31, s2;
	s10 =	sadd.s32 s10, s5;
	s4 =	sshrl.u32 s4, $0x3  }
0x11: {  	s8 =	sshrl.u32 s8, $0x3;
	s9 =	smax.u32 s13, $0x1;
	s13 =	simm.s32 $0x2900  }
0x12: {  	s15 =	sshrl.u32 @!p0 s15, $0x3;
	s11 =	sadd.s32 s4, s5;
	s4 =	sadd.s32 $0x1800, s5  }
0x13: {  	s8 =	sadd.s32 s8, s5;
	s7 =	sadd.s32 $0xCC00, s10;
	s10 =	simm.s32 $0x80  }
0x14: {  	s5 =	sadd.s32 $0x7A00, s11;
	s8 =	sadd.s32 $0x5AE00, s8;
	s11 =	simm.s32 $0x400  }
.LBB2_1:
0x15: {  	[tilespmem:s3], [sflag:$0x5] =	stream.strided.gather [hbm4b:s5+s10], $0x2900, s11, s10, $0x38;
	[tilespmem:$0x1FD80] =	vst v63  }
0x16: {  	_ =	swait.ge [sflag:s12], $0x2900  }
0x17: {  	[sflag:s12] =	ssyncset.done $0x0  }
0x18: {  	[sflag:s12] =	ssyncadd.s32 $0xFFFFD700  }
0x19: {  	[tilespmem:s13], [sflag:$0x5] =	stream.linear.gather [hbm4b:s6+s3], $0x3200, $0x38;
	[tilespmem:$0x1FD80] =	vst v63  }
0x1a: {  	_ =	swait.ge [sflag:s12], $0x3200  }
0x1b: {  	[sflag:s12] =	ssyncset.done $0x0  }
0x1c: {  	s28 =	simm.s32 @!p0 $0x5;
	[sflag:s12] =	ssyncadd.s32 $0xFFFFCE00  }
0x1d: {  	[spmem:s15], [sflag:s14] =	dma.local @!p0 [hbm:s4], $0x3E80  }
0x1e: {  	_ =	swait.ge @!p0 [sflag:s28], $0x3E80  }
0x1f: {  	[sflag:s28] =	ssyncset.done @!p0 $0x0  }
0x20: {  	[sflag:s28] =	ssyncadd.s32 @!p0 $0xFFFFC180  }
0x21: {  	[bflag:$0x0] =	sbarrier.arrive $0xFFFF  }
0x22: {  	[tilespmem:s17], [sflag:$0x1] =	stream.indirect.gather [hbm4b:s7+s16], $0x80, s3, s16, $0xb8;
	[tilespmem:$0x1FD80] =	vst v63  }
0x23: {  	_ = 	snop  }
0x24: {  	[tilespmem:s19], [sflag:$0x2] =	stream.indirect.gather [hbm4b:s7+s16], $0x80, s18, s16, $0xb8;
	[tilespmem:$0x1FD80] =	vst v63  }
0x25: {  	_ =	swait.ge [sflag:s20], $0x3200  }
0x26: {  	[sflag:s20] =	ssyncset.done $0x0  }
0x27: {  	s28 =	simm.s32 $0x2900;
	[sflag:s20] =	ssyncadd.s32 $0xFFFFCE00  }
0x28: {  	[spmem:s2] =	stream.indirect.scatter.add.f32 [tilespmem:s17], [sflag:$0x3], $0x80, s28, s16, $0xb8;
	[tilespmem:$0x1FD80] =	vst v63  }
0x29: {  	_ =	swait.ge [sflag:s21], $0x3200  }
0x2a: {  	[sflag:s21] =	ssyncset.done $0x0  }
0x2b: {  	[sflag:s21] =	ssyncadd.s32 $0xFFFFCE00  }
0x2c: {  	_ =	swait.ge [sflag:s22], $0x3200  }
0x2d: {  	[sflag:s22] =	ssyncset.done $0x0  }
0x2e: {  	s28 =	simm.s32 $0xD0;
	[sflag:s22] =	ssyncadd.s32 $0xFFFFCE00  }
0x2f: {  	[tilespmem:s17], [sflag:$0x1] =	stream.indirect.gather [hbm4b:s7+s16], $0x80, s28, s16, $0xb8;
	[tilespmem:$0x1FD80] =	vst v63  }
0x30: {  	s28 =	simm.s32 $0x2980  }
0x31: {  	[spmem:s2] =	stream.indirect.scatter.add.f32 [tilespmem:s19], [sflag:$0x4], $0x80, s28, s16, $0xb8;
	[tilespmem:$0x1FD80] =	vst v63  }
0x32: {  	_ =	swait.ge [sflag:s23], $0x3200  }
0x33: {  	s29 =	simm.s32 $0x400;
	[sflag:s23] =	ssyncset.done $0x0  }
0x34: {  	s30 =	simm.s32 $0x208;
	s28 =	simm.s32 $0x138;
	[sflag:s23] =	ssyncadd.s32 $0xFFFFCE00  }
.LBB2_2:
0x35: {  	[tilespmem:s19], [sflag:$0x2] =	stream.indirect.gather [hbm4b:s7+s16], $0x80, s28, s16, $0xb8;
	[tilespmem:$0x1FD80] =	vst v63  }
0x36: {  	s31 =	smov.u32 s29;
	s28 =	smov.u32 s30  }
0x37: {  	p1 =	sne.s32 s29, $0xC000;
	s29 =	sadd.s32 $0x400, s29;
	_ =	swait.ge [sflag:s20], $0x3200  }
0x38: {  	s31 =	sshra.s32 s31, $0x2;
	[sflag:s20] =	ssyncset.done $0x0  }
0x39: {  	s0 =	sadd.s32 $0x2900, s31;
	[sflag:s20] =	ssyncadd.s32 $0xFFFFCE00  }
0x3a: {  	[spmem:s2] =	stream.indirect.scatter.add.f32 [tilespmem:s17], [sflag:$0x3], $0x80, s0, s16, $0xb8;
	[tilespmem:$0x1FD80] =	vst v63  }
0x3b: {  	_ =	swait.ge [sflag:s21], $0x3200  }
0x3c: {  	[sflag:s21] =	ssyncset.done $0x0  }
0x3d: {  	[sflag:s21] =	ssyncadd.s32 $0xFFFFCE00  }
0x3e: {  	_ =	swait.ge [sflag:s22], $0x3200  }
0x3f: {  	[sflag:s22] =	ssyncset.done $0x0  }
0x40: {  	s0 =	sadd.s32 $0xFFFFFF98, s30;
	[sflag:s22] =	ssyncadd.s32 $0xFFFFCE00  }
0x41: {  	[tilespmem:s17], [sflag:$0x1] =	stream.indirect.gather [hbm4b:s7+s16], $0x80, s0, s16, $0xb8;
	[tilespmem:$0x1FD80] =	vst v63  }
.Ltmp0:
0x42: {  	s0 =	sadd.s32 $0x2980, s31;
	(pc) =	sbr.rel @p1 .LBB2_2-.Ltmp0, $4  }
0x43: {  	[spmem:s2] =	stream.indirect.scatter.add.f32 [tilespmem:s19], [sflag:$0x4], $0x80, s0, s16, $0xb8;
	[tilespmem:$0x1FD80] =	vst v63  }
0x44: {  	_ =	swait.ge [sflag:s23], $0x3200  }
0x45: {  	[sflag:s23] =	ssyncset.done $0x0  }
0x46: {  	s30 =	sadd.s32 $0xD0, s30;
	[sflag:s23] =	ssyncadd.s32 $0xFFFFCE00  }
0x47: {  	[tilespmem:s19], [sflag:$0x2] =	stream.indirect.gather [hbm4b:s7+s16], $0x80, s28, s16, $0xb8;
	[tilespmem:$0x1FD80] =	vst v63  }
0x48: {  	_ =	swait.ge [sflag:s20], $0x3200  }
0x49: {  	[sflag:s20] =	ssyncset.done $0x0  }
0x4a: {  	[sflag:s20] =	ssyncadd.s32 $0xFFFFCE00  }
0x4b: {  	[spmem:s2] =	stream.indirect.scatter.add.f32 [tilespmem:s17], [sflag:$0x3], $0x80, s24, s16, $0xb8;
	[tilespmem:$0x1FD80] =	vst v63  }
0x4c: {  	_ =	swait.ge [sflag:s21], $0x3200  }
0x4d: {  	[sflag:s21] =	ssyncset.done $0x0  }
0x4e: {  	[sflag:s21] =	ssyncadd.s32 $0xFFFFCE00  }
0x4f: {  	_ =	swait.ge [sflag:s22], $0x3200  }
0x50: {  	[sflag:s22] =	ssyncset.done $0x0  }
0x51: {  	[sflag:s22] =	ssyncadd.s32 $0xFFFFCE00  }
0x52: {  	[spmem:s2] =	stream.indirect.scatter.add.f32 [tilespmem:s19], [sflag:$0x4], $0x80, s25, s16, $0xb8;
	[tilespmem:$0x1FD80] =	vst v63  }
0x53: {  	_ =	swait.ge [sflag:s23], $0x3200  }
0x54: {  	s26 =	sadd.s32 $0x1, s26;
	[sflag:s23] =	ssyncset.done $0x0  }
0x55: {  	p1 =	sne.s32 s26, s9;
	[sflag:s23] =	ssyncadd.s32 $0xFFFFCE00  }
.Ltmp1:
0x56: {  	s0 =	simm.s32 @!p0 $0x5;
	[bflag:$0x0] =	sbarrier.arrive $0xFFFF;
	(pc) =	sbr.rel @p1 .LBB2_1-.Ltmp1, $4  }
0x57: {  	[hbm:s8], [sflag:s14] =	dma.local @!p0 [spmem:s15], $0x3E80  }
0x58: {  	_ =	swait.ge @!p0 [sflag:s0], $0x3E80  }
0x59: {  	[sflag:s0] =	ssyncset.done @!p0 $0x0  }
0x5a: {  	[sflag:s0] =	ssyncadd.s32 @!p0 $0xFFFFC180  }
0x5b: {  	_ =	sfence.sel $0x180000  }
0x5c: {  	[bflag:$0x0] =	sbarrier.arrive $0xFFFF  }
0x5d: {  	_ =	strace $0x9000004A  }
0x5e: {  	[bflag:$0x2] =	sbarrier.arrive $0xFFFF  }
0x5f: {  	p0 =	sne.s32 s1, $0x0;
	s0 =	rddreg [dreg:$0x3]  }
0x60: {  	s0 =	sadd.s32 @!p0 $0x100000, s0  }
0x61: {  	[sflag:s0] =	ssyncadd.tile.s32 @!p0 $0x1;
	_ =	shalt  }
.Lfunc_end2:
_tile_overlayer_lowered:
.L_overlay_start_2:
0x62: {  	(tag) =	ssettag $0x2  }
0x63: {  	s0 =	rddreg [dreg:$0x0];
	s2 =	stileid.u32  }
0x64: {  	s1 =	rddreg [dreg:$0x1];
	p0 =	sne.s32 s2, $0x0  }
0x65: {  	s3 =	rddreg [dreg:$0x2];
	[bflag:$0x3] =	sbarrier.arrive $0xFFFF;
	s2 =	simm.s32 @!p0 $0x1C05  }
0x66: {  	[timem:s3], [sflag:s2] =	dma.local @!p0 [hbm:s0], s1  }
0x67: {  	s0 =	simm.s32 @!p0 $0x5  }
0x68: {  	_ =	swait.ge @!p0 [sflag:s0], s1  }
0x69: {  	s1 =	ssub.s32 @!p0 $0x0, s1;
	[sflag:s0] =	ssyncset.done @!p0 $0x0  }
0x6a: {  	[sflag:s0] =	ssyncadd.s32 @!p0 s1  }
0x6b: {  	[bflag:$0x3] =	sbarrier.arrive $0xFFFF  }
0x6c: {  	_ =	shalt  }

// kernel: kernel.14.cloned.1.call-start
scs
__scs_entry_jumppad:
0x0: {  	(pc) =	sbr.rel $0x88, $3  }
0x1: {  	(tag) =	ssettag $0x0;
	lr =	simm.s32 $0x1  }
0x2: {  	[smem:$0x3F9B] =	sst lr;
	_ =	strace $0xD0000000  }
0x3: {  	_ = 	snop  }
0x4: {  	_ = 	snop  }
0x5: {  	_ = 	snop  }
0x6: {  	_ = 	snop  }
0x7: {  	_ = 	snop  }
__scs_overlays_trampoline_lowered:
0x8: {  	[smem:$0x3FAA] =	sst s0  }
0x9: {  	[smem:$0x3FAB] =	sst s1  }
0xa: {  	[smem:$0x3FAC] =	sst s2  }
0xb: {  	[smem:$0x3FAD] =	sst s3  }
0xc: {  	[smem:$0x3FAE] =	sst s4  }
0xd: {  	[smem:$0x3FAF] =	sst s5  }
0xe: {  	[smem:$0x3FB0] =	sst s6  }
0xf: {  	[smem:$0x3FB1] =	sst s7  }
0x10: {  	[smem:$0x3FB2] =	sst s8  }
0x11: {  	[smem:$0x3FB3] =	sst s9;
	s0 =	simm.s32 @!p0 $0x0  }
0x12: {  	s1 =	sld [smem:$0x3F99];
	s0 =	simm.s32 @p0 $0x1  }
0x13: {  	[smem:$0x3FB4] =	sst s0;
	s0 =	simm.s32 @!p1 $0x0  }
0x14: {  	s2 =	sld [smem:$0x3F98];
	s0 =	simm.s32 @p1 $0x1  }
0x15: {  	[smem:$0x3FB5] =	sst s0;
	s0 =	simm.s32 @!p2 $0x0  }
0x16: {  	s3 =	sld [smem:$0x3FDB];
	s0 =	simm.s32 @p2 $0x1  }
0x17: {  	s4 =	simm.s32 $0x1BF5;
	[smem:$0x3FB7] =	sst s0  }
0x18: {  	s0 =	sld [smem:$0x3F9A];
	_ =	swait.ge [sflag:s4], $0x0  }
0x19: {  	s7 =	sld [smem:$0x3F9B]  }
0x1a: {  	s8 =	sadd.s32 $0xFFFFE003, lr  }
0x1b: {  	s9 =	sadd.s32 $0xFFFFFEF7, lr;
	s5 =	simm.s32 $0xFFFFFFFF;
	p2 =	slt.u32 s8, $0xFFFFF086  }
0x1c: {  	p1 =	slt.u32 s9, $0xF7A;
	s5 =	simm.s32 @!p2 $0x0  }
0x1d: {  	s5 =	simm.s32 @p1 $0x1;
	p0 =	seq.s32 s7, s2  }
0x1e: {  	s7 =	smul.u32 @!p0 $0xF7A, s2;
	p2 =	seq.s32 @!p0 s5, $0x0  }
0x1f: {  	s9 =	smul.u32 $0xF7A, s1;
	s8 =	simm.s32 @!p0 $0x1BF5;
	p2 =	por !p2, p0  }
0x20: {  	[sflag:s8] =	ssyncset.s32 @!p0 $0xFFFFF086;
	s6 =	sadd.s32 @!p0 s3, s7;
	s7 =	simm.s32 @!p0 $0x108  }
0x21: {  	s3 =	sadd.s32 s3, s9;
	s6 =	sadd.s32 @!p0 $0x88, s6;
	s7 =	simm.s32 @p2 $0x1082  }
0x22: {  	[simem:s7], [sflag:s8] =	dma.local @!p0 [hbm:s6], $0xF7A  }
0x23: {  	s9 =	sor.u32 $0xD0000000, s2;
	s6 =	simm.s32 $0x108;
	_ =	swait.ge @!p0 [sflag:s8], $0x0  }
0x24: {  	s3 =	sadd.s32 $0x88, s3;
	s6 =	simm.s32 @!p1 $0x1082;
	[sflag:s4] =	ssyncset.s32 $0xFFFFF086  }
0x25: {  	[simem:s6], [sflag:s4] =	dma.local [hbm:s3], $0xF7A  }
0x26: {  	[smem:$0x3F9B] =	sst s1;
	(tag) =	ssettag s2;
	_ =	strace s9  }
0x27: {  	s1 =	sld [smem:$0x3FAB]  }
0x28: {  	s2 =	sld [smem:$0x3FAC]  }
0x29: {  	s4 =	sld [smem:$0x3FAE]  }
0x2a: {  	p0 =	seq.s32 s5, $0x0;
	s5 =	sld [smem:$0x3FAF]  }
0x2b: {  	s6 =	sld [smem:$0x3FB0]  }
0x2c: {  	s7 =	sld [smem:$0x3FB1]  }
0x2d: {  	s3 =	simm.s32 $0x108;
	s8 =	sld [smem:$0x3FB2]  }
0x2e: {  	s3 =	simm.s32 @!p0 $0x1082;
	s9 =	sld [smem:$0x3FB3]  }
0x2f: {  	lr =	sadd.s32 s0, s3;
	s0 =	sld [smem:$0x3FAA]  }
0x30: {  	s3 =	sld [smem:$0x3FAD]  }
0x31: {  	[smem:$0x3FB6] =	sst s10  }
0x32: {  	s10 =	sld [smem:$0x3FB4];
	_ =	sdelay $0x3  }
0x33: {  	p0 =	seq.s32 s10, $0x1;
	s10 =	sld [smem:$0x3FB6];
	_ =	sdelay $0x3  }
0x34: {  	[smem:$0x3FB6] =	sst s10  }
0x35: {  	s10 =	sld [smem:$0x3FB5];
	_ =	sdelay $0x3  }
0x36: {  	p1 =	seq.s32 s10, $0x1;
	s10 =	sld [smem:$0x3FB6];
	_ =	sdelay $0x3  }
0x37: {  	[smem:$0x3FB6] =	sst s10  }
0x38: {  	s10 =	sld [smem:$0x3FB7]  }
0x39: {  	_ = 	snop;
	(pc) =	sbr.ind lr, $3  }
0x3a: {  	_ = 	snop  }
0x3b: {  	_ = 	snop  }
0x3c: {  	p2 =	seq.s32 s10, $0x1;
	s10 =	sld [smem:$0x3FB6]  }
0x3d: {  	_ =	shalt  }
0x3e: {  	_ =	shalt  }
0x3f: {  	_ =	shalt  }
0x40: {  	_ =	shalt  }
0x41: {  	_ =	shalt  }
0x42: {  	_ =	shalt  }
0x43: {  	_ =	shalt  }
0x44: {  	_ =	shalt  }
0x45: {  	_ =	shalt  }
0x46: {  	_ =	shalt  }
0x47: {  	_ =	shalt  }
0x48: {  	_ =	shalt  }
0x49: {  	_ =	shalt  }
0x4a: {  	_ =	shalt  }
0x4b: {  	_ =	shalt  }
0x4c: {  	_ =	shalt  }
0x4d: {  	_ =	shalt  }
0x4e: {  	_ =	shalt  }
0x4f: {  	_ =	shalt  }
0x50: {  	_ =	shalt  }
0x51: {  	_ =	shalt  }
0x52: {  	_ =	shalt  }
0x53: {  	_ =	shalt  }
0x54: {  	_ =	shalt  }
0x55: {  	_ =	shalt  }
0x56: {  	_ =	shalt  }
0x57: {  	_ =	shalt  }
0x58: {  	_ =	shalt  }
0x59: {  	_ =	shalt  }
0x5a: {  	_ =	shalt  }
0x5b: {  	_ =	shalt  }
0x5c: {  	_ =	shalt  }
0x5d: {  	_ =	shalt  }
0x5e: {  	_ =	shalt  }
0x5f: {  	_ =	shalt  }
0x60: {  	_ =	shalt  }
0x61: {  	_ =	shalt  }
0x62: {  	_ =	shalt  }
0x63: {  	_ =	shalt  }
0x64: {  	_ =	shalt  }
0x65: {  	_ =	shalt  }
0x66: {  	_ =	shalt  }
0x67: {  	_ =	shalt  }
0x68: {  	_ =	shalt  }
0x69: {  	_ =	shalt  }
0x6a: {  	_ =	shalt  }
0x6b: {  	_ =	shalt  }
0x6c: {  	_ =	shalt  }
0x6d: {  	_ =	shalt  }
0x6e: {  	_ =	shalt  }
0x6f: {  	_ =	shalt  }
0x70: {  	_ =	shalt  }
0x71: {  	_ =	shalt  }
0x72: {  	_ =	shalt  }
0x73: {  	_ =	shalt  }
0x74: {  	_ =	shalt  }
0x75: {  	_ =	shalt  }
0x76: {  	_ =	shalt  }
0x77: {  	_ =	shalt  }
0x78: {  	_ =	shalt  }
0x79: {  	_ =	shalt  }
0x7a: {  	_ =	shalt  }
0x7b: {  	_ =	shalt  }
0x7c: {  	_ =	shalt  }
0x7d: {  	_ =	shalt  }
0x7e: {  	_ =	shalt  }
0x7f: {  	_ =	shalt  }
0x80: {  	_ =	shalt  }
0x81: {  	_ =	shalt  }
0x82: {  	_ =	shalt  }
0x83: {  	_ =	shalt  }
0x84: {  	_ =	shalt  }
0x85: {  	_ =	shalt  }
0x86: {  	_ =	shalt  }
0x87: {  	_ =	shalt  }
.Lfunc_end0:
.L_simem_size_0:
called_computation.2_lowered:
.L_overlay_start_0:
0x88: {  	s2 =	sld [smem:$0x3FD9]  }
0x89: {  	s3 =	sld [smem:$0x3FFE];
	_ =	sdelay $0x1  }
0x8a: {  	s1 =	srdreg.scid  }
0x8b: {  	s0 =	sand.u32 $0x1, s1  }
0x8c: {  	s17 =	sshll.u32 s0, $0xA;
	s2 =	sadd.s32 s3, s2  }
0x8d: {  	s2 =	sadd.s32 s2, s17  }
0x8e: {  	[smem:$0x3FC2] =	sst s2  }
0x8f: {  	_ = 	snop  }
0x90: {  	s2 =	sld [smem:$0x3FD0];
	(tm) =	ssettm $0x1  }
0x91: {  	s18 =	sld [smem:$0x3FFB];
	_ =	sdelay $0x3  }
0x92: {  	_ =	strace s18  }
0x93: {  	s3 =	sld [smem:$0x3FFC];
	_ =	sdelay $0x3  }
0x94: {  	_ =	strace s3  }
0x95: {  	s3 =	sld [smem:$0x3FFD];
	_ =	sdelay $0x3  }
0x96: {  	_ =	strace s3  }
0x97: {  	_ =	strace $0x8FFFFFFF  }
0x98: {  	s19 =	sld [smem:$0x3FDB];
	_ =	sdelay $0x1  }
0x99: {  	s4 =	simm.s32 $_scs_section_size  }
0x9a: {  	s5 =	simm.s32 $_size__tile_overlayer_lowered;
	s6 =	simm.s32 $_tile_overlayer_lowered  }
0x9b: {  	s22 =	simm.s32 $0x1BFF;
	s21 =	sshll.u32 s6, $0x1;
	s3 =	sadd.s32 s4, s19  }
0x9c: {  	s7 =	simm.s32 $0x0;
	s20 =	sshll.u32 s5, $0x1;
	s5 =	sadd.s32 s21, s3  }
0x9d: {  	[timem:s7], [sflag:s22] =	dma.local [hbm:s5], s20  }
0x9e: {  	_ =	swait.ge [sflag:s22], s20  }
0x9f: {  	s4 =	ssub.s32 $0x0, s20;
	[sflag:s22] =	ssyncset.done $0x0  }
0xa0: {  	[sflag:s22] =	ssyncadd.s32 s4;
	_ =	sdelay $0x1  }
0xa1: {  	s23 =	simm.s32 $0x1B8B  }
0xa2: {  	_ =	swait.ge [sflag:s23], $0x1  }
0xa3: {  	[sflag:s23] =	ssyncset.done $0x0  }
0xa4: {  	s25 =	simm.s32 $0x1B8E;
	s24 =	sld [smem:$0x3FFE];
	[sflag:s23] =	ssyncadd.s32 $0xFFFFFFFF  }
0xa5: {  	s26 =	simm.s32 $execute0_lowered;
	[smem:$0x3FD2] =	sst s25  }
0xa6: {  	s5 =	sshll.u32 s26, $0x1;
	_ =	strace $0x8000004C;
	[dreg:$0x1] =	wrdreg $0xFFFFFFFF  }
0xa7: {  	s28 =	simm.s32 $_size_execute0_lowered;
	s3 =	sadd.s32 s3, s5;
	[dreg:$0x0] =	wrdreg $0x0  }
0xa8: {  	s5 =	sshll.u32 s28, $0x1;
	[dreg:$0x2] =	wrdreg s3  }
0xa9: {  	[dreg:$0x3] =	wrdreg s5  }
0xaa: {  	[dreg:$0x4] =	wrdreg $0xC0  }
0xab: {  	_ =	task [dreg:s7], $0x5FFFF  }
0xac: {  	[dreg:$0x1] =	wrdreg $0xFFFFFFFF  }
0xad: {  	[dreg:$0x0] =	wrdreg $0x60  }
0xae: {  	[dreg:$0x2] =	wrdreg s2  }
0xaf: {  	[dreg:$0x3] =	wrdreg s24  }
0xb0: {  	[dreg:$0x4] =	wrdreg $0xBA000  }
0xb1: {  	[dreg:$0x5] =	wrdreg $0x9  }
0xb2: {  	_ =	task.clear_ibuf [dreg:s7], $0x6FFFF;
	_ =	strace $0x9000004C  }
0xb3: {  	s29 =	simm.s32 $0x9;
	_ =	strace $0x8000004E  }
0xb4: {  	_ =	swait.ge [sflag:s29], $0x1  }
0xb5: {  	[sflag:s29] =	ssyncadd.s32 $0xFFFFFFFF  }
0xb6: {  	_ =	strace $0x9000004E  }
0xb7: {  	_ =	sfence  }
0xb8: {  	s30 =	sld [smem:$0x0];
	_ =	sdelay $0x2  }
0xb9: {  	s31 =	sshll.u32 s1, $0xD;
	s1 =	sshrl.u32 s1, $0x2  }
0xba: {  	s3 =	sand.u32 $0x4000, s31;
	s1 =	sadd.s32 s1, s30  }
0xbb: {  	s0 =	sor.u32 s3, s0;
	s1 =	sshll.u32 s1, $0x11  }
0xbc: {  	s0 =	sor.u32 s1, s0  }
0xbd: {  	s0 =	sadd.s32 $0x8F2B, s0  }
0xbe: {  	[sflag:s0] =	ssyncadd.remote.s32 $0x1  }
0xbf: {  	_ =	sfence.sel $0xFFFF  }
0xc0: {  	[dreg:$0x0] =	wrdreg $0xFFFFFFFF;
	(pc) =	sbr.abs _section_cstart, $3  }
0xc1: {  	[dreg:$0x1] =	wrdreg $0xFFFFFFFF  }
0xc2: {  	_ =	task.clear_ibuf [dreg:s7], $0x2FFFF;
	_ =	strace $0x9FFFFFFF  }
0xc3: {  	(tm) =	ssettm $0x7FFFFFFF  }
tec
execute0_lowered:
.L_overlay_start_1:
0x0: {  	(tag) =	ssettag $0x1  }
0x1: {  	s1 =	rddreg [dreg:$0x0]  }
0x2: {  	s0 =	srdreg.scid;
	s2 =	rddreg [dreg:$0x1]  }
0x3: {  	s11 =	stileid.u32;
	s3 =	rddreg [dreg:$0x2]  }
0x4: {  	s12 =	simm.s32 $0x9;
	s16 =	simm.s32 $0x32;
	s9 =	smul.u32 $0x3400, s11  }
0x5: {  	s28 =	simm.s32 $0x4;
	s29 =	simm.s32 $0x5;
	s20 =	smul.u32 $0x1F400, s11  }
0x6: {  	s30 =	simm.s32 $0x6;
	s0 =	sand.u32 $0x1, s0;
	s24 =	smul.u32 $0x7D000, s11  }
0x7: {  	s31 =	simm.s32 $0x7;
	s4 =	sshrl.u32 s11, $0x3;
	s5 =	smul.u32 $0x16000, s0  }
0x8: {  	s13 =	simm.s32 $0x4780;
	s8 =	sshll.u32 s11, $0x7;
	s6 =	smul.u32 $0xB000, s4  }
0x9: {  	p0 =	sgt.u32 s11, $0x9;
	s4 =	simm.s32 $0x0;
	s7 =	smul.u32 $0x34000, s0  }
0xa: {  	s17 =	sand.u32 $0x380, s8;
	s18 =	smul.u32 $0x138800, s0;
	s0 =	ssub.s32 $0x2, s0  }
0xb: {  	[smem:$0x7FF] =	sst s4;
	s25 =	sshrl.u32 s0, $0x1;
	s26 =	sshrl.u32 s24, $0x2  }
0xc: {  	s24 =	simm.s32 $0x1;
	s5 =	sadd.s32 s5, s6;
	s19 =	sadd.s32 s9, s7  }
0xd: {  	_ =	strace $0x8000004D;
	s22 =	sadd.s32 s20, s18;
	s0 =	ssub.s32 s0, s25  }
0xe: {  	s25 =	simm.s32 $0x2;
	s18 =	simm.s32 $0x0;
	s5 =	sor.u32 s17, s5  }
0xf: {  	s6 =	sshrl.u32 s19, $0x3;
	s23 =	sshrl.u32 s22, $0x3;
	s9 =	smax.u32 s0, $0x1  }
0x10: {  	s0 =	sshll.u32 @!p0 s11, $0x6;
	s17 =	simm.s32 $0x4A00;
	s19 =	simm.s32 $0x6600  }
0x11: {  	s5 =	sshrl.u32 s5, $0x3;
	s10 =	sadd.s32 s6, s2;
	s14 =	sor.u32 @!p0 $0x1C09, s0  }
0x12: {  	s21 =	sadd.s32 s5, s2;
	s5 =	sadd.s32 $0x1800, s2;
	s2 =	sadd.s32 s23, s2  }
0x13: {  	s7 =	sadd.s32 $0xA9000, s10;
	s10 =	sadd.s32 s26, s3;
	s23 =	simm.s32 $0x9E00  }
0x14: {  	s26 =	simm.s32 $0x3;
	s6 =	sadd.s32 $0xB6000, s21;
	s8 =	sadd.s32 $0x5800, s2  }
0x15: {  	s15 =	sshrl.u32 @!p0 s10, $0x3;
	s21 =	simm.s32 $0x8200;
	s2 =	simm.s32 $0x8  }
.LBB2_1:
0x16: {  	s0 =	simm.s32 $0x80;
	s10 =	simm.s32 $0x400  }
0x17: {  	[tilespmem:s4], [sflag:$0x9] =	stream.strided.gather [hbm4b:s6+s0], $0x1600, s10, s0, $0x38;
	[tilespmem:$0x1F280] =	vst v63  }
0x18: {  	_ =	swait.ge [sflag:s12], $0x1600  }
0x19: {  	[sflag:s12] =	ssyncset.done $0x0  }
0x1a: {  	s11 =	simm.s32 $0x1600;
	[sflag:s12] =	ssyncadd.s32 $0xFFFFEA00  }
0x1b: {  	[tilespmem:s11], [sflag:$0x9] =	stream.linear.gather [hbm4b:s7+s4], $0x3200, $0x38;
	[tilespmem:$0x1F280] =	vst v63  }
0x1c: {  	_ =	swait.ge [sflag:s12], $0x3200  }
0x1d: {  	[sflag:s12] =	ssyncset.done $0x0  }
0x1e: {  	s0 =	simm.s32 @!p0 $0x9;
	[sflag:s12] =	ssyncadd.s32 $0xFFFFCE00  }
0x1f: {  	[spmem:s15], [sflag:s14] =	dma.local @!p0 [hbm:s5], $0x3E80  }
0x20: {  	_ =	swait.ge @!p0 [sflag:s0], $0x3E80  }
0x21: {  	[sflag:s0] =	ssyncset.done @!p0 $0x0  }
0x22: {  	[sflag:s0] =	ssyncadd.s32 @!p0 $0xFFFFC180  }
0x23: {  	[bflag:$0x0] =	sbarrier.arrive $0xFFFF  }
0x24: {  	[tilespmem:s17], [sflag:$0x1] =	stream.indirect.gather [hbm4b:s1+s16], $0x80, s4, s16, $0xb8;
	[tilespmem:$0x1F280] =	vst v63  }
0x25: {  	s20 =	simm.s32 $0x38  }
0x26: {  	[tilespmem:s19], [sflag:$0x2] =	stream.indirect.gather [hbm4b:s1+s16], $0x80, s20, s16, $0xb8;
	[tilespmem:$0x1F280] =	vst v63  }
0x27: {  	s22 =	simm.s32 $0x70  }
0x28: {  	[tilespmem:s21], [sflag:$0x3] =	stream.indirect.gather [hbm4b:s1+s16], $0x80, s22, s16, $0xb8;
	[tilespmem:$0x1F280] =	vst v63  }
0x29: {  	s10 =	simm.s32 $0xA8  }
0x2a: {  	[tilespmem:s23], [sflag:$0x4] =	stream.indirect.gather [hbm4b:s1+s16], $0x80, s10, s16, $0xb8;
	[tilespmem:$0x1F280] =	vst v63  }
0x2b: {  	_ =	swait.ge [sflag:s24], $0x1900  }
0x2c: {  	[sflag:s24] =	ssyncset.done $0x0  }
0x2d: {  	s11 =	simm.s32 $0x1600;
	[sflag:s24] =	ssyncadd.s32 $0xFFFFE700  }
0x2e: {  	[spmem:s3] =	stream.indirect.scatter.add.f32 [tilespmem:s17], [sflag:$0x5], $0x80, s11, s16, $0xb8;
	[tilespmem:$0x1F280] =	vst v63  }
0x2f: {  	_ =	swait.ge [sflag:s25], $0x1900  }
0x30: {  	[sflag:s25] =	ssyncset.done $0x0  }
0x31: {  	s20 =	simm.s32 $0x1680;
	[sflag:s25] =	ssyncadd.s32 $0xFFFFE700  }
0x32: {  	[spmem:s3] =	stream.indirect.scatter.add.f32 [tilespmem:s19], [sflag:$0x6], $0x80, s20, s16, $0xb8;
	[tilespmem:$0x1F280] =	vst v63  }
0x33: {  	_ =	swait.ge [sflag:s26], $0x1900  }
0x34: {  	[sflag:s26] =	ssyncset.done $0x0  }
0x35: {  	s22 =	simm.s32 $0x1700;
	[sflag:s26] =	ssyncadd.s32 $0xFFFFE700  }
0x36: {  	[spmem:s3] =	stream.indirect.scatter.add.f32 [tilespmem:s21], [sflag:$0x7], $0x80, s22, s16, $0xb8;
	[tilespmem:$0x1F280] =	vst v63  }
0x37: {  	_ =	swait.ge [sflag:s28], $0x1900  }
0x38: {  	[sflag:s28] =	ssyncset.done $0x0  }
0x39: {  	s10 =	simm.s32 $0x1780;
	[sflag:s28] =	ssyncadd.s32 $0xFFFFE700  }
0x3a: {  	[spmem:s3] =	stream.indirect.scatter.add.f32 [tilespmem:s23], [sflag:$0x8], $0x80, s10, s16, $0xb8;
	[tilespmem:$0x1F280] =	vst v63  }
0x3b: {  	_ =	swait.ge [sflag:s29], $0x1900  }
0x3c: {  	[sflag:s29] =	ssyncset.done $0x0  }
0x3d: {  	s11 =	simm.s32 $0xE0;
	[sflag:s29] =	ssyncadd.s32 $0xFFFFE700  }
0x3e: {  	[tilespmem:s17], [sflag:$0x1] =	stream.indirect.gather [hbm4b:s1+s16], $0x80, s11, s16, $0xb8;
	[tilespmem:$0x1F280] =	vst v63  }
0x3f: {  	_ =	swait.ge [sflag:s30], $0x1900  }
0x40: {  	[sflag:s30] =	ssyncset.done $0x0  }
0x41: {  	s20 =	simm.s32 $0x118;
	[sflag:s30] =	ssyncadd.s32 $0xFFFFE700  }
0x42: {  	[tilespmem:s19], [sflag:$0x2] =	stream.indirect.gather [hbm4b:s1+s16], $0x80, s20, s16, $0xb8;
	[tilespmem:$0x1F280] =	vst v63  }
0x43: {  	_ =	swait.ge [sflag:s31], $0x1900  }
0x44: {  	[sflag:s31] =	ssyncset.done $0x0  }
0x45: {  	s22 =	simm.s32 $0x150;
	[sflag:s31] =	ssyncadd.s32 $0xFFFFE700  }
0x46: {  	[tilespmem:s21], [sflag:$0x3] =	stream.indirect.gather [hbm4b:s1+s16], $0x80, s22, s16, $0xb8;
	[tilespmem:$0x1F280] =	vst v63  }
0x47: {  	_ =	swait.ge [sflag:s2], $0x1900  }
0x48: {  	s0 =	simm.s32 $0x268;
	[sflag:s2] =	ssyncset.done $0x0  }
0x49: {  	s20 =	simm.s32 $0x188;
	s22 =	simm.s32 $0x800;
	[sflag:s2] =	ssyncadd.s32 $0xFFFFE700  }
.LBB2_2:
0x4a: {  	[tilespmem:s23], [sflag:$0x4] =	stream.indirect.gather [hbm4b:s1+s16], $0x80, s20, s16, $0xb8;
	[tilespmem:$0x1F280] =	vst v63  }
0x4b: {  	s10 =	smov.u32 s22;
	s20 =	smov.u32 s0  }
0x4c: {  	p1 =	sne.s32 s22, $0xB800;
	s22 =	sadd.s32 $0x800, s22;
	_ =	swait.ge [sflag:s24], $0x1900  }
0x4d: {  	s10 =	sshra.s32 s10, $0x2;
	[sflag:s24] =	ssyncset.done $0x0  }
0x4e: {  	s11 =	sadd.s32 $0x1600, s10;
	[sflag:s24] =	ssyncadd.s32 $0xFFFFE700  }
0x4f: {  	[spmem:s3] =	stream.indirect.scatter.add.f32 [tilespmem:s17], [sflag:$0x5], $0x80, s11, s16, $0xb8;
	[tilespmem:$0x1F280] =	vst v63  }
0x50: {  	_ =	swait.ge [sflag:s25], $0x1900  }
0x51: {  	[sflag:s25] =	ssyncset.done $0x0  }
0x52: {  	s11 =	sadd.s32 $0x1680, s10;
	[sflag:s25] =	ssyncadd.s32 $0xFFFFE700  }
0x53: {  	[spmem:s3] =	stream.indirect.scatter.add.f32 [tilespmem:s19], [sflag:$0x6], $0x80, s11, s16, $0xb8;
	[tilespmem:$0x1F280] =	vst v63  }
0x54: {  	_ =	swait.ge [sflag:s26], $0x1900  }
0x55: {  	[sflag:s26] =	ssyncset.done $0x0  }
0x56: {  	s11 =	sadd.s32 $0x1700, s10;
	[sflag:s26] =	ssyncadd.s32 $0xFFFFE700  }
0x57: {  	[spmem:s3] =	stream.indirect.scatter.add.f32 [tilespmem:s21], [sflag:$0x7], $0x80, s11, s16, $0xb8;
	[tilespmem:$0x1F280] =	vst v63  }
0x58: {  	_ =	swait.ge [sflag:s28], $0x1900  }
0x59: {  	[sflag:s28] =	ssyncset.done $0x0  }
0x5a: {  	s10 =	sadd.s32 $0x1780, s10;
	[sflag:s28] =	ssyncadd.s32 $0xFFFFE700  }
0x5b: {  	[spmem:s3] =	stream.indirect.scatter.add.f32 [tilespmem:s23], [sflag:$0x8], $0x80, s10, s16, $0xb8;
	[tilespmem:$0x1F280] =	vst v63  }
0x5c: {  	_ =	swait.ge [sflag:s29], $0x1900  }
0x5d: {  	[sflag:s29] =	ssyncset.done $0x0  }
0x5e: {  	s10 =	sadd.s32 $0xFFFFFF58, s0;
	[sflag:s29] =	ssyncadd.s32 $0xFFFFE700  }
0x5f: {  	[tilespmem:s17], [sflag:$0x1] =	stream.indirect.gather [hbm4b:s1+s16], $0x80, s10, s16, $0xb8;
	[tilespmem:$0x1F280] =	vst v63  }
0x60: {  	_ =	swait.ge [sflag:s30], $0x1900  }
0x61: {  	[sflag:s30] =	ssyncset.done $0x0  }
0x62: {  	s10 =	sadd.s32 $0xFFFFFF90, s0;
	[sflag:s30] =	ssyncadd.s32 $0xFFFFE700  }
0x63: {  	[tilespmem:s19], [sflag:$0x2] =	stream.indirect.gather [hbm4b:s1+s16], $0x80, s10, s16, $0xb8;
	[tilespmem:$0x1F280] =	vst v63  }
0x64: {  	_ =	swait.ge [sflag:s31], $0x1900  }
0x65: {  	[sflag:s31] =	ssyncset.done $0x0  }
.Ltmp0:
0x66: {  	s10 =	sadd.s32 $0xFFFFFFC8, s0;
	[sflag:s31] =	ssyncadd.s32 $0xFFFFE700;
	(pc) =	sbr.rel @p1 .LBB2_2-.Ltmp0, $4  }
0x67: {  	[tilespmem:s21], [sflag:$0x3] =	stream.indirect.gather [hbm4b:s1+s16], $0x80, s10, s16, $0xb8;
	[tilespmem:$0x1F280] =	vst v63  }
0x68: {  	_ =	swait.ge [sflag:s2], $0x1900  }
0x69: {  	[sflag:s2] =	ssyncset.done $0x0  }
0x6a: {  	s0 =	sadd.s32 $0xE0, s0;
	[sflag:s2] =	ssyncadd.s32 $0xFFFFE700  }
0x6b: {  	[tilespmem:s23], [sflag:$0x4] =	stream.indirect.gather [hbm4b:s1+s16], $0x80, s20, s16, $0xb8;
	[tilespmem:$0x1F280] =	vst v63  }
0x6c: {  	_ =	swait.ge [sflag:s24], $0x1900  }
0x6d: {  	[sflag:s24] =	ssyncset.done $0x0  }
0x6e: {  	s0 =	simm.s32 $0x4600;
	[sflag:s24] =	ssyncadd.s32 $0xFFFFE700  }
0x6f: {  	[spmem:s3] =	stream.indirect.scatter.add.f32 [tilespmem:s17], [sflag:$0x5], $0x80, s0, s16, $0xb8;
	[tilespmem:$0x1F280] =	vst v63  }
0x70: {  	_ =	swait.ge [sflag:s25], $0x1900  }
0x71: {  	[sflag:s25] =	ssyncset.done $0x0  }
0x72: {  	s20 =	simm.s32 $0x4680;
	[sflag:s25] =	ssyncadd.s32 $0xFFFFE700  }
0x73: {  	[spmem:s3] =	stream.indirect.scatter.add.f32 [tilespmem:s19], [sflag:$0x6], $0x80, s20, s16, $0xb8;
	[tilespmem:$0x1F280] =	vst v63  }
0x74: {  	_ =	swait.ge [sflag:s26], $0x1900  }
0x75: {  	[sflag:s26] =	ssyncset.done $0x0  }
0x76: {  	s22 =	simm.s32 $0x4700;
	[sflag:s26] =	ssyncadd.s32 $0xFFFFE700  }
0x77: {  	[spmem:s3] =	stream.indirect.scatter.add.f32 [tilespmem:s21], [sflag:$0x7], $0x80, s22, s16, $0xb8;
	[tilespmem:$0x1F280] =	vst v63  }
0x78: {  	_ =	swait.ge [sflag:s28], $0x1900  }
0x79: {  	[sflag:s28] =	ssyncset.done $0x0  }
0x7a: {  	[sflag:s28] =	ssyncadd.s32 $0xFFFFE700  }
0x7b: {  	[spmem:s3] =	stream.indirect.scatter.add.f32 [tilespmem:s23], [sflag:$0x8], $0x80, s13, s16, $0xb8;
	[tilespmem:$0x1F280] =	vst v63  }
0x7c: {  	_ =	swait.ge [sflag:s29], $0x1900  }
0x7d: {  	[sflag:s29] =	ssyncset.done $0x0  }
0x7e: {  	[sflag:s29] =	ssyncadd.s32 $0xFFFFE700  }
0x7f: {  	_ =	swait.ge [sflag:s30], $0x1900  }
0x80: {  	[sflag:s30] =	ssyncset.done $0x0  }
0x81: {  	[sflag:s30] =	ssyncadd.s32 $0xFFFFE700  }
0x82: {  	_ =	swait.ge [sflag:s31], $0x1900  }
0x83: {  	[sflag:s31] =	ssyncset.done $0x0  }
0x84: {  	[sflag:s31] =	ssyncadd.s32 $0xFFFFE700  }
0x85: {  	_ =	swait.ge [sflag:s2], $0x1900  }
0x86: {  	s18 =	sadd.s32 $0x1, s18;
	[sflag:s2] =	ssyncset.done $0x0  }
0x87: {  	p1 =	sne.s32 s18, s9;
	[sflag:s2] =	ssyncadd.s32 $0xFFFFE700  }
.Ltmp1:
0x88: {  	s0 =	simm.s32 @!p0 $0x9;
	[bflag:$0x0] =	sbarrier.arrive $0xFFFF;
	(pc) =	sbr.rel @p1 .LBB2_1-.Ltmp1, $4  }
0x89: {  	[hbm:s8], [sflag:s14] =	dma.local @!p0 [spmem:s15], $0x3E80  }
0x8a: {  	_ =	swait.ge @!p0 [sflag:s0], $0x3E80  }
0x8b: {  	[sflag:s0] =	ssyncset.done @!p0 $0x0  }
0x8c: {  	[sflag:s0] =	ssyncadd.s32 @!p0 $0xFFFFC180  }
0x8d: {  	_ =	sfence.sel $0x180000  }
0x8e: {  	[bflag:$0x0] =	sbarrier.arrive $0xFFFF  }
0x8f: {  	_ =	strace $0x9000004D  }
0x90: {  	s0 =	stileid.u32;
	[bflag:$0x2] =	sbarrier.arrive $0xFFFF  }
0x91: {  	p0 =	sne.s32 s0, $0x0;
	s0 =	rddreg [dreg:$0x3]  }
0x92: {  	s0 =	sadd.s32 @!p0 $0x100000, s0  }
0x93: {  	[sflag:s0] =	ssyncadd.tile.s32 @!p0 $0x1;
	_ =	shalt  }
.Lfunc_end2:
_tile_overlayer_lowered:
.L_overlay_start_2:
0x94: {  	(tag) =	ssettag $0x2  }
0x95: {  	s0 =	rddreg [dreg:$0x0];
	s2 =	stileid.u32  }
0x96: {  	s1 =	rddreg [dreg:$0x1];
	p0 =	sne.s32 s2, $0x0  }
0x97: {  	s3 =	rddreg [dreg:$0x2];
	[bflag:$0x3] =	sbarrier.arrive $0xFFFF;
	s2 =	simm.s32 @!p0 $0x1C09  }
0x98: {  	[timem:s3], [sflag:s2] =	dma.local @!p0 [hbm:s0], s1  }
0x99: {  	s0 =	simm.s32 @!p0 $0x9  }
0x9a: {  	_ =	swait.ge @!p0 [sflag:s0], s1  }
0x9b: {  	s1 =	ssub.s32 @!p0 $0x0, s1;
	[sflag:s0] =	ssyncset.done @!p0 $0x0  }
0x9c: {  	[sflag:s0] =	ssyncadd.s32 @!p0 s1  }
0x9d: {  	[bflag:$0x3] =	sbarrier.arrive $0xFFFF  }
0x9e: {  	_ =	shalt  }

// kernel: kernel.8.cloned.1.call-start
scs
__scs_entry_jumppad:
0x0: {  	(pc) =	sbr.rel $0x88, $3  }
0x1: {  	(tag) =	ssettag $0x0;
	lr =	simm.s32 $0x1  }
0x2: {  	[smem:$0x3F9B] =	sst lr;
	_ =	strace $0xD0000000  }
0x3: {  	_ = 	snop  }
0x4: {  	_ = 	snop  }
0x5: {  	_ = 	snop  }
0x6: {  	_ = 	snop  }
0x7: {  	_ = 	snop  }
__scs_overlays_trampoline_lowered:
0x8: {  	[smem:$0x3FAA] =	sst s0  }
0x9: {  	[smem:$0x3FAB] =	sst s1  }
0xa: {  	[smem:$0x3FAC] =	sst s2  }
0xb: {  	[smem:$0x3FAD] =	sst s3  }
0xc: {  	[smem:$0x3FAE] =	sst s4  }
0xd: {  	[smem:$0x3FAF] =	sst s5  }
0xe: {  	[smem:$0x3FB0] =	sst s6  }
0xf: {  	[smem:$0x3FB1] =	sst s7  }
0x10: {  	[smem:$0x3FB2] =	sst s8  }
0x11: {  	[smem:$0x3FB3] =	sst s9;
	s0 =	simm.s32 @!p0 $0x0  }
0x12: {  	s1 =	sld [smem:$0x3F99];
	s0 =	simm.s32 @p0 $0x1  }
0x13: {  	[smem:$0x3FB4] =	sst s0;
	s0 =	simm.s32 @!p1 $0x0  }
0x14: {  	s2 =	sld [smem:$0x3F98];
	s0 =	simm.s32 @p1 $0x1  }
0x15: {  	[smem:$0x3FB5] =	sst s0;
	s0 =	simm.s32 @!p2 $0x0  }
0x16: {  	s3 =	sld [smem:$0x3FDB];
	s0 =	simm.s32 @p2 $0x1  }
0x17: {  	s4 =	simm.s32 $0x1BF5;
	[smem:$0x3FB7] =	sst s0  }
0x18: {  	s0 =	sld [smem:$0x3F9A];
	_ =	swait.ge [sflag:s4], $0x0  }
0x19: {  	s7 =	sld [smem:$0x3F9B]  }
0x1a: {  	s8 =	sadd.s32 $0xFFFFE003, lr  }
0x1b: {  	s9 =	sadd.s32 $0xFFFFFEF7, lr;
	s5 =	simm.s32 $0xFFFFFFFF;
	p2 =	slt.u32 s8, $0xFFFFF086  }
0x1c: {  	p1 =	slt.u32 s9, $0xF7A;
	s5 =	simm.s32 @!p2 $0x0  }
0x1d: {  	s5 =	simm.s32 @p1 $0x1;
	p0 =	seq.s32 s7, s2  }
0x1e: {  	s7 =	smul.u32 @!p0 $0xF7A, s2;
	p2 =	seq.s32 @!p0 s5, $0x0  }
0x1f: {  	s9 =	smul.u32 $0xF7A, s1;
	s8 =	simm.s32 @!p0 $0x1BF5;
	p2 =	por !p2, p0  }
0x20: {  	[sflag:s8] =	ssyncset.s32 @!p0 $0xFFFFF086;
	s6 =	sadd.s32 @!p0 s3, s7;
	s7 =	simm.s32 @!p0 $0x108  }
0x21: {  	s3 =	sadd.s32 s3, s9;
	s6 =	sadd.s32 @!p0 $0x88, s6;
	s7 =	simm.s32 @p2 $0x1082  }
0x22: {  	[simem:s7], [sflag:s8] =	dma.local @!p0 [hbm:s6], $0xF7A  }
0x23: {  	s9 =	sor.u32 $0xD0000000, s2;
	s6 =	simm.s32 $0x108;
	_ =	swait.ge @!p0 [sflag:s8], $0x0  }
0x24: {  	s3 =	sadd.s32 $0x88, s3;
	s6 =	simm.s32 @!p1 $0x1082;
	[sflag:s4] =	ssyncset.s32 $0xFFFFF086  }
0x25: {  	[simem:s6], [sflag:s4] =	dma.local [hbm:s3], $0xF7A  }
0x26: {  	[smem:$0x3F9B] =	sst s1;
	(tag) =	ssettag s2;
	_ =	strace s9  }
0x27: {  	s1 =	sld [smem:$0x3FAB]  }
0x28: {  	s2 =	sld [smem:$0x3FAC]  }
0x29: {  	s4 =	sld [smem:$0x3FAE]  }
0x2a: {  	p0 =	seq.s32 s5, $0x0;
	s5 =	sld [smem:$0x3FAF]  }
0x2b: {  	s6 =	sld [smem:$0x3FB0]  }
0x2c: {  	s7 =	sld [smem:$0x3FB1]  }
0x2d: {  	s3 =	simm.s32 $0x108;
	s8 =	sld [smem:$0x3FB2]  }
0x2e: {  	s3 =	simm.s32 @!p0 $0x1082;
	s9 =	sld [smem:$0x3FB3]  }
0x2f: {  	lr =	sadd.s32 s0, s3;
	s0 =	sld [smem:$0x3FAA]  }
0x30: {  	s3 =	sld [smem:$0x3FAD]  }
0x31: {  	[smem:$0x3FB6] =	sst s10  }
0x32: {  	s10 =	sld [smem:$0x3FB4];
	_ =	sdelay $0x3  }
0x33: {  	p0 =	seq.s32 s10, $0x1;
	s10 =	sld [smem:$0x3FB6];
	_ =	sdelay $0x3  }
0x34: {  	[smem:$0x3FB6] =	sst s10  }
0x35: {  	s10 =	sld [smem:$0x3FB5];
	_ =	sdelay $0x3  }
0x36: {  	p1 =	seq.s32 s10, $0x1;
	s10 =	sld [smem:$0x3FB6];
	_ =	sdelay $0x3  }
0x37: {  	[smem:$0x3FB6] =	sst s10  }
0x38: {  	s10 =	sld [smem:$0x3FB7]  }
0x39: {  	_ = 	snop;
	(pc) =	sbr.ind lr, $3  }
0x3a: {  	_ = 	snop  }
0x3b: {  	_ = 	snop  }
0x3c: {  	p2 =	seq.s32 s10, $0x1;
	s10 =	sld [smem:$0x3FB6]  }
0x3d: {  	_ =	shalt  }
0x3e: {  	_ =	shalt  }
0x3f: {  	_ =	shalt  }
0x40: {  	_ =	shalt  }
0x41: {  	_ =	shalt  }
0x42: {  	_ =	shalt  }
0x43: {  	_ =	shalt  }
0x44: {  	_ =	shalt  }
0x45: {  	_ =	shalt  }
0x46: {  	_ =	shalt  }
0x47: {  	_ =	shalt  }
0x48: {  	_ =	shalt  }
0x49: {  	_ =	shalt  }
0x4a: {  	_ =	shalt  }
0x4b: {  	_ =	shalt  }
0x4c: {  	_ =	shalt  }
0x4d: {  	_ =	shalt  }
0x4e: {  	_ =	shalt  }
0x4f: {  	_ =	shalt  }
0x50: {  	_ =	shalt  }
0x51: {  	_ =	shalt  }
0x52: {  	_ =	shalt  }
0x53: {  	_ =	shalt  }
0x54: {  	_ =	shalt  }
0x55: {  	_ =	shalt  }
0x56: {  	_ =	shalt  }
0x57: {  	_ =	shalt  }
0x58: {  	_ =	shalt  }
0x59: {  	_ =	shalt  }
0x5a: {  	_ =	shalt  }
0x5b: {  	_ =	shalt  }
0x5c: {  	_ =	shalt  }
0x5d: {  	_ =	shalt  }
0x5e: {  	_ =	shalt  }
0x5f: {  	_ =	shalt  }
0x60: {  	_ =	shalt  }
0x61: {  	_ =	shalt  }
0x62: {  	_ =	shalt  }
0x63: {  	_ =	shalt  }
0x64: {  	_ =	shalt  }
0x65: {  	_ =	shalt  }
0x66: {  	_ =	shalt  }
0x67: {  	_ =	shalt  }
0x68: {  	_ =	shalt  }
0x69: {  	_ =	shalt  }
0x6a: {  	_ =	shalt  }
0x6b: {  	_ =	shalt  }
0x6c: {  	_ =	shalt  }
0x6d: {  	_ =	shalt  }
0x6e: {  	_ =	shalt  }
0x6f: {  	_ =	shalt  }
0x70: {  	_ =	shalt  }
0x71: {  	_ =	shalt  }
0x72: {  	_ =	shalt  }
0x73: {  	_ =	shalt  }
0x74: {  	_ =	shalt  }
0x75: {  	_ =	shalt  }
0x76: {  	_ =	shalt  }
0x77: {  	_ =	shalt  }
0x78: {  	_ =	shalt  }
0x79: {  	_ =	shalt  }
0x7a: {  	_ =	shalt  }
0x7b: {  	_ =	shalt  }
0x7c: {  	_ =	shalt  }
0x7d: {  	_ =	shalt  }
0x7e: {  	_ =	shalt  }
0x7f: {  	_ =	shalt  }
0x80: {  	_ =	shalt  }
0x81: {  	_ =	shalt  }
0x82: {  	_ =	shalt  }
0x83: {  	_ =	shalt  }
0x84: {  	_ =	shalt  }
0x85: {  	_ =	shalt  }
0x86: {  	_ =	shalt  }
0x87: {  	_ =	shalt  }
.Lfunc_end0:
.L_simem_size_0:
called_computation_lowered:
.L_overlay_start_0:
0x88: {  	s2 =	sld [smem:$0x3FD9]  }
0x89: {  	s3 =	sld [smem:$0x3FFE];
	_ =	sdelay $0x1  }
0x8a: {  	s1 =	srdreg.scid  }
0x8b: {  	s0 =	sand.u32 $0x1, s1  }
0x8c: {  	s16 =	sshll.u32 s0, $0xA;
	s2 =	sadd.s32 s3, s2  }
0x8d: {  	s2 =	sadd.s32 s2, s16  }
0x8e: {  	[smem:$0x3FC2] =	sst s2  }
0x8f: {  	_ = 	snop  }
0x90: {  	(tm) =	ssettm $0x1  }
0x91: {  	s17 =	sld [smem:$0x3FFB];
	_ =	sdelay $0x3  }
0x92: {  	_ =	strace s17  }
0x93: {  	s2 =	sld [smem:$0x3FFC];
	_ =	sdelay $0x3  }
0x94: {  	_ =	strace s2  }
0x95: {  	s2 =	sld [smem:$0x3FFD];
	_ =	sdelay $0x3  }
0x96: {  	_ =	strace s2  }
0x97: {  	_ =	strace $0x8FFFFFFF  }
0x98: {  	s18 =	sld [smem:$0x3FDB];
	_ =	sdelay $0x1  }
0x99: {  	s19 =	simm.s32 $_scs_section_size  }
0x9a: {  	s4 =	simm.s32 $_size__tile_overlayer_lowered;
	s5 =	simm.s32 $_tile_overlayer_lowered  }
0x9b: {  	s22 =	simm.s32 $0x1BFF;
	s21 =	sshll.u32 s5, $0x1;
	s2 =	sadd.s32 s19, s18  }
0x9c: {  	s6 =	simm.s32 $0x0;
	s20 =	sshll.u32 s4, $0x1;
	s4 =	sadd.s32 s21, s2  }
0x9d: {  	[timem:s6], [sflag:s22] =	dma.local [hbm:s4], s20  }
0x9e: {  	_ =	swait.ge [sflag:s22], s20  }
0x9f: {  	s3 =	ssub.s32 $0x0, s20;
	[sflag:s22] =	ssyncset.done $0x0  }
0xa0: {  	[sflag:s22] =	ssyncadd.s32 s3;
	_ =	sdelay $0x1  }
0xa1: {  	s23 =	simm.s32 $0x1B8B  }
0xa2: {  	_ =	swait.ge [sflag:s23], $0x1  }
0xa3: {  	[sflag:s23] =	ssyncset.done $0x0  }
0xa4: {  	s25 =	simm.s32 $0x1B8E;
	s24 =	sld [smem:$0x3FFE];
	[sflag:s23] =	ssyncadd.s32 $0xFFFFFFFF  }
0xa5: {  	s26 =	simm.s32 $execute0_lowered;
	[smem:$0x3FD2] =	sst s25  }
0xa6: {  	s4 =	sshll.u32 s26, $0x1;
	_ =	strace $0x80000046;
	[dreg:$0x1] =	wrdreg $0xFFFFFFFF  }
0xa7: {  	s28 =	simm.s32 $_size_execute0_lowered;
	s2 =	sadd.s32 s2, s4;
	[dreg:$0x0] =	wrdreg $0x0  }
0xa8: {  	s4 =	sshll.u32 s28, $0x1;
	[dreg:$0x2] =	wrdreg s2  }
0xa9: {  	[dreg:$0x3] =	wrdreg s4  }
0xaa: {  	[dreg:$0x4] =	wrdreg $0xC0  }
0xab: {  	_ =	task [dreg:s6], $0x5FFFF  }
0xac: {  	[dreg:$0x1] =	wrdreg $0xFFFFFFFF  }
0xad: {  	[dreg:$0x0] =	wrdreg $0x60  }
0xae: {  	[dreg:$0x2] =	wrdreg s24  }
0xaf: {  	[dreg:$0x3] =	wrdreg $0x169000  }
0xb0: {  	[dreg:$0x4] =	wrdreg $0x9  }
0xb1: {  	_ =	task.clear_ibuf [dreg:s6], $0x5FFFF;
	_ =	strace $0x90000046  }
0xb2: {  	s29 =	simm.s32 $0x9;
	_ =	strace $0x80000048  }
0xb3: {  	_ =	swait.ge [sflag:s29], $0x1  }
0xb4: {  	[sflag:s29] =	ssyncadd.s32 $0xFFFFFFFF  }
0xb5: {  	_ =	strace $0x90000048  }
0xb6: {  	_ =	sfence  }
0xb7: {  	s30 =	sld [smem:$0x0];
	_ =	sdelay $0x2  }
0xb8: {  	s31 =	sshll.u32 s1, $0xD;
	s1 =	sshrl.u32 s1, $0x2  }
0xb9: {  	s3 =	sand.u32 $0x4000, s31;
	s1 =	sadd.s32 s1, s30  }
0xba: {  	s0 =	sor.u32 s3, s0;
	s1 =	sshll.u32 s1, $0x11  }
0xbb: {  	s0 =	sor.u32 s1, s0  }
0xbc: {  	s0 =	sadd.s32 $0x8F2B, s0  }
0xbd: {  	[sflag:s0] =	ssyncadd.remote.s32 $0x1  }
0xbe: {  	_ =	sfence.sel $0xFFFF  }
0xbf: {  	[dreg:$0x0] =	wrdreg $0xFFFFFFFF;
	(pc) =	sbr.abs _section_cstart, $3  }
0xc0: {  	[dreg:$0x1] =	wrdreg $0xFFFFFFFF  }
0xc1: {  	_ =	task.clear_ibuf [dreg:s6], $0x2FFFF;
	_ =	strace $0x9FFFFFFF  }
0xc2: {  	(tm) =	ssettm $0x7FFFFFFF  }
0xc3: {  	_ =	shalt  }
tec
execute0_lowered:
.L_overlay_start_1:
0x0: {  	(tag) =	ssettag $0x1  }
0x1: {  	s1 =	srdreg.scid  }
0x2: {  	s0 =	stileid.u32;
	s6 =	rddreg [dreg:$0x0]  }
0x3: {  	s2 =	rddreg [dreg:$0x1];
	s11 =	simm.s32 $0x1;
	s12 =	simm.s32 $0x16800  }
0x4: {  	s14 =	simm.s32 $0x1400;
	s15 =	simm.s32 $0x28;
	s16 =	simm.s32 $0x15400  }
0x5: {  	s17 =	simm.s32 $0x16880;
	s19 =	simm.s32 $0x0;
	s5 =	sand.u32 $0x1, s1  }
0x6: {  	s29 =	sshrl.u32 s0, $0x3;
	s7 =	sshll.u32 s0, $0x7;
	s1 =	rddreg [dreg:$0x2]  }
0x7: {  	s8 =	sshll.u32 s0, $0xA;
	p0 =	sne.s32 s0, $0x0;
	s3 =	smul.u32 $0x14000, s5  }
0x8: {  	p1 =	sgt.u32 s0, $0x9;
	s4 =	smul.u32 $0xA000, s29;
	s7 =	sand.u32 $0x380, s7  }
0x9: {  	s30 =	smul.u32 $0x2800, s5;
	s10 =	ssub.s32 $0x2, s5;
	s5 =	sadd.s32 $0x1800, s6  }
0xa: {  	s18 =	sadd.s32 s8, s2;
	s13 =	sshrl.u32 @!p0 s2, $0x3;
	s31 =	sshrl.u32 s10, $0x1  }
0xb: {  	s18 =	sshrl.u32 @!p1 s18, $0x3;
	s4 =	sadd.s32 s3, s4;
	s3 =	simm.s32 $0x0  }
0xc: {  	s10 =	ssub.s32 s10, s31;
	s4 =	sor.u32 s7, s4;
	[smem:$0x7FF] =	sst s3  }
0xd: {  	v2 =	vlaneseq.u32;
	s7 =	sadd.s32 s8, s30;
	s8 =	smax.u32 s10, $0x1;
	s10 =	simm.s32 $0x400  }
0xe: {  	v1 =	vmul.u32 $0xFFFFFFFF, v2;
	s4 =	sshrl.u32 s4, $0x3;
	_ =	strace $0x80000047;
	s7 =	sshrl.u32 s7, $0x3  }
0xf: {  	v0 =	vimm.f32 $0.0e+00;
	s9 =	sadd.s32 s4, s6;
	s4 =	sadd.s32 $0x6A00, s6;
	s7 =	sadd.s32 s7, s6  }
0x10: {  	v3 =	vimm.f32 $1.000000000e+00;
	v2 =	vmul.u32 $0x1400, v2;
	v1 =	vadd.s32 $0x1388, v1;
	s6 =	sadd.s32 $0x1A00, s9;
	s7 =	sadd.s32 $0x7000, s7;
	s9 =	simm.s32 $0x80  }
.LBB2_1:
0x11: {  	[tilespmem:s3], [sflag:$0x1] =	stream.strided.gather [hbm4b:s6+s9], $0x1400, s10, s9, $0x38;
	[tilespmem:$0x16B80] =	vst v63  }
0x12: {  	_ =	swait.ge [sflag:s11], $0x1400  }
0x13: {  	[sflag:s11] =	ssyncset.done $0x0  }
0x14: {  	[sflag:s11] =	ssyncadd.s32 $0xFFFFEC00  }
0x15: {  	[tilespmem:s12], [sflag:$0x1] =	stream.linear.gather [hbm4b:s5+s3], $0x100, $0x38;
	[tilespmem:$0x16B80] =	vst v63  }
0x16: {  	_ =	swait.ge [sflag:s11], $0x100  }
0x17: {  	[sflag:s11] =	ssyncset.done $0x0  }
0x18: {  	s20 =	simm.s32 @!p0 $0x1C01;
	[sflag:s11] =	ssyncadd.s32 $0xFFFFFF00  }
0x19: {  	[spmem:s13], [sflag:s20] =	dma.local @!p0 [hbm:s4], $0x500  }
0x1a: {  	s20 =	simm.s32 @!p0 $0x1  }
0x1b: {  	_ =	swait.ge @!p0 [sflag:s20], $0x500  }
0x1c: {  	[sflag:s20] =	ssyncset.done @!p0 $0x0  }
0x1d: {  	[sflag:s20] =	ssyncadd.s32 @!p0 $0xFFFFFB00  }
0x1e: {  	s21 =	simm.s32 $0x0;
	s20 =	simm.s32 $0x200;
	[bflag:$0x0] =	sbarrier.arrive $0xFFFF  }
.LBB2_2:
0x1f: {  	p2 =	sne.s32 s20, $0x4FE00;
	[tilespmem:s21+$0x1470] =	vst v0  }
0x20: {  	[tilespmem:s21+$0x1400] =	vst v0  }
0x21: {  	[tilespmem:s21+$0x1410] =	vst v0  }
.Ltmp0:
0x22: {  	[tilespmem:s21+$0x1420] =	vst v0;
	(pc) =	sbr.rel @p2 .LBB2_2-.Ltmp0, $4  }
0x23: {  	[tilespmem:s21+$0x1430] =	vst v0  }
0x24: {  	[tilespmem:s21+$0x1440] =	vst v0  }
0x25: {  	[tilespmem:s21+$0x1450] =	vst v0  }
0x26: {  	[tilespmem:s21+$0x1460] =	vst v0;
	s21 =	sshra.s32 s20, $0x2;
	s20 =	sadd.s32 $0x200, s20  }
0x27: {  	[tilespmem:s21+$0x1470] =	vst v0  }
0x28: {  	[tilespmem:s21+$0x1400] =	vst v0  }
0x29: {  	[tilespmem:s21+$0x1410] =	vst v0  }
0x2a: {  	[tilespmem:s21+$0x1420] =	vst v0  }
0x2b: {  	[tilespmem:s21+$0x1430] =	vst v0  }
0x2c: {  	[tilespmem:s21+$0x1440] =	vst v0  }
0x2d: {  	[tilespmem:s21+$0x1450] =	vst v0  }
0x2e: {  	s20 =	simm.s32 $0x0;
	[tilespmem:s21+$0x1460] =	vst v0  }
0x2f: {  	s21 =	simm.s32 $0x10;
	s22 =	simm.s32 $0x0;
	v4 =	vld [tilespmem:s20+$0x0]  }
.LBB2_4:
0x30: {  	p2 =	sne.s32 s21, $0x1380;
	_ =	sdelay $0x2  }
0x31: {  	v5 =	vmov s20;
	s20 =	smov.u32 s21  }
0x32: {  	vm0 =	vlt.u32 v5, v1;
	vm1 =	vlt.u32 v4, $0x1400  }
0x33: {  	vm0 =	vmand vm0, vm1  }
0x34: {  	v4 =	vnsel vm0, $0x0, v4  }
0x35: {  	v4 =	vadd.s32 v2, v4;
	_ =	sdelay $0x1  }
.Ltmp1:
0x36: {  	(pc) =	sbr.rel @p2 .LBB2_4-.Ltmp1, $3  }
0x37: {  	_ =	sdelay $0x1  }
0x38: {  	s22 =	sadd.s32 $0x10, s22;
	[tilespmem:v4+s14+$0x0] =	vst.idx.add.f32.msk vm0, v3  }
0x39: {  	s21 =	sadd.s32 $0x10, s21;
	v4 =	vld [tilespmem:s22+$0x0]  }
0x3a: {  	_ =	sdelay $0x2  }
0x3b: {  	v5 =	vmov s20  }
0x3c: {  	vm0 =	vlt.u32 v5, v1;
	vm1 =	vlt.u32 v4, $0x1400  }
0x3d: {  	vm0 =	vmand vm0, vm1  }
0x3e: {  	v4 =	vnsel vm0, $0x0, v4  }
0x3f: {  	v4 =	vadd.s32 v2, v4;
	_ =	sdelay $0x4  }
0x40: {  	s20 =	simm.s32 $0x0;
	[tilespmem:v4+s14+$0x0] =	vst.idx.add.f32.msk vm0, v3  }
0x41: {  	v4 =	vld [tilespmem:s20+$0x1470]  }
0x42: {  	v5 =	vld [tilespmem:s20+$0x2870]  }
0x43: {  	v10 =	vld [tilespmem:s20+$0x1400]  }
0x44: {  	v7 =	vld [tilespmem:s20+$0x3C70]  }
0x45: {  	v11 =	vld [tilespmem:s20+$0x2800]  }
0x46: {  	v9 =	vld [tilespmem:s20+$0x5070]  }
0x47: {  	v6 =	vld [tilespmem:s20+$0x1410]  }
0x48: {  	v13 =	vld [tilespmem:s20+$0x2820]  }
0x49: {  	v14 =	vld [tilespmem:s20+$0x1430]  }
0x4a: {  	v15 =	vld [tilespmem:s20+$0x2830]  }
0x4b: {  	v16 =	vld [tilespmem:s20+$0x1440]  }
0x4c: {  	v17 =	vld [tilespmem:s20+$0x2840]  }
0x4d: {  	v18 =	vld [tilespmem:s20+$0x1450]  }
0x4e: {  	v19 =	vld [tilespmem:s20+$0x2850]  }
0x4f: {  	v20 =	vld [tilespmem:s20+$0x1460]  }
0x50: {  	v21 =	vld [tilespmem:s20+$0x2860]  }
0x51: {  	v22 =	vld [tilespmem:s20+$0x3C00]  }
0x52: {  	v8 =	vld [tilespmem:s20+$0x3C10]  }
0x53: {  	v23 =	vld [tilespmem:s20+$0x3C20]  }
0x54: {  	v24 =	vld [tilespmem:s20+$0x3C40]  }
0x55: {  	v25 =	vld [tilespmem:s20+$0x3C60]  }
0x56: {  	v26 =	vld [tilespmem:s20+$0x5010]  }
0x57: {  	v27 =	vld [tilespmem:s20+$0x5020]  }
0x58: {  	v28 =	vld [tilespmem:s20+$0x5030]  }
0x59: {  	v29 =	vld [tilespmem:s20+$0x5040]  }
0x5a: {  	v30 =	vld [tilespmem:s20+$0x5050]  }
0x5b: {  	v31 =	vld [tilespmem:s20+$0x5060]  }
0x5c: {  	v32 =	vld [tilespmem:s20+$0x6400]  }
0x5d: {  	v33 =	vld [tilespmem:s20+$0x6410]  }
0x5e: {  	v34 =	vld [tilespmem:s20+$0x6420]  }
0x5f: {  	v35 =	vld [tilespmem:s20+$0x6430]  }
0x60: {  	v36 =	vld [tilespmem:s20+$0x6440]  }
0x61: {  	v37 =	vld [tilespmem:s20+$0x6450]  }
0x62: {  	v38 =	vld [tilespmem:s20+$0x6460]  }
0x63: {  	v39 =	vld [tilespmem:s20+$0x7800]  }
0x64: {  	v40 =	vld [tilespmem:s20+$0x7810]  }
0x65: {  	v41 =	vld [tilespmem:s20+$0x7820]  }
0x66: {  	v42 =	vld [tilespmem:s20+$0x7830]  }
0x67: {  	v43 =	vld [tilespmem:s20+$0x7840]  }
0x68: {  	v44 =	vld [tilespmem:s20+$0x7850]  }
0x69: {  	v45 =	vld [tilespmem:s20+$0x7860]  }
0x6a: {  	v46 =	vld [tilespmem:s20+$0x8C00]  }
0x6b: {  	v47 =	vld [tilespmem:s20+$0x8C10]  }
0x6c: {  	v48 =	vld [tilespmem:s20+$0x8C20]  }
0x6d: {  	v49 =	vld [tilespmem:s20+$0x8C30]  }
0x6e: {  	v50 =	vld [tilespmem:s20+$0x8C40]  }
0x6f: {  	v51 =	vld [tilespmem:s20+$0x8C50]  }
0x70: {  	v52 =	vld [tilespmem:s20+$0x8C60]  }
0x71: {  	v53 =	vld [tilespmem:s20+$0xA000]  }
0x72: {  	v54 =	vld [tilespmem:s20+$0xA010]  }
0x73: {  	v55 =	vld [tilespmem:s20+$0xA020]  }
0x74: {  	v56 =	vld [tilespmem:s20+$0xA030]  }
0x75: {  	v57 =	vld [tilespmem:s20+$0xA040]  }
0x76: {  	v58 =	vld [tilespmem:s20+$0xA050]  }
0x77: {  	v59 =	vld [tilespmem:s20+$0xA060];
	v4 =	vadd.f32 v5, v4  }
0x78: {  	v5 =	vld [tilespmem:s20+$0x6470]  }
0x79: {  	v60 =	vld [tilespmem:s20+$0xB400];
	v4 =	vadd.f32 v7, v4  }
0x7a: {  	v7 =	vld [tilespmem:s20+$0x7870]  }
0x7b: {  	v61 =	vld [tilespmem:s20+$0xB410];
	v4 =	vadd.f32 v9, v4  }
0x7c: {  	v9 =	vld [tilespmem:s20+$0x8C70]  }
0x7d: {  	v62 =	vld [tilespmem:s20+$0xB420];
	v4 =	vadd.f32 v5, v4  }
0x7e: {  	v5 =	vld [tilespmem:s20+$0xA070]  }
0x7f: {  	v63 =	vld [tilespmem:s20+$0xB430];
	v4 =	vadd.f32 v7, v4  }
0x80: {  	v7 =	vld [tilespmem:s20+$0xB470]  }
0x81: {  	v12 =	vld [tilespmem:s20+$0xB450];
	v4 =	vadd.f32 v9, v4  }
0x82: {  	v9 =	vld [tilespmem:s20+$0xC870]  }
0x83: {  	[tilespmem:$0x1FFB0] =	vst v6;
	v6 =	vld [tilespmem:s20+$0x2810];
	v4 =	vadd.f32 v5, v4  }
0x84: {  	v14 =	vadd.f32 v15, v14;
	v5 =	vld [tilespmem:s20+$0xDC70]  }
0x85: {  	v15 =	vadd.f32 v17, v16;
	v16 =	vld [tilespmem:s20+$0xC820];
	v4 =	vadd.f32 v7, v4  }
0x86: {  	v7 =	vld [tilespmem:s20+$0xF070]  }
0x87: {  	v17 =	vadd.f32 v19, v18;
	v19 =	vld [tilespmem:s20+$0xC830];
	v4 =	vadd.f32 v9, v4  }
0x88: {  	v9 =	vld [tilespmem:s20+$0x10470]  }
0x89: {  	v21 =	vadd.f32 v21, v20;
	v20 =	vld [tilespmem:s20+$0xDC10];
	v4 =	vadd.f32 v5, v4  }
0x8a: {  	v5 =	vld [tilespmem:s20+$0x11870]  }
0x8b: {  	v18 =	vadd.f32 v25, v21;
	v21 =	vld [tilespmem:s20+$0xDC20];
	v4 =	vadd.f32 v7, v4  }
0x8c: {  	v7 =	vld [tilespmem:s20+$0x12C70]  }
0x8d: {  	v15 =	vadd.f32 v24, v15;
	v24 =	vld [tilespmem:s20+$0xDC50];
	v4 =	vadd.f32 v9, v4  }
0x8e: {  	v9 =	vld [tilespmem:s20+$0x14070]  }
0x8f: {  	v15 =	vadd.f32 v29, v15;
	[tilespmem:$0x1FFC0] =	vst v6;
	v6 =	vld [tilespmem:s20+$0x1420];
	v4 =	vadd.f32 v5, v4  }
0x90: {  	v25 =	vld [tilespmem:s20+$0xDC60]  }
0x91: {  	v29 =	vld [tilespmem:s20+$0xF030];
	v15 =	vadd.f32 v36, v15;
	v4 =	vadd.f32 v7, v4  }
0x92: {  	v18 =	vadd.f32 v31, v18;
	v31 =	vld [tilespmem:s20+$0xF050]  }
0x93: {  	v15 =	vadd.f32 v43, v15;
	v43 =	vld [tilespmem:s20+$0x10410];
	v4 =	vadd.f32 v9, v4  }
0x94: {  	[tilespmem:$0x1FFD0] =	vst v6;
	v6 =	vld [tilespmem:s20+$0x5000]  }
0x95: {  	v5 =	vadd.f32 v11, v10;
	[tilespmem:s20+$0x15470] =	vst v4;
	v4 =	vld [tilespmem:s20+$0xB440]  }
0x96: {  	v18 =	vadd.f32 v38, v18;
	v7 =	vld [tilespmem:s20+$0x3C30]  }
0x97: {  	v5 =	vadd.f32 v22, v5;
	v9 =	vld [tilespmem:s20+$0x3C50]  }
0x98: {  	v18 =	vadd.f32 v45, v18;
	v45 =	vld [tilespmem:s20+$0x10430];
	v15 =	vadd.f32 v50, v15  }
0x99: {  	v50 =	vld [tilespmem:s20+$0x11830];
	v5 =	vadd.f32 v6, v5  }
0x9a: {  	v18 =	vadd.f32 v52, v18;
	v15 =	vadd.f32 v57, v15;
	[tilespmem:$0x1FFE0] =	vst v4;
	v4 =	vld [tilespmem:s20+$0xB460]  }
0x9b: {  	v52 =	vld [tilespmem:s20+$0x11860];
	v5 =	vadd.f32 v32, v5;
	v7 =	vadd.f32 v7, v14  }
0x9c: {  	v18 =	vadd.f32 v59, v18;
	v57 =	vld [tilespmem:s20+$0x12C40];
	v9 =	vadd.f32 v9, v17  }
0x9d: {  	v59 =	vld [tilespmem:s20+$0x12C60];
	v5 =	vadd.f32 v39, v5;
	v7 =	vadd.f32 v28, v7  }
0x9e: {  	v10 =	vld [tilespmem:$0x1FFC0];
	v9 =	vadd.f32 v30, v9  }
0x9f: {  	v5 =	vadd.f32 v46, v5;
	v7 =	vadd.f32 v35, v7;
	[tilespmem:$0x1FFF0] =	vst v4;
	v4 =	vld [tilespmem:$0x1FFB0]  }
0xa0: {  	v11 =	vld [tilespmem:s20+$0xC800];
	v9 =	vadd.f32 v37, v9  }
0xa1: {  	v22 =	vld [tilespmem:s20+$0xDC30];
	v5 =	vadd.f32 v53, v5;
	v7 =	vadd.f32 v42, v7  }
0xa2: {  	v6 =	vld [tilespmem:s20+$0xDC00];
	v9 =	vadd.f32 v44, v9  }
0xa3: {  	v32 =	vld [tilespmem:s20+$0xF060];
	v5 =	vadd.f32 v60, v5;
	v7 =	vadd.f32 v49, v7  }
0xa4: {  	v9 =	vadd.f32 v51, v9;
	v4 =	vadd.f32 v10, v4;
	v10 =	vld [tilespmem:$0x1FFD0]  }
0xa5: {  	v7 =	vadd.f32 v56, v7;
	v49 =	vld [tilespmem:$0x1FFF0]  }
0xa6: {  	v14 =	vld [tilespmem:s20+$0xC850];
	v5 =	vadd.f32 v11, v5;
	v9 =	vadd.f32 v58, v9  }
0xa7: {  	v17 =	vld [tilespmem:s20+$0xC860];
	v7 =	vadd.f32 v63, v7  }
0xa8: {  	v28 =	vld [tilespmem:s20+$0xF020];
	v5 =	vadd.f32 v6, v5;
	v9 =	vadd.f32 v12, v9  }
0xa9: {  	v46 =	vld [tilespmem:s20+$0x10440];
	v7 =	vadd.f32 v19, v7;
	v13 =	vadd.f32 v13, v10  }
0xaa: {  	v30 =	vld [tilespmem:s20+$0xF040];
	v18 =	vadd.f32 v49, v18;
	v4 =	vadd.f32 v8, v4  }
0xab: {  	v53 =	vld [tilespmem:s20+$0x12C00];
	v9 =	vadd.f32 v14, v9;
	v13 =	vadd.f32 v23, v13  }
0xac: {  	v42 =	vld [tilespmem:s20+$0x10400];
	v7 =	vadd.f32 v22, v7;
	v4 =	vadd.f32 v26, v4  }
0xad: {  	v44 =	vld [tilespmem:s20+$0x10420];
	v14 =	vadd.f32 v17, v18;
	v13 =	vadd.f32 v27, v13  }
0xae: {  	v11 =	vld [tilespmem:s20+$0x11800];
	v9 =	vadd.f32 v24, v9;
	v4 =	vadd.f32 v33, v4  }
0xaf: {  	v26 =	vld [tilespmem:s20+$0xF000];
	v7 =	vadd.f32 v29, v7;
	v13 =	vadd.f32 v34, v13  }
0xb0: {  	v51 =	vld [tilespmem:s20+$0x11850];
	v14 =	vadd.f32 v25, v14;
	v4 =	vadd.f32 v40, v4  }
0xb1: {  	v56 =	vld [tilespmem:s20+$0x12C30];
	v9 =	vadd.f32 v31, v9;
	v13 =	vadd.f32 v41, v13  }
0xb2: {  	v12 =	vld [tilespmem:s20+$0x10460];
	v7 =	vadd.f32 v45, v7;
	v4 =	vadd.f32 v47, v4  }
0xb3: {  	v10 =	vld [tilespmem:s20+$0xC810];
	v14 =	vadd.f32 v32, v14;
	v13 =	vadd.f32 v48, v13  }
0xb4: {  	v5 =	vadd.f32 v26, v5;
	v4 =	vadd.f32 v54, v4;
	v48 =	vld [tilespmem:$0x1FFE0]  }
0xb5: {  	v8 =	vld [tilespmem:s20+$0xC840];
	v7 =	vadd.f32 v50, v7;
	v13 =	vadd.f32 v55, v13  }
0xb6: {  	v27 =	vld [tilespmem:s20+$0xF010];
	v5 =	vadd.f32 v42, v5;
	v4 =	vadd.f32 v61, v4  }
0xb7: {  	v12 =	vadd.f32 v12, v14;
	v47 =	vld [tilespmem:s20+$0x10450];
	v13 =	vadd.f32 v62, v13  }
0xb8: {  	v23 =	vld [tilespmem:s20+$0xDC40];
	v5 =	vadd.f32 v11, v5;
	v4 =	vadd.f32 v10, v4  }
0xb9: {  	v6 =	vld [tilespmem:s20+$0x11840];
	v15 =	vadd.f32 v48, v15;
	v10 =	vadd.f32 v16, v13  }
0xba: {  	v14 =	vld [tilespmem:s20+$0x14000];
	v61 =	vadd.f32 v52, v12;
	v4 =	vadd.f32 v20, v4  }
0xbb: {  	v13 =	vld [tilespmem:s20+$0x11810];
	v8 =	vadd.f32 v8, v15;
	v10 =	vadd.f32 v21, v10  }
0xbc: {  	v9 =	vadd.f32 v47, v9;
	v4 =	vadd.f32 v27, v4;
	v15 =	vld [tilespmem:s20+$0x11820]  }
0xbd: {  	v54 =	vld [tilespmem:s20+$0x12C10];
	v8 =	vadd.f32 v23, v8;
	v10 =	vadd.f32 v28, v10  }
0xbe: {  	v58 =	vld [tilespmem:s20+$0x12C50];
	v5 =	vadd.f32 v53, v5;
	v4 =	vadd.f32 v43, v4  }
0xbf: {  	v55 =	vld [tilespmem:s20+$0x12C20];
	v8 =	vadd.f32 v30, v8;
	v10 =	vadd.f32 v44, v10  }
0xc0: {  	v60 =	vadd.f32 v51, v9;
	v4 =	vadd.f32 v13, v4;
	v13 =	vld [tilespmem:s20+$0x14010]  }
0xc1: {  	v8 =	vadd.f32 v46, v8;
	v10 =	vadd.f32 v15, v10;
	v15 =	vld [tilespmem:s20+$0x14020]  }
0xc2: {  	v11 =	vld [tilespmem:s20+$0x14030];
	v14 =	vadd.f32 v14, v5;
	v62 =	vadd.f32 v54, v4  }
0xc3: {  	v4 =	vadd.f32 v59, v61;
	v6 =	vadd.f32 v6, v8;
	v8 =	vld [tilespmem:s20+$0x14040]  }
0xc4: {  	v9 =	vld [tilespmem:s20+$0x14050];
	v63 =	vadd.f32 v55, v10;
	v10 =	vadd.f32 v56, v7  }
0xc5: {  	s22 =	simm.s32 $0x80;
	v12 =	vld [tilespmem:s20+$0x14060];
	v7 =	vadd.f32 v58, v60;
	v13 =	vadd.f32 v13, v62  }
0xc6: {  	s21 =	simm.s32 $0x400;
	v5 =	vld [tilespmem:s22+$0x1470];
	[tilespmem:s20+$0x15400] =	vst v14;
	v6 =	vadd.f32 v57, v6;
	v14 =	vadd.f32 v15, v63  }
.LBB2_6:
0xc7: {  	p2 =	sne.s32 s21, $0x4E00;
	v15 =	vld [tilespmem:s22+$0x2870];
	[tilespmem:s20+$0x15410] =	vst v13;
	v10 =	vadd.f32 v11, v10  }
0xc8: {  	v11 =	vld [tilespmem:s22+$0x1400];
	[tilespmem:s20+$0x15420] =	vst v14;
	v6 =	vadd.f32 v8, v6  }
0xc9: {  	v8 =	vld [tilespmem:s22+$0x3C70];
	[tilespmem:s20+$0x15430] =	vst v10;
	v7 =	vadd.f32 v9, v7  }
0xca: {  	v9 =	vld [tilespmem:s22+$0x2800];
	[tilespmem:s20+$0x15440] =	vst v6;
	v4 =	vadd.f32 v12, v4  }
0xcb: {  	v6 =	vld [tilespmem:s22+$0x5070];
	[tilespmem:s20+$0x15450] =	vst v7  }
0xcc: {  	v7 =	vld [tilespmem:s22+$0x1410];
	v5 =	vadd.f32 v15, v5;
	[tilespmem:s20+$0x15460] =	vst v4;
	s20 =	smov.u32 s22  }
0xcd: {  	v4 =	vld [tilespmem:s20+$0x6470]  }
0xce: {  	v10 =	vld [tilespmem:s20+$0x2810];
	v5 =	vadd.f32 v8, v5  }
0xcf: {  	v8 =	vadd.f32 v9, v11;
	v9 =	vld [tilespmem:s20+$0x7870]  }
0xd0: {  	v11 =	vld [tilespmem:s20+$0x1420];
	v5 =	vadd.f32 v6, v5  }
0xd1: {  	v6 =	vld [tilespmem:s20+$0x8C70]  }
0xd2: {  	v12 =	vld [tilespmem:s20+$0x2820];
	v4 =	vadd.f32 v4, v5  }
0xd3: {  	v5 =	vadd.f32 v10, v7;
	v7 =	vld [tilespmem:s20+$0xA070]  }
0xd4: {  	v10 =	vld [tilespmem:s20+$0x1430];
	v4 =	vadd.f32 v9, v4  }
0xd5: {  	v9 =	vld [tilespmem:s20+$0xB470]  }
0xd6: {  	v13 =	vld [tilespmem:s20+$0x2830];
	v4 =	vadd.f32 v6, v4  }
0xd7: {  	v6 =	vadd.f32 v12, v11;
	v11 =	vld [tilespmem:s20+$0xC870]  }
0xd8: {  	v12 =	vld [tilespmem:s20+$0x1440];
	v4 =	vadd.f32 v7, v4  }
0xd9: {  	v7 =	vld [tilespmem:s20+$0xDC70]  }
0xda: {  	v14 =	vld [tilespmem:s20+$0x2840];
	v4 =	vadd.f32 v9, v4  }
0xdb: {  	v9 =	vadd.f32 v13, v10;
	v10 =	vld [tilespmem:s20+$0xF070]  }
0xdc: {  	v13 =	vld [tilespmem:s20+$0x1450];
	v4 =	vadd.f32 v11, v4  }
0xdd: {  	v11 =	vld [tilespmem:s20+$0x10470]  }
0xde: {  	v15 =	vld [tilespmem:s20+$0x2850];
	v4 =	vadd.f32 v7, v4  }
0xdf: {  	v7 =	vadd.f32 v14, v12;
	v12 =	vld [tilespmem:s20+$0x11870]  }
0xe0: {  	v14 =	vld [tilespmem:s20+$0x1460];
	v4 =	vadd.f32 v10, v4  }
0xe1: {  	v10 =	vld [tilespmem:s20+$0x12C70]  }
0xe2: {  	v16 =	vld [tilespmem:s20+$0x2860];
	v4 =	vadd.f32 v11, v4  }
0xe3: {  	v11 =	vadd.f32 v15, v13;
	v13 =	vld [tilespmem:s20+$0x14070]  }
0xe4: {  	v15 =	vld [tilespmem:s20+$0x3C00];
	v4 =	vadd.f32 v12, v4  }
0xe5: {  	v12 =	vld [tilespmem:s20+$0x3C10]  }
0xe6: {  	v17 =	vld [tilespmem:s20+$0x3C20];
	v4 =	vadd.f32 v10, v4  }
0xe7: {  	v10 =	vld [tilespmem:s20+$0x3C30];
	v14 =	vadd.f32 v16, v14  }
0xe8: {  	v16 =	vld [tilespmem:s20+$0x3C40];
	v4 =	vadd.f32 v13, v4  }
0xe9: {  	v8 =	vadd.f32 v15, v8;
	v13 =	vld [tilespmem:s20+$0x3C50]  }
0xea: {  	v5 =	vadd.f32 v12, v5;
	v12 =	vld [tilespmem:s20+$0x3C60];
	[tilespmem:s20+$0x15470] =	vst v4  }
0xeb: {  	v4 =	vld [tilespmem:s20+$0x5000];
	v6 =	vadd.f32 v17, v6  }
0xec: {  	v15 =	vld [tilespmem:s20+$0x5010];
	v9 =	vadd.f32 v10, v9  }
0xed: {  	v10 =	vld [tilespmem:s20+$0x5020];
	v7 =	vadd.f32 v16, v7  }
0xee: {  	v16 =	vld [tilespmem:s20+$0x5030];
	v11 =	vadd.f32 v13, v11  }
0xef: {  	v13 =	vld [tilespmem:s20+$0x5040];
	v12 =	vadd.f32 v12, v14  }
0xf0: {  	v4 =	vadd.f32 v4, v8;
	v8 =	vld [tilespmem:s20+$0x5050]  }
0xf1: {  	v5 =	vadd.f32 v15, v5;
	v14 =	vld [tilespmem:s20+$0x5060]  }
0xf2: {  	v15 =	vld [tilespmem:s20+$0x6400];
	v6 =	vadd.f32 v10, v6  }
0xf3: {  	v10 =	vld [tilespmem:s20+$0x6410];
	v9 =	vadd.f32 v16, v9  }
0xf4: {  	v16 =	vld [tilespmem:s20+$0x6420];
	v7 =	vadd.f32 v13, v7  }
0xf5: {  	v13 =	vld [tilespmem:s20+$0x6430];
	v8 =	vadd.f32 v8, v11  }
0xf6: {  	v11 =	vld [tilespmem:s20+$0x6440];
	v12 =	vadd.f32 v14, v12  }
0xf7: {  	v4 =	vadd.f32 v15, v4;
	v14 =	vld [tilespmem:s20+$0x6450]  }
0xf8: {  	v5 =	vadd.f32 v10, v5;
	v10 =	vld [tilespmem:s20+$0x6460]  }
0xf9: {  	v15 =	vld [tilespmem:s20+$0x7800];
	v6 =	vadd.f32 v16, v6  }
0xfa: {  	v16 =	vld [tilespmem:s20+$0x7810];
	v9 =	vadd.f32 v13, v9  }
0xfb: {  	v13 =	vld [tilespmem:s20+$0x7820];
	v7 =	vadd.f32 v11, v7  }
0xfc: {  	v11 =	vld [tilespmem:s20+$0x7830];
	v8 =	vadd.f32 v14, v8  }
0xfd: {  	v14 =	vld [tilespmem:s20+$0x7840];
	v10 =	vadd.f32 v10, v12  }
0xfe: {  	v4 =	vadd.f32 v15, v4;
	v12 =	vld [tilespmem:s20+$0x7850]  }
0xff: {  	v5 =	vadd.f32 v16, v5;
	v15 =	vld [tilespmem:s20+$0x7860]  }
0x100: {  	v16 =	vld [tilespmem:s20+$0x8C00];
	v6 =	vadd.f32 v13, v6  }
0x101: {  	v13 =	vld [tilespmem:s20+$0x8C10];
	v9 =	vadd.f32 v11, v9  }
0x102: {  	v11 =	vld [tilespmem:s20+$0x8C20];
	v7 =	vadd.f32 v14, v7  }
0x103: {  	v14 =	vld [tilespmem:s20+$0x8C30];
	v8 =	vadd.f32 v12, v8  }
0x104: {  	v12 =	vld [tilespmem:s20+$0x8C40];
	v10 =	vadd.f32 v15, v10  }
0x105: {  	v4 =	vadd.f32 v16, v4;
	v15 =	vld [tilespmem:s20+$0x8C50]  }
0x106: {  	v5 =	vadd.f32 v13, v5;
	v13 =	vld [tilespmem:s20+$0x8C60]  }
0x107: {  	v16 =	vld [tilespmem:s20+$0xA000];
	v6 =	vadd.f32 v11, v6  }
0x108: {  	v11 =	vld [tilespmem:s20+$0xA010];
	v9 =	vadd.f32 v14, v9  }
0x109: {  	v14 =	vld [tilespmem:s20+$0xA020];
	v7 =	vadd.f32 v12, v7  }
0x10a: {  	v12 =	vld [tilespmem:s20+$0xA030];
	v8 =	vadd.f32 v15, v8  }
0x10b: {  	v15 =	vld [tilespmem:s20+$0xA040];
	v10 =	vadd.f32 v13, v10  }
0x10c: {  	v4 =	vadd.f32 v16, v4;
	v13 =	vld [tilespmem:s20+$0xA050]  }
0x10d: {  	v5 =	vadd.f32 v11, v5;
	v11 =	vld [tilespmem:s20+$0xA060]  }
0x10e: {  	v16 =	vld [tilespmem:s20+$0xB400];
	v6 =	vadd.f32 v14, v6  }
0x10f: {  	v14 =	vld [tilespmem:s20+$0xB410];
	v9 =	vadd.f32 v12, v9  }
0x110: {  	v12 =	vld [tilespmem:s20+$0xB420];
	v7 =	vadd.f32 v15, v7  }
0x111: {  	v15 =	vld [tilespmem:s20+$0xB430];
	v8 =	vadd.f32 v13, v8  }
0x112: {  	v13 =	vld [tilespmem:s20+$0xB440];
	v10 =	vadd.f32 v11, v10  }
0x113: {  	v4 =	vadd.f32 v16, v4;
	v11 =	vld [tilespmem:s20+$0xB450]  }
0x114: {  	v5 =	vadd.f32 v14, v5;
	v14 =	vld [tilespmem:s20+$0xB460]  }
0x115: {  	v16 =	vld [tilespmem:s20+$0xC800];
	v6 =	vadd.f32 v12, v6  }
0x116: {  	v12 =	vld [tilespmem:s20+$0xC810];
	v9 =	vadd.f32 v15, v9  }
0x117: {  	v15 =	vld [tilespmem:s20+$0xC820];
	v7 =	vadd.f32 v13, v7  }
0x118: {  	v13 =	vld [tilespmem:s20+$0xC830];
	v8 =	vadd.f32 v11, v8  }
0x119: {  	v11 =	vld [tilespmem:s20+$0xC840];
	v10 =	vadd.f32 v14, v10  }
0x11a: {  	v4 =	vadd.f32 v16, v4;
	v14 =	vld [tilespmem:s20+$0xC850]  }
0x11b: {  	v5 =	vadd.f32 v12, v5;
	v12 =	vld [tilespmem:s20+$0xC860]  }
0x11c: {  	v16 =	vld [tilespmem:s20+$0xDC00];
	v6 =	vadd.f32 v15, v6  }
0x11d: {  	v15 =	vld [tilespmem:s20+$0xDC10];
	v9 =	vadd.f32 v13, v9  }
0x11e: {  	v13 =	vld [tilespmem:s20+$0xDC20];
	v7 =	vadd.f32 v11, v7  }
0x11f: {  	v11 =	vld [tilespmem:s20+$0xDC30];
	v8 =	vadd.f32 v14, v8  }
0x120: {  	v14 =	vld [tilespmem:s20+$0xDC40];
	v10 =	vadd.f32 v12, v10  }
0x121: {  	v4 =	vadd.f32 v16, v4;
	v12 =	vld [tilespmem:s20+$0xDC50]  }
0x122: {  	v5 =	vadd.f32 v15, v5;
	v15 =	vld [tilespmem:s20+$0xDC60]  }
0x123: {  	v16 =	vld [tilespmem:s20+$0xF000];
	v6 =	vadd.f32 v13, v6  }
0x124: {  	v13 =	vld [tilespmem:s20+$0xF010];
	v9 =	vadd.f32 v11, v9  }
0x125: {  	v11 =	vld [tilespmem:s20+$0xF020];
	v7 =	vadd.f32 v14, v7  }
0x126: {  	v14 =	vld [tilespmem:s20+$0xF030];
	v8 =	vadd.f32 v12, v8  }
0x127: {  	v12 =	vld [tilespmem:s20+$0xF040];
	v10 =	vadd.f32 v15, v10  }
0x128: {  	v4 =	vadd.f32 v16, v4;
	v15 =	vld [tilespmem:s20+$0xF050]  }
0x129: {  	v5 =	vadd.f32 v13, v5;
	v13 =	vld [tilespmem:s20+$0xF060]  }
0x12a: {  	v16 =	vld [tilespmem:s20+$0x10400];
	v6 =	vadd.f32 v11, v6  }
0x12b: {  	v11 =	vld [tilespmem:s20+$0x10410];
	v9 =	vadd.f32 v14, v9  }
0x12c: {  	v14 =	vld [tilespmem:s20+$0x10420];
	v7 =	vadd.f32 v12, v7  }
0x12d: {  	v12 =	vld [tilespmem:s20+$0x10430];
	v8 =	vadd.f32 v15, v8  }
0x12e: {  	v15 =	vld [tilespmem:s20+$0x10440];
	v10 =	vadd.f32 v13, v10  }
0x12f: {  	v4 =	vadd.f32 v16, v4;
	v13 =	vld [tilespmem:s20+$0x10450]  }
0x130: {  	v5 =	vadd.f32 v11, v5;
	v11 =	vld [tilespmem:s20+$0x10460]  }
0x131: {  	v16 =	vld [tilespmem:s20+$0x11800];
	v6 =	vadd.f32 v14, v6  }
0x132: {  	v14 =	vld [tilespmem:s20+$0x11810];
	v9 =	vadd.f32 v12, v9  }
0x133: {  	v12 =	vld [tilespmem:s20+$0x11820];
	v7 =	vadd.f32 v15, v7  }
0x134: {  	v15 =	vld [tilespmem:s20+$0x11830];
	v8 =	vadd.f32 v13, v8  }
0x135: {  	v13 =	vld [tilespmem:s20+$0x11840];
	v10 =	vadd.f32 v11, v10  }
0x136: {  	v4 =	vadd.f32 v16, v4;
	v11 =	vld [tilespmem:s20+$0x11850]  }
0x137: {  	v5 =	vadd.f32 v14, v5;
	v14 =	vld [tilespmem:s20+$0x11860]  }
0x138: {  	v16 =	vld [tilespmem:s20+$0x12C00];
	v6 =	vadd.f32 v12, v6  }
0x139: {  	v12 =	vld [tilespmem:s20+$0x12C10];
	v9 =	vadd.f32 v15, v9  }
0x13a: {  	v15 =	vld [tilespmem:s20+$0x12C20];
	v7 =	vadd.f32 v13, v7  }
0x13b: {  	v13 =	vld [tilespmem:s20+$0x12C30];
	v8 =	vadd.f32 v11, v8  }
0x13c: {  	v11 =	vld [tilespmem:s20+$0x12C40];
	v14 =	vadd.f32 v14, v10  }
0x13d: {  	v16 =	vadd.f32 v16, v4;
	v4 =	vld [tilespmem:s20+$0x12C50]  }
0x13e: {  	v5 =	vadd.f32 v12, v5;
	v12 =	vld [tilespmem:s20+$0x12C60]  }
0x13f: {  	v17 =	vld [tilespmem:s20+$0x14000];
	v15 =	vadd.f32 v15, v6  }
0x140: {  	v18 =	vld [tilespmem:s20+$0x14010];
	v10 =	vadd.f32 v13, v9  }
0x141: {  	v19 =	vld [tilespmem:s20+$0x14020];
	v6 =	vadd.f32 v11, v7  }
.Ltmp2:
0x142: {  	v11 =	vld [tilespmem:s20+$0x14030];
	v7 =	vadd.f32 v4, v8;
	(pc) =	sbr.rel @p2 .LBB2_6-.Ltmp2, $4  }
0x143: {  	v8 =	vld [tilespmem:s20+$0x14040];
	v4 =	vadd.f32 v12, v14  }
0x144: {  	v14 =	vadd.f32 v17, v16;
	v9 =	vld [tilespmem:s20+$0x14050]  }
0x145: {  	s22 =	sshra.s32 s21, $0x2;
	v13 =	vadd.f32 v18, v5;
	v12 =	vld [tilespmem:s20+$0x14060]  }
0x146: {  	s21 =	sadd.s32 $0x200, s21;
	v5 =	vld [tilespmem:s22+$0x1470];
	[tilespmem:s20+$0x15400] =	vst v14;
	v14 =	vadd.f32 v19, v15  }
0x147: {  	v15 =	vld [tilespmem:s22+$0x2870];
	[tilespmem:s20+$0x15410] =	vst v13;
	v10 =	vadd.f32 v11, v10  }
0x148: {  	v13 =	vld [tilespmem:s22+$0x1400];
	[tilespmem:s20+$0x15420] =	vst v14;
	v6 =	vadd.f32 v8, v6  }
0x149: {  	v55 =	vld [tilespmem:s22+$0x3C70];
	[tilespmem:s20+$0x15430] =	vst v10;
	v7 =	vadd.f32 v9, v7  }
0x14a: {  	v56 =	vld [tilespmem:s22+$0x2800];
	[tilespmem:s20+$0x15440] =	vst v6;
	v4 =	vadd.f32 v12, v4  }
0x14b: {  	v6 =	vld [tilespmem:s22+$0x5070];
	[tilespmem:s20+$0x15450] =	vst v7  }
0x14c: {  	v9 =	vld [tilespmem:s22+$0x1410];
	[tilespmem:s20+$0x15460] =	vst v4  }
0x14d: {  	v4 =	vadd.f32 v15, v5;
	v5 =	vld [tilespmem:s22+$0x6470]  }
0x14e: {  	v7 =	vld [tilespmem:s22+$0x2810]  }
0x14f: {  	v10 =	vld [tilespmem:s22+$0x7870]  }
0x150: {  	v57 =	vld [tilespmem:s22+$0x1420]  }
0x151: {  	v58 =	vld [tilespmem:s22+$0x8C70]  }
0x152: {  	v12 =	vld [tilespmem:s22+$0x2820]  }
0x153: {  	v14 =	vld [tilespmem:s22+$0x1430]  }
0x154: {  	v59 =	vld [tilespmem:s22+$0xB470]  }
0x155: {  	v15 =	vld [tilespmem:s22+$0x2830]  }
0x156: {  	v60 =	vld [tilespmem:s22+$0xC870]  }
0x157: {  	v16 =	vld [tilespmem:s22+$0x1440]  }
0x158: {  	v17 =	vld [tilespmem:s22+$0x2840]  }
0x159: {  	v61 =	vld [tilespmem:s22+$0xF070]  }
0x15a: {  	v18 =	vld [tilespmem:s22+$0x1450]  }
0x15b: {  	v62 =	vld [tilespmem:s22+$0x10470]  }
0x15c: {  	v19 =	vld [tilespmem:s22+$0x2850]  }
0x15d: {  	v20 =	vld [tilespmem:s22+$0x1460]  }
0x15e: {  	v63 =	vld [tilespmem:s22+$0x12C70]  }
0x15f: {  	v21 =	vld [tilespmem:s22+$0x2860]  }
0x160: {  	[tilespmem:$0x1FF50] =	vst v13;
	v13 =	vld [tilespmem:s22+$0x14070]  }
0x161: {  	v22 =	vld [tilespmem:s22+$0x3C00]  }
0x162: {  	v8 =	vld [tilespmem:s22+$0x3C10]  }
0x163: {  	v23 =	vld [tilespmem:s22+$0x3C20]  }
0x164: {  	v24 =	vld [tilespmem:s22+$0x3C40]  }
0x165: {  	v25 =	vld [tilespmem:s22+$0x3C60]  }
0x166: {  	v26 =	vld [tilespmem:s22+$0x5010]  }
0x167: {  	v27 =	vld [tilespmem:s22+$0x5020]  }
0x168: {  	v28 =	vld [tilespmem:s22+$0x5030]  }
0x169: {  	v29 =	vld [tilespmem:s22+$0x5040]  }
0x16a: {  	v30 =	vld [tilespmem:s22+$0x5050]  }
0x16b: {  	v31 =	vld [tilespmem:s22+$0x5060]  }
0x16c: {  	v32 =	vld [tilespmem:s22+$0x6400]  }
0x16d: {  	v33 =	vld [tilespmem:s22+$0x6410]  }
0x16e: {  	v34 =	vld [tilespmem:s22+$0x6420]  }
0x16f: {  	v35 =	vld [tilespmem:s22+$0x6430]  }
0x170: {  	v36 =	vld [tilespmem:s22+$0x6440]  }
0x171: {  	v37 =	vld [tilespmem:s22+$0x6450]  }
0x172: {  	v38 =	vld [tilespmem:s22+$0x6460]  }
0x173: {  	v39 =	vld [tilespmem:s22+$0x7800]  }
0x174: {  	v40 =	vld [tilespmem:s22+$0x7810]  }
0x175: {  	v41 =	vld [tilespmem:s22+$0x7820]  }
0x176: {  	v42 =	vld [tilespmem:s22+$0x7830]  }
0x177: {  	v43 =	vld [tilespmem:s22+$0x7840]  }
0x178: {  	v44 =	vld [tilespmem:s22+$0x7850]  }
0x179: {  	v45 =	vld [tilespmem:s22+$0x7860]  }
0x17a: {  	v46 =	vld [tilespmem:s22+$0x8C00]  }
0x17b: {  	v47 =	vld [tilespmem:s22+$0x8C10];
	v4 =	vadd.f32 v55, v4  }
0x17c: {  	v48 =	vld [tilespmem:s22+$0x8C20]  }
0x17d: {  	v49 =	vld [tilespmem:s22+$0x8C30];
	v4 =	vadd.f32 v6, v4  }
0x17e: {  	v50 =	vld [tilespmem:s22+$0x8C40]  }
0x17f: {  	v51 =	vld [tilespmem:s22+$0x8C50];
	v4 =	vadd.f32 v5, v4  }
0x180: {  	v5 =	vld [tilespmem:s22+$0xA070]  }
0x181: {  	v52 =	vld [tilespmem:s22+$0x8C60];
	v4 =	vadd.f32 v10, v4  }
0x182: {  	v53 =	vld [tilespmem:s22+$0xA000]  }
0x183: {  	v54 =	vld [tilespmem:s22+$0xA010];
	v4 =	vadd.f32 v58, v4  }
0x184: {  	v11 =	vld [tilespmem:s22+$0xC800]  }
0x185: {  	v55 =	vld [tilespmem:s22+$0xA020];
	v4 =	vadd.f32 v5, v4  }
0x186: {  	v5 =	vld [tilespmem:s22+$0xDC70]  }
0x187: {  	[tilespmem:$0x1FF60] =	vst v56;
	v56 =	vld [tilespmem:s22+$0xA030];
	v4 =	vadd.f32 v59, v4  }
0x188: {  	v6 =	vld [tilespmem:s22+$0x3C50]  }
0x189: {  	[tilespmem:$0x1FF70] =	vst v7;
	v7 =	vld [tilespmem:s22+$0x5000];
	v4 =	vadd.f32 v60, v4  }
0x18a: {  	[tilespmem:$0x1FF80] =	vst v57;
	v57 =	vld [tilespmem:s22+$0xA040];
	v14 =	vadd.f32 v15, v14  }
0x18b: {  	v15 =	vadd.f32 v17, v16;
	v16 =	vld [tilespmem:s22+$0xC820];
	v4 =	vadd.f32 v5, v4  }
0x18c: {  	v5 =	vld [tilespmem:s22+$0x11870]  }
0x18d: {  	v17 =	vadd.f32 v19, v18;
	v19 =	vld [tilespmem:s22+$0xC830];
	v4 =	vadd.f32 v61, v4  }
0x18e: {  	v21 =	vadd.f32 v21, v20;
	v20 =	vld [tilespmem:s22+$0xDC10]  }
0x18f: {  	v10 =	vld [tilespmem:s22+$0x3C30];
	v4 =	vadd.f32 v62, v4  }
0x190: {  	v18 =	vadd.f32 v25, v21;
	v21 =	vld [tilespmem:s22+$0xDC20]  }
0x191: {  	v15 =	vadd.f32 v24, v15;
	v24 =	vld [tilespmem:s22+$0xDC50];
	v4 =	vadd.f32 v5, v4  }
0x192: {  	v25 =	vld [tilespmem:s22+$0xDC60]  }
0x193: {  	v6 =	vadd.f32 v6, v17;
	v17 =	vld [tilespmem:s22+$0xC860];
	v4 =	vadd.f32 v63, v4  }
0x194: {  	v58 =	vld [tilespmem:s22+$0xA050]  }
0x195: {  	v15 =	vadd.f32 v29, v15;
	v29 =	vld [tilespmem:s22+$0xF030];
	v4 =	vadd.f32 v13, v4  }
0x196: {  	v18 =	vadd.f32 v31, v18;
	v31 =	vld [tilespmem:s22+$0xF050]  }
0x197: {  	[tilespmem:s22+$0x15470] =	vst v4;
	v4 =	vld [tilespmem:s22+$0xB440]  }
0x198: {  	v6 =	vadd.f32 v30, v6;
	v30 =	vld [tilespmem:s22+$0xF040]  }
0x199: {  	v15 =	vadd.f32 v36, v15;
	v10 =	vadd.f32 v10, v14;
	v14 =	vld [tilespmem:s22+$0xC850]  }
0x19a: {  	v59 =	vld [tilespmem:s22+$0xA060]  }
0x19b: {  	v18 =	vadd.f32 v38, v18;
	v15 =	vadd.f32 v43, v15;
	v43 =	vld [tilespmem:s22+$0x11820]  }
0x19c: {  	[tilespmem:$0x1FF90] =	vst v4;
	v4 =	vld [tilespmem:s22+$0xB460]  }
0x19d: {  	v18 =	vadd.f32 v45, v18;
	v45 =	vld [tilespmem:s22+$0x11830]  }
0x19e: {  	v10 =	vadd.f32 v28, v10;
	v28 =	vld [tilespmem:s22+$0xF020]  }
0x19f: {  	v6 =	vadd.f32 v37, v6;
	v60 =	vld [tilespmem:s22+$0xB400]  }
0x1a0: {  	v10 =	vadd.f32 v35, v10;
	v5 =	vld [tilespmem:$0x1FF60]  }
0x1a1: {  	v6 =	vadd.f32 v44, v6;
	[tilespmem:$0x1FFA0] =	vst v4;
	v4 =	vld [tilespmem:$0x1FF50]  }
0x1a2: {  	v10 =	vadd.f32 v42, v10;
	v63 =	vld [tilespmem:s22+$0xB430]  }
0x1a3: {  	v6 =	vadd.f32 v51, v6;
	v13 =	vld [tilespmem:s22+$0xB450]  }
0x1a4: {  	v15 =	vadd.f32 v50, v15;
	v50 =	vld [tilespmem:s22+$0x12C10];
	v10 =	vadd.f32 v49, v10  }
0x1a5: {  	v18 =	vadd.f32 v52, v18;
	v52 =	vld [tilespmem:s22+$0x12C30];
	v6 =	vadd.f32 v58, v6  }
0x1a6: {  	v10 =	vadd.f32 v56, v10;
	v5 =	vadd.f32 v5, v4;
	v4 =	vld [tilespmem:$0x1FF70]  }
0x1a7: {  	v51 =	vld [tilespmem:s22+$0x12C20]  }
0x1a8: {  	v10 =	vadd.f32 v63, v10;
	v6 =	vadd.f32 v13, v6;
	v63 =	vld [tilespmem:$0x1FFA0]  }
0x1a9: {  	v15 =	vadd.f32 v57, v15;
	v57 =	vld [tilespmem:s22+$0x10420]  }
0x1aa: {  	v58 =	vld [tilespmem:s22+$0x10430];
	v6 =	vadd.f32 v14, v6  }
0x1ab: {  	v18 =	vadd.f32 v59, v18;
	v4 =	vadd.f32 v4, v9;
	v9 =	vld [tilespmem:$0x1FF80]  }
0x1ac: {  	v59 =	vld [tilespmem:s22+$0x10440];
	v6 =	vadd.f32 v24, v6;
	v5 =	vadd.f32 v22, v5  }
0x1ad: {  	v42 =	vld [tilespmem:s22+$0x11810];
	v10 =	vadd.f32 v19, v10;
	v18 =	vadd.f32 v63, v18  }
0x1ae: {  	v6 =	vadd.f32 v31, v6;
	v22 =	vld [tilespmem:s22+$0xDC30];
	v5 =	vadd.f32 v7, v5  }
0x1af: {  	v61 =	vld [tilespmem:s22+$0xB410];
	v44 =	vadd.f32 v17, v18;
	v4 =	vadd.f32 v8, v4  }
0x1b0: {  	v49 =	vld [tilespmem:s22+$0x12C00];
	v5 =	vadd.f32 v32, v5;
	v12 =	vadd.f32 v12, v9  }
0x1b1: {  	v62 =	vld [tilespmem:s22+$0xB420];
	v14 =	vadd.f32 v25, v44;
	v4 =	vadd.f32 v26, v4  }
0x1b2: {  	v32 =	vld [tilespmem:s22+$0xF060];
	v5 =	vadd.f32 v39, v5;
	v12 =	vadd.f32 v23, v12  }
0x1b3: {  	v56 =	vld [tilespmem:s22+$0x14000];
	v10 =	vadd.f32 v22, v10;
	v4 =	vadd.f32 v33, v4  }
0x1b4: {  	v7 =	vld [tilespmem:s22+$0xDC00];
	v5 =	vadd.f32 v46, v5;
	v12 =	vadd.f32 v27, v12  }
0x1b5: {  	v8 =	vld [tilespmem:s22+$0xC840];
	v10 =	vadd.f32 v29, v10;
	v4 =	vadd.f32 v40, v4  }
0x1b6: {  	v26 =	vld [tilespmem:s22+$0xF000];
	v5 =	vadd.f32 v53, v5;
	v12 =	vadd.f32 v34, v12  }
0x1b7: {  	v9 =	vld [tilespmem:s22+$0xC810];
	v14 =	vadd.f32 v32, v14;
	v4 =	vadd.f32 v47, v4  }
0x1b8: {  	v5 =	vadd.f32 v60, v5;
	v60 =	vld [tilespmem:s22+$0x10450];
	v12 =	vadd.f32 v41, v12  }
0x1b9: {  	v46 =	vld [tilespmem:s22+$0x11840];
	v10 =	vadd.f32 v58, v10;
	v4 =	vadd.f32 v54, v4  }
0x1ba: {  	v47 =	vld [tilespmem:s22+$0x11850];
	v5 =	vadd.f32 v11, v5;
	v12 =	vadd.f32 v48, v12  }
0x1bb: {  	v10 =	vadd.f32 v45, v10;
	v4 =	vadd.f32 v61, v4;
	v61 =	vld [tilespmem:$0x1FF90]  }
0x1bc: {  	v53 =	vld [tilespmem:s22+$0x10400];
	v5 =	vadd.f32 v7, v5;
	v12 =	vadd.f32 v55, v12  }
0x1bd: {  	v40 =	vld [tilespmem:s22+$0x11800];
	v10 =	vadd.f32 v52, v10;
	v6 =	vadd.f32 v60, v6  }
0x1be: {  	v27 =	vld [tilespmem:s22+$0xF010];
	v5 =	vadd.f32 v26, v5;
	v12 =	vadd.f32 v62, v12  }
0x1bf: {  	v23 =	vld [tilespmem:s22+$0xDC40];
	v4 =	vadd.f32 v9, v4;
	v6 =	vadd.f32 v47, v6  }
0x1c0: {  	v55 =	vld [tilespmem:s22+$0x10410];
	v15 =	vadd.f32 v61, v15;
	v41 =	vadd.f32 v16, v12  }
0x1c1: {  	v58 =	vld [tilespmem:s22+$0x14020];
	v5 =	vadd.f32 v53, v5;
	v4 =	vadd.f32 v20, v4  }
0x1c2: {  	v54 =	vld [tilespmem:s22+$0x12C50];
	v8 =	vadd.f32 v8, v15;
	v9 =	vadd.f32 v21, v41  }
0x1c3: {  	v60 =	vld [tilespmem:s22+$0x14040];
	v5 =	vadd.f32 v40, v5;
	v4 =	vadd.f32 v27, v4  }
0x1c4: {  	v62 =	vld [tilespmem:s22+$0x10460];
	v8 =	vadd.f32 v23, v8;
	v9 =	vadd.f32 v28, v9  }
0x1c5: {  	v48 =	vld [tilespmem:s22+$0x11860];
	v5 =	vadd.f32 v49, v5;
	v4 =	vadd.f32 v55, v4  }
0x1c6: {  	v8 =	vadd.f32 v30, v8;
	v9 =	vadd.f32 v57, v9;
	v57 =	vld [tilespmem:s22+$0x14010]  }
0x1c7: {  	v53 =	vld [tilespmem:s22+$0x12C40];
	v5 =	vadd.f32 v56, v5;
	v4 =	vadd.f32 v42, v4  }
0x1c8: {  	v8 =	vadd.f32 v59, v8;
	v59 =	vld [tilespmem:s22+$0x14030];
	v9 =	vadd.f32 v43, v9  }
0x1c9: {  	v55 =	vld [tilespmem:s22+$0x12C60];
	v13 =	vadd.f32 v62, v14;
	v4 =	vadd.f32 v50, v4  }
0x1ca: {  	v61 =	vld [tilespmem:s22+$0x14050];
	v7 =	vadd.f32 v46, v8;
	v9 =	vadd.f32 v51, v9  }
0x1cb: {  	v62 =	vld [tilespmem:s22+$0x14060];
	v13 =	vadd.f32 v48, v13;
	v4 =	vadd.f32 v57, v4  }
0x1cc: {  	[tilespmem:s22+$0x15400] =	vst v5;
	v7 =	vadd.f32 v53, v7;
	v5 =	vadd.f32 v58, v9  }
0x1cd: {  	v6 =	vadd.f32 v54, v6;
	[tilespmem:s22+$0x15410] =	vst v4;
	v4 =	vadd.f32 v59, v10  }
0x1ce: {  	v63 =	vadd.f32 v55, v13;
	[tilespmem:s22+$0x15420] =	vst v5;
	v5 =	vadd.f32 v60, v7  }
0x1cf: {  	[tilespmem:s22+$0x15430] =	vst v4;
	v4 =	vadd.f32 v61, v6  }
0x1d0: {  	[tilespmem:s22+$0x15440] =	vst v5;
	v5 =	vadd.f32 v62, v63  }
0x1d1: {  	[tilespmem:s22+$0x15450] =	vst v4  }
0x1d2: {  	[tilespmem:s22+$0x15460] =	vst v5  }
0x1d3: {  	[spmem:s2] =	stream.indirect.scatter.add.f32 [tilespmem:s16], [sflag:$0x1], $0x80, s12, s15, $0xb8;
	[tilespmem:$0x16B80] =	vst v63  }
0x1d4: {  	_ =	swait.ge [sflag:s11], $0x1400  }
0x1d5: {  	s21 =	simm.s32 $0x0;
	[sflag:s11] =	ssyncset.done $0x0  }
0x1d6: {  	s20 =	simm.s32 $0x0;
	s22 =	simm.s32 $0x200;
	[sflag:s11] =	ssyncadd.s32 $0xFFFFEC00  }
.LBB2_8:
0x1d7: {  	p2 =	sne.s32 s22, $0x4FE00;
	[tilespmem:s21+$0x1470] =	vst v0  }
0x1d8: {  	[tilespmem:s21+$0x1400] =	vst v0  }
0x1d9: {  	[tilespmem:s21+$0x1410] =	vst v0  }
.Ltmp3:
0x1da: {  	[tilespmem:s21+$0x1420] =	vst v0;
	(pc) =	sbr.rel @p2 .LBB2_8-.Ltmp3, $4  }
0x1db: {  	[tilespmem:s21+$0x1430] =	vst v0  }
0x1dc: {  	[tilespmem:s21+$0x1440] =	vst v0  }
0x1dd: {  	[tilespmem:s21+$0x1450] =	vst v0  }
0x1de: {  	[tilespmem:s21+$0x1460] =	vst v0;
	s21 =	sshra.s32 s22, $0x2;
	s22 =	sadd.s32 $0x200, s22  }
0x1df: {  	[tilespmem:s21+$0x1470] =	vst v0  }
0x1e0: {  	[tilespmem:s21+$0x1400] =	vst v0  }
0x1e1: {  	[tilespmem:s21+$0x1410] =	vst v0  }
0x1e2: {  	[tilespmem:s21+$0x1420] =	vst v0  }
0x1e3: {  	[tilespmem:s21+$0x1430] =	vst v0  }
0x1e4: {  	[tilespmem:s21+$0x1440] =	vst v0  }
0x1e5: {  	[tilespmem:s21+$0x1450] =	vst v0  }
0x1e6: {  	[tilespmem:s21+$0x1460] =	vst v0;
	s21 =	simm.s32 $0x0  }
.LBB2_10:
0x1e7: {  	v4 =	vld [tilespmem:s20+$0x0];
	_ =	sdelay $0x4  }
0x1e8: {  	v5 =	vmov s21;
	v4 =	vadd.s32 $0xFFFFEC00, v4  }
0x1e9: {  	vm0 =	vlt.u32 v5, v1;
	vm1 =	vlt.u32 v4, $0x1400  }
0x1ea: {  	vm0 =	vmand vm0, vm1  }
0x1eb: {  	v4 =	vnsel vm0, $0x0, v4  }
0x1ec: {  	p2 =	sne.s32 s21, $0x1380;
	v4 =	vadd.s32 v2, v4  }
.Ltmp4:
0x1ed: {  	_ = 	snop;
	(pc) =	sbr.rel @p2 .LBB2_10-.Ltmp4, $2  }
0x1ee: {  	_ =	sdelay $0x2  }
0x1ef: {  	s20 =	sadd.s32 $0x10, s20;
	s21 =	sadd.s32 $0x10, s21;
	[tilespmem:v4+s14+$0x0] =	vst.idx.add.f32.msk vm0, v3  }
0x1f0: {  	s20 =	simm.s32 $0x0  }
0x1f1: {  	v4 =	vld [tilespmem:s20+$0x1470]  }
0x1f2: {  	v5 =	vld [tilespmem:s20+$0x2870]  }
0x1f3: {  	v10 =	vld [tilespmem:s20+$0x1400]  }
0x1f4: {  	v7 =	vld [tilespmem:s20+$0x3C70]  }
0x1f5: {  	v11 =	vld [tilespmem:s20+$0x2800]  }
0x1f6: {  	v9 =	vld [tilespmem:s20+$0x5070]  }
0x1f7: {  	v6 =	vld [tilespmem:s20+$0x1410]  }
0x1f8: {  	v13 =	vld [tilespmem:s20+$0x2820]  }
0x1f9: {  	v14 =	vld [tilespmem:s20+$0x1430]  }
0x1fa: {  	v15 =	vld [tilespmem:s20+$0x2830]  }
0x1fb: {  	v16 =	vld [tilespmem:s20+$0x1440]  }
0x1fc: {  	v17 =	vld [tilespmem:s20+$0x2840]  }
0x1fd: {  	v18 =	vld [tilespmem:s20+$0x1450]  }
0x1fe: {  	v19 =	vld [tilespmem:s20+$0x2850]  }
0x1ff: {  	v20 =	vld [tilespmem:s20+$0x1460]  }
0x200: {  	v21 =	vld [tilespmem:s20+$0x2860]  }
0x201: {  	v22 =	vld [tilespmem:s20+$0x3C00]  }
0x202: {  	v8 =	vld [tilespmem:s20+$0x3C10]  }
0x203: {  	v23 =	vld [tilespmem:s20+$0x3C20]  }
0x204: {  	v24 =	vld [tilespmem:s20+$0x3C40]  }
0x205: {  	v25 =	vld [tilespmem:s20+$0x3C60]  }
0x206: {  	v26 =	vld [tilespmem:s20+$0x5010]  }
0x207: {  	v27 =	vld [tilespmem:s20+$0x5020]  }
0x208: {  	v28 =	vld [tilespmem:s20+$0x5030]  }
0x209: {  	v29 =	vld [tilespmem:s20+$0x5040]  }
0x20a: {  	v30 =	vld [tilespmem:s20+$0x5050]  }
0x20b: {  	v31 =	vld [tilespmem:s20+$0x5060]  }
0x20c: {  	v32 =	vld [tilespmem:s20+$0x6400]  }
0x20d: {  	v33 =	vld [tilespmem:s20+$0x6410]  }
0x20e: {  	v34 =	vld [tilespmem:s20+$0x6420]  }
0x20f: {  	v35 =	vld [tilespmem:s20+$0x6430]  }
0x210: {  	v36 =	vld [tilespmem:s20+$0x6440]  }
0x211: {  	v37 =	vld [tilespmem:s20+$0x6450]  }
0x212: {  	v38 =	vld [tilespmem:s20+$0x6460]  }
0x213: {  	v39 =	vld [tilespmem:s20+$0x7800]  }
0x214: {  	v40 =	vld [tilespmem:s20+$0x7810]  }
0x215: {  	v41 =	vld [tilespmem:s20+$0x7820]  }
0x216: {  	v42 =	vld [tilespmem:s20+$0x7830]  }
0x217: {  	v43 =	vld [tilespmem:s20+$0x7840]  }
0x218: {  	v44 =	vld [tilespmem:s20+$0x7850]  }
0x219: {  	v45 =	vld [tilespmem:s20+$0x7860]  }
0x21a: {  	v46 =	vld [tilespmem:s20+$0x8C00]  }
0x21b: {  	v47 =	vld [tilespmem:s20+$0x8C10]  }
0x21c: {  	v48 =	vld [tilespmem:s20+$0x8C20]  }
0x21d: {  	v49 =	vld [tilespmem:s20+$0x8C30]  }
0x21e: {  	v50 =	vld [tilespmem:s20+$0x8C40]  }
0x21f: {  	v51 =	vld [tilespmem:s20+$0x8C50]  }
0x220: {  	v52 =	vld [tilespmem:s20+$0x8C60]  }
0x221: {  	v53 =	vld [tilespmem:s20+$0xA000]  }
0x222: {  	v54 =	vld [tilespmem:s20+$0xA010]  }
0x223: {  	v55 =	vld [tilespmem:s20+$0xA020]  }
0x224: {  	v56 =	vld [tilespmem:s20+$0xA030]  }
0x225: {  	v57 =	vld [tilespmem:s20+$0xA040]  }
0x226: {  	v58 =	vld [tilespmem:s20+$0xA050]  }
0x227: {  	v59 =	vld [tilespmem:s20+$0xA060];
	v4 =	vadd.f32 v5, v4  }
0x228: {  	v5 =	vld [tilespmem:s20+$0x6470]  }
0x229: {  	v60 =	vld [tilespmem:s20+$0xB400];
	v4 =	vadd.f32 v7, v4  }
0x22a: {  	v7 =	vld [tilespmem:s20+$0x7870]  }
0x22b: {  	v61 =	vld [tilespmem:s20+$0xB410];
	v4 =	vadd.f32 v9, v4  }
0x22c: {  	v9 =	vld [tilespmem:s20+$0x8C70]  }
0x22d: {  	v62 =	vld [tilespmem:s20+$0xB420];
	v4 =	vadd.f32 v5, v4  }
0x22e: {  	v5 =	vld [tilespmem:s20+$0xA070]  }
0x22f: {  	v63 =	vld [tilespmem:s20+$0xB430];
	v4 =	vadd.f32 v7, v4  }
0x230: {  	v7 =	vld [tilespmem:s20+$0xB470]  }
0x231: {  	v12 =	vld [tilespmem:s20+$0xB450];
	v4 =	vadd.f32 v9, v4  }
0x232: {  	v9 =	vld [tilespmem:s20+$0xC870]  }
0x233: {  	[tilespmem:$0x1FF00] =	vst v6;
	v6 =	vld [tilespmem:s20+$0x2810];
	v4 =	vadd.f32 v5, v4  }
0x234: {  	v14 =	vadd.f32 v15, v14;
	v5 =	vld [tilespmem:s20+$0xDC70]  }
0x235: {  	v15 =	vadd.f32 v17, v16;
	v16 =	vld [tilespmem:s20+$0xC820];
	v4 =	vadd.f32 v7, v4  }
0x236: {  	v7 =	vld [tilespmem:s20+$0xF070]  }
0x237: {  	v17 =	vadd.f32 v19, v18;
	v19 =	vld [tilespmem:s20+$0xC830];
	v4 =	vadd.f32 v9, v4  }
0x238: {  	v9 =	vld [tilespmem:s20+$0x10470]  }
0x239: {  	v21 =	vadd.f32 v21, v20;
	v20 =	vld [tilespmem:s20+$0xDC10];
	v4 =	vadd.f32 v5, v4  }
0x23a: {  	v5 =	vld [tilespmem:s20+$0x11870]  }
0x23b: {  	v18 =	vadd.f32 v25, v21;
	v21 =	vld [tilespmem:s20+$0xDC20];
	v4 =	vadd.f32 v7, v4  }
0x23c: {  	v7 =	vld [tilespmem:s20+$0x12C70]  }
0x23d: {  	v15 =	vadd.f32 v24, v15;
	v24 =	vld [tilespmem:s20+$0xDC50];
	v4 =	vadd.f32 v9, v4  }
0x23e: {  	v9 =	vld [tilespmem:s20+$0x14070]  }
0x23f: {  	v15 =	vadd.f32 v29, v15;
	[tilespmem:$0x1FF10] =	vst v6;
	v6 =	vld [tilespmem:s20+$0x1420];
	v4 =	vadd.f32 v5, v4  }
0x240: {  	v25 =	vld [tilespmem:s20+$0xDC60]  }
0x241: {  	v29 =	vld [tilespmem:s20+$0xF030];
	v15 =	vadd.f32 v36, v15;
	v4 =	vadd.f32 v7, v4  }
0x242: {  	v18 =	vadd.f32 v31, v18;
	v31 =	vld [tilespmem:s20+$0xF050]  }
0x243: {  	v15 =	vadd.f32 v43, v15;
	v43 =	vld [tilespmem:s20+$0x10410];
	v4 =	vadd.f32 v9, v4  }
0x244: {  	[tilespmem:$0x1FF20] =	vst v6;
	v6 =	vld [tilespmem:s20+$0x5000]  }
0x245: {  	v5 =	vadd.f32 v11, v10;
	[tilespmem:s20+$0x15470] =	vst v4;
	v4 =	vld [tilespmem:s20+$0xB440]  }
0x246: {  	v18 =	vadd.f32 v38, v18;
	v7 =	vld [tilespmem:s20+$0x3C30]  }
0x247: {  	v5 =	vadd.f32 v22, v5;
	v9 =	vld [tilespmem:s20+$0x3C50]  }
0x248: {  	v18 =	vadd.f32 v45, v18;
	v45 =	vld [tilespmem:s20+$0x10430];
	v15 =	vadd.f32 v50, v15  }
0x249: {  	v50 =	vld [tilespmem:s20+$0x11830];
	v5 =	vadd.f32 v6, v5  }
0x24a: {  	v18 =	vadd.f32 v52, v18;
	v15 =	vadd.f32 v57, v15;
	[tilespmem:$0x1FF30] =	vst v4;
	v4 =	vld [tilespmem:s20+$0xB460]  }
0x24b: {  	v52 =	vld [tilespmem:s20+$0x11860];
	v5 =	vadd.f32 v32, v5;
	v7 =	vadd.f32 v7, v14  }
0x24c: {  	v18 =	vadd.f32 v59, v18;
	v57 =	vld [tilespmem:s20+$0x12C40];
	v9 =	vadd.f32 v9, v17  }
0x24d: {  	v59 =	vld [tilespmem:s20+$0x12C60];
	v5 =	vadd.f32 v39, v5;
	v7 =	vadd.f32 v28, v7  }
0x24e: {  	v10 =	vld [tilespmem:$0x1FF10];
	v9 =	vadd.f32 v30, v9  }
0x24f: {  	v5 =	vadd.f32 v46, v5;
	v7 =	vadd.f32 v35, v7;
	[tilespmem:$0x1FF40] =	vst v4;
	v4 =	vld [tilespmem:$0x1FF00]  }
0x250: {  	v11 =	vld [tilespmem:s20+$0xC800];
	v9 =	vadd.f32 v37, v9  }
0x251: {  	v22 =	vld [tilespmem:s20+$0xDC30];
	v5 =	vadd.f32 v53, v5;
	v7 =	vadd.f32 v42, v7  }
0x252: {  	v6 =	vld [tilespmem:s20+$0xDC00];
	v9 =	vadd.f32 v44, v9  }
0x253: {  	v32 =	vld [tilespmem:s20+$0xF060];
	v5 =	vadd.f32 v60, v5;
	v7 =	vadd.f32 v49, v7  }
0x254: {  	v9 =	vadd.f32 v51, v9;
	v4 =	vadd.f32 v10, v4;
	v10 =	vld [tilespmem:$0x1FF20]  }
0x255: {  	v7 =	vadd.f32 v56, v7;
	v49 =	vld [tilespmem:$0x1FF40]  }
0x256: {  	v14 =	vld [tilespmem:s20+$0xC850];
	v5 =	vadd.f32 v11, v5;
	v9 =	vadd.f32 v58, v9  }
0x257: {  	v17 =	vld [tilespmem:s20+$0xC860];
	v7 =	vadd.f32 v63, v7  }
0x258: {  	v28 =	vld [tilespmem:s20+$0xF020];
	v5 =	vadd.f32 v6, v5;
	v9 =	vadd.f32 v12, v9  }
0x259: {  	v46 =	vld [tilespmem:s20+$0x10440];
	v7 =	vadd.f32 v19, v7;
	v13 =	vadd.f32 v13, v10  }
0x25a: {  	v30 =	vld [tilespmem:s20+$0xF040];
	v18 =	vadd.f32 v49, v18;
	v4 =	vadd.f32 v8, v4  }
0x25b: {  	v53 =	vld [tilespmem:s20+$0x12C00];
	v9 =	vadd.f32 v14, v9;
	v13 =	vadd.f32 v23, v13  }
0x25c: {  	v42 =	vld [tilespmem:s20+$0x10400];
	v7 =	vadd.f32 v22, v7;
	v4 =	vadd.f32 v26, v4  }
0x25d: {  	v44 =	vld [tilespmem:s20+$0x10420];
	v14 =	vadd.f32 v17, v18;
	v13 =	vadd.f32 v27, v13  }
0x25e: {  	v11 =	vld [tilespmem:s20+$0x11800];
	v9 =	vadd.f32 v24, v9;
	v4 =	vadd.f32 v33, v4  }
0x25f: {  	v26 =	vld [tilespmem:s20+$0xF000];
	v7 =	vadd.f32 v29, v7;
	v13 =	vadd.f32 v34, v13  }
0x260: {  	v51 =	vld [tilespmem:s20+$0x11850];
	v14 =	vadd.f32 v25, v14;
	v4 =	vadd.f32 v40, v4  }
0x261: {  	v56 =	vld [tilespmem:s20+$0x12C30];
	v9 =	vadd.f32 v31, v9;
	v13 =	vadd.f32 v41, v13  }
0x262: {  	v12 =	vld [tilespmem:s20+$0x10460];
	v7 =	vadd.f32 v45, v7;
	v4 =	vadd.f32 v47, v4  }
0x263: {  	v10 =	vld [tilespmem:s20+$0xC810];
	v14 =	vadd.f32 v32, v14;
	v13 =	vadd.f32 v48, v13  }
0x264: {  	v5 =	vadd.f32 v26, v5;
	v4 =	vadd.f32 v54, v4;
	v48 =	vld [tilespmem:$0x1FF30]  }
0x265: {  	v8 =	vld [tilespmem:s20+$0xC840];
	v7 =	vadd.f32 v50, v7;
	v13 =	vadd.f32 v55, v13  }
0x266: {  	v27 =	vld [tilespmem:s20+$0xF010];
	v5 =	vadd.f32 v42, v5;
	v4 =	vadd.f32 v61, v4  }
0x267: {  	v12 =	vadd.f32 v12, v14;
	v47 =	vld [tilespmem:s20+$0x10450];
	v13 =	vadd.f32 v62, v13  }
0x268: {  	v23 =	vld [tilespmem:s20+$0xDC40];
	v5 =	vadd.f32 v11, v5;
	v4 =	vadd.f32 v10, v4  }
0x269: {  	v6 =	vld [tilespmem:s20+$0x11840];
	v15 =	vadd.f32 v48, v15;
	v10 =	vadd.f32 v16, v13  }
0x26a: {  	v14 =	vld [tilespmem:s20+$0x14000];
	v61 =	vadd.f32 v52, v12;
	v4 =	vadd.f32 v20, v4  }
0x26b: {  	v13 =	vld [tilespmem:s20+$0x11810];
	v8 =	vadd.f32 v8, v15;
	v10 =	vadd.f32 v21, v10  }
0x26c: {  	v9 =	vadd.f32 v47, v9;
	v4 =	vadd.f32 v27, v4;
	v15 =	vld [tilespmem:s20+$0x11820]  }
0x26d: {  	v54 =	vld [tilespmem:s20+$0x12C10];
	v8 =	vadd.f32 v23, v8;
	v10 =	vadd.f32 v28, v10  }
0x26e: {  	v58 =	vld [tilespmem:s20+$0x12C50];
	v5 =	vadd.f32 v53, v5;
	v4 =	vadd.f32 v43, v4  }
0x26f: {  	v55 =	vld [tilespmem:s20+$0x12C20];
	v8 =	vadd.f32 v30, v8;
	v10 =	vadd.f32 v44, v10  }
0x270: {  	v60 =	vadd.f32 v51, v9;
	v4 =	vadd.f32 v13, v4;
	v13 =	vld [tilespmem:s20+$0x14010]  }
0x271: {  	v8 =	vadd.f32 v46, v8;
	v10 =	vadd.f32 v15, v10;
	v15 =	vld [tilespmem:s20+$0x14020]  }
0x272: {  	v11 =	vld [tilespmem:s20+$0x14030];
	v14 =	vadd.f32 v14, v5;
	v62 =	vadd.f32 v54, v4  }
0x273: {  	v4 =	vadd.f32 v59, v61;
	v6 =	vadd.f32 v6, v8;
	v8 =	vld [tilespmem:s20+$0x14040]  }
0x274: {  	v9 =	vld [tilespmem:s20+$0x14050];
	v63 =	vadd.f32 v55, v10;
	v10 =	vadd.f32 v56, v7  }
0x275: {  	s22 =	simm.s32 $0x80;
	v12 =	vld [tilespmem:s20+$0x14060];
	v7 =	vadd.f32 v58, v60;
	v13 =	vadd.f32 v13, v62  }
0x276: {  	s21 =	simm.s32 $0x400;
	v5 =	vld [tilespmem:s22+$0x1470];
	[tilespmem:s20+$0x15400] =	vst v14;
	v6 =	vadd.f32 v57, v6;
	v14 =	vadd.f32 v15, v63  }
.LBB2_12:
0x277: {  	p2 =	sne.s32 s21, $0x4E00;
	v15 =	vld [tilespmem:s22+$0x2870];
	[tilespmem:s20+$0x15410] =	vst v13;
	v10 =	vadd.f32 v11, v10  }
0x278: {  	v11 =	vld [tilespmem:s22+$0x1400];
	[tilespmem:s20+$0x15420] =	vst v14;
	v6 =	vadd.f32 v8, v6  }
0x279: {  	v8 =	vld [tilespmem:s22+$0x3C70];
	[tilespmem:s20+$0x15430] =	vst v10;
	v7 =	vadd.f32 v9, v7  }
0x27a: {  	v9 =	vld [tilespmem:s22+$0x2800];
	[tilespmem:s20+$0x15440] =	vst v6;
	v4 =	vadd.f32 v12, v4  }
0x27b: {  	v6 =	vld [tilespmem:s22+$0x5070];
	[tilespmem:s20+$0x15450] =	vst v7  }
0x27c: {  	v7 =	vld [tilespmem:s22+$0x1410];
	v5 =	vadd.f32 v15, v5;
	[tilespmem:s20+$0x15460] =	vst v4;
	s20 =	smov.u32 s22  }
0x27d: {  	v4 =	vld [tilespmem:s20+$0x6470]  }
0x27e: {  	v10 =	vld [tilespmem:s20+$0x2810];
	v5 =	vadd.f32 v8, v5  }
0x27f: {  	v8 =	vadd.f32 v9, v11;
	v9 =	vld [tilespmem:s20+$0x7870]  }
0x280: {  	v11 =	vld [tilespmem:s20+$0x1420];
	v5 =	vadd.f32 v6, v5  }
0x281: {  	v6 =	vld [tilespmem:s20+$0x8C70]  }
0x282: {  	v12 =	vld [tilespmem:s20+$0x2820];
	v4 =	vadd.f32 v4, v5  }
0x283: {  	v5 =	vadd.f32 v10, v7;
	v7 =	vld [tilespmem:s20+$0xA070]  }
0x284: {  	v10 =	vld [tilespmem:s20+$0x1430];
	v4 =	vadd.f32 v9, v4  }
0x285: {  	v9 =	vld [tilespmem:s20+$0xB470]  }
0x286: {  	v13 =	vld [tilespmem:s20+$0x2830];
	v4 =	vadd.f32 v6, v4  }
0x287: {  	v6 =	vadd.f32 v12, v11;
	v11 =	vld [tilespmem:s20+$0xC870]  }
0x288: {  	v12 =	vld [tilespmem:s20+$0x1440];
	v4 =	vadd.f32 v7, v4  }
0x289: {  	v7 =	vld [tilespmem:s20+$0xDC70]  }
0x28a: {  	v14 =	vld [tilespmem:s20+$0x2840];
	v4 =	vadd.f32 v9, v4  }
0x28b: {  	v9 =	vadd.f32 v13, v10;
	v10 =	vld [tilespmem:s20+$0xF070]  }
0x28c: {  	v13 =	vld [tilespmem:s20+$0x1450];
	v4 =	vadd.f32 v11, v4  }
0x28d: {  	v11 =	vld [tilespmem:s20+$0x10470]  }
0x28e: {  	v15 =	vld [tilespmem:s20+$0x2850];
	v4 =	vadd.f32 v7, v4  }
0x28f: {  	v7 =	vadd.f32 v14, v12;
	v12 =	vld [tilespmem:s20+$0x11870]  }
0x290: {  	v14 =	vld [tilespmem:s20+$0x1460];
	v4 =	vadd.f32 v10, v4  }
0x291: {  	v10 =	vld [tilespmem:s20+$0x12C70]  }
0x292: {  	v16 =	vld [tilespmem:s20+$0x2860];
	v4 =	vadd.f32 v11, v4  }
0x293: {  	v11 =	vadd.f32 v15, v13;
	v13 =	vld [tilespmem:s20+$0x14070]  }
0x294: {  	v15 =	vld [tilespmem:s20+$0x3C00];
	v4 =	vadd.f32 v12, v4  }
0x295: {  	v12 =	vld [tilespmem:s20+$0x3C10]  }
0x296: {  	v17 =	vld [tilespmem:s20+$0x3C20];
	v4 =	vadd.f32 v10, v4  }
0x297: {  	v10 =	vld [tilespmem:s20+$0x3C30];
	v14 =	vadd.f32 v16, v14  }
0x298: {  	v16 =	vld [tilespmem:s20+$0x3C40];
	v4 =	vadd.f32 v13, v4  }
0x299: {  	v8 =	vadd.f32 v15, v8;
	v13 =	vld [tilespmem:s20+$0x3C50]  }
0x29a: {  	v5 =	vadd.f32 v12, v5;
	v12 =	vld [tilespmem:s20+$0x3C60];
	[tilespmem:s20+$0x15470] =	vst v4  }
0x29b: {  	v4 =	vld [tilespmem:s20+$0x5000];
	v6 =	vadd.f32 v17, v6  }
0x29c: {  	v15 =	vld [tilespmem:s20+$0x5010];
	v9 =	vadd.f32 v10, v9  }
0x29d: {  	v10 =	vld [tilespmem:s20+$0x5020];
	v7 =	vadd.f32 v16, v7  }
0x29e: {  	v16 =	vld [tilespmem:s20+$0x5030];
	v11 =	vadd.f32 v13, v11  }
0x29f: {  	v13 =	vld [tilespmem:s20+$0x5040];
	v12 =	vadd.f32 v12, v14  }
0x2a0: {  	v4 =	vadd.f32 v4, v8;
	v8 =	vld [tilespmem:s20+$0x5050]  }
0x2a1: {  	v5 =	vadd.f32 v15, v5;
	v14 =	vld [tilespmem:s20+$0x5060]  }
0x2a2: {  	v15 =	vld [tilespmem:s20+$0x6400];
	v6 =	vadd.f32 v10, v6  }
0x2a3: {  	v10 =	vld [tilespmem:s20+$0x6410];
	v9 =	vadd.f32 v16, v9  }
0x2a4: {  	v16 =	vld [tilespmem:s20+$0x6420];
	v7 =	vadd.f32 v13, v7  }
0x2a5: {  	v13 =	vld [tilespmem:s20+$0x6430];
	v8 =	vadd.f32 v8, v11  }
0x2a6: {  	v11 =	vld [tilespmem:s20+$0x6440];
	v12 =	vadd.f32 v14, v12  }
0x2a7: {  	v4 =	vadd.f32 v15, v4;
	v14 =	vld [tilespmem:s20+$0x6450]  }
0x2a8: {  	v5 =	vadd.f32 v10, v5;
	v10 =	vld [tilespmem:s20+$0x6460]  }
0x2a9: {  	v15 =	vld [tilespmem:s20+$0x7800];
	v6 =	vadd.f32 v16, v6  }
0x2aa: {  	v16 =	vld [tilespmem:s20+$0x7810];
	v9 =	vadd.f32 v13, v9  }
0x2ab: {  	v13 =	vld [tilespmem:s20+$0x7820];
	v7 =	vadd.f32 v11, v7  }
0x2ac: {  	v11 =	vld [tilespmem:s20+$0x7830];
	v8 =	vadd.f32 v14, v8  }
0x2ad: {  	v14 =	vld [tilespmem:s20+$0x7840];
	v10 =	vadd.f32 v10, v12  }
0x2ae: {  	v4 =	vadd.f32 v15, v4;
	v12 =	vld [tilespmem:s20+$0x7850]  }
0x2af: {  	v5 =	vadd.f32 v16, v5;
	v15 =	vld [tilespmem:s20+$0x7860]  }
0x2b0: {  	v16 =	vld [tilespmem:s20+$0x8C00];
	v6 =	vadd.f32 v13, v6  }
0x2b1: {  	v13 =	vld [tilespmem:s20+$0x8C10];
	v9 =	vadd.f32 v11, v9  }
0x2b2: {  	v11 =	vld [tilespmem:s20+$0x8C20];
	v7 =	vadd.f32 v14, v7  }
0x2b3: {  	v14 =	vld [tilespmem:s20+$0x8C30];
	v8 =	vadd.f32 v12, v8  }
0x2b4: {  	v12 =	vld [tilespmem:s20+$0x8C40];
	v10 =	vadd.f32 v15, v10  }
0x2b5: {  	v4 =	vadd.f32 v16, v4;
	v15 =	vld [tilespmem:s20+$0x8C50]  }
0x2b6: {  	v5 =	vadd.f32 v13, v5;
	v13 =	vld [tilespmem:s20+$0x8C60]  }
0x2b7: {  	v16 =	vld [tilespmem:s20+$0xA000];
	v6 =	vadd.f32 v11, v6  }
0x2b8: {  	v11 =	vld [tilespmem:s20+$0xA010];
	v9 =	vadd.f32 v14, v9  }
0x2b9: {  	v14 =	vld [tilespmem:s20+$0xA020];
	v7 =	vadd.f32 v12, v7  }
0x2ba: {  	v12 =	vld [tilespmem:s20+$0xA030];
	v8 =	vadd.f32 v15, v8  }
0x2bb: {  	v15 =	vld [tilespmem:s20+$0xA040];
	v10 =	vadd.f32 v13, v10  }
0x2bc: {  	v4 =	vadd.f32 v16, v4;
	v13 =	vld [tilespmem:s20+$0xA050]  }
0x2bd: {  	v5 =	vadd.f32 v11, v5;
	v11 =	vld [tilespmem:s20+$0xA060]  }
0x2be: {  	v16 =	vld [tilespmem:s20+$0xB400];
	v6 =	vadd.f32 v14, v6  }
0x2bf: {  	v14 =	vld [tilespmem:s20+$0xB410];
	v9 =	vadd.f32 v12, v9  }
0x2c0: {  	v12 =	vld [tilespmem:s20+$0xB420];
	v7 =	vadd.f32 v15, v7  }
0x2c1: {  	v15 =	vld [tilespmem:s20+$0xB430];
	v8 =	vadd.f32 v13, v8  }
0x2c2: {  	v13 =	vld [tilespmem:s20+$0xB440];
	v10 =	vadd.f32 v11, v10  }
0x2c3: {  	v4 =	vadd.f32 v16, v4;
	v11 =	vld [tilespmem:s20+$0xB450]  }
0x2c4: {  	v5 =	vadd.f32 v14, v5;
	v14 =	vld [tilespmem:s20+$0xB460]  }
0x2c5: {  	v16 =	vld [tilespmem:s20+$0xC800];
	v6 =	vadd.f32 v12, v6  }
0x2c6: {  	v12 =	vld [tilespmem:s20+$0xC810];
	v9 =	vadd.f32 v15, v9  }
0x2c7: {  	v15 =	vld [tilespmem:s20+$0xC820];
	v7 =	vadd.f32 v13, v7  }
0x2c8: {  	v13 =	vld [tilespmem:s20+$0xC830];
	v8 =	vadd.f32 v11, v8  }
0x2c9: {  	v11 =	vld [tilespmem:s20+$0xC840];
	v10 =	vadd.f32 v14, v10  }
0x2ca: {  	v4 =	vadd.f32 v16, v4;
	v14 =	vld [tilespmem:s20+$0xC850]  }
0x2cb: {  	v5 =	vadd.f32 v12, v5;
	v12 =	vld [tilespmem:s20+$0xC860]  }
0x2cc: {  	v16 =	vld [tilespmem:s20+$0xDC00];
	v6 =	vadd.f32 v15, v6  }
0x2cd: {  	v15 =	vld [tilespmem:s20+$0xDC10];
	v9 =	vadd.f32 v13, v9  }
0x2ce: {  	v13 =	vld [tilespmem:s20+$0xDC20];
	v7 =	vadd.f32 v11, v7  }
0x2cf: {  	v11 =	vld [tilespmem:s20+$0xDC30];
	v8 =	vadd.f32 v14, v8  }
0x2d0: {  	v14 =	vld [tilespmem:s20+$0xDC40];
	v10 =	vadd.f32 v12, v10  }
0x2d1: {  	v4 =	vadd.f32 v16, v4;
	v12 =	vld [tilespmem:s20+$0xDC50]  }
0x2d2: {  	v5 =	vadd.f32 v15, v5;
	v15 =	vld [tilespmem:s20+$0xDC60]  }
0x2d3: {  	v16 =	vld [tilespmem:s20+$0xF000];
	v6 =	vadd.f32 v13, v6  }
0x2d4: {  	v13 =	vld [tilespmem:s20+$0xF010];
	v9 =	vadd.f32 v11, v9  }
0x2d5: {  	v11 =	vld [tilespmem:s20+$0xF020];
	v7 =	vadd.f32 v14, v7  }
0x2d6: {  	v14 =	vld [tilespmem:s20+$0xF030];
	v8 =	vadd.f32 v12, v8  }
0x2d7: {  	v12 =	vld [tilespmem:s20+$0xF040];
	v10 =	vadd.f32 v15, v10  }
0x2d8: {  	v4 =	vadd.f32 v16, v4;
	v15 =	vld [tilespmem:s20+$0xF050]  }
0x2d9: {  	v5 =	vadd.f32 v13, v5;
	v13 =	vld [tilespmem:s20+$0xF060]  }
0x2da: {  	v16 =	vld [tilespmem:s20+$0x10400];
	v6 =	vadd.f32 v11, v6  }
0x2db: {  	v11 =	vld [tilespmem:s20+$0x10410];
	v9 =	vadd.f32 v14, v9  }
0x2dc: {  	v14 =	vld [tilespmem:s20+$0x10420];
	v7 =	vadd.f32 v12, v7  }
0x2dd: {  	v12 =	vld [tilespmem:s20+$0x10430];
	v8 =	vadd.f32 v15, v8  }
0x2de: {  	v15 =	vld [tilespmem:s20+$0x10440];
	v10 =	vadd.f32 v13, v10  }
0x2df: {  	v4 =	vadd.f32 v16, v4;
	v13 =	vld [tilespmem:s20+$0x10450]  }
0x2e0: {  	v5 =	vadd.f32 v11, v5;
	v11 =	vld [tilespmem:s20+$0x10460]  }
0x2e1: {  	v16 =	vld [tilespmem:s20+$0x11800];
	v6 =	vadd.f32 v14, v6  }
0x2e2: {  	v14 =	vld [tilespmem:s20+$0x11810];
	v9 =	vadd.f32 v12, v9  }
0x2e3: {  	v12 =	vld [tilespmem:s20+$0x11820];
	v7 =	vadd.f32 v15, v7  }
0x2e4: {  	v15 =	vld [tilespmem:s20+$0x11830];
	v8 =	vadd.f32 v13, v8  }
0x2e5: {  	v13 =	vld [tilespmem:s20+$0x11840];
	v10 =	vadd.f32 v11, v10  }
0x2e6: {  	v4 =	vadd.f32 v16, v4;
	v11 =	vld [tilespmem:s20+$0x11850]  }
0x2e7: {  	v5 =	vadd.f32 v14, v5;
	v14 =	vld [tilespmem:s20+$0x11860]  }
0x2e8: {  	v16 =	vld [tilespmem:s20+$0x12C00];
	v6 =	vadd.f32 v12, v6  }
0x2e9: {  	v12 =	vld [tilespmem:s20+$0x12C10];
	v9 =	vadd.f32 v15, v9  }
0x2ea: {  	v15 =	vld [tilespmem:s20+$0x12C20];
	v7 =	vadd.f32 v13, v7  }
0x2eb: {  	v13 =	vld [tilespmem:s20+$0x12C30];
	v8 =	vadd.f32 v11, v8  }
0x2ec: {  	v11 =	vld [tilespmem:s20+$0x12C40];
	v14 =	vadd.f32 v14, v10  }
0x2ed: {  	v16 =	vadd.f32 v16, v4;
	v4 =	vld [tilespmem:s20+$0x12C50]  }
0x2ee: {  	v5 =	vadd.f32 v12, v5;
	v12 =	vld [tilespmem:s20+$0x12C60]  }
0x2ef: {  	v17 =	vld [tilespmem:s20+$0x14000];
	v15 =	vadd.f32 v15, v6  }
0x2f0: {  	v18 =	vld [tilespmem:s20+$0x14010];
	v10 =	vadd.f32 v13, v9  }
0x2f1: {  	v19 =	vld [tilespmem:s20+$0x14020];
	v6 =	vadd.f32 v11, v7  }
.Ltmp5:
0x2f2: {  	v11 =	vld [tilespmem:s20+$0x14030];
	v7 =	vadd.f32 v4, v8;
	(pc) =	sbr.rel @p2 .LBB2_12-.Ltmp5, $4  }
0x2f3: {  	v8 =	vld [tilespmem:s20+$0x14040];
	v4 =	vadd.f32 v12, v14  }
0x2f4: {  	v14 =	vadd.f32 v17, v16;
	v9 =	vld [tilespmem:s20+$0x14050]  }
0x2f5: {  	s22 =	sshra.s32 s21, $0x2;
	v13 =	vadd.f32 v18, v5;
	v12 =	vld [tilespmem:s20+$0x14060]  }
0x2f6: {  	s21 =	sadd.s32 $0x200, s21;
	v5 =	vld [tilespmem:s22+$0x1470];
	[tilespmem:s20+$0x15400] =	vst v14;
	v14 =	vadd.f32 v19, v15  }
0x2f7: {  	v15 =	vld [tilespmem:s22+$0x2870];
	[tilespmem:s20+$0x15410] =	vst v13;
	v10 =	vadd.f32 v11, v10  }
0x2f8: {  	v13 =	vld [tilespmem:s22+$0x1400];
	[tilespmem:s20+$0x15420] =	vst v14;
	v6 =	vadd.f32 v8, v6  }
0x2f9: {  	v55 =	vld [tilespmem:s22+$0x3C70];
	[tilespmem:s20+$0x15430] =	vst v10;
	v7 =	vadd.f32 v9, v7  }
0x2fa: {  	v56 =	vld [tilespmem:s22+$0x2800];
	[tilespmem:s20+$0x15440] =	vst v6;
	v4 =	vadd.f32 v12, v4  }
0x2fb: {  	v6 =	vld [tilespmem:s22+$0x5070];
	[tilespmem:s20+$0x15450] =	vst v7  }
0x2fc: {  	v9 =	vld [tilespmem:s22+$0x1410];
	[tilespmem:s20+$0x15460] =	vst v4  }
0x2fd: {  	v4 =	vadd.f32 v15, v5;
	v5 =	vld [tilespmem:s22+$0x6470]  }
0x2fe: {  	v7 =	vld [tilespmem:s22+$0x2810]  }
0x2ff: {  	v10 =	vld [tilespmem:s22+$0x7870]  }
0x300: {  	v57 =	vld [tilespmem:s22+$0x1420]  }
0x301: {  	v58 =	vld [tilespmem:s22+$0x8C70]  }
0x302: {  	v12 =	vld [tilespmem:s22+$0x2820]  }
0x303: {  	v14 =	vld [tilespmem:s22+$0x1430]  }
0x304: {  	v59 =	vld [tilespmem:s22+$0xB470]  }
0x305: {  	v15 =	vld [tilespmem:s22+$0x2830]  }
0x306: {  	v60 =	vld [tilespmem:s22+$0xC870]  }
0x307: {  	v16 =	vld [tilespmem:s22+$0x1440]  }
0x308: {  	v17 =	vld [tilespmem:s22+$0x2840]  }
0x309: {  	v61 =	vld [tilespmem:s22+$0xF070]  }
0x30a: {  	v18 =	vld [tilespmem:s22+$0x1450]  }
0x30b: {  	v62 =	vld [tilespmem:s22+$0x10470]  }
0x30c: {  	v19 =	vld [tilespmem:s22+$0x2850]  }
0x30d: {  	v20 =	vld [tilespmem:s22+$0x1460]  }
0x30e: {  	v63 =	vld [tilespmem:s22+$0x12C70]  }
0x30f: {  	v21 =	vld [tilespmem:s22+$0x2860]  }
0x310: {  	[tilespmem:$0x1FEA0] =	vst v13;
	v13 =	vld [tilespmem:s22+$0x14070]  }
0x311: {  	v22 =	vld [tilespmem:s22+$0x3C00]  }
0x312: {  	v8 =	vld [tilespmem:s22+$0x3C10]  }
0x313: {  	v23 =	vld [tilespmem:s22+$0x3C20]  }
0x314: {  	v24 =	vld [tilespmem:s22+$0x3C40]  }
0x315: {  	v25 =	vld [tilespmem:s22+$0x3C60]  }
0x316: {  	v26 =	vld [tilespmem:s22+$0x5010]  }
0x317: {  	v27 =	vld [tilespmem:s22+$0x5020]  }
0x318: {  	v28 =	vld [tilespmem:s22+$0x5030]  }
0x319: {  	v29 =	vld [tilespmem:s22+$0x5040]  }
0x31a: {  	v30 =	vld [tilespmem:s22+$0x5050]  }
0x31b: {  	v31 =	vld [tilespmem:s22+$0x5060]  }
0x31c: {  	v32 =	vld [tilespmem:s22+$0x6400]  }
0x31d: {  	v33 =	vld [tilespmem:s22+$0x6410]  }
0x31e: {  	v34 =	vld [tilespmem:s22+$0x6420]  }
0x31f: {  	v35 =	vld [tilespmem:s22+$0x6430]  }
0x320: {  	v36 =	vld [tilespmem:s22+$0x6440]  }
0x321: {  	v37 =	vld [tilespmem:s22+$0x6450]  }
0x322: {  	v38 =	vld [tilespmem:s22+$0x6460]  }
0x323: {  	v39 =	vld [tilespmem:s22+$0x7800]  }
0x324: {  	v40 =	vld [tilespmem:s22+$0x7810]  }
0x325: {  	v41 =	vld [tilespmem:s22+$0x7820]  }
0x326: {  	v42 =	vld [tilespmem:s22+$0x7830]  }
0x327: {  	v43 =	vld [tilespmem:s22+$0x7840]  }
0x328: {  	v44 =	vld [tilespmem:s22+$0x7850]  }
0x329: {  	v45 =	vld [tilespmem:s22+$0x7860]  }
0x32a: {  	v46 =	vld [tilespmem:s22+$0x8C00]  }
0x32b: {  	v47 =	vld [tilespmem:s22+$0x8C10];
	v4 =	vadd.f32 v55, v4  }
0x32c: {  	v48 =	vld [tilespmem:s22+$0x8C20]  }
0x32d: {  	v49 =	vld [tilespmem:s22+$0x8C30];
	v4 =	vadd.f32 v6, v4  }
0x32e: {  	v50 =	vld [tilespmem:s22+$0x8C40]  }
0x32f: {  	v51 =	vld [tilespmem:s22+$0x8C50];
	v4 =	vadd.f32 v5, v4  }
0x330: {  	v5 =	vld [tilespmem:s22+$0xA070]  }
0x331: {  	v52 =	vld [tilespmem:s22+$0x8C60];
	v4 =	vadd.f32 v10, v4  }
0x332: {  	v53 =	vld [tilespmem:s22+$0xA000]  }
0x333: {  	v54 =	vld [tilespmem:s22+$0xA010];
	v4 =	vadd.f32 v58, v4  }
0x334: {  	v11 =	vld [tilespmem:s22+$0xC800]  }
0x335: {  	v55 =	vld [tilespmem:s22+$0xA020];
	v4 =	vadd.f32 v5, v4  }
0x336: {  	v5 =	vld [tilespmem:s22+$0xDC70]  }
0x337: {  	[tilespmem:$0x1FEB0] =	vst v56;
	v56 =	vld [tilespmem:s22+$0xA030];
	v4 =	vadd.f32 v59, v4  }
0x338: {  	v6 =	vld [tilespmem:s22+$0x3C50]  }
0x339: {  	[tilespmem:$0x1FEC0] =	vst v7;
	v7 =	vld [tilespmem:s22+$0x5000];
	v4 =	vadd.f32 v60, v4  }
0x33a: {  	[tilespmem:$0x1FED0] =	vst v57;
	v57 =	vld [tilespmem:s22+$0xA040];
	v14 =	vadd.f32 v15, v14  }
0x33b: {  	v15 =	vadd.f32 v17, v16;
	v16 =	vld [tilespmem:s22+$0xC820];
	v4 =	vadd.f32 v5, v4  }
0x33c: {  	v5 =	vld [tilespmem:s22+$0x11870]  }
0x33d: {  	v17 =	vadd.f32 v19, v18;
	v19 =	vld [tilespmem:s22+$0xC830];
	v4 =	vadd.f32 v61, v4  }
0x33e: {  	v21 =	vadd.f32 v21, v20;
	v20 =	vld [tilespmem:s22+$0xDC10]  }
0x33f: {  	v10 =	vld [tilespmem:s22+$0x3C30];
	v4 =	vadd.f32 v62, v4  }
0x340: {  	v18 =	vadd.f32 v25, v21;
	v21 =	vld [tilespmem:s22+$0xDC20]  }
0x341: {  	v15 =	vadd.f32 v24, v15;
	v24 =	vld [tilespmem:s22+$0xDC50];
	v4 =	vadd.f32 v5, v4  }
0x342: {  	v25 =	vld [tilespmem:s22+$0xDC60]  }
0x343: {  	v6 =	vadd.f32 v6, v17;
	v17 =	vld [tilespmem:s22+$0xC860];
	v4 =	vadd.f32 v63, v4  }
0x344: {  	v58 =	vld [tilespmem:s22+$0xA050]  }
0x345: {  	v15 =	vadd.f32 v29, v15;
	v29 =	vld [tilespmem:s22+$0xF030];
	v4 =	vadd.f32 v13, v4  }
0x346: {  	v18 =	vadd.f32 v31, v18;
	v31 =	vld [tilespmem:s22+$0xF050]  }
0x347: {  	[tilespmem:s22+$0x15470] =	vst v4;
	v4 =	vld [tilespmem:s22+$0xB440]  }
0x348: {  	v6 =	vadd.f32 v30, v6;
	v30 =	vld [tilespmem:s22+$0xF040]  }
0x349: {  	v15 =	vadd.f32 v36, v15;
	v10 =	vadd.f32 v10, v14;
	v14 =	vld [tilespmem:s22+$0xC850]  }
0x34a: {  	v59 =	vld [tilespmem:s22+$0xA060]  }
0x34b: {  	v18 =	vadd.f32 v38, v18;
	v15 =	vadd.f32 v43, v15;
	v43 =	vld [tilespmem:s22+$0x11820]  }
0x34c: {  	[tilespmem:$0x1FEE0] =	vst v4;
	v4 =	vld [tilespmem:s22+$0xB460]  }
0x34d: {  	v18 =	vadd.f32 v45, v18;
	v45 =	vld [tilespmem:s22+$0x11830]  }
0x34e: {  	v10 =	vadd.f32 v28, v10;
	v28 =	vld [tilespmem:s22+$0xF020]  }
0x34f: {  	v6 =	vadd.f32 v37, v6;
	v60 =	vld [tilespmem:s22+$0xB400]  }
0x350: {  	v10 =	vadd.f32 v35, v10;
	v5 =	vld [tilespmem:$0x1FEB0]  }
0x351: {  	v6 =	vadd.f32 v44, v6;
	[tilespmem:$0x1FEF0] =	vst v4;
	v4 =	vld [tilespmem:$0x1FEA0]  }
0x352: {  	v10 =	vadd.f32 v42, v10;
	v63 =	vld [tilespmem:s22+$0xB430]  }
0x353: {  	v6 =	vadd.f32 v51, v6;
	v13 =	vld [tilespmem:s22+$0xB450]  }
0x354: {  	v15 =	vadd.f32 v50, v15;
	v50 =	vld [tilespmem:s22+$0x12C10];
	v10 =	vadd.f32 v49, v10  }
0x355: {  	v18 =	vadd.f32 v52, v18;
	v52 =	vld [tilespmem:s22+$0x12C30];
	v6 =	vadd.f32 v58, v6  }
0x356: {  	v10 =	vadd.f32 v56, v10;
	v5 =	vadd.f32 v5, v4;
	v4 =	vld [tilespmem:$0x1FEC0]  }
0x357: {  	v51 =	vld [tilespmem:s22+$0x12C20]  }
0x358: {  	v10 =	vadd.f32 v63, v10;
	v6 =	vadd.f32 v13, v6;
	v63 =	vld [tilespmem:$0x1FEF0]  }
0x359: {  	v15 =	vadd.f32 v57, v15;
	v57 =	vld [tilespmem:s22+$0x10420]  }
0x35a: {  	v58 =	vld [tilespmem:s22+$0x10430];
	v6 =	vadd.f32 v14, v6  }
0x35b: {  	v18 =	vadd.f32 v59, v18;
	v4 =	vadd.f32 v4, v9;
	v9 =	vld [tilespmem:$0x1FED0]  }
0x35c: {  	v59 =	vld [tilespmem:s22+$0x10440];
	v6 =	vadd.f32 v24, v6;
	v5 =	vadd.f32 v22, v5  }
0x35d: {  	v42 =	vld [tilespmem:s22+$0x11810];
	v10 =	vadd.f32 v19, v10;
	v18 =	vadd.f32 v63, v18  }
0x35e: {  	v6 =	vadd.f32 v31, v6;
	v22 =	vld [tilespmem:s22+$0xDC30];
	v5 =	vadd.f32 v7, v5  }
0x35f: {  	v61 =	vld [tilespmem:s22+$0xB410];
	v44 =	vadd.f32 v17, v18;
	v4 =	vadd.f32 v8, v4  }
0x360: {  	v49 =	vld [tilespmem:s22+$0x12C00];
	v5 =	vadd.f32 v32, v5;
	v12 =	vadd.f32 v12, v9  }
0x361: {  	v62 =	vld [tilespmem:s22+$0xB420];
	v14 =	vadd.f32 v25, v44;
	v4 =	vadd.f32 v26, v4  }
0x362: {  	v32 =	vld [tilespmem:s22+$0xF060];
	v5 =	vadd.f32 v39, v5;
	v12 =	vadd.f32 v23, v12  }
0x363: {  	v56 =	vld [tilespmem:s22+$0x14000];
	v10 =	vadd.f32 v22, v10;
	v4 =	vadd.f32 v33, v4  }
0x364: {  	v7 =	vld [tilespmem:s22+$0xDC00];
	v5 =	vadd.f32 v46, v5;
	v12 =	vadd.f32 v27, v12  }
0x365: {  	v8 =	vld [tilespmem:s22+$0xC840];
	v10 =	vadd.f32 v29, v10;
	v4 =	vadd.f32 v40, v4  }
0x366: {  	v26 =	vld [tilespmem:s22+$0xF000];
	v5 =	vadd.f32 v53, v5;
	v12 =	vadd.f32 v34, v12  }
0x367: {  	v9 =	vld [tilespmem:s22+$0xC810];
	v14 =	vadd.f32 v32, v14;
	v4 =	vadd.f32 v47, v4  }
0x368: {  	v5 =	vadd.f32 v60, v5;
	v60 =	vld [tilespmem:s22+$0x10450];
	v12 =	vadd.f32 v41, v12  }
0x369: {  	v46 =	vld [tilespmem:s22+$0x11840];
	v10 =	vadd.f32 v58, v10;
	v4 =	vadd.f32 v54, v4  }
0x36a: {  	v47 =	vld [tilespmem:s22+$0x11850];
	v5 =	vadd.f32 v11, v5;
	v12 =	vadd.f32 v48, v12  }
0x36b: {  	v10 =	vadd.f32 v45, v10;
	v4 =	vadd.f32 v61, v4;
	v61 =	vld [tilespmem:$0x1FEE0]  }
0x36c: {  	v53 =	vld [tilespmem:s22+$0x10400];
	v5 =	vadd.f32 v7, v5;
	v12 =	vadd.f32 v55, v12  }
0x36d: {  	v40 =	vld [tilespmem:s22+$0x11800];
	v10 =	vadd.f32 v52, v10;
	v6 =	vadd.f32 v60, v6  }
0x36e: {  	v27 =	vld [tilespmem:s22+$0xF010];
	v5 =	vadd.f32 v26, v5;
	v12 =	vadd.f32 v62, v12  }
0x36f: {  	v23 =	vld [tilespmem:s22+$0xDC40];
	v4 =	vadd.f32 v9, v4;
	v6 =	vadd.f32 v47, v6  }
0x370: {  	v55 =	vld [tilespmem:s22+$0x10410];
	v15 =	vadd.f32 v61, v15;
	v41 =	vadd.f32 v16, v12  }
0x371: {  	v58 =	vld [tilespmem:s22+$0x14020];
	v5 =	vadd.f32 v53, v5;
	v4 =	vadd.f32 v20, v4  }
0x372: {  	v54 =	vld [tilespmem:s22+$0x12C50];
	v8 =	vadd.f32 v8, v15;
	v9 =	vadd.f32 v21, v41  }
0x373: {  	v60 =	vld [tilespmem:s22+$0x14040];
	v5 =	vadd.f32 v40, v5;
	v4 =	vadd.f32 v27, v4  }
0x374: {  	v62 =	vld [tilespmem:s22+$0x10460];
	v8 =	vadd.f32 v23, v8;
	v9 =	vadd.f32 v28, v9  }
0x375: {  	v48 =	vld [tilespmem:s22+$0x11860];
	v5 =	vadd.f32 v49, v5;
	v4 =	vadd.f32 v55, v4  }
0x376: {  	v8 =	vadd.f32 v30, v8;
	v9 =	vadd.f32 v57, v9;
	v57 =	vld [tilespmem:s22+$0x14010]  }
0x377: {  	v53 =	vld [tilespmem:s22+$0x12C40];
	v5 =	vadd.f32 v56, v5;
	v4 =	vadd.f32 v42, v4  }
0x378: {  	v8 =	vadd.f32 v59, v8;
	v59 =	vld [tilespmem:s22+$0x14030];
	v9 =	vadd.f32 v43, v9  }
0x379: {  	v55 =	vld [tilespmem:s22+$0x12C60];
	v13 =	vadd.f32 v62, v14;
	v4 =	vadd.f32 v50, v4  }
0x37a: {  	v61 =	vld [tilespmem:s22+$0x14050];
	v7 =	vadd.f32 v46, v8;
	v9 =	vadd.f32 v51, v9  }
0x37b: {  	v62 =	vld [tilespmem:s22+$0x14060];
	v13 =	vadd.f32 v48, v13;
	v4 =	vadd.f32 v57, v4  }
0x37c: {  	[tilespmem:s22+$0x15400] =	vst v5;
	v7 =	vadd.f32 v53, v7;
	v5 =	vadd.f32 v58, v9  }
0x37d: {  	v6 =	vadd.f32 v54, v6;
	[tilespmem:s22+$0x15410] =	vst v4;
	v4 =	vadd.f32 v59, v10  }
0x37e: {  	v63 =	vadd.f32 v55, v13;
	[tilespmem:s22+$0x15420] =	vst v5;
	v5 =	vadd.f32 v60, v7  }
0x37f: {  	[tilespmem:s22+$0x15430] =	vst v4;
	v4 =	vadd.f32 v61, v6  }
0x380: {  	[tilespmem:s22+$0x15440] =	vst v5;
	v5 =	vadd.f32 v62, v63  }
0x381: {  	[tilespmem:s22+$0x15450] =	vst v4  }
0x382: {  	[tilespmem:s22+$0x15460] =	vst v5  }
0x383: {  	[spmem:s2] =	stream.indirect.scatter.add.f32 [tilespmem:s16], [sflag:$0x1], $0x80, s17, s15, $0xb8;
	[tilespmem:$0x16B80] =	vst v63  }
0x384: {  	_ =	swait.ge [sflag:s11], $0x1400  }
0x385: {  	[sflag:s11] =	ssyncset.done $0x0  }
0x386: {  	s19 =	sadd.s32 $0x1, s19;
	s20 =	sshll.u32 @!p1 s0, $0x6;
	[sflag:s11] =	ssyncadd.s32 $0xFFFFEC00  }
0x387: {  	p2 =	sne.s32 s19, s8;
	s20 =	sor.u32 @!p1 $0x1C01, s20;
	[bflag:$0x0] =	sbarrier.arrive $0xFFFF  }
0x388: {  	[hbm:s7], [sflag:s20] =	dma.local @!p1 [spmem:s18], $0x80  }
.Ltmp6:
0x389: {  	_ = 	snop;
	(pc) =	sbr.rel @p2 .LBB2_1-.Ltmp6, $4  }
0x38a: {  	s20 =	simm.s32 @!p1 $0x1  }
0x38b: {  	_ =	swait.ge @!p1 [sflag:s20], $0x80  }
0x38c: {  	[sflag:s20] =	ssyncset.done @!p1 $0x0  }
0x38d: {  	[sflag:s20] =	ssyncadd.s32 @!p1 $0xFFFFFF80  }
0x38e: {  	_ =	sfence.sel $0x180000  }
0x38f: {  	[bflag:$0x0] =	sbarrier.arrive $0xFFFF  }
0x390: {  	_ =	strace $0x90000047  }
0x391: {  	s0 =	sadd.s32 @!p0 $0x100000, s1;
	[bflag:$0x2] =	sbarrier.arrive $0xFFFF  }
0x392: {  	[sflag:s0] =	ssyncadd.tile.s32 @!p0 $0x1;
	_ =	shalt  }
.Lfunc_end2:
_tile_overlayer_lowered:
.L_overlay_start_2:
0x393: {  	(tag) =	ssettag $0x2  }
0x394: {  	s0 =	rddreg [dreg:$0x0];
	s2 =	stileid.u32  }
0x395: {  	s1 =	rddreg [dreg:$0x1];
	p0 =	sne.s32 s2, $0x0  }
0x396: {  	s3 =	rddreg [dreg:$0x2];
	[bflag:$0x3] =	sbarrier.arrive $0xFFFF;
	s2 =	simm.s32 @!p0 $0x1C01  }
0x397: {  	[timem:s3], [sflag:s2] =	dma.local @!p0 [hbm:s0], s1  }
0x398: {  	s0 =	simm.s32 @!p0 $0x1  }
0x399: {  	_ =	swait.ge @!p0 [sflag:s0], s1  }
0x39a: {  	s1 =	ssub.s32 @!p0 $0x0, s1;
	[sflag:s0] =	ssyncset.done @!p0 $0x0  }
0x39b: {  	[sflag:s0] =	ssyncadd.s32 @!p0 s1  }
0x39c: {  	[bflag:$0x3] =	sbarrier.arrive $0xFFFF  }
0x39d: {  	_ =	shalt  }

</sc_bundles>
